<compile_context>
chip_gen: v7x
topology: tpu7x:2x2x1
jax: 0.10.2.dev20260603
libtpu: 0.0.44.dev20260713+nightly
codegen_flags: <defaults>
</compile_context>

<pallas_src>
import functools

import jax
import jax.numpy as jnp
from jax import lax
from jax.experimental import pallas as pl
from jax.experimental.pallas import tpu as pltpu
from jax.experimental.pallas import tpu_sc as plsc

NC = 2
NS = 16
K = 80
CB = 16


def _row_split(N):
    rpt = -(-N // NS)
    rpt = ((rpt + 7) // 8) * 8
    return rpt, N - (NS - 1) * rpt


def _tile_row_copy(src_ref, dst_ref, sid, N):
    rpt, last = _row_split(N)
    r0 = pl.multiple_of(sid * rpt, 8)

    @pl.when(sid < NS - 1)
    def _():
        pltpu.sync_copy(src_ref.at[pl.ds(r0, rpt)], dst_ref.at[pl.ds(r0, rpt)])

    @pl.when(sid == NS - 1)
    def _():
        pltpu.sync_copy(src_ref.at[pl.ds((NS - 1) * rpt, last)],
                        dst_ref.at[pl.ds((NS - 1) * rpt, last)])


def _make_seg_sum(N, E, Dh, interpret=False):
    ept = E // NS
    n_chunks = ept // K
    mesh = plsc.VectorSubcoreMesh(core_axis_name="c", subcore_axis_name="s",
                                  num_cores=NC, num_subcores=NS)

    @functools.partial(
        pl.kernel,
        out_type=(jax.ShapeDtypeStruct((N, Dh), jnp.float32),
                  jax.ShapeDtypeStruct((N, Dh), jnp.float32)),
        mesh=mesh,
        interpret=interpret,
        scratch_types=[
            pltpu.VMEM((K,), jnp.int32),
            pltpu.VMEM((K,), jnp.int32),
            pltpu.VMEM((K,), jnp.int32),
            pltpu.VMEM((K, Dh), jnp.float32),
            pltpu.VMEM((K,), jnp.int32),
            pltpu.VMEM((K,), jnp.int32),
            pltpu.VMEM((K,), jnp.int32),
            pltpu.VMEM((K, Dh), jnp.float32),
            pltpu.VMEM_SHARED((N, Dh), jnp.float32),
            pltpu.SemaphoreType.DMA,
            pltpu.SemaphoreType.DMA,
            pltpu.SemaphoreType.DMA,
            pltpu.SemaphoreType.DMA,
        ],
    )
    def seg_sum(h_lo, h_hi, src_hbm, dst_hbm, zeros_hbm, out_lo, out_hi,
                srcA, dstA, dstSA, gbufA, srcB, dstB, dstSB, gbufB, acc,
                semA, semB, semIA, semIB):
        cid = lax.axis_index("c")
        sid = lax.axis_index("s")
        base = sid * ept

        def load_idx(ci, src_v, dst_v, semI):
            b = pl.multiple_of(base + ci * K, 8)
            pltpu.async_copy(src_hbm.at[pl.ds(b, K)], src_v, semI)
            pltpu.async_copy(dst_hbm.at[pl.ds(b, K)], dst_v, semI)

        def wait_idx(src_v, dst_v, semI):
            pltpu.make_async_copy(src_hbm.at[pl.ds(0, K)], src_v, semI).wait()
            pltpu.make_async_copy(dst_hbm.at[pl.ds(0, K)], dst_v, semI).wait()

        def gather_start(src_v, gbuf, sem):
            @pl.when(cid == 0)
            def _():
                pltpu.async_copy(h_lo.at[src_v], gbuf, sem)

            @pl.when(cid == 1)
            def _():
                pltpu.async_copy(h_hi.at[src_v], gbuf, sem)

        def gather_wait(src_v, gbuf, sem):
            pltpu.make_async_copy(h_lo.at[src_v], gbuf, sem).wait()

        def idx_copy(dst_v, dst_s):
            for j in range(K // 16):
                dst_s[pl.ds(16 * j, 16)] = dst_v[pl.ds(16 * j, 16)]

        _tile_row_copy(zeros_hbm, acc, sid, N)
        plsc.subcore_barrier()

        load_idx(0, srcA, dstA, semIA)
        wait_idx(srcA, dstA, semIA)
        gather_start(srcA, gbufA, semA)
        load_idx(1, srcB, dstB, semIB)

        @pl.loop(0, n_chunks // 2)
        def _(p):
            ci = p * 2
            wait_idx(srcB, dstB, semIB)
            gather_start(srcB, gbufB, semB)
            gather_wait(srcA, gbufA, semA)
            idx_copy(dstA, dstSA)

            @pl.when(ci + 2 < n_chunks)
            def _():
                load_idx(ci + 2, srcA, dstA, semIA)

            pltpu.sync_copy(gbufA, acc.at[dstSA], add=True)

            @pl.when(ci + 2 < n_chunks)
            def _():
                wait_idx(srcA, dstA, semIA)
                gather_start(srcA, gbufA, semA)

            gather_wait(srcB, gbufB, semB)
            idx_copy(dstB, dstSB)

            @pl.when(ci + 3 < n_chunks)
            def _():
                load_idx(ci + 3, srcB, dstB, semIB)

            pltpu.sync_copy(gbufB, acc.at[dstSB], add=True)

        if n_chunks % 2 == 1:
            gather_wait(srcA, gbufA, semA)
            idx_copy(dstA, dstSA)
            pltpu.sync_copy(gbufA, acc.at[dstSA], add=True)

        plsc.subcore_barrier()

        @pl.when(cid == 0)
        def _():
            _tile_row_copy(acc, out_lo, sid, N)

        @pl.when(cid == 1)
        def _():
            _tile_row_copy(acc, out_hi, sid, N)

    return seg_sum


def _make_deg(N, E, interpret=False):
    ept = E // NS
    n_vec = ept // 16
    Np = -(-N // 1280) * 1280
    cw = Np // NS
    mesh = plsc.VectorSubcoreMesh(core_axis_name="c", subcore_axis_name="s",
                                  num_cores=NC, num_subcores=NS)

    @functools.partial(
        pl.kernel,
        out_type=jax.ShapeDtypeStruct((N,), jnp.float32),
        mesh=mesh,
        interpret=interpret,
        compiler_params=pltpu.CompilerParams(needs_layout_passes=False),
        scratch_types=[
            pltpu.VMEM((ept,), jnp.int32),
            pltpu.VMEM((Np,), jnp.float32),
            pltpu.VMEM((NS * cw,), jnp.float32),
            pltpu.VMEM((cw,), jnp.float32),
            pltpu.VMEM_SHARED((NS * Np,), jnp.float32),
        ],
    )
    def deg(dst_hbm, out, dstL, cnt, tbuf, res, parts):
        cid = lax.axis_index("c")
        sid = lax.axis_index("s")
        iota = lax.iota(jnp.int32, 16)
        zero16 = jnp.zeros((16,), jnp.float32)
        one16 = jnp.ones((16,), jnp.float32)

        @pl.when(cid == 0)
        def _():
            b = pl.multiple_of(sid * ept, 8)
            pltpu.sync_copy(dst_hbm.at[pl.ds(b, ept)], dstL)

            @pl.loop(0, Np // 16)
            def _(i):
                plsc.store_scatter(cnt, [iota + 16 * i], zero16)

            @pl.loop(0, n_vec)
            def _(i):
                d16 = plsc.load_gather(dstL, [iota + 16 * i])
                plsc.addupdate_scatter(cnt, [d16], one16)

            pltpu.sync_copy(cnt, parts.at[pl.ds(pl.multiple_of(sid * Np, 8),
                                                Np)])

        plsc.subcore_barrier()

        @pl.when(cid == 0)
        def _():
            c0 = pl.multiple_of(sid * cw, 8)
            for j in range(NS):
                pltpu.sync_copy(parts.at[pl.ds(j * Np + c0, cw)],
                                tbuf.at[pl.ds(j * cw, cw)])

            @pl.loop(0, cw // 16)
            def _(i):
                s = zero16
                for j in range(NS):
                    s = s + plsc.load_gather(tbuf, [iota + j * cw + 16 * i])
                plsc.store_scatter(res, [iota + 16 * i], s)

            last = N - (NS - 1) * cw

            @pl.when(sid < NS - 1)
            def _():
                pltpu.sync_copy(res, out.at[pl.ds(c0, cw)])

            @pl.when(sid == NS - 1)
            def _():
                pltpu.sync_copy(res.at[pl.ds(0, last)],
                                out.at[pl.ds((NS - 1) * cw, last)])

    return deg


def _make_gh(N, D, BN, interpret=False):

    def body(h, Whh, bhh, gh_ref):
        gh_ref[...] = lax.dot_general(h[...], Whh[...], (((1,), (1,)), ((), ())),
                                      preferred_element_type=jnp.float32) + bhh[...]

    row = lambda i: (i, 0)
    rep = lambda i: (0, 0)
    return pl.pallas_call(
        body,
        grid=(N // BN,),
        interpret=interpret,
        in_specs=[
            pl.BlockSpec((BN, D), row),
            pl.BlockSpec((3 * D, D), rep),
            pl.BlockSpec((1, 3 * D), rep),
        ],
        out_specs=pl.BlockSpec((BN, 3 * D), row),
        out_shape=jax.ShapeDtypeStruct((N, 3 * D), jnp.float32),
    )


def _make_gru(N, D, BN, interpret=False):
    Dh = D // 2

    def body(alo, ahi, dega, x, h, gh_in, Wc, bc, Wih, bih,
             hn_ref, lo_ref, hi_ref):
        a = jnp.concatenate([alo[...], ahi[...]], axis=1)
        deg = jnp.transpose(dega[...][0], (1, 0))
        c = a / jnp.maximum(deg, 1.0)
        c = lax.dot_general(c, Wc[...], (((1,), (1,)), ((), ())),
                            preferred_element_type=jnp.float32) + bc[...]
        inp = x[...] + c
        gi = lax.dot_general(inp, Wih[...], (((1,), (1,)), ((), ())),
                             preferred_element_type=jnp.float32) + bih[...]
        gh = gh_in[...]
        r = jax.nn.sigmoid(gi[:, :D] + gh[:, :D])
        z = jax.nn.sigmoid(gi[:, D:2 * D] + gh[:, D:2 * D])
        n = jnp.tanh(gi[:, 2 * D:] + r * gh[:, 2 * D:])
        hn = (1.0 - z) * n + z * h[...]
        hn_ref[...] = hn
        lo_ref[...] = hn[:, :Dh]
        hi_ref[...] = hn[:, Dh:]

    grid = (N // BN,)
    row = lambda i: (i, 0)
    rep = lambda i: (0, 0)
    return pl.pallas_call(
        body,
        grid=grid,
        interpret=interpret,
        in_specs=[
            pl.BlockSpec((BN, Dh), row),
            pl.BlockSpec((BN, Dh), row),
            pl.BlockSpec((1, 1, BN), lambda i: (i, 0, 0)),
            pl.BlockSpec((BN, D), row),
            pl.BlockSpec((BN, D), row),
            pl.BlockSpec((BN, 3 * D), row),
            pl.BlockSpec((D, D), rep),
            pl.BlockSpec((1, D), rep),
            pl.BlockSpec((3 * D, D), rep),
            pl.BlockSpec((1, 3 * D), rep),
        ],
        out_specs=[
            pl.BlockSpec((BN, D), row),
            pl.BlockSpec((BN, Dh), row),
            pl.BlockSpec((BN, Dh), row),
        ],
        out_shape=[
            jax.ShapeDtypeStruct((N, D), jnp.float32),
            jax.ShapeDtypeStruct((N, Dh), jnp.float32),
            jax.ShapeDtypeStruct((N, Dh), jnp.float32),
        ],
    )


def kernel(x, h, edge_index, Wc, bc, W_ih, W_hh, b_ih, b_hh):
    N, D = x.shape
    E = edge_index.shape[1]
    Dh = D // 2
    src = edge_index[0].astype(jnp.int32)
    dst = edge_index[1].astype(jnp.int32)
    zeros_h = jnp.zeros((N, Dh), jnp.float32)
    bc2 = bc.reshape(1, D)
    bih2 = b_ih.reshape(1, 3 * D)
    bhh2 = b_hh.reshape(1, 3 * D)

    seg_sum = _make_seg_sum(N, E, Dh)
    deg_fn = _make_deg(N, E)
    gru = _make_gru(N, D, 400)
    gh_fn = _make_gh(N, D, 400)

    deg = deg_fn(dst).reshape(N // 400, 1, 400)
    h_lo = h[:, :Dh]
    h_hi = h[:, Dh:]
    hh = h
    gh = gh_fn(hh, W_hh, bhh2)
    for r in range(3):
        a_lo, a_hi = seg_sum(h_lo, h_hi, src, dst, zeros_h)
        hh, h_lo, h_hi = gru(a_lo, a_hi, deg, x, hh, gh,
                             Wc, bc2, W_ih, bih2)
        if r < 2:
            gh = gh_fn(hh, W_hh, bhh2)
    return hh

# --- scband reference (transcript-rebuilt; emitter-appended) ---
"""Pipeline reference for scband-comm-net-29214367547982 (READ-ONLY COPY).

The authoritative reference and input builder live on the scoring server;
editing this copy changes nothing except your own understanding.
"""

import jax, jax.numpy as jnp
import numpy as np

N = 10000
E = 160000
D = 256
N_ROUNDS = 3


def setup_inputs(seed: int = 0) -> dict:
    key = jax.random.key(seed)
    ks = jax.random.split(key, 10)
    x = jax.random.normal(ks[0], (N, D), dtype=jnp.float32)
    h = jax.random.normal(ks[1], (N, D), dtype=jnp.float32)
    edge_index = jax.random.randint(ks[2], (2, E), 0, N, dtype=jnp.int64)
    Wc = jax.random.normal(ks[3], (D, D), dtype=jnp.float32) * 0.05
    bc = jax.random.normal(ks[4], (D,), dtype=jnp.float32) * 0.05
    W_ih = jax.random.normal(ks[5], (3 * D, D), dtype=jnp.float32) * 0.05
    W_hh = jax.random.normal(ks[6], (3 * D, D), dtype=jnp.float32) * 0.05
    b_ih = jax.random.normal(ks[7], (3 * D,), dtype=jnp.float32) * 0.05
    b_hh = jax.random.normal(ks[8], (3 * D,), dtype=jnp.float32) * 0.05
    return {"x": x, "h": h, "edge_index": edge_index, "Wc": Wc, "bc": bc,
            "W_ih": W_ih, "W_hh": W_hh, "b_ih": b_ih, "b_hh": b_hh}


def _gru_cell(inp, h, W_ih, W_hh, b_ih, b_hh):
    # PyTorch nn.GRUCell semantics; gate order: r, z, n
    gi = inp @ W_ih.T + b_ih
    gh = h @ W_hh.T + b_hh
    i_r, i_z, i_n = jnp.split(gi, 3, axis=1)
    h_r, h_z, h_n = jnp.split(gh, 3, axis=1)
    r = jax.nn.sigmoid(i_r + h_r)
    z = jax.nn.sigmoid(i_z + h_z)
    n = jnp.tanh(i_n + r * h_n)
    return (1.0 - z) * n + z * h


def reference(x, h, edge_index, Wc, bc, W_ih, W_hh, b_ih, b_hh):
    n_nodes = x.shape[0]
    src = edge_index[0]
    dst = edge_index[1]
    # mean aggregation denominator (zero in-degree nodes receive c = 0)
    deg = jax.ops.segment_sum(jnp.ones(src.shape[0], dtype=x.dtype), dst,
                              num_segments=n_nodes)
    denom = jnp.maximum(deg, 1.0)[:, None]
    hh = h
    for _ in range(N_ROUNDS):
        h_det = jax.lax.stop_gradient(hh)  # h.detach() in original
        m = h_det[src]                      # msg_func: message = src state
        c = jax.ops.segment_sum(m, dst, num_segments=n_nodes) / denom  # mean aggr
        c = c @ Wc.T + bc                   # c_mod linear
        hh = _gru_cell(x + c, hh, W_ih, W_hh, b_ih, b_hh)  # f_mod GRUCell
    return hh

if __name__ == "__main__":
    import jax
    _d = setup_inputs()
    print(jax.jit(kernel)(*tuple(_d.values())))

</pallas_src>

<mosaic_0001>
#map = affine_map<(d0, d1) -> (0, 0)>
#map1 = affine_map<(d0, d1) -> (0)>
module attributes {stable_mosaic.version = 14 : i64} {
  func.func @seg_sum(%arg0: i32, %arg1: i32, %arg2: memref<10000x128xf32, #tpu.memory_space<hbm>>, %arg3: memref<10000x128xf32, #tpu.memory_space<hbm>>, %arg4: memref<160000xi32, #tpu.memory_space<hbm>>, %arg5: memref<160000xi32, #tpu.memory_space<hbm>>, %arg6: memref<10000x128xf32, #tpu.memory_space<hbm>>, %arg7: memref<10000x128xf32, #tpu.memory_space<hbm>>, %arg8: memref<10000x128xf32, #tpu.memory_space<hbm>>, %arg9: memref<80xi32, #tpu.memory_space<vmem>>, %arg10: memref<80xi32, #tpu.memory_space<vmem>>, %arg11: memref<80xi32, #tpu.memory_space<vmem>>, %arg12: memref<80x128xf32, #tpu.memory_space<vmem>>, %arg13: memref<80xi32, #tpu.memory_space<vmem>>, %arg14: memref<80xi32, #tpu.memory_space<vmem>>, %arg15: memref<80xi32, #tpu.memory_space<vmem>>, %arg16: memref<80x128xf32, #tpu.memory_space<vmem>>, %arg17: memref<10000x128xf32, #tpu.memory_space<vmem_shared>>, %arg18: memref<!tpu.dma_semaphore, #tpu.memory_space<semaphore_mem>>, %arg19: memref<!tpu.dma_semaphore, #tpu.memory_space<semaphore_mem>>, %arg20: memref<!tpu.dma_semaphore, #tpu.memory_space<semaphore_mem>>, %arg21: memref<!tpu.dma_semaphore, #tpu.memory_space<semaphore_mem>>) attributes {dimension_semantics = [#tpu.dimension_semantics<core_parallel>, #tpu.dimension_semantics<subcore_parallel>], iteration_bounds = array<i64: 2, 16>, scalar_prefetch = 0 : i64, scratch_operands = 13 : i64, tpu.core_type = #tpu.core_type<sc_vector_subcore>, window_params = [{transform_indices = #map}, {transform_indices = #map}, {transform_indices = #map1}, {transform_indices = #map1}, {transform_indices = #map}, {transform_indices = #map}, {transform_indices = #map}]} {
    %mul3A = arith.constant 10000 : i32
    %mul3A_0 = arith.muli %arg1, %mul3A : i32
    %mul3A_1 = arith.constant 632 : i32
    %mul3A_2 = arith.muli %arg1, %mul3A_1 : i32
    %multiple_of3A = tpu.assume_multiple %mul3A_2, 8 : i32
    %lt3A = arith.constant 15 : i32
    %lt3A_3 = arith.cmpi slt, %arg1, %lt3A : i32
    %convert_element_type3A = arith.extui %lt3A_3 : i1 to i32
    %cond3A = arith.constant 0 : i32
    %cond3A_4 = arith.cmpi ne, %convert_element_type3A, %cond3A : i32
    scf.if %cond3A_4 {
      "tpu.region"() ({
        %run_scoped3A = tpu.sem_alloc : memref<!tpu.dma_semaphore, #tpu.memory_space<semaphore_mem>>
        %dma_start3A_89 = arith.constant 0 : i32
        %dma_start3A_90 = tpu.memref_slice %arg17[%multiple_of3A, %dma_start3A_89] : memref<10000x128xf32, #tpu.memory_space<vmem_shared>> -> memref<632x128xf32, #tpu.memory_space<vmem_shared>>
        %dma_start3A_91 = arith.constant 0 : i32
        %dma_start3A_92 = tpu.memref_slice %arg6[%multiple_of3A, %dma_start3A_91] : memref<10000x128xf32, #tpu.memory_space<hbm>> -> memref<632x128xf32, #tpu.memory_space<hbm>>
        tpu.enqueue_dma source(%dma_start3A_92 : memref<632x128xf32, #tpu.memory_space<hbm>>) target(%dma_start3A_90 : memref<632x128xf32, #tpu.memory_space<vmem_shared>>) target_semaphore(%run_scoped3A : memref<!tpu.dma_semaphore, #tpu.memory_space<semaphore_mem>>)
        %dma_wait3A_93 = arith.constant 0 : i32
        %dma_wait3A_94 = tpu.memref_slice %arg17[%multiple_of3A, %dma_wait3A_93] : memref<10000x128xf32, #tpu.memory_space<vmem_shared>> -> memref<632x128xf32, #tpu.memory_space<vmem_shared>>
        %dma_wait3A_95 = arith.constant 0 : i32
        %dma_wait3A_96 = tpu.memref_slice %arg6[%multiple_of3A, %dma_wait3A_95] : memref<10000x128xf32, #tpu.memory_space<hbm>> -> memref<632x128xf32, #tpu.memory_space<hbm>>
        tpu.wait_dma2 semaphore(%run_scoped3A : memref<!tpu.dma_semaphore, #tpu.memory_space<semaphore_mem>>) src(%dma_wait3A_96 : memref<632x128xf32, #tpu.memory_space<hbm>>) dst(%dma_wait3A_94 : memref<632x128xf32, #tpu.memory_space<vmem_shared>>)
        tpu.yield
      }) : () -> ()
    } else {
    }
    %eq3A = arith.constant 15 : i32
    %eq3A_5 = arith.cmpi eq, %arg1, %eq3A : i32
    %convert_element_type3A_6 = arith.extui %eq3A_5 : i1 to i32
    %cond3A_7 = arith.constant 0 : i32
    %cond3A_8 = arith.cmpi ne, %convert_element_type3A_6, %cond3A_7 : i32
    scf.if %cond3A_8 {
      "tpu.region"() ({
        %run_scoped3A = tpu.sem_alloc : memref<!tpu.dma_semaphore, #tpu.memory_space<semaphore_mem>>
        %dma_start3A_89 = arith.constant 9480 : i32
        %dma_start3A_90 = arith.constant 0 : i32
        %dma_start3A_91 = tpu.memref_slice %arg17[%dma_start3A_89, %dma_start3A_90] : memref<10000x128xf32, #tpu.memory_space<vmem_shared>> -> memref<520x128xf32, #tpu.memory_space<vmem_shared>>
        %dma_start3A_92 = arith.constant 9480 : i32
        %dma_start3A_93 = arith.constant 0 : i32
        %dma_start3A_94 = tpu.memref_slice %arg6[%dma_start3A_92, %dma_start3A_93] : memref<10000x128xf32, #tpu.memory_space<hbm>> -> memref<520x128xf32, #tpu.memory_space<hbm>>
        tpu.enqueue_dma source(%dma_start3A_94 : memref<520x128xf32, #tpu.memory_space<hbm>>) target(%dma_start3A_91 : memref<520x128xf32, #tpu.memory_space<vmem_shared>>) target_semaphore(%run_scoped3A : memref<!tpu.dma_semaphore, #tpu.memory_space<semaphore_mem>>)
        %dma_wait3A_95 = arith.constant 9480 : i32
        %dma_wait3A_96 = arith.constant 0 : i32
        %dma_wait3A_97 = tpu.memref_slice %arg17[%dma_wait3A_95, %dma_wait3A_96] : memref<10000x128xf32, #tpu.memory_space<vmem_shared>> -> memref<520x128xf32, #tpu.memory_space<vmem_shared>>
        %dma_wait3A_98 = arith.constant 9480 : i32
        %dma_wait3A_99 = arith.constant 0 : i32
        %dma_wait3A_100 = tpu.memref_slice %arg6[%dma_wait3A_98, %dma_wait3A_99] : memref<10000x128xf32, #tpu.memory_space<hbm>> -> memref<520x128xf32, #tpu.memory_space<hbm>>
        tpu.wait_dma2 semaphore(%run_scoped3A : memref<!tpu.dma_semaphore, #tpu.memory_space<semaphore_mem>>) src(%dma_wait3A_100 : memref<520x128xf32, #tpu.memory_space<hbm>>) dst(%dma_wait3A_97 : memref<520x128xf32, #tpu.memory_space<vmem_shared>>)
        tpu.yield
      }) : () -> ()
    } else {
    }
    %barrier3A = arith.constant 0 : index
    tpu.barrier barrier_id(%barrier3A)
    %add3A = arith.constant 0 : i32
    %add3A_9 = arith.addi %mul3A_0, %add3A : i32
    %multiple_of3A_10 = tpu.assume_multiple %add3A_9, 8 : i32
    %dma_start3A = tpu.memref_slice %arg4[%multiple_of3A_10] : memref<160000xi32, #tpu.memory_space<hbm>> -> memref<80xi32, #tpu.memory_space<hbm>>
    %dma_start3A_11 = tpu.memref_slice %arg4[%multiple_of3A_10] : memref<160000xi32, #tpu.memory_space<hbm>> -> memref<80xi32, #tpu.memory_space<hbm>>
    tpu.enqueue_dma source(%dma_start3A_11 : memref<80xi32, #tpu.memory_space<hbm>>) target(%arg9 : memref<80xi32, #tpu.memory_space<vmem>>) target_semaphore(%arg20 : memref<!tpu.dma_semaphore, #tpu.memory_space<semaphore_mem>>)
    %dma_start3A_12 = tpu.memref_slice %arg5[%multiple_of3A_10] : memref<160000xi32, #tpu.memory_space<hbm>> -> memref<80xi32, #tpu.memory_space<hbm>>
    %dma_start3A_13 = tpu.memref_slice %arg5[%multiple_of3A_10] : memref<160000xi32, #tpu.memory_space<hbm>> -> memref<80xi32, #tpu.memory_space<hbm>>
    tpu.enqueue_dma source(%dma_start3A_13 : memref<80xi32, #tpu.memory_space<hbm>>) target(%arg10 : memref<80xi32, #tpu.memory_space<vmem>>) target_semaphore(%arg20 : memref<!tpu.dma_semaphore, #tpu.memory_space<semaphore_mem>>)
    %dma_wait3A = arith.constant 0 : i32
    %dma_wait3A_14 = tpu.memref_slice %arg4[%dma_wait3A] : memref<160000xi32, #tpu.memory_space<hbm>> -> memref<80xi32, #tpu.memory_space<hbm>>
    %dma_wait3A_15 = arith.constant 0 : i32
    %dma_wait3A_16 = tpu.memref_slice %arg4[%dma_wait3A_15] : memref<160000xi32, #tpu.memory_space<hbm>> -> memref<80xi32, #tpu.memory_space<hbm>>
    tpu.wait_dma2 semaphore(%arg20 : memref<!tpu.dma_semaphore, #tpu.memory_space<semaphore_mem>>) src(%dma_wait3A_16 : memref<80xi32, #tpu.memory_space<hbm>>) dst(%arg9 : memref<80xi32, #tpu.memory_space<vmem>>)
    %dma_wait3A_17 = arith.constant 0 : i32
    %dma_wait3A_18 = tpu.memref_slice %arg5[%dma_wait3A_17] : memref<160000xi32, #tpu.memory_space<hbm>> -> memref<80xi32, #tpu.memory_space<hbm>>
    %dma_wait3A_19 = arith.constant 0 : i32
    %dma_wait3A_20 = tpu.memref_slice %arg5[%dma_wait3A_19] : memref<160000xi32, #tpu.memory_space<hbm>> -> memref<80xi32, #tpu.memory_space<hbm>>
    tpu.wait_dma2 semaphore(%arg20 : memref<!tpu.dma_semaphore, #tpu.memory_space<semaphore_mem>>) src(%dma_wait3A_20 : memref<80xi32, #tpu.memory_space<hbm>>) dst(%arg10 : memref<80xi32, #tpu.memory_space<vmem>>)
    %eq3A_21 = arith.constant 0 : i32
    %eq3A_22 = arith.cmpi eq, %arg0, %eq3A_21 : i32
    %convert_element_type3A_23 = arith.extui %eq3A_22 : i1 to i32
    %cond3A_24 = arith.constant 0 : i32
    %cond3A_25 = arith.cmpi ne, %convert_element_type3A_23, %cond3A_24 : i32
    scf.if %cond3A_25 {
      %dma_start3A_89 = arith.constant 0 : i32
      %dma_start3A_90 = arith.constant 0 : i32
      %dma_start3A_91 = tpu.memref_slice %arg2[%dma_start3A_89, %dma_start3A_90] : memref<10000x128xf32, #tpu.memory_space<hbm>> -> memref<10000x128xf32, #tpu.memory_space<hbm>>
      tpu.enqueue_indirect_dma source(%dma_start3A_91 : memref<10000x128xf32, #tpu.memory_space<hbm>>) target(%arg12 : memref<80x128xf32, #tpu.memory_space<vmem>>) offsets(%arg9 : memref<80xi32, #tpu.memory_space<vmem>>) semaphore(%arg18 : memref<!tpu.dma_semaphore, #tpu.memory_space<semaphore_mem>>)
    } else {
    }
    %eq3A_26 = arith.constant 1 : i32
    %eq3A_27 = arith.cmpi eq, %arg0, %eq3A_26 : i32
    %convert_element_type3A_28 = arith.extui %eq3A_27 : i1 to i32
    %cond3A_29 = arith.constant 0 : i32
    %cond3A_30 = arith.cmpi ne, %convert_element_type3A_28, %cond3A_29 : i32
    scf.if %cond3A_30 {
      %dma_start3A_89 = arith.constant 0 : i32
      %dma_start3A_90 = arith.constant 0 : i32
      %dma_start3A_91 = tpu.memref_slice %arg3[%dma_start3A_89, %dma_start3A_90] : memref<10000x128xf32, #tpu.memory_space<hbm>> -> memref<10000x128xf32, #tpu.memory_space<hbm>>
      tpu.enqueue_indirect_dma source(%dma_start3A_91 : memref<10000x128xf32, #tpu.memory_space<hbm>>) target(%arg12 : memref<80x128xf32, #tpu.memory_space<vmem>>) offsets(%arg9 : memref<80xi32, #tpu.memory_space<vmem>>) semaphore(%arg18 : memref<!tpu.dma_semaphore, #tpu.memory_space<semaphore_mem>>)
    } else {
    }
    %add3A_31 = arith.constant 80 : i32
    %add3A_32 = arith.addi %mul3A_0, %add3A_31 : i32
    %multiple_of3A_33 = tpu.assume_multiple %add3A_32, 8 : i32
    %dma_start3A_34 = tpu.memref_slice %arg4[%multiple_of3A_33] : memref<160000xi32, #tpu.memory_space<hbm>> -> memref<80xi32, #tpu.memory_space<hbm>>
    %dma_start3A_35 = tpu.memref_slice %arg4[%multiple_of3A_33] : memref<160000xi32, #tpu.memory_space<hbm>> -> memref<80xi32, #tpu.memory_space<hbm>>
    tpu.enqueue_dma source(%dma_start3A_35 : memref<80xi32, #tpu.memory_space<hbm>>) target(%arg13 : memref<80xi32, #tpu.memory_space<vmem>>) target_semaphore(%arg21 : memref<!tpu.dma_semaphore, #tpu.memory_space<semaphore_mem>>)
    %dma_start3A_36 = tpu.memref_slice %arg5[%multiple_of3A_33] : memref<160000xi32, #tpu.memory_space<hbm>> -> memref<80xi32, #tpu.memory_space<hbm>>
    %dma_start3A_37 = tpu.memref_slice %arg5[%multiple_of3A_33] : memref<160000xi32, #tpu.memory_space<hbm>> -> memref<80xi32, #tpu.memory_space<hbm>>
    tpu.enqueue_dma source(%dma_start3A_37 : memref<80xi32, #tpu.memory_space<hbm>>) target(%arg14 : memref<80xi32, #tpu.memory_space<vmem>>) target_semaphore(%arg21 : memref<!tpu.dma_semaphore, #tpu.memory_space<semaphore_mem>>)
    %scan3A = arith.constant 0 : i32
    %scan3A_38 = arith.constant 62 : i32
    %scan3A_39 = arith.addi %scan3A, %scan3A_38 : i32
    %scan3A_40 = arith.constant 1 : i32
    scf.for %scan3A_89 = %scan3A to %scan3A_39 step %scan3A_40  : i32 {
      %mul3A_90 = arith.constant 1 : i32
      %mul3A_91 = arith.muli %scan3A_89, %mul3A_90 : i32
      %add3A_92 = arith.constant 0 : i32
      %add3A_93 = arith.addi %add3A_92, %mul3A_91 : i32
      %mul3A_94 = arith.constant 2 : i32
      %mul3A_95 = arith.muli %add3A_93, %mul3A_94 : i32
      %dma_wait3A_96 = arith.constant 0 : i32
      %dma_wait3A_97 = tpu.memref_slice %arg4[%dma_wait3A_96] : memref<160000xi32, #tpu.memory_space<hbm>> -> memref<80xi32, #tpu.memory_space<hbm>>
      %dma_wait3A_98 = arith.constant 0 : i32
      %dma_wait3A_99 = tpu.memref_slice %arg4[%dma_wait3A_98] : memref<160000xi32, #tpu.memory_space<hbm>> -> memref<80xi32, #tpu.memory_space<hbm>>
      tpu.wait_dma2 semaphore(%arg21 : memref<!tpu.dma_semaphore, #tpu.memory_space<semaphore_mem>>) src(%dma_wait3A_99 : memref<80xi32, #tpu.memory_space<hbm>>) dst(%arg13 : memref<80xi32, #tpu.memory_space<vmem>>)
      %dma_wait3A_100 = arith.constant 0 : i32
      %dma_wait3A_101 = tpu.memref_slice %arg5[%dma_wait3A_100] : memref<160000xi32, #tpu.memory_space<hbm>> -> memref<80xi32, #tpu.memory_space<hbm>>
      %dma_wait3A_102 = arith.constant 0 : i32
      %dma_wait3A_103 = tpu.memref_slice %arg5[%dma_wait3A_102] : memref<160000xi32, #tpu.memory_space<hbm>> -> memref<80xi32, #tpu.memory_space<hbm>>
      tpu.wait_dma2 semaphore(%arg21 : memref<!tpu.dma_semaphore, #tpu.memory_space<semaphore_mem>>) src(%dma_wait3A_103 : memref<80xi32, #tpu.memory_space<hbm>>) dst(%arg14 : memref<80xi32, #tpu.memory_space<vmem>>)
      %eq3A_104 = arith.constant 0 : i32
      %eq3A_105 = arith.cmpi eq, %arg0, %eq3A_104 : i32
      %convert_element_type3A_106 = arith.extui %eq3A_105 : i1 to i32
      %cond3A_107 = arith.constant 0 : i32
      %cond3A_108 = arith.cmpi ne, %convert_element_type3A_106, %cond3A_107 : i32
      scf.if %cond3A_108 {
        %dma_start3A_211 = arith.constant 0 : i32
        %dma_start3A_212 = arith.constant 0 : i32
        %dma_start3A_213 = tpu.memref_slice %arg2[%dma_start3A_211, %dma_start3A_212] : memref<10000x128xf32, #tpu.memory_space<hbm>> -> memref<10000x128xf32, #tpu.memory_space<hbm>>
        tpu.enqueue_indirect_dma source(%dma_start3A_213 : memref<10000x128xf32, #tpu.memory_space<hbm>>) target(%arg16 : memref<80x128xf32, #tpu.memory_space<vmem>>) offsets(%arg13 : memref<80xi32, #tpu.memory_space<vmem>>) semaphore(%arg19 : memref<!tpu.dma_semaphore, #tpu.memory_space<semaphore_mem>>)
      } else {
      }
      %eq3A_109 = arith.constant 1 : i32
      %eq3A_110 = arith.cmpi eq, %arg0, %eq3A_109 : i32
      %convert_element_type3A_111 = arith.extui %eq3A_110 : i1 to i32
      %cond3A_112 = arith.constant 0 : i32
      %cond3A_113 = arith.cmpi ne, %convert_element_type3A_111, %cond3A_112 : i32
      scf.if %cond3A_113 {
        %dma_start3A_211 = arith.constant 0 : i32
        %dma_start3A_212 = arith.constant 0 : i32
        %dma_start3A_213 = tpu.memref_slice %arg3[%dma_start3A_211, %dma_start3A_212] : memref<10000x128xf32, #tpu.memory_space<hbm>> -> memref<10000x128xf32, #tpu.memory_space<hbm>>
        tpu.enqueue_indirect_dma source(%dma_start3A_213 : memref<10000x128xf32, #tpu.memory_space<hbm>>) target(%arg16 : memref<80x128xf32, #tpu.memory_space<vmem>>) offsets(%arg13 : memref<80xi32, #tpu.memory_space<vmem>>) semaphore(%arg19 : memref<!tpu.dma_semaphore, #tpu.memory_space<semaphore_mem>>)
      } else {
      }
      %dma_wait3A_114 = arith.constant 0 : i32
      %dma_wait3A_115 = arith.constant 0 : i32
      %dma_wait3A_116 = tpu.memref_slice %arg2[%dma_wait3A_114, %dma_wait3A_115] : memref<10000x128xf32, #tpu.memory_space<hbm>> -> memref<10000x128xf32, #tpu.memory_space<hbm>>
      tpu.wait_indirect_dma semaphore(%arg18 : memref<!tpu.dma_semaphore, #tpu.memory_space<semaphore_mem>>) src(%dma_wait3A_116 : memref<10000x128xf32, #tpu.memory_space<hbm>>) dst(%arg12 : memref<80x128xf32, #tpu.memory_space<vmem>>)
      %get3A_117 = arith.constant 0 : index
      %get3A_118 = tpu.vector_load %arg10[%get3A_117] {strides = array<i32>} : memref<80xi32, #tpu.memory_space<vmem>>, vector<16xi32>,
      %get3A_119 = vector.shape_cast %get3A_118 : vector<16xi32> to vector<16xi32>
      %swap3A_120 = arith.constant 0 : index
      %swap3A_121 = tpu.vector_load %arg11[%swap3A_120] {strides = array<i32>} : memref<80xi32, #tpu.memory_space<vmem>>, vector<16xi32>,
      %swap3A_122 = vector.shape_cast %swap3A_121 : vector<16xi32> to vector<16xi32>
      %swap3A_123 = vector.shape_cast %get3A_119 : vector<16xi32> to vector<16xi32>
      tpu.vector_store %arg11[%swap3A_120], %swap3A_123 {strides = array<i32>} : memref<80xi32, #tpu.memory_space<vmem>>, vector<16xi32>,
      %get3A_124 = arith.constant 16 : index
      %get3A_125 = tpu.vector_load %arg10[%get3A_124] {strides = array<i32>} : memref<80xi32, #tpu.memory_space<vmem>>, vector<16xi32>,
      %get3A_126 = vector.shape_cast %get3A_125 : vector<16xi32> to vector<16xi32>
      %swap3A_127 = arith.constant 16 : index
      %swap3A_128 = tpu.vector_load %arg11[%swap3A_127] {strides = array<i32>} : memref<80xi32, #tpu.memory_space<vmem>>, vector<16xi32>,
      %swap3A_129 = vector.shape_cast %swap3A_128 : vector<16xi32> to vector<16xi32>
      %swap3A_130 = vector.shape_cast %get3A_126 : vector<16xi32> to vector<16xi32>
      tpu.vector_store %arg11[%swap3A_127], %swap3A_130 {strides = array<i32>} : memref<80xi32, #tpu.memory_space<vmem>>, vector<16xi32>,
      %get3A_131 = arith.constant 32 : index
      %get3A_132 = tpu.vector_load %arg10[%get3A_131] {strides = array<i32>} : memref<80xi32, #tpu.memory_space<vmem>>, vector<16xi32>,
      %get3A_133 = vector.shape_cast %get3A_132 : vector<16xi32> to vector<16xi32>
      %swap3A_134 = arith.constant 32 : index
      %swap3A_135 = tpu.vector_load %arg11[%swap3A_134] {strides = array<i32>} : memref<80xi32, #tpu.memory_space<vmem>>, vector<16xi32>,
      %swap3A_136 = vector.shape_cast %swap3A_135 : vector<16xi32> to vector<16xi32>
      %swap3A_137 = vector.shape_cast %get3A_133 : vector<16xi32> to vector<16xi32>
      tpu.vector_store %arg11[%swap3A_134], %swap3A_137 {strides = array<i32>} : memref<80xi32, #tpu.memory_space<vmem>>, vector<16xi32>,
      %get3A_138 = arith.constant 48 : index
      %get3A_139 = tpu.vector_load %arg10[%get3A_138] {strides = array<i32>} : memref<80xi32, #tpu.memory_space<vmem>>, vector<16xi32>,
      %get3A_140 = vector.shape_cast %get3A_139 : vector<16xi32> to vector<16xi32>
      %swap3A_141 = arith.constant 48 : index
      %swap3A_142 = tpu.vector_load %arg11[%swap3A_141] {strides = array<i32>} : memref<80xi32, #tpu.memory_space<vmem>>, vector<16xi32>,
      %swap3A_143 = vector.shape_cast %swap3A_142 : vector<16xi32> to vector<16xi32>
      %swap3A_144 = vector.shape_cast %get3A_140 : vector<16xi32> to vector<16xi32>
      tpu.vector_store %arg11[%swap3A_141], %swap3A_144 {strides = array<i32>} : memref<80xi32, #tpu.memory_space<vmem>>, vector<16xi32>,
      %get3A_145 = arith.constant 64 : index
      %get3A_146 = tpu.vector_load %arg10[%get3A_145] {strides = array<i32>} : memref<80xi32, #tpu.memory_space<vmem>>, vector<16xi32>,
      %get3A_147 = vector.shape_cast %get3A_146 : vector<16xi32> to vector<16xi32>
      %swap3A_148 = arith.constant 64 : index
      %swap3A_149 = tpu.vector_load %arg11[%swap3A_148] {strides = array<i32>} : memref<80xi32, #tpu.memory_space<vmem>>, vector<16xi32>,
      %swap3A_150 = vector.shape_cast %swap3A_149 : vector<16xi32> to vector<16xi32>
      %swap3A_151 = vector.shape_cast %get3A_147 : vector<16xi32> to vector<16xi32>
      tpu.vector_store %arg11[%swap3A_148], %swap3A_151 {strides = array<i32>} : memref<80xi32, #tpu.memory_space<vmem>>, vector<16xi32>,
      %add3A_152 = arith.constant 2 : i32
      %add3A_153 = arith.addi %mul3A_95, %add3A_152 : i32
      %lt3A_154 = arith.constant 125 : i32
      %lt3A_155 = arith.cmpi slt, %add3A_153, %lt3A_154 : i32
      %convert_element_type3A_156 = arith.extui %lt3A_155 : i1 to i32
      %cond3A_157 = arith.constant 0 : i32
      %cond3A_158 = arith.cmpi ne, %convert_element_type3A_156, %cond3A_157 : i32
      scf.if %cond3A_158 {
        %add3A_211 = arith.constant 2 : i32
        %add3A_212 = arith.addi %mul3A_95, %add3A_211 : i32
        %mul3A_213 = arith.constant 80 : i32
        %mul3A_214 = arith.muli %add3A_212, %mul3A_213 : i32
        %add3A_215 = arith.addi %mul3A_0, %mul3A_214 : i32
        %multiple_of3A_216 = tpu.assume_multiple %add3A_215, 8 : i32
        %dma_start3A_217 = tpu.memref_slice %arg4[%multiple_of3A_216] : memref<160000xi32, #tpu.memory_space<hbm>> -> memref<80xi32, #tpu.memory_space<hbm>>
        %dma_start3A_218 = tpu.memref_slice %arg4[%multiple_of3A_216] : memref<160000xi32, #tpu.memory_space<hbm>> -> memref<80xi32, #tpu.memory_space<hbm>>
        tpu.enqueue_dma source(%dma_start3A_218 : memref<80xi32, #tpu.memory_space<hbm>>) target(%arg9 : memref<80xi32, #tpu.memory_space<vmem>>) target_semaphore(%arg20 : memref<!tpu.dma_semaphore, #tpu.memory_space<semaphore_mem>>)
        %dma_start3A_219 = tpu.memref_slice %arg5[%multiple_of3A_216] : memref<160000xi32, #tpu.memory_space<hbm>> -> memref<80xi32, #tpu.memory_space<hbm>>
        %dma_start3A_220 = tpu.memref_slice %arg5[%multiple_of3A_216] : memref<160000xi32, #tpu.memory_space<hbm>> -> memref<80xi32, #tpu.memory_space<hbm>>
        tpu.enqueue_dma source(%dma_start3A_220 : memref<80xi32, #tpu.memory_space<hbm>>) target(%arg10 : memref<80xi32, #tpu.memory_space<vmem>>) target_semaphore(%arg20 : memref<!tpu.dma_semaphore, #tpu.memory_space<semaphore_mem>>)
      } else {
      }
      "tpu.region"() ({
        %run_scoped3A = tpu.sem_alloc : memref<!tpu.dma_semaphore, #tpu.memory_space<semaphore_mem>>
        %dma_start3A_211 = arith.constant 0 : i32
        %dma_start3A_212 = arith.constant 0 : i32
        %dma_start3A_213 = tpu.memref_slice %arg17[%dma_start3A_211, %dma_start3A_212] : memref<10000x128xf32, #tpu.memory_space<vmem_shared>> -> memref<10000x128xf32, #tpu.memory_space<vmem_shared>>
        tpu.enqueue_indirect_dma source(%arg12 : memref<80x128xf32, #tpu.memory_space<vmem>>) target(%dma_start3A_213 : memref<10000x128xf32, #tpu.memory_space<vmem_shared>>) offsets(%arg11 : memref<80xi32, #tpu.memory_space<vmem>>) semaphore(%run_scoped3A : memref<!tpu.dma_semaphore, #tpu.memory_space<semaphore_mem>>) {add = true}
        %dma_wait3A_214 = arith.constant 0 : i32
        %dma_wait3A_215 = arith.constant 0 : i32
        %dma_wait3A_216 = tpu.memref_slice %arg17[%dma_wait3A_214, %dma_wait3A_215] : memref<10000x128xf32, #tpu.memory_space<vmem_shared>> -> memref<10000x128xf32, #tpu.memory_space<vmem_shared>>
        tpu.wait_indirect_dma semaphore(%run_scoped3A : memref<!tpu.dma_semaphore, #tpu.memory_space<semaphore_mem>>) src(%arg12 : memref<80x128xf32, #tpu.memory_space<vmem>>) dst(%dma_wait3A_216 : memref<10000x128xf32, #tpu.memory_space<vmem_shared>>)
        tpu.yield
      }) : () -> ()
      %add3A_159 = arith.constant 2 : i32
      %add3A_160 = arith.addi %mul3A_95, %add3A_159 : i32
      %lt3A_161 = arith.constant 125 : i32
      %lt3A_162 = arith.cmpi slt, %add3A_160, %lt3A_161 : i32
      %convert_element_type3A_163 = arith.extui %lt3A_162 : i1 to i32
      %cond3A_164 = arith.constant 0 : i32
      %cond3A_165 = arith.cmpi ne, %convert_element_type3A_163, %cond3A_164 : i32
      scf.if %cond3A_165 {
        %dma_wait3A_211 = arith.constant 0 : i32
        %dma_wait3A_212 = tpu.memref_slice %arg4[%dma_wait3A_211] : memref<160000xi32, #tpu.memory_space<hbm>> -> memref<80xi32, #tpu.memory_space<hbm>>
        %dma_wait3A_213 = arith.constant 0 : i32
        %dma_wait3A_214 = tpu.memref_slice %arg4[%dma_wait3A_213] : memref<160000xi32, #tpu.memory_space<hbm>> -> memref<80xi32, #tpu.memory_space<hbm>>
        tpu.wait_dma2 semaphore(%arg20 : memref<!tpu.dma_semaphore, #tpu.memory_space<semaphore_mem>>) src(%dma_wait3A_214 : memref<80xi32, #tpu.memory_space<hbm>>) dst(%arg9 : memref<80xi32, #tpu.memory_space<vmem>>)
        %dma_wait3A_215 = arith.constant 0 : i32
        %dma_wait3A_216 = tpu.memref_slice %arg5[%dma_wait3A_215] : memref<160000xi32, #tpu.memory_space<hbm>> -> memref<80xi32, #tpu.memory_space<hbm>>
        %dma_wait3A_217 = arith.constant 0 : i32
        %dma_wait3A_218 = tpu.memref_slice %arg5[%dma_wait3A_217] : memref<160000xi32, #tpu.memory_space<hbm>> -> memref<80xi32, #tpu.memory_space<hbm>>
        tpu.wait_dma2 semaphore(%arg20 : memref<!tpu.dma_semaphore, #tpu.memory_space<semaphore_mem>>) src(%dma_wait3A_218 : memref<80xi32, #tpu.memory_space<hbm>>) dst(%arg10 : memref<80xi32, #tpu.memory_space<vmem>>)
        %eq3A_219 = arith.constant 0 : i32
        %eq3A_220 = arith.cmpi eq, %arg0, %eq3A_219 : i32
        %convert_element_type3A_221 = arith.extui %eq3A_220 : i1 to i32
        %cond3A_222 = arith.constant 0 : i32
        %cond3A_223 = arith.cmpi ne, %convert_element_type3A_221, %cond3A_222 : i32
        scf.if %cond3A_223 {
          %dma_start3A_229 = arith.constant 0 : i32
          %dma_start3A_230 = arith.constant 0 : i32
          %dma_start3A_231 = tpu.memref_slice %arg2[%dma_start3A_229, %dma_start3A_230] : memref<10000x128xf32, #tpu.memory_space<hbm>> -> memref<10000x128xf32, #tpu.memory_space<hbm>>
          tpu.enqueue_indirect_dma source(%dma_start3A_231 : memref<10000x128xf32, #tpu.memory_space<hbm>>) target(%arg12 : memref<80x128xf32, #tpu.memory_space<vmem>>) offsets(%arg9 : memref<80xi32, #tpu.memory_space<vmem>>) semaphore(%arg18 : memref<!tpu.dma_semaphore, #tpu.memory_space<semaphore_mem>>)
        } else {
        }
        %eq3A_224 = arith.constant 1 : i32
        %eq3A_225 = arith.cmpi eq, %arg0, %eq3A_224 : i32
        %convert_element_type3A_226 = arith.extui %eq3A_225 : i1 to i32
        %cond3A_227 = arith.constant 0 : i32
        %cond3A_228 = arith.cmpi ne, %convert_element_type3A_226, %cond3A_227 : i32
        scf.if %cond3A_228 {
          %dma_start3A_229 = arith.constant 0 : i32
          %dma_start3A_230 = arith.constant 0 : i32
          %dma_start3A_231 = tpu.memref_slice %arg3[%dma_start3A_229, %dma_start3A_230] : memref<10000x128xf32, #tpu.memory_space<hbm>> -> memref<10000x128xf32, #tpu.memory_space<hbm>>
          tpu.enqueue_indirect_dma source(%dma_start3A_231 : memref<10000x128xf32, #tpu.memory_space<hbm>>) target(%arg12 : memref<80x128xf32, #tpu.memory_space<vmem>>) offsets(%arg9 : memref<80xi32, #tpu.memory_space<vmem>>) semaphore(%arg18 : memref<!tpu.dma_semaphore, #tpu.memory_space<semaphore_mem>>)
        } else {
        }
      } else {
      }
      %dma_wait3A_166 = arith.constant 0 : i32
      %dma_wait3A_167 = arith.constant 0 : i32
      %dma_wait3A_168 = tpu.memref_slice %arg2[%dma_wait3A_166, %dma_wait3A_167] : memref<10000x128xf32, #tpu.memory_space<hbm>> -> memref<10000x128xf32, #tpu.memory_space<hbm>>
      tpu.wait_indirect_dma semaphore(%arg19 : memref<!tpu.dma_semaphore, #tpu.memory_space<semaphore_mem>>) src(%dma_wait3A_168 : memref<10000x128xf32, #tpu.memory_space<hbm>>) dst(%arg16 : memref<80x128xf32, #tpu.memory_space<vmem>>)
      %get3A_169 = arith.constant 0 : index
      %get3A_170 = tpu.vector_load %arg14[%get3A_169] {strides = array<i32>} : memref<80xi32, #tpu.memory_space<vmem>>, vector<16xi32>,
      %get3A_171 = vector.shape_cast %get3A_170 : vector<16xi32> to vector<16xi32>
      %swap3A_172 = arith.constant 0 : index
      %swap3A_173 = tpu.vector_load %arg15[%swap3A_172] {strides = array<i32>} : memref<80xi32, #tpu.memory_space<vmem>>, vector<16xi32>,
      %swap3A_174 = vector.shape_cast %swap3A_173 : vector<16xi32> to vector<16xi32>
      %swap3A_175 = vector.shape_cast %get3A_171 : vector<16xi32> to vector<16xi32>
      tpu.vector_store %arg15[%swap3A_172], %swap3A_175 {strides = array<i32>} : memref<80xi32, #tpu.memory_space<vmem>>, vector<16xi32>,
      %get3A_176 = arith.constant 16 : index
      %get3A_177 = tpu.vector_load %arg14[%get3A_176] {strides = array<i32>} : memref<80xi32, #tpu.memory_space<vmem>>, vector<16xi32>,
      %get3A_178 = vector.shape_cast %get3A_177 : vector<16xi32> to vector<16xi32>
      %swap3A_179 = arith.constant 16 : index
      %swap3A_180 = tpu.vector_load %arg15[%swap3A_179] {strides = array<i32>} : memref<80xi32, #tpu.memory_space<vmem>>, vector<16xi32>,
      %swap3A_181 = vector.shape_cast %swap3A_180 : vector<16xi32> to vector<16xi32>
      %swap3A_182 = vector.shape_cast %get3A_178 : vector<16xi32> to vector<16xi32>
      tpu.vector_store %arg15[%swap3A_179], %swap3A_182 {strides = array<i32>} : memref<80xi32, #tpu.memory_space<vmem>>, vector<16xi32>,
      %get3A_183 = arith.constant 32 : index
      %get3A_184 = tpu.vector_load %arg14[%get3A_183] {strides = array<i32>} : memref<80xi32, #tpu.memory_space<vmem>>, vector<16xi32>,
      %get3A_185 = vector.shape_cast %get3A_184 : vector<16xi32> to vector<16xi32>
      %swap3A_186 = arith.constant 32 : index
      %swap3A_187 = tpu.vector_load %arg15[%swap3A_186] {strides = array<i32>} : memref<80xi32, #tpu.memory_space<vmem>>, vector<16xi32>,
      %swap3A_188 = vector.shape_cast %swap3A_187 : vector<16xi32> to vector<16xi32>
      %swap3A_189 = vector.shape_cast %get3A_185 : vector<16xi32> to vector<16xi32>
      tpu.vector_store %arg15[%swap3A_186], %swap3A_189 {strides = array<i32>} : memref<80xi32, #tpu.memory_space<vmem>>, vector<16xi32>,
      %get3A_190 = arith.constant 48 : index
      %get3A_191 = tpu.vector_load %arg14[%get3A_190] {strides = array<i32>} : memref<80xi32, #tpu.memory_space<vmem>>, vector<16xi32>,
      %get3A_192 = vector.shape_cast %get3A_191 : vector<16xi32> to vector<16xi32>
      %swap3A_193 = arith.constant 48 : index
      %swap3A_194 = tpu.vector_load %arg15[%swap3A_193] {strides = array<i32>} : memref<80xi32, #tpu.memory_space<vmem>>, vector<16xi32>,
      %swap3A_195 = vector.shape_cast %swap3A_194 : vector<16xi32> to vector<16xi32>
      %swap3A_196 = vector.shape_cast %get3A_192 : vector<16xi32> to vector<16xi32>
      tpu.vector_store %arg15[%swap3A_193], %swap3A_196 {strides = array<i32>} : memref<80xi32, #tpu.memory_space<vmem>>, vector<16xi32>,
      %get3A_197 = arith.constant 64 : index
      %get3A_198 = tpu.vector_load %arg14[%get3A_197] {strides = array<i32>} : memref<80xi32, #tpu.memory_space<vmem>>, vector<16xi32>,
      %get3A_199 = vector.shape_cast %get3A_198 : vector<16xi32> to vector<16xi32>
      %swap3A_200 = arith.constant 64 : index
      %swap3A_201 = tpu.vector_load %arg15[%swap3A_200] {strides = array<i32>} : memref<80xi32, #tpu.memory_space<vmem>>, vector<16xi32>,
      %swap3A_202 = vector.shape_cast %swap3A_201 : vector<16xi32> to vector<16xi32>
      %swap3A_203 = vector.shape_cast %get3A_199 : vector<16xi32> to vector<16xi32>
      tpu.vector_store %arg15[%swap3A_200], %swap3A_203 {strides = array<i32>} : memref<80xi32, #tpu.memory_space<vmem>>, vector<16xi32>,
      %add3A_204 = arith.constant 3 : i32
      %add3A_205 = arith.addi %mul3A_95, %add3A_204 : i32
      %lt3A_206 = arith.constant 125 : i32
      %lt3A_207 = arith.cmpi slt, %add3A_205, %lt3A_206 : i32
      %convert_element_type3A_208 = arith.extui %lt3A_207 : i1 to i32
      %cond3A_209 = arith.constant 0 : i32
      %cond3A_210 = arith.cmpi ne, %convert_element_type3A_208, %cond3A_209 : i32
      scf.if %cond3A_210 {
        %add3A_211 = arith.constant 3 : i32
        %add3A_212 = arith.addi %mul3A_95, %add3A_211 : i32
        %mul3A_213 = arith.constant 80 : i32
        %mul3A_214 = arith.muli %add3A_212, %mul3A_213 : i32
        %add3A_215 = arith.addi %mul3A_0, %mul3A_214 : i32
        %multiple_of3A_216 = tpu.assume_multiple %add3A_215, 8 : i32
        %dma_start3A_217 = tpu.memref_slice %arg4[%multiple_of3A_216] : memref<160000xi32, #tpu.memory_space<hbm>> -> memref<80xi32, #tpu.memory_space<hbm>>
        %dma_start3A_218 = tpu.memref_slice %arg4[%multiple_of3A_216] : memref<160000xi32, #tpu.memory_space<hbm>> -> memref<80xi32, #tpu.memory_space<hbm>>
        tpu.enqueue_dma source(%dma_start3A_218 : memref<80xi32, #tpu.memory_space<hbm>>) target(%arg13 : memref<80xi32, #tpu.memory_space<vmem>>) target_semaphore(%arg21 : memref<!tpu.dma_semaphore, #tpu.memory_space<semaphore_mem>>)
        %dma_start3A_219 = tpu.memref_slice %arg5[%multiple_of3A_216] : memref<160000xi32, #tpu.memory_space<hbm>> -> memref<80xi32, #tpu.memory_space<hbm>>
        %dma_start3A_220 = tpu.memref_slice %arg5[%multiple_of3A_216] : memref<160000xi32, #tpu.memory_space<hbm>> -> memref<80xi32, #tpu.memory_space<hbm>>
        tpu.enqueue_dma source(%dma_start3A_220 : memref<80xi32, #tpu.memory_space<hbm>>) target(%arg14 : memref<80xi32, #tpu.memory_space<vmem>>) target_semaphore(%arg21 : memref<!tpu.dma_semaphore, #tpu.memory_space<semaphore_mem>>)
      } else {
      }
      "tpu.region"() ({
        %run_scoped3A = tpu.sem_alloc : memref<!tpu.dma_semaphore, #tpu.memory_space<semaphore_mem>>
        %dma_start3A_211 = arith.constant 0 : i32
        %dma_start3A_212 = arith.constant 0 : i32
        %dma_start3A_213 = tpu.memref_slice %arg17[%dma_start3A_211, %dma_start3A_212] : memref<10000x128xf32, #tpu.memory_space<vmem_shared>> -> memref<10000x128xf32, #tpu.memory_space<vmem_shared>>
        tpu.enqueue_indirect_dma source(%arg16 : memref<80x128xf32, #tpu.memory_space<vmem>>) target(%dma_start3A_213 : memref<10000x128xf32, #tpu.memory_space<vmem_shared>>) offsets(%arg15 : memref<80xi32, #tpu.memory_space<vmem>>) semaphore(%run_scoped3A : memref<!tpu.dma_semaphore, #tpu.memory_space<semaphore_mem>>) {add = true}
        %dma_wait3A_214 = arith.constant 0 : i32
        %dma_wait3A_215 = arith.constant 0 : i32
        %dma_wait3A_216 = tpu.memref_slice %arg17[%dma_wait3A_214, %dma_wait3A_215] : memref<10000x128xf32, #tpu.memory_space<vmem_shared>> -> memref<10000x128xf32, #tpu.memory_space<vmem_shared>>
        tpu.wait_indirect_dma semaphore(%run_scoped3A : memref<!tpu.dma_semaphore, #tpu.memory_space<semaphore_mem>>) src(%arg16 : memref<80x128xf32, #tpu.memory_space<vmem>>) dst(%dma_wait3A_216 : memref<10000x128xf32, #tpu.memory_space<vmem_shared>>)
        tpu.yield
      }) : () -> ()
    }
    %scan3A_41 = arith.constant 62 : i32
    %dma_wait3A_42 = arith.constant 0 : i32
    %dma_wait3A_43 = arith.constant 0 : i32
    %dma_wait3A_44 = tpu.memref_slice %arg2[%dma_wait3A_42, %dma_wait3A_43] : memref<10000x128xf32, #tpu.memory_space<hbm>> -> memref<10000x128xf32, #tpu.memory_space<hbm>>
    tpu.wait_indirect_dma semaphore(%arg18 : memref<!tpu.dma_semaphore, #tpu.memory_space<semaphore_mem>>) src(%dma_wait3A_44 : memref<10000x128xf32, #tpu.memory_space<hbm>>) dst(%arg12 : memref<80x128xf32, #tpu.memory_space<vmem>>)
    %get3A = arith.constant 0 : index
    %get3A_45 = tpu.vector_load %arg10[%get3A] {strides = array<i32>} : memref<80xi32, #tpu.memory_space<vmem>>, vector<16xi32>,
    %get3A_46 = vector.shape_cast %get3A_45 : vector<16xi32> to vector<16xi32>
    %swap3A = arith.constant 0 : index
    %swap3A_47 = tpu.vector_load %arg11[%swap3A] {strides = array<i32>} : memref<80xi32, #tpu.memory_space<vmem>>, vector<16xi32>,
    %swap3A_48 = vector.shape_cast %swap3A_47 : vector<16xi32> to vector<16xi32>
    %swap3A_49 = vector.shape_cast %get3A_46 : vector<16xi32> to vector<16xi32>
    tpu.vector_store %arg11[%swap3A], %swap3A_49 {strides = array<i32>} : memref<80xi32, #tpu.memory_space<vmem>>, vector<16xi32>,
    %get3A_50 = arith.constant 16 : index
    %get3A_51 = tpu.vector_load %arg10[%get3A_50] {strides = array<i32>} : memref<80xi32, #tpu.memory_space<vmem>>, vector<16xi32>,
    %get3A_52 = vector.shape_cast %get3A_51 : vector<16xi32> to vector<16xi32>
    %swap3A_53 = arith.constant 16 : index
    %swap3A_54 = tpu.vector_load %arg11[%swap3A_53] {strides = array<i32>} : memref<80xi32, #tpu.memory_space<vmem>>, vector<16xi32>,
    %swap3A_55 = vector.shape_cast %swap3A_54 : vector<16xi32> to vector<16xi32>
    %swap3A_56 = vector.shape_cast %get3A_52 : vector<16xi32> to vector<16xi32>
    tpu.vector_store %arg11[%swap3A_53], %swap3A_56 {strides = array<i32>} : memref<80xi32, #tpu.memory_space<vmem>>, vector<16xi32>,
    %get3A_57 = arith.constant 32 : index
    %get3A_58 = tpu.vector_load %arg10[%get3A_57] {strides = array<i32>} : memref<80xi32, #tpu.memory_space<vmem>>, vector<16xi32>,
    %get3A_59 = vector.shape_cast %get3A_58 : vector<16xi32> to vector<16xi32>
    %swap3A_60 = arith.constant 32 : index
    %swap3A_61 = tpu.vector_load %arg11[%swap3A_60] {strides = array<i32>} : memref<80xi32, #tpu.memory_space<vmem>>, vector<16xi32>,
    %swap3A_62 = vector.shape_cast %swap3A_61 : vector<16xi32> to vector<16xi32>
    %swap3A_63 = vector.shape_cast %get3A_59 : vector<16xi32> to vector<16xi32>
    tpu.vector_store %arg11[%swap3A_60], %swap3A_63 {strides = array<i32>} : memref<80xi32, #tpu.memory_space<vmem>>, vector<16xi32>,
    %get3A_64 = arith.constant 48 : index
    %get3A_65 = tpu.vector_load %arg10[%get3A_64] {strides = array<i32>} : memref<80xi32, #tpu.memory_space<vmem>>, vector<16xi32>,
    %get3A_66 = vector.shape_cast %get3A_65 : vector<16xi32> to vector<16xi32>
    %swap3A_67 = arith.constant 48 : index
    %swap3A_68 = tpu.vector_load %arg11[%swap3A_67] {strides = array<i32>} : memref<80xi32, #tpu.memory_space<vmem>>, vector<16xi32>,
    %swap3A_69 = vector.shape_cast %swap3A_68 : vector<16xi32> to vector<16xi32>
    %swap3A_70 = vector.shape_cast %get3A_66 : vector<16xi32> to vector<16xi32>
    tpu.vector_store %arg11[%swap3A_67], %swap3A_70 {strides = array<i32>} : memref<80xi32, #tpu.memory_space<vmem>>, vector<16xi32>,
    %get3A_71 = arith.constant 64 : index
    %get3A_72 = tpu.vector_load %arg10[%get3A_71] {strides = array<i32>} : memref<80xi32, #tpu.memory_space<vmem>>, vector<16xi32>,
    %get3A_73 = vector.shape_cast %get3A_72 : vector<16xi32> to vector<16xi32>
    %swap3A_74 = arith.constant 64 : index
    %swap3A_75 = tpu.vector_load %arg11[%swap3A_74] {strides = array<i32>} : memref<80xi32, #tpu.memory_space<vmem>>, vector<16xi32>,
    %swap3A_76 = vector.shape_cast %swap3A_75 : vector<16xi32> to vector<16xi32>
    %swap3A_77 = vector.shape_cast %get3A_73 : vector<16xi32> to vector<16xi32>
    tpu.vector_store %arg11[%swap3A_74], %swap3A_77 {strides = array<i32>} : memref<80xi32, #tpu.memory_space<vmem>>, vector<16xi32>,
    "tpu.region"() ({
      %run_scoped3A = tpu.sem_alloc : memref<!tpu.dma_semaphore, #tpu.memory_space<semaphore_mem>>
      %dma_start3A_89 = arith.constant 0 : i32
      %dma_start3A_90 = arith.constant 0 : i32
      %dma_start3A_91 = tpu.memref_slice %arg17[%dma_start3A_89, %dma_start3A_90] : memref<10000x128xf32, #tpu.memory_space<vmem_shared>> -> memref<10000x128xf32, #tpu.memory_space<vmem_shared>>
      tpu.enqueue_indirect_dma source(%arg12 : memref<80x128xf32, #tpu.memory_space<vmem>>) target(%dma_start3A_91 : memref<10000x128xf32, #tpu.memory_space<vmem_shared>>) offsets(%arg11 : memref<80xi32, #tpu.memory_space<vmem>>) semaphore(%run_scoped3A : memref<!tpu.dma_semaphore, #tpu.memory_space<semaphore_mem>>) {add = true}
      %dma_wait3A_92 = arith.constant 0 : i32
      %dma_wait3A_93 = arith.constant 0 : i32
      %dma_wait3A_94 = tpu.memref_slice %arg17[%dma_wait3A_92, %dma_wait3A_93] : memref<10000x128xf32, #tpu.memory_space<vmem_shared>> -> memref<10000x128xf32, #tpu.memory_space<vmem_shared>>
      tpu.wait_indirect_dma semaphore(%run_scoped3A : memref<!tpu.dma_semaphore, #tpu.memory_space<semaphore_mem>>) src(%arg12 : memref<80x128xf32, #tpu.memory_space<vmem>>) dst(%dma_wait3A_94 : memref<10000x128xf32, #tpu.memory_space<vmem_shared>>)
      tpu.yield
    }) : () -> ()
    %barrier3A_78 = arith.constant 0 : index
    tpu.barrier barrier_id(%barrier3A_78)
    %eq3A_79 = arith.constant 0 : i32
    %eq3A_80 = arith.cmpi eq, %arg0, %eq3A_79 : i32
    %convert_element_type3A_81 = arith.extui %eq3A_80 : i1 to i32
    %cond3A_82 = arith.constant 0 : i32
    %cond3A_83 = arith.cmpi ne, %convert_element_type3A_81, %cond3A_82 : i32
    scf.if %cond3A_83 {
      %mul3A_89 = arith.constant 632 : i32
      %mul3A_90 = arith.muli %arg1, %mul3A_89 : i32
      %multiple_of3A_91 = tpu.assume_multiple %mul3A_90, 8 : i32
      %lt3A_92 = arith.constant 15 : i32
      %lt3A_93 = arith.cmpi slt, %arg1, %lt3A_92 : i32
      %convert_element_type3A_94 = arith.extui %lt3A_93 : i1 to i32
      %cond3A_95 = arith.constant 0 : i32
      %cond3A_96 = arith.cmpi ne, %convert_element_type3A_94, %cond3A_95 : i32
      scf.if %cond3A_96 {
        "tpu.region"() ({
          %run_scoped3A = tpu.sem_alloc : memref<!tpu.dma_semaphore, #tpu.memory_space<semaphore_mem>>
          %dma_start3A_102 = arith.constant 0 : i32
          %dma_start3A_103 = tpu.memref_slice %arg7[%multiple_of3A_91, %dma_start3A_102] : memref<10000x128xf32, #tpu.memory_space<hbm>> -> memref<632x128xf32, #tpu.memory_space<hbm>>
          %dma_start3A_104 = arith.constant 0 : i32
          %dma_start3A_105 = tpu.memref_slice %arg17[%multiple_of3A_91, %dma_start3A_104] : memref<10000x128xf32, #tpu.memory_space<vmem_shared>> -> memref<632x128xf32, #tpu.memory_space<vmem_shared>>
          tpu.enqueue_dma source(%dma_start3A_105 : memref<632x128xf32, #tpu.memory_space<vmem_shared>>) target(%dma_start3A_103 : memref<632x128xf32, #tpu.memory_space<hbm>>) target_semaphore(%run_scoped3A : memref<!tpu.dma_semaphore, #tpu.memory_space<semaphore_mem>>)
          %dma_wait3A_106 = arith.constant 0 : i32
          %dma_wait3A_107 = tpu.memref_slice %arg7[%multiple_of3A_91, %dma_wait3A_106] : memref<10000x128xf32, #tpu.memory_space<hbm>> -> memref<632x128xf32, #tpu.memory_space<hbm>>
          %dma_wait3A_108 = arith.constant 0 : i32
          %dma_wait3A_109 = tpu.memref_slice %arg17[%multiple_of3A_91, %dma_wait3A_108] : memref<10000x128xf32, #tpu.memory_space<vmem_shared>> -> memref<632x128xf32, #tpu.memory_space<vmem_shared>>
          tpu.wait_dma2 semaphore(%run_scoped3A : memref<!tpu.dma_semaphore, #tpu.memory_space<semaphore_mem>>) src(%dma_wait3A_109 : memref<632x128xf32, #tpu.memory_space<vmem_shared>>) dst(%dma_wait3A_107 : memref<632x128xf32, #tpu.memory_space<hbm>>)
          tpu.yield
        }) : () -> ()
      } else {
      }
      %eq3A_97 = arith.constant 15 : i32
      %eq3A_98 = arith.cmpi eq, %arg1, %eq3A_97 : i32
      %convert_element_type3A_99 = arith.extui %eq3A_98 : i1 to i32
      %cond3A_100 = arith.constant 0 : i32
      %cond3A_101 = arith.cmpi ne, %convert_element_type3A_99, %cond3A_100 : i32
      scf.if %cond3A_101 {
        "tpu.region"() ({
          %run_scoped3A = tpu.sem_alloc : memref<!tpu.dma_semaphore, #tpu.memory_space<semaphore_mem>>
          %dma_start3A_102 = arith.constant 9480 : i32
          %dma_start3A_103 = arith.constant 0 : i32
          %dma_start3A_104 = tpu.memref_slice %arg7[%dma_start3A_102, %dma_start3A_103] : memref<10000x128xf32, #tpu.memory_space<hbm>> -> memref<520x128xf32, #tpu.memory_space<hbm>>
          %dma_start3A_105 = arith.constant 9480 : i32
          %dma_start3A_106 = arith.constant 0 : i32
          %dma_start3A_107 = tpu.memref_slice %arg17[%dma_start3A_105, %dma_start3A_106] : memref<10000x128xf32, #tpu.memory_space<vmem_shared>> -> memref<520x128xf32, #tpu.memory_space<vmem_shared>>
          tpu.enqueue_dma source(%dma_start3A_107 : memref<520x128xf32, #tpu.memory_space<vmem_shared>>) target(%dma_start3A_104 : memref<520x128xf32, #tpu.memory_space<hbm>>) target_semaphore(%run_scoped3A : memref<!tpu.dma_semaphore, #tpu.memory_space<semaphore_mem>>)
          %dma_wait3A_108 = arith.constant 9480 : i32
          %dma_wait3A_109 = arith.constant 0 : i32
          %dma_wait3A_110 = tpu.memref_slice %arg7[%dma_wait3A_108, %dma_wait3A_109] : memref<10000x128xf32, #tpu.memory_space<hbm>> -> memref<520x128xf32, #tpu.memory_space<hbm>>
          %dma_wait3A_111 = arith.constant 9480 : i32
          %dma_wait3A_112 = arith.constant 0 : i32
          %dma_wait3A_113 = tpu.memref_slice %arg17[%dma_wait3A_111, %dma_wait3A_112] : memref<10000x128xf32, #tpu.memory_space<vmem_shared>> -> memref<520x128xf32, #tpu.memory_space<vmem_shared>>
          tpu.wait_dma2 semaphore(%run_scoped3A : memref<!tpu.dma_semaphore, #tpu.memory_space<semaphore_mem>>) src(%dma_wait3A_113 : memref<520x128xf32, #tpu.memory_space<vmem_shared>>) dst(%dma_wait3A_110 : memref<520x128xf32, #tpu.memory_space<hbm>>)
          tpu.yield
        }) : () -> ()
      } else {
      }
    } else {
    }
    %eq3A_84 = arith.constant 1 : i32
    %eq3A_85 = arith.cmpi eq, %arg0, %eq3A_84 : i32
    %convert_element_type3A_86 = arith.extui %eq3A_85 : i1 to i32
    %cond3A_87 = arith.constant 0 : i32
    %cond3A_88 = arith.cmpi ne, %convert_element_type3A_86, %cond3A_87 : i32
    scf.if %cond3A_88 {
      %mul3A_89 = arith.constant 632 : i32
      %mul3A_90 = arith.muli %arg1, %mul3A_89 : i32
      %multiple_of3A_91 = tpu.assume_multiple %mul3A_90, 8 : i32
      %lt3A_92 = arith.constant 15 : i32
      %lt3A_93 = arith.cmpi slt, %arg1, %lt3A_92 : i32
      %convert_element_type3A_94 = arith.extui %lt3A_93 : i1 to i32
      %cond3A_95 = arith.constant 0 : i32
      %cond3A_96 = arith.cmpi ne, %convert_element_type3A_94, %cond3A_95 : i32
      scf.if %cond3A_96 {
        "tpu.region"() ({
          %run_scoped3A = tpu.sem_alloc : memref<!tpu.dma_semaphore, #tpu.memory_space<semaphore_mem>>
          %dma_start3A_102 = arith.constant 0 : i32
          %dma_start3A_103 = tpu.memref_slice %arg8[%multiple_of3A_91, %dma_start3A_102] : memref<10000x128xf32, #tpu.memory_space<hbm>> -> memref<632x128xf32, #tpu.memory_space<hbm>>
          %dma_start3A_104 = arith.constant 0 : i32
          %dma_start3A_105 = tpu.memref_slice %arg17[%multiple_of3A_91, %dma_start3A_104] : memref<10000x128xf32, #tpu.memory_space<vmem_shared>> -> memref<632x128xf32, #tpu.memory_space<vmem_shared>>
          tpu.enqueue_dma source(%dma_start3A_105 : memref<632x128xf32, #tpu.memory_space<vmem_shared>>) target(%dma_start3A_103 : memref<632x128xf32, #tpu.memory_space<hbm>>) target_semaphore(%run_scoped3A : memref<!tpu.dma_semaphore, #tpu.memory_space<semaphore_mem>>)
          %dma_wait3A_106 = arith.constant 0 : i32
          %dma_wait3A_107 = tpu.memref_slice %arg8[%multiple_of3A_91, %dma_wait3A_106] : memref<10000x128xf32, #tpu.memory_space<hbm>> -> memref<632x128xf32, #tpu.memory_space<hbm>>
          %dma_wait3A_108 = arith.constant 0 : i32
          %dma_wait3A_109 = tpu.memref_slice %arg17[%multiple_of3A_91, %dma_wait3A_108] : memref<10000x128xf32, #tpu.memory_space<vmem_shared>> -> memref<632x128xf32, #tpu.memory_space<vmem_shared>>
          tpu.wait_dma2 semaphore(%run_scoped3A : memref<!tpu.dma_semaphore, #tpu.memory_space<semaphore_mem>>) src(%dma_wait3A_109 : memref<632x128xf32, #tpu.memory_space<vmem_shared>>) dst(%dma_wait3A_107 : memref<632x128xf32, #tpu.memory_space<hbm>>)
          tpu.yield
        }) : () -> ()
      } else {
      }
      %eq3A_97 = arith.constant 15 : i32
      %eq3A_98 = arith.cmpi eq, %arg1, %eq3A_97 : i32
      %convert_element_type3A_99 = arith.extui %eq3A_98 : i1 to i32
      %cond3A_100 = arith.constant 0 : i32
      %cond3A_101 = arith.cmpi ne, %convert_element_type3A_99, %cond3A_100 : i32
      scf.if %cond3A_101 {
        "tpu.region"() ({
          %run_scoped3A = tpu.sem_alloc : memref<!tpu.dma_semaphore, #tpu.memory_space<semaphore_mem>>
          %dma_start3A_102 = arith.constant 9480 : i32
          %dma_start3A_103 = arith.constant 0 : i32
          %dma_start3A_104 = tpu.memref_slice %arg8[%dma_start3A_102, %dma_start3A_103] : memref<10000x128xf32, #tpu.memory_space<hbm>> -> memref<520x128xf32, #tpu.memory_space<hbm>>
          %dma_start3A_105 = arith.constant 9480 : i32
          %dma_start3A_106 = arith.constant 0 : i32
          %dma_start3A_107 = tpu.memref_slice %arg17[%dma_start3A_105, %dma_start3A_106] : memref<10000x128xf32, #tpu.memory_space<vmem_shared>> -> memref<520x128xf32, #tpu.memory_space<vmem_shared>>
          tpu.enqueue_dma source(%dma_start3A_107 : memref<520x128xf32, #tpu.memory_space<vmem_shared>>) target(%dma_start3A_104 : memref<520x128xf32, #tpu.memory_space<hbm>>) target_semaphore(%run_scoped3A : memref<!tpu.dma_semaphore, #tpu.memory_space<semaphore_mem>>)
          %dma_wait3A_108 = arith.constant 9480 : i32
          %dma_wait3A_109 = arith.constant 0 : i32
          %dma_wait3A_110 = tpu.memref_slice %arg8[%dma_wait3A_108, %dma_wait3A_109] : memref<10000x128xf32, #tpu.memory_space<hbm>> -> memref<520x128xf32, #tpu.memory_space<hbm>>
          %dma_wait3A_111 = arith.constant 9480 : i32
          %dma_wait3A_112 = arith.constant 0 : i32
          %dma_wait3A_113 = tpu.memref_slice %arg17[%dma_wait3A_111, %dma_wait3A_112] : memref<10000x128xf32, #tpu.memory_space<vmem_shared>> -> memref<520x128xf32, #tpu.memory_space<vmem_shared>>
          tpu.wait_dma2 semaphore(%run_scoped3A : memref<!tpu.dma_semaphore, #tpu.memory_space<semaphore_mem>>) src(%dma_wait3A_113 : memref<520x128xf32, #tpu.memory_space<vmem_shared>>) dst(%dma_wait3A_110 : memref<520x128xf32, #tpu.memory_space<hbm>>)
          tpu.yield
        }) : () -> ()
      } else {
      }
    } else {
    }
    return
  }
}

#map = affine_map<(d0, d1) -> (0)>
module attributes {stable_mosaic.version = 14 : i64} {
  func.func @deg(%arg0: i32, %arg1: i32, %arg2: memref<160000xi32, #tpu.memory_space<hbm>>, %arg3: memref<10000xf32, #tpu.memory_space<hbm>>, %arg4: memref<10000xi32, #tpu.memory_space<vmem>>, %arg5: memref<10240xf32, #tpu.memory_space<vmem>>, %arg6: memref<10240xf32, #tpu.memory_space<vmem>>, %arg7: memref<640xf32, #tpu.memory_space<vmem>>, %arg8: memref<163840xf32, #tpu.memory_space<vmem_shared>>) attributes {dimension_semantics = [#tpu.dimension_semantics<core_parallel>, #tpu.dimension_semantics<subcore_parallel>], iteration_bounds = array<i64: 2, 16>, scalar_prefetch = 0 : i64, scratch_operands = 5 : i64, tpu.core_type = #tpu.core_type<sc_vector_subcore>, window_params = [{transform_indices = #map}, {transform_indices = #map}]} {
    %iota3A = tpu.iota {dimensions = array<i32: 0>} : vector<16xi32>
    %broadcast_in_dim3A = arith.constant 0.000000e+00 : f32
    %broadcast_in_dim3A_0 = vector.broadcast %broadcast_in_dim3A : f32 to vector<16xf32>
    %broadcast_in_dim3A_1 = arith.constant 1.000000e+00 : f32
    %broadcast_in_dim3A_2 = vector.broadcast %broadcast_in_dim3A_1 : f32 to vector<16xf32>
    %eq3A = arith.constant 0 : i32
    %eq3A_3 = arith.cmpi eq, %arg0, %eq3A : i32
    %convert_element_type3A = arith.extui %eq3A_3 : i1 to i32
    %cond3A = arith.constant 0 : i32
    %cond3A_4 = arith.cmpi ne, %convert_element_type3A, %cond3A : i32
    scf.if %cond3A_4 {
      %mul3A = arith.constant 10000 : i32
      %mul3A_10 = arith.muli %arg1, %mul3A : i32
      %multiple_of3A = tpu.assume_multiple %mul3A_10, 8 : i32
      "tpu.region"() ({
        %run_scoped3A = tpu.sem_alloc : memref<!tpu.dma_semaphore, #tpu.memory_space<semaphore_mem>>
        %dma_start3A = tpu.memref_slice %arg2[%multiple_of3A] : memref<160000xi32, #tpu.memory_space<hbm>> -> memref<10000xi32, #tpu.memory_space<hbm>>
        %dma_start3A_23 = tpu.memref_slice %arg2[%multiple_of3A] : memref<160000xi32, #tpu.memory_space<hbm>> -> memref<10000xi32, #tpu.memory_space<hbm>>
        tpu.enqueue_dma source(%dma_start3A_23 : memref<10000xi32, #tpu.memory_space<hbm>>) target(%arg4 : memref<10000xi32, #tpu.memory_space<vmem>>) target_semaphore(%run_scoped3A : memref<!tpu.dma_semaphore, #tpu.memory_space<semaphore_mem>>)
        %dma_wait3A = tpu.memref_slice %arg2[%multiple_of3A] : memref<160000xi32, #tpu.memory_space<hbm>> -> memref<10000xi32, #tpu.memory_space<hbm>>
        %dma_wait3A_24 = tpu.memref_slice %arg2[%multiple_of3A] : memref<160000xi32, #tpu.memory_space<hbm>> -> memref<10000xi32, #tpu.memory_space<hbm>>
        tpu.wait_dma2 semaphore(%run_scoped3A : memref<!tpu.dma_semaphore, #tpu.memory_space<semaphore_mem>>) src(%dma_wait3A_24 : memref<10000xi32, #tpu.memory_space<hbm>>) dst(%arg4 : memref<10000xi32, #tpu.memory_space<vmem>>)
        tpu.yield
      }) : () -> ()
      %scan3A = arith.constant 0 : i32
      %scan3A_11 = arith.constant 640 : i32
      %scan3A_12 = arith.addi %scan3A, %scan3A_11 : i32
      %scan3A_13 = arith.constant 1 : i32
      scf.for %scan3A_23 = %scan3A to %scan3A_12 step %scan3A_13  : i32 {
        %mul3A_24 = arith.constant 1 : i32
        %mul3A_25 = arith.muli %scan3A_23, %mul3A_24 : i32
        %add3A = arith.constant 0 : i32
        %add3A_26 = arith.addi %add3A, %mul3A_25 : i32
        %mul3A_27 = arith.constant 16 : i32
        %mul3A_28 = arith.muli %mul3A_27, %add3A_26 : i32
        %add3A_29 = vector.broadcast %mul3A_28 : i32 to vector<16xi32>
        %add3A_30 = arith.addi %iota3A, %add3A_29 : vector<16xi32>
        tpu.vector_store_idx %arg5[%add3A_30], %broadcast_in_dim3A_0 : memref<10240xf32, #tpu.memory_space<vmem>>[vector<16xi32>], vector<16xf32>,
      }
      %scan3A_14 = arith.constant 640 : i32
      %scan3A_15 = arith.constant 0 : i32
      %scan3A_16 = arith.constant 625 : i32
      %scan3A_17 = arith.addi %scan3A_15, %scan3A_16 : i32
      %scan3A_18 = arith.constant 1 : i32
      scf.for %scan3A_23 = %scan3A_15 to %scan3A_17 step %scan3A_18  : i32 {
        %mul3A_24 = arith.constant 1 : i32
        %mul3A_25 = arith.muli %scan3A_23, %mul3A_24 : i32
        %add3A = arith.constant 0 : i32
        %add3A_26 = arith.addi %add3A, %mul3A_25 : i32
        %mul3A_27 = arith.constant 16 : i32
        %mul3A_28 = arith.muli %mul3A_27, %add3A_26 : i32
        %add3A_29 = vector.broadcast %mul3A_28 : i32 to vector<16xi32>
        %add3A_30 = arith.addi %iota3A, %add3A_29 : vector<16xi32>
        %gather3A = tpu.vector_load_idx %arg4[%add3A_30] : memref<10000xi32, #tpu.memory_space<vmem>>[vector<16xi32>], vector<16xi32>,
        tpu.vector_store_idx %arg5[%gather3A], %broadcast_in_dim3A_2 {add = true} : memref<10240xf32, #tpu.memory_space<vmem>>[vector<16xi32>], vector<16xf32>,
      }
      %scan3A_19 = arith.constant 625 : i32
      %mul3A_20 = arith.constant 10240 : i32
      %mul3A_21 = arith.muli %arg1, %mul3A_20 : i32
      %multiple_of3A_22 = tpu.assume_multiple %mul3A_21, 8 : i32
      "tpu.region"() ({
        %run_scoped3A = tpu.sem_alloc : memref<!tpu.dma_semaphore, #tpu.memory_space<semaphore_mem>>
        %dma_start3A = tpu.memref_slice %arg8[%multiple_of3A_22] : memref<163840xf32, #tpu.memory_space<vmem_shared>> -> memref<10240xf32, #tpu.memory_space<vmem_shared>>
        %dma_start3A_23 = tpu.memref_slice %arg8[%multiple_of3A_22] : memref<163840xf32, #tpu.memory_space<vmem_shared>> -> memref<10240xf32, #tpu.memory_space<vmem_shared>>
        tpu.enqueue_dma source(%arg5 : memref<10240xf32, #tpu.memory_space<vmem>>) target(%dma_start3A_23 : memref<10240xf32, #tpu.memory_space<vmem_shared>>) target_semaphore(%run_scoped3A : memref<!tpu.dma_semaphore, #tpu.memory_space<semaphore_mem>>)
        %dma_wait3A = tpu.memref_slice %arg8[%multiple_of3A_22] : memref<163840xf32, #tpu.memory_space<vmem_shared>> -> memref<10240xf32, #tpu.memory_space<vmem_shared>>
        %dma_wait3A_24 = tpu.memref_slice %arg8[%multiple_of3A_22] : memref<163840xf32, #tpu.memory_space<vmem_shared>> -> memref<10240xf32, #tpu.memory_space<vmem_shared>>
        tpu.wait_dma2 semaphore(%run_scoped3A : memref<!tpu.dma_semaphore, #tpu.memory_space<semaphore_mem>>) src(%arg5 : memref<10240xf32, #tpu.memory_space<vmem>>) dst(%dma_wait3A_24 : memref<10240xf32, #tpu.memory_space<vmem_shared>>)
        tpu.yield
      }) : () -> ()
    } else {
    }
    %barrier3A = arith.constant 0 : index
    tpu.barrier barrier_id(%barrier3A)
    %eq3A_5 = arith.constant 0 : i32
    %eq3A_6 = arith.cmpi eq, %arg0, %eq3A_5 : i32
    %convert_element_type3A_7 = arith.extui %eq3A_6 : i1 to i32
    %cond3A_8 = arith.constant 0 : i32
    %cond3A_9 = arith.cmpi ne, %convert_element_type3A_7, %cond3A_8 : i32
    scf.if %cond3A_9 {
      %mul3A = arith.constant 640 : i32
      %mul3A_10 = arith.muli %arg1, %mul3A : i32
      %multiple_of3A = tpu.assume_multiple %mul3A_10, 8 : i32
      %add3A = arith.constant 0 : i32
      %add3A_11 = arith.addi %add3A, %multiple_of3A : i32
      "tpu.region"() ({
        %run_scoped3A = tpu.sem_alloc : memref<!tpu.dma_semaphore, #tpu.memory_space<semaphore_mem>>
        %dma_start3A = arith.constant 0 : i32
        %dma_start3A_55 = tpu.memref_slice %arg6[%dma_start3A] : memref<10240xf32, #tpu.memory_space<vmem>> -> memref<640xf32, #tpu.memory_space<vmem>>
        %dma_start3A_56 = tpu.memref_slice %arg8[%add3A_11] : memref<163840xf32, #tpu.memory_space<vmem_shared>> -> memref<640xf32, #tpu.memory_space<vmem_shared>>
        %dma_start3A_57 = arith.constant 0 : i32
        %dma_start3A_58 = tpu.memref_slice %arg6[%dma_start3A_57] : memref<10240xf32, #tpu.memory_space<vmem>> -> memref<640xf32, #tpu.memory_space<vmem>>
        %dma_start3A_59 = tpu.memref_slice %arg8[%add3A_11] : memref<163840xf32, #tpu.memory_space<vmem_shared>> -> memref<640xf32, #tpu.memory_space<vmem_shared>>
        tpu.enqueue_dma source(%dma_start3A_59 : memref<640xf32, #tpu.memory_space<vmem_shared>>) target(%dma_start3A_58 : memref<640xf32, #tpu.memory_space<vmem>>) target_semaphore(%run_scoped3A : memref<!tpu.dma_semaphore, #tpu.memory_space<semaphore_mem>>)
        %dma_wait3A = arith.constant 0 : i32
        %dma_wait3A_60 = tpu.memref_slice %arg6[%dma_wait3A] : memref<10240xf32, #tpu.memory_space<vmem>> -> memref<640xf32, #tpu.memory_space<vmem>>
        %dma_wait3A_61 = tpu.memref_slice %arg8[%add3A_11] : memref<163840xf32, #tpu.memory_space<vmem_shared>> -> memref<640xf32, #tpu.memory_space<vmem_shared>>
        %dma_wait3A_62 = arith.constant 0 : i32
        %dma_wait3A_63 = tpu.memref_slice %arg6[%dma_wait3A_62] : memref<10240xf32, #tpu.memory_space<vmem>> -> memref<640xf32, #tpu.memory_space<vmem>>
        %dma_wait3A_64 = tpu.memref_slice %arg8[%add3A_11] : memref<163840xf32, #tpu.memory_space<vmem_shared>> -> memref<640xf32, #tpu.memory_space<vmem_shared>>
        tpu.wait_dma2 semaphore(%run_scoped3A : memref<!tpu.dma_semaphore, #tpu.memory_space<semaphore_mem>>) src(%dma_wait3A_64 : memref<640xf32, #tpu.memory_space<vmem_shared>>) dst(%dma_wait3A_63 : memref<640xf32, #tpu.memory_space<vmem>>)
        tpu.yield
      }) : () -> ()
      %add3A_12 = arith.constant 10240 : i32
      %add3A_13 = arith.addi %add3A_12, %multiple_of3A : i32
      "tpu.region"() ({
        %run_scoped3A = tpu.sem_alloc : memref<!tpu.dma_semaphore, #tpu.memory_space<semaphore_mem>>
        %dma_start3A = arith.constant 640 : i32
        %dma_start3A_55 = tpu.memref_slice %arg6[%dma_start3A] : memref<10240xf32, #tpu.memory_space<vmem>> -> memref<640xf32, #tpu.memory_space<vmem>>
        %dma_start3A_56 = tpu.memref_slice %arg8[%add3A_13] : memref<163840xf32, #tpu.memory_space<vmem_shared>> -> memref<640xf32, #tpu.memory_space<vmem_shared>>
        %dma_start3A_57 = arith.constant 640 : i32
        %dma_start3A_58 = tpu.memref_slice %arg6[%dma_start3A_57] : memref<10240xf32, #tpu.memory_space<vmem>> -> memref<640xf32, #tpu.memory_space<vmem>>
        %dma_start3A_59 = tpu.memref_slice %arg8[%add3A_13] : memref<163840xf32, #tpu.memory_space<vmem_shared>> -> memref<640xf32, #tpu.memory_space<vmem_shared>>
        tpu.enqueue_dma source(%dma_start3A_59 : memref<640xf32, #tpu.memory_space<vmem_shared>>) target(%dma_start3A_58 : memref<640xf32, #tpu.memory_space<vmem>>) target_semaphore(%run_scoped3A : memref<!tpu.dma_semaphore, #tpu.memory_space<semaphore_mem>>)
        %dma_wait3A = arith.constant 640 : i32
        %dma_wait3A_60 = tpu.memref_slice %arg6[%dma_wait3A] : memref<10240xf32, #tpu.memory_space<vmem>> -> memref<640xf32, #tpu.memory_space<vmem>>
        %dma_wait3A_61 = tpu.memref_slice %arg8[%add3A_13] : memref<163840xf32, #tpu.memory_space<vmem_shared>> -> memref<640xf32, #tpu.memory_space<vmem_shared>>
        %dma_wait3A_62 = arith.constant 640 : i32
        %dma_wait3A_63 = tpu.memref_slice %arg6[%dma_wait3A_62] : memref<10240xf32, #tpu.memory_space<vmem>> -> memref<640xf32, #tpu.memory_space<vmem>>
        %dma_wait3A_64 = tpu.memref_slice %arg8[%add3A_13] : memref<163840xf32, #tpu.memory_space<vmem_shared>> -> memref<640xf32, #tpu.memory_space<vmem_shared>>
        tpu.wait_dma2 semaphore(%run_scoped3A : memref<!tpu.dma_semaphore, #tpu.memory_space<semaphore_mem>>) src(%dma_wait3A_64 : memref<640xf32, #tpu.memory_space<vmem_shared>>) dst(%dma_wait3A_63 : memref<640xf32, #tpu.memory_space<vmem>>)
        tpu.yield
      }) : () -> ()
      %add3A_14 = arith.constant 20480 : i32
      %add3A_15 = arith.addi %add3A_14, %multiple_of3A : i32
      "tpu.region"() ({
        %run_scoped3A = tpu.sem_alloc : memref<!tpu.dma_semaphore, #tpu.memory_space<semaphore_mem>>
        %dma_start3A = arith.constant 1280 : i32
        %dma_start3A_55 = tpu.memref_slice %arg6[%dma_start3A] : memref<10240xf32, #tpu.memory_space<vmem>> -> memref<640xf32, #tpu.memory_space<vmem>>
        %dma_start3A_56 = tpu.memref_slice %arg8[%add3A_15] : memref<163840xf32, #tpu.memory_space<vmem_shared>> -> memref<640xf32, #tpu.memory_space<vmem_shared>>
        %dma_start3A_57 = arith.constant 1280 : i32
        %dma_start3A_58 = tpu.memref_slice %arg6[%dma_start3A_57] : memref<10240xf32, #tpu.memory_space<vmem>> -> memref<640xf32, #tpu.memory_space<vmem>>
        %dma_start3A_59 = tpu.memref_slice %arg8[%add3A_15] : memref<163840xf32, #tpu.memory_space<vmem_shared>> -> memref<640xf32, #tpu.memory_space<vmem_shared>>
        tpu.enqueue_dma source(%dma_start3A_59 : memref<640xf32, #tpu.memory_space<vmem_shared>>) target(%dma_start3A_58 : memref<640xf32, #tpu.memory_space<vmem>>) target_semaphore(%run_scoped3A : memref<!tpu.dma_semaphore, #tpu.memory_space<semaphore_mem>>)
        %dma_wait3A = arith.constant 1280 : i32
        %dma_wait3A_60 = tpu.memref_slice %arg6[%dma_wait3A] : memref<10240xf32, #tpu.memory_space<vmem>> -> memref<640xf32, #tpu.memory_space<vmem>>
        %dma_wait3A_61 = tpu.memref_slice %arg8[%add3A_15] : memref<163840xf32, #tpu.memory_space<vmem_shared>> -> memref<640xf32, #tpu.memory_space<vmem_shared>>
        %dma_wait3A_62 = arith.constant 1280 : i32
        %dma_wait3A_63 = tpu.memref_slice %arg6[%dma_wait3A_62] : memref<10240xf32, #tpu.memory_space<vmem>> -> memref<640xf32, #tpu.memory_space<vmem>>
        %dma_wait3A_64 = tpu.memref_slice %arg8[%add3A_15] : memref<163840xf32, #tpu.memory_space<vmem_shared>> -> memref<640xf32, #tpu.memory_space<vmem_shared>>
        tpu.wait_dma2 semaphore(%run_scoped3A : memref<!tpu.dma_semaphore, #tpu.memory_space<semaphore_mem>>) src(%dma_wait3A_64 : memref<640xf32, #tpu.memory_space<vmem_shared>>) dst(%dma_wait3A_63 : memref<640xf32, #tpu.memory_space<vmem>>)
        tpu.yield
      }) : () -> ()
      %add3A_16 = arith.constant 30720 : i32
      %add3A_17 = arith.addi %add3A_16, %multiple_of3A : i32
      "tpu.region"() ({
        %run_scoped3A = tpu.sem_alloc : memref<!tpu.dma_semaphore, #tpu.memory_space<semaphore_mem>>
        %dma_start3A = arith.constant 1920 : i32
        %dma_start3A_55 = tpu.memref_slice %arg6[%dma_start3A] : memref<10240xf32, #tpu.memory_space<vmem>> -> memref<640xf32, #tpu.memory_space<vmem>>
        %dma_start3A_56 = tpu.memref_slice %arg8[%add3A_17] : memref<163840xf32, #tpu.memory_space<vmem_shared>> -> memref<640xf32, #tpu.memory_space<vmem_shared>>
        %dma_start3A_57 = arith.constant 1920 : i32
        %dma_start3A_58 = tpu.memref_slice %arg6[%dma_start3A_57] : memref<10240xf32, #tpu.memory_space<vmem>> -> memref<640xf32, #tpu.memory_space<vmem>>
        %dma_start3A_59 = tpu.memref_slice %arg8[%add3A_17] : memref<163840xf32, #tpu.memory_space<vmem_shared>> -> memref<640xf32, #tpu.memory_space<vmem_shared>>
        tpu.enqueue_dma source(%dma_start3A_59 : memref<640xf32, #tpu.memory_space<vmem_shared>>) target(%dma_start3A_58 : memref<640xf32, #tpu.memory_space<vmem>>) target_semaphore(%run_scoped3A : memref<!tpu.dma_semaphore, #tpu.memory_space<semaphore_mem>>)
        %dma_wait3A = arith.constant 1920 : i32
        %dma_wait3A_60 = tpu.memref_slice %arg6[%dma_wait3A] : memref<10240xf32, #tpu.memory_space<vmem>> -> memref<640xf32, #tpu.memory_space<vmem>>
        %dma_wait3A_61 = tpu.memref_slice %arg8[%add3A_17] : memref<163840xf32, #tpu.memory_space<vmem_shared>> -> memref<640xf32, #tpu.memory_space<vmem_shared>>
        %dma_wait3A_62 = arith.constant 1920 : i32
        %dma_wait3A_63 = tpu.memref_slice %arg6[%dma_wait3A_62] : memref<10240xf32, #tpu.memory_space<vmem>> -> memref<640xf32, #tpu.memory_space<vmem>>
        %dma_wait3A_64 = tpu.memref_slice %arg8[%add3A_17] : memref<163840xf32, #tpu.memory_space<vmem_shared>> -> memref<640xf32, #tpu.memory_space<vmem_shared>>
        tpu.wait_dma2 semaphore(%run_scoped3A : memref<!tpu.dma_semaphore, #tpu.memory_space<semaphore_mem>>) src(%dma_wait3A_64 : memref<640xf32, #tpu.memory_space<vmem_shared>>) dst(%dma_wait3A_63 : memref<640xf32, #tpu.memory_space<vmem>>)
        tpu.yield
      }) : () -> ()
      %add3A_18 = arith.constant 40960 : i32
      %add3A_19 = arith.addi %add3A_18, %multiple_of3A : i32
      "tpu.region"() ({
        %run_scoped3A = tpu.sem_alloc : memref<!tpu.dma_semaphore, #tpu.memory_space<semaphore_mem>>
        %dma_start3A = arith.constant 2560 : i32
        %dma_start3A_55 = tpu.memref_slice %arg6[%dma_start3A] : memref<10240xf32, #tpu.memory_space<vmem>> -> memref<640xf32, #tpu.memory_space<vmem>>
        %dma_start3A_56 = tpu.memref_slice %arg8[%add3A_19] : memref<163840xf32, #tpu.memory_space<vmem_shared>> -> memref<640xf32, #tpu.memory_space<vmem_shared>>
        %dma_start3A_57 = arith.constant 2560 : i32
        %dma_start3A_58 = tpu.memref_slice %arg6[%dma_start3A_57] : memref<10240xf32, #tpu.memory_space<vmem>> -> memref<640xf32, #tpu.memory_space<vmem>>
        %dma_start3A_59 = tpu.memref_slice %arg8[%add3A_19] : memref<163840xf32, #tpu.memory_space<vmem_shared>> -> memref<640xf32, #tpu.memory_space<vmem_shared>>
        tpu.enqueue_dma source(%dma_start3A_59 : memref<640xf32, #tpu.memory_space<vmem_shared>>) target(%dma_start3A_58 : memref<640xf32, #tpu.memory_space<vmem>>) target_semaphore(%run_scoped3A : memref<!tpu.dma_semaphore, #tpu.memory_space<semaphore_mem>>)
        %dma_wait3A = arith.constant 2560 : i32
        %dma_wait3A_60 = tpu.memref_slice %arg6[%dma_wait3A] : memref<10240xf32, #tpu.memory_space<vmem>> -> memref<640xf32, #tpu.memory_space<vmem>>
        %dma_wait3A_61 = tpu.memref_slice %arg8[%add3A_19] : memref<163840xf32, #tpu.memory_space<vmem_shared>> -> memref<640xf32, #tpu.memory_space<vmem_shared>>
        %dma_wait3A_62 = arith.constant 2560 : i32
        %dma_wait3A_63 = tpu.memref_slice %arg6[%dma_wait3A_62] : memref<10240xf32, #tpu.memory_space<vmem>> -> memref<640xf32, #tpu.memory_space<vmem>>
        %dma_wait3A_64 = tpu.memref_slice %arg8[%add3A_19] : memref<163840xf32, #tpu.memory_space<vmem_shared>> -> memref<640xf32, #tpu.memory_space<vmem_shared>>
        tpu.wait_dma2 semaphore(%run_scoped3A : memref<!tpu.dma_semaphore, #tpu.memory_space<semaphore_mem>>) src(%dma_wait3A_64 : memref<640xf32, #tpu.memory_space<vmem_shared>>) dst(%dma_wait3A_63 : memref<640xf32, #tpu.memory_space<vmem>>)
        tpu.yield
      }) : () -> ()
      %add3A_20 = arith.constant 51200 : i32
      %add3A_21 = arith.addi %add3A_20, %multiple_of3A : i32
      "tpu.region"() ({
        %run_scoped3A = tpu.sem_alloc : memref<!tpu.dma_semaphore, #tpu.memory_space<semaphore_mem>>
        %dma_start3A = arith.constant 3200 : i32
        %dma_start3A_55 = tpu.memref_slice %arg6[%dma_start3A] : memref<10240xf32, #tpu.memory_space<vmem>> -> memref<640xf32, #tpu.memory_space<vmem>>
        %dma_start3A_56 = tpu.memref_slice %arg8[%add3A_21] : memref<163840xf32, #tpu.memory_space<vmem_shared>> -> memref<640xf32, #tpu.memory_space<vmem_shared>>
        %dma_start3A_57 = arith.constant 3200 : i32
        %dma_start3A_58 = tpu.memref_slice %arg6[%dma_start3A_57] : memref<10240xf32, #tpu.memory_space<vmem>> -> memref<640xf32, #tpu.memory_space<vmem>>
        %dma_start3A_59 = tpu.memref_slice %arg8[%add3A_21] : memref<163840xf32, #tpu.memory_space<vmem_shared>> -> memref<640xf32, #tpu.memory_space<vmem_shared>>
        tpu.enqueue_dma source(%dma_start3A_59 : memref<640xf32, #tpu.memory_space<vmem_shared>>) target(%dma_start3A_58 : memref<640xf32, #tpu.memory_space<vmem>>) target_semaphore(%run_scoped3A : memref<!tpu.dma_semaphore, #tpu.memory_space<semaphore_mem>>)
        %dma_wait3A = arith.constant 3200 : i32
        %dma_wait3A_60 = tpu.memref_slice %arg6[%dma_wait3A] : memref<10240xf32, #tpu.memory_space<vmem>> -> memref<640xf32, #tpu.memory_space<vmem>>
        %dma_wait3A_61 = tpu.memref_slice %arg8[%add3A_21] : memref<163840xf32, #tpu.memory_space<vmem_shared>> -> memref<640xf32, #tpu.memory_space<vmem_shared>>
        %dma_wait3A_62 = arith.constant 3200 : i32
        %dma_wait3A_63 = tpu.memref_slice %arg6[%dma_wait3A_62] : memref<10240xf32, #tpu.memory_space<vmem>> -> memref<640xf32, #tpu.memory_space<vmem>>
        %dma_wait3A_64 = tpu.memref_slice %arg8[%add3A_21] : memref<163840xf32, #tpu.memory_space<vmem_shared>> -> memref<640xf32, #tpu.memory_space<vmem_shared>>
        tpu.wait_dma2 semaphore(%run_scoped3A : memref<!tpu.dma_semaphore, #tpu.memory_space<semaphore_mem>>) src(%dma_wait3A_64 : memref<640xf32, #tpu.memory_space<vmem_shared>>) dst(%dma_wait3A_63 : memref<640xf32, #tpu.memory_space<vmem>>)
        tpu.yield
      }) : () -> ()
      %add3A_22 = arith.constant 61440 : i32
      %add3A_23 = arith.addi %add3A_22, %multiple_of3A : i32
      "tpu.region"() ({
        %run_scoped3A = tpu.sem_alloc : memref<!tpu.dma_semaphore, #tpu.memory_space<semaphore_mem>>
        %dma_start3A = arith.constant 3840 : i32
        %dma_start3A_55 = tpu.memref_slice %arg6[%dma_start3A] : memref<10240xf32, #tpu.memory_space<vmem>> -> memref<640xf32, #tpu.memory_space<vmem>>
        %dma_start3A_56 = tpu.memref_slice %arg8[%add3A_23] : memref<163840xf32, #tpu.memory_space<vmem_shared>> -> memref<640xf32, #tpu.memory_space<vmem_shared>>
        %dma_start3A_57 = arith.constant 3840 : i32
        %dma_start3A_58 = tpu.memref_slice %arg6[%dma_start3A_57] : memref<10240xf32, #tpu.memory_space<vmem>> -> memref<640xf32, #tpu.memory_space<vmem>>
        %dma_start3A_59 = tpu.memref_slice %arg8[%add3A_23] : memref<163840xf32, #tpu.memory_space<vmem_shared>> -> memref<640xf32, #tpu.memory_space<vmem_shared>>
        tpu.enqueue_dma source(%dma_start3A_59 : memref<640xf32, #tpu.memory_space<vmem_shared>>) target(%dma_start3A_58 : memref<640xf32, #tpu.memory_space<vmem>>) target_semaphore(%run_scoped3A : memref<!tpu.dma_semaphore, #tpu.memory_space<semaphore_mem>>)
        %dma_wait3A = arith.constant 3840 : i32
        %dma_wait3A_60 = tpu.memref_slice %arg6[%dma_wait3A] : memref<10240xf32, #tpu.memory_space<vmem>> -> memref<640xf32, #tpu.memory_space<vmem>>
        %dma_wait3A_61 = tpu.memref_slice %arg8[%add3A_23] : memref<163840xf32, #tpu.memory_space<vmem_shared>> -> memref<640xf32, #tpu.memory_space<vmem_shared>>
        %dma_wait3A_62 = arith.constant 3840 : i32
        %dma_wait3A_63 = tpu.memref_slice %arg6[%dma_wait3A_62] : memref<10240xf32, #tpu.memory_space<vmem>> -> memref<640xf32, #tpu.memory_space<vmem>>
        %dma_wait3A_64 = tpu.memref_slice %arg8[%add3A_23] : memref<163840xf32, #tpu.memory_space<vmem_shared>> -> memref<640xf32, #tpu.memory_space<vmem_shared>>
        tpu.wait_dma2 semaphore(%run_scoped3A : memref<!tpu.dma_semaphore, #tpu.memory_space<semaphore_mem>>) src(%dma_wait3A_64 : memref<640xf32, #tpu.memory_space<vmem_shared>>) dst(%dma_wait3A_63 : memref<640xf32, #tpu.memory_space<vmem>>)
        tpu.yield
      }) : () -> ()
      %add3A_24 = arith.constant 71680 : i32
      %add3A_25 = arith.addi %add3A_24, %multiple_of3A : i32
      "tpu.region"() ({
        %run_scoped3A = tpu.sem_alloc : memref<!tpu.dma_semaphore, #tpu.memory_space<semaphore_mem>>
        %dma_start3A = arith.constant 4480 : i32
        %dma_start3A_55 = tpu.memref_slice %arg6[%dma_start3A] : memref<10240xf32, #tpu.memory_space<vmem>> -> memref<640xf32, #tpu.memory_space<vmem>>
        %dma_start3A_56 = tpu.memref_slice %arg8[%add3A_25] : memref<163840xf32, #tpu.memory_space<vmem_shared>> -> memref<640xf32, #tpu.memory_space<vmem_shared>>
        %dma_start3A_57 = arith.constant 4480 : i32
        %dma_start3A_58 = tpu.memref_slice %arg6[%dma_start3A_57] : memref<10240xf32, #tpu.memory_space<vmem>> -> memref<640xf32, #tpu.memory_space<vmem>>
        %dma_start3A_59 = tpu.memref_slice %arg8[%add3A_25] : memref<163840xf32, #tpu.memory_space<vmem_shared>> -> memref<640xf32, #tpu.memory_space<vmem_shared>>
        tpu.enqueue_dma source(%dma_start3A_59 : memref<640xf32, #tpu.memory_space<vmem_shared>>) target(%dma_start3A_58 : memref<640xf32, #tpu.memory_space<vmem>>) target_semaphore(%run_scoped3A : memref<!tpu.dma_semaphore, #tpu.memory_space<semaphore_mem>>)
        %dma_wait3A = arith.constant 4480 : i32
        %dma_wait3A_60 = tpu.memref_slice %arg6[%dma_wait3A] : memref<10240xf32, #tpu.memory_space<vmem>> -> memref<640xf32, #tpu.memory_space<vmem>>
        %dma_wait3A_61 = tpu.memref_slice %arg8[%add3A_25] : memref<163840xf32, #tpu.memory_space<vmem_shared>> -> memref<640xf32, #tpu.memory_space<vmem_shared>>
        %dma_wait3A_62 = arith.constant 4480 : i32
        %dma_wait3A_63 = tpu.memref_slice %arg6[%dma_wait3A_62] : memref<10240xf32, #tpu.memory_space<vmem>> -> memref<640xf32, #tpu.memory_space<vmem>>
        %dma_wait3A_64 = tpu.memref_slice %arg8[%add3A_25] : memref<163840xf32, #tpu.memory_space<vmem_shared>> -> memref<640xf32, #tpu.memory_space<vmem_shared>>
        tpu.wait_dma2 semaphore(%run_scoped3A : memref<!tpu.dma_semaphore, #tpu.memory_space<semaphore_mem>>) src(%dma_wait3A_64 : memref<640xf32, #tpu.memory_space<vmem_shared>>) dst(%dma_wait3A_63 : memref<640xf32, #tpu.memory_space<vmem>>)
        tpu.yield
      }) : () -> ()
      %add3A_26 = arith.constant 81920 : i32
      %add3A_27 = arith.addi %add3A_26, %multiple_of3A : i32
      "tpu.region"() ({
        %run_scoped3A = tpu.sem_alloc : memref<!tpu.dma_semaphore, #tpu.memory_space<semaphore_mem>>
        %dma_start3A = arith.constant 5120 : i32
        %dma_start3A_55 = tpu.memref_slice %arg6[%dma_start3A] : memref<10240xf32, #tpu.memory_space<vmem>> -> memref<640xf32, #tpu.memory_space<vmem>>
        %dma_start3A_56 = tpu.memref_slice %arg8[%add3A_27] : memref<163840xf32, #tpu.memory_space<vmem_shared>> -> memref<640xf32, #tpu.memory_space<vmem_shared>>
        %dma_start3A_57 = arith.constant 5120 : i32
        %dma_start3A_58 = tpu.memref_slice %arg6[%dma_start3A_57] : memref<10240xf32, #tpu.memory_space<vmem>> -> memref<640xf32, #tpu.memory_space<vmem>>
        %dma_start3A_59 = tpu.memref_slice %arg8[%add3A_27] : memref<163840xf32, #tpu.memory_space<vmem_shared>> -> memref<640xf32, #tpu.memory_space<vmem_shared>>
        tpu.enqueue_dma source(%dma_start3A_59 : memref<640xf32, #tpu.memory_space<vmem_shared>>) target(%dma_start3A_58 : memref<640xf32, #tpu.memory_space<vmem>>) target_semaphore(%run_scoped3A : memref<!tpu.dma_semaphore, #tpu.memory_space<semaphore_mem>>)
        %dma_wait3A = arith.constant 5120 : i32
        %dma_wait3A_60 = tpu.memref_slice %arg6[%dma_wait3A] : memref<10240xf32, #tpu.memory_space<vmem>> -> memref<640xf32, #tpu.memory_space<vmem>>
        %dma_wait3A_61 = tpu.memref_slice %arg8[%add3A_27] : memref<163840xf32, #tpu.memory_space<vmem_shared>> -> memref<640xf32, #tpu.memory_space<vmem_shared>>
        %dma_wait3A_62 = arith.constant 5120 : i32
        %dma_wait3A_63 = tpu.memref_slice %arg6[%dma_wait3A_62] : memref<10240xf32, #tpu.memory_space<vmem>> -> memref<640xf32, #tpu.memory_space<vmem>>
        %dma_wait3A_64 = tpu.memref_slice %arg8[%add3A_27] : memref<163840xf32, #tpu.memory_space<vmem_shared>> -> memref<640xf32, #tpu.memory_space<vmem_shared>>
        tpu.wait_dma2 semaphore(%run_scoped3A : memref<!tpu.dma_semaphore, #tpu.memory_space<semaphore_mem>>) src(%dma_wait3A_64 : memref<640xf32, #tpu.memory_space<vmem_shared>>) dst(%dma_wait3A_63 : memref<640xf32, #tpu.memory_space<vmem>>)
        tpu.yield
      }) : () -> ()
      %add3A_28 = arith.constant 92160 : i32
      %add3A_29 = arith.addi %add3A_28, %multiple_of3A : i32
      "tpu.region"() ({
        %run_scoped3A = tpu.sem_alloc : memref<!tpu.dma_semaphore, #tpu.memory_space<semaphore_mem>>
        %dma_start3A = arith.constant 5760 : i32
        %dma_start3A_55 = tpu.memref_slice %arg6[%dma_start3A] : memref<10240xf32, #tpu.memory_space<vmem>> -> memref<640xf32, #tpu.memory_space<vmem>>
        %dma_start3A_56 = tpu.memref_slice %arg8[%add3A_29] : memref<163840xf32, #tpu.memory_space<vmem_shared>> -> memref<640xf32, #tpu.memory_space<vmem_shared>>
        %dma_start3A_57 = arith.constant 5760 : i32
        %dma_start3A_58 = tpu.memref_slice %arg6[%dma_start3A_57] : memref<10240xf32, #tpu.memory_space<vmem>> -> memref<640xf32, #tpu.memory_space<vmem>>
        %dma_start3A_59 = tpu.memref_slice %arg8[%add3A_29] : memref<163840xf32, #tpu.memory_space<vmem_shared>> -> memref<640xf32, #tpu.memory_space<vmem_shared>>
        tpu.enqueue_dma source(%dma_start3A_59 : memref<640xf32, #tpu.memory_space<vmem_shared>>) target(%dma_start3A_58 : memref<640xf32, #tpu.memory_space<vmem>>) target_semaphore(%run_scoped3A : memref<!tpu.dma_semaphore, #tpu.memory_space<semaphore_mem>>)
        %dma_wait3A = arith.constant 5760 : i32
        %dma_wait3A_60 = tpu.memref_slice %arg6[%dma_wait3A] : memref<10240xf32, #tpu.memory_space<vmem>> -> memref<640xf32, #tpu.memory_space<vmem>>
        %dma_wait3A_61 = tpu.memref_slice %arg8[%add3A_29] : memref<163840xf32, #tpu.memory_space<vmem_shared>> -> memref<640xf32, #tpu.memory_space<vmem_shared>>
        %dma_wait3A_62 = arith.constant 5760 : i32
        %dma_wait3A_63 = tpu.memref_slice %arg6[%dma_wait3A_62] : memref<10240xf32, #tpu.memory_space<vmem>> -> memref<640xf32, #tpu.memory_space<vmem>>
        %dma_wait3A_64 = tpu.memref_slice %arg8[%add3A_29] : memref<163840xf32, #tpu.memory_space<vmem_shared>> -> memref<640xf32, #tpu.memory_space<vmem_shared>>
        tpu.wait_dma2 semaphore(%run_scoped3A : memref<!tpu.dma_semaphore, #tpu.memory_space<semaphore_mem>>) src(%dma_wait3A_64 : memref<640xf32, #tpu.memory_space<vmem_shared>>) dst(%dma_wait3A_63 : memref<640xf32, #tpu.memory_space<vmem>>)
        tpu.yield
      }) : () -> ()
      %add3A_30 = arith.constant 102400 : i32
      %add3A_31 = arith.addi %add3A_30, %multiple_of3A : i32
      "tpu.region"() ({
        %run_scoped3A = tpu.sem_alloc : memref<!tpu.dma_semaphore, #tpu.memory_space<semaphore_mem>>
        %dma_start3A = arith.constant 6400 : i32
        %dma_start3A_55 = tpu.memref_slice %arg6[%dma_start3A] : memref<10240xf32, #tpu.memory_space<vmem>> -> memref<640xf32, #tpu.memory_space<vmem>>
        %dma_start3A_56 = tpu.memref_slice %arg8[%add3A_31] : memref<163840xf32, #tpu.memory_space<vmem_shared>> -> memref<640xf32, #tpu.memory_space<vmem_shared>>
        %dma_start3A_57 = arith.constant 6400 : i32
        %dma_start3A_58 = tpu.memref_slice %arg6[%dma_start3A_57] : memref<10240xf32, #tpu.memory_space<vmem>> -> memref<640xf32, #tpu.memory_space<vmem>>
        %dma_start3A_59 = tpu.memref_slice %arg8[%add3A_31] : memref<163840xf32, #tpu.memory_space<vmem_shared>> -> memref<640xf32, #tpu.memory_space<vmem_shared>>
        tpu.enqueue_dma source(%dma_start3A_59 : memref<640xf32, #tpu.memory_space<vmem_shared>>) target(%dma_start3A_58 : memref<640xf32, #tpu.memory_space<vmem>>) target_semaphore(%run_scoped3A : memref<!tpu.dma_semaphore, #tpu.memory_space<semaphore_mem>>)
        %dma_wait3A = arith.constant 6400 : i32
        %dma_wait3A_60 = tpu.memref_slice %arg6[%dma_wait3A] : memref<10240xf32, #tpu.memory_space<vmem>> -> memref<640xf32, #tpu.memory_space<vmem>>
        %dma_wait3A_61 = tpu.memref_slice %arg8[%add3A_31] : memref<163840xf32, #tpu.memory_space<vmem_shared>> -> memref<640xf32, #tpu.memory_space<vmem_shared>>
        %dma_wait3A_62 = arith.constant 6400 : i32
        %dma_wait3A_63 = tpu.memref_slice %arg6[%dma_wait3A_62] : memref<10240xf32, #tpu.memory_space<vmem>> -> memref<640xf32, #tpu.memory_space<vmem>>
        %dma_wait3A_64 = tpu.memref_slice %arg8[%add3A_31] : memref<163840xf32, #tpu.memory_space<vmem_shared>> -> memref<640xf32, #tpu.memory_space<vmem_shared>>
        tpu.wait_dma2 semaphore(%run_scoped3A : memref<!tpu.dma_semaphore, #tpu.memory_space<semaphore_mem>>) src(%dma_wait3A_64 : memref<640xf32, #tpu.memory_space<vmem_shared>>) dst(%dma_wait3A_63 : memref<640xf32, #tpu.memory_space<vmem>>)
        tpu.yield
      }) : () -> ()
      %add3A_32 = arith.constant 112640 : i32
      %add3A_33 = arith.addi %add3A_32, %multiple_of3A : i32
      "tpu.region"() ({
        %run_scoped3A = tpu.sem_alloc : memref<!tpu.dma_semaphore, #tpu.memory_space<semaphore_mem>>
        %dma_start3A = arith.constant 7040 : i32
        %dma_start3A_55 = tpu.memref_slice %arg6[%dma_start3A] : memref<10240xf32, #tpu.memory_space<vmem>> -> memref<640xf32, #tpu.memory_space<vmem>>
        %dma_start3A_56 = tpu.memref_slice %arg8[%add3A_33] : memref<163840xf32, #tpu.memory_space<vmem_shared>> -> memref<640xf32, #tpu.memory_space<vmem_shared>>
        %dma_start3A_57 = arith.constant 7040 : i32
        %dma_start3A_58 = tpu.memref_slice %arg6[%dma_start3A_57] : memref<10240xf32, #tpu.memory_space<vmem>> -> memref<640xf32, #tpu.memory_space<vmem>>
        %dma_start3A_59 = tpu.memref_slice %arg8[%add3A_33] : memref<163840xf32, #tpu.memory_space<vmem_shared>> -> memref<640xf32, #tpu.memory_space<vmem_shared>>
        tpu.enqueue_dma source(%dma_start3A_59 : memref<640xf32, #tpu.memory_space<vmem_shared>>) target(%dma_start3A_58 : memref<640xf32, #tpu.memory_space<vmem>>) target_semaphore(%run_scoped3A : memref<!tpu.dma_semaphore, #tpu.memory_space<semaphore_mem>>)
        %dma_wait3A = arith.constant 7040 : i32
        %dma_wait3A_60 = tpu.memref_slice %arg6[%dma_wait3A] : memref<10240xf32, #tpu.memory_space<vmem>> -> memref<640xf32, #tpu.memory_space<vmem>>
        %dma_wait3A_61 = tpu.memref_slice %arg8[%add3A_33] : memref<163840xf32, #tpu.memory_space<vmem_shared>> -> memref<640xf32, #tpu.memory_space<vmem_shared>>
        %dma_wait3A_62 = arith.constant 7040 : i32
        %dma_wait3A_63 = tpu.memref_slice %arg6[%dma_wait3A_62] : memref<10240xf32, #tpu.memory_space<vmem>> -> memref<640xf32, #tpu.memory_space<vmem>>
        %dma_wait3A_64 = tpu.memref_slice %arg8[%add3A_33] : memref<163840xf32, #tpu.memory_space<vmem_shared>> -> memref<640xf32, #tpu.memory_space<vmem_shared>>
        tpu.wait_dma2 semaphore(%run_scoped3A : memref<!tpu.dma_semaphore, #tpu.memory_space<semaphore_mem>>) src(%dma_wait3A_64 : memref<640xf32, #tpu.memory_space<vmem_shared>>) dst(%dma_wait3A_63 : memref<640xf32, #tpu.memory_space<vmem>>)
        tpu.yield
      }) : () -> ()
      %add3A_34 = arith.constant 122880 : i32
      %add3A_35 = arith.addi %add3A_34, %multiple_of3A : i32
      "tpu.region"() ({
        %run_scoped3A = tpu.sem_alloc : memref<!tpu.dma_semaphore, #tpu.memory_space<semaphore_mem>>
        %dma_start3A = arith.constant 7680 : i32
        %dma_start3A_55 = tpu.memref_slice %arg6[%dma_start3A] : memref<10240xf32, #tpu.memory_space<vmem>> -> memref<640xf32, #tpu.memory_space<vmem>>
        %dma_start3A_56 = tpu.memref_slice %arg8[%add3A_35] : memref<163840xf32, #tpu.memory_space<vmem_shared>> -> memref<640xf32, #tpu.memory_space<vmem_shared>>
        %dma_start3A_57 = arith.constant 7680 : i32
        %dma_start3A_58 = tpu.memref_slice %arg6[%dma_start3A_57] : memref<10240xf32, #tpu.memory_space<vmem>> -> memref<640xf32, #tpu.memory_space<vmem>>
        %dma_start3A_59 = tpu.memref_slice %arg8[%add3A_35] : memref<163840xf32, #tpu.memory_space<vmem_shared>> -> memref<640xf32, #tpu.memory_space<vmem_shared>>
        tpu.enqueue_dma source(%dma_start3A_59 : memref<640xf32, #tpu.memory_space<vmem_shared>>) target(%dma_start3A_58 : memref<640xf32, #tpu.memory_space<vmem>>) target_semaphore(%run_scoped3A : memref<!tpu.dma_semaphore, #tpu.memory_space<semaphore_mem>>)
        %dma_wait3A = arith.constant 7680 : i32
        %dma_wait3A_60 = tpu.memref_slice %arg6[%dma_wait3A] : memref<10240xf32, #tpu.memory_space<vmem>> -> memref<640xf32, #tpu.memory_space<vmem>>
        %dma_wait3A_61 = tpu.memref_slice %arg8[%add3A_35] : memref<163840xf32, #tpu.memory_space<vmem_shared>> -> memref<640xf32, #tpu.memory_space<vmem_shared>>
        %dma_wait3A_62 = arith.constant 7680 : i32
        %dma_wait3A_63 = tpu.memref_slice %arg6[%dma_wait3A_62] : memref<10240xf32, #tpu.memory_space<vmem>> -> memref<640xf32, #tpu.memory_space<vmem>>
        %dma_wait3A_64 = tpu.memref_slice %arg8[%add3A_35] : memref<163840xf32, #tpu.memory_space<vmem_shared>> -> memref<640xf32, #tpu.memory_space<vmem_shared>>
        tpu.wait_dma2 semaphore(%run_scoped3A : memref<!tpu.dma_semaphore, #tpu.memory_space<semaphore_mem>>) src(%dma_wait3A_64 : memref<640xf32, #tpu.memory_space<vmem_shared>>) dst(%dma_wait3A_63 : memref<640xf32, #tpu.memory_space<vmem>>)
        tpu.yield
      }) : () -> ()
      %add3A_36 = arith.constant 133120 : i32
      %add3A_37 = arith.addi %add3A_36, %multiple_of3A : i32
      "tpu.region"() ({
        %run_scoped3A = tpu.sem_alloc : memref<!tpu.dma_semaphore, #tpu.memory_space<semaphore_mem>>
        %dma_start3A = arith.constant 8320 : i32
        %dma_start3A_55 = tpu.memref_slice %arg6[%dma_start3A] : memref<10240xf32, #tpu.memory_space<vmem>> -> memref<640xf32, #tpu.memory_space<vmem>>
        %dma_start3A_56 = tpu.memref_slice %arg8[%add3A_37] : memref<163840xf32, #tpu.memory_space<vmem_shared>> -> memref<640xf32, #tpu.memory_space<vmem_shared>>
        %dma_start3A_57 = arith.constant 8320 : i32
        %dma_start3A_58 = tpu.memref_slice %arg6[%dma_start3A_57] : memref<10240xf32, #tpu.memory_space<vmem>> -> memref<640xf32, #tpu.memory_space<vmem>>
        %dma_start3A_59 = tpu.memref_slice %arg8[%add3A_37] : memref<163840xf32, #tpu.memory_space<vmem_shared>> -> memref<640xf32, #tpu.memory_space<vmem_shared>>
        tpu.enqueue_dma source(%dma_start3A_59 : memref<640xf32, #tpu.memory_space<vmem_shared>>) target(%dma_start3A_58 : memref<640xf32, #tpu.memory_space<vmem>>) target_semaphore(%run_scoped3A : memref<!tpu.dma_semaphore, #tpu.memory_space<semaphore_mem>>)
        %dma_wait3A = arith.constant 8320 : i32
        %dma_wait3A_60 = tpu.memref_slice %arg6[%dma_wait3A] : memref<10240xf32, #tpu.memory_space<vmem>> -> memref<640xf32, #tpu.memory_space<vmem>>
        %dma_wait3A_61 = tpu.memref_slice %arg8[%add3A_37] : memref<163840xf32, #tpu.memory_space<vmem_shared>> -> memref<640xf32, #tpu.memory_space<vmem_shared>>
        %dma_wait3A_62 = arith.constant 8320 : i32
        %dma_wait3A_63 = tpu.memref_slice %arg6[%dma_wait3A_62] : memref<10240xf32, #tpu.memory_space<vmem>> -> memref<640xf32, #tpu.memory_space<vmem>>
        %dma_wait3A_64 = tpu.memref_slice %arg8[%add3A_37] : memref<163840xf32, #tpu.memory_space<vmem_shared>> -> memref<640xf32, #tpu.memory_space<vmem_shared>>
        tpu.wait_dma2 semaphore(%run_scoped3A : memref<!tpu.dma_semaphore, #tpu.memory_space<semaphore_mem>>) src(%dma_wait3A_64 : memref<640xf32, #tpu.memory_space<vmem_shared>>) dst(%dma_wait3A_63 : memref<640xf32, #tpu.memory_space<vmem>>)
        tpu.yield
      }) : () -> ()
      %add3A_38 = arith.constant 143360 : i32
      %add3A_39 = arith.addi %add3A_38, %multiple_of3A : i32
      "tpu.region"() ({
        %run_scoped3A = tpu.sem_alloc : memref<!tpu.dma_semaphore, #tpu.memory_space<semaphore_mem>>
        %dma_start3A = arith.constant 8960 : i32
        %dma_start3A_55 = tpu.memref_slice %arg6[%dma_start3A] : memref<10240xf32, #tpu.memory_space<vmem>> -> memref<640xf32, #tpu.memory_space<vmem>>
        %dma_start3A_56 = tpu.memref_slice %arg8[%add3A_39] : memref<163840xf32, #tpu.memory_space<vmem_shared>> -> memref<640xf32, #tpu.memory_space<vmem_shared>>
        %dma_start3A_57 = arith.constant 8960 : i32
        %dma_start3A_58 = tpu.memref_slice %arg6[%dma_start3A_57] : memref<10240xf32, #tpu.memory_space<vmem>> -> memref<640xf32, #tpu.memory_space<vmem>>
        %dma_start3A_59 = tpu.memref_slice %arg8[%add3A_39] : memref<163840xf32, #tpu.memory_space<vmem_shared>> -> memref<640xf32, #tpu.memory_space<vmem_shared>>
        tpu.enqueue_dma source(%dma_start3A_59 : memref<640xf32, #tpu.memory_space<vmem_shared>>) target(%dma_start3A_58 : memref<640xf32, #tpu.memory_space<vmem>>) target_semaphore(%run_scoped3A : memref<!tpu.dma_semaphore, #tpu.memory_space<semaphore_mem>>)
        %dma_wait3A = arith.constant 8960 : i32
        %dma_wait3A_60 = tpu.memref_slice %arg6[%dma_wait3A] : memref<10240xf32, #tpu.memory_space<vmem>> -> memref<640xf32, #tpu.memory_space<vmem>>
        %dma_wait3A_61 = tpu.memref_slice %arg8[%add3A_39] : memref<163840xf32, #tpu.memory_space<vmem_shared>> -> memref<640xf32, #tpu.memory_space<vmem_shared>>
        %dma_wait3A_62 = arith.constant 8960 : i32
        %dma_wait3A_63 = tpu.memref_slice %arg6[%dma_wait3A_62] : memref<10240xf32, #tpu.memory_space<vmem>> -> memref<640xf32, #tpu.memory_space<vmem>>
        %dma_wait3A_64 = tpu.memref_slice %arg8[%add3A_39] : memref<163840xf32, #tpu.memory_space<vmem_shared>> -> memref<640xf32, #tpu.memory_space<vmem_shared>>
        tpu.wait_dma2 semaphore(%run_scoped3A : memref<!tpu.dma_semaphore, #tpu.memory_space<semaphore_mem>>) src(%dma_wait3A_64 : memref<640xf32, #tpu.memory_space<vmem_shared>>) dst(%dma_wait3A_63 : memref<640xf32, #tpu.memory_space<vmem>>)
        tpu.yield
      }) : () -> ()
      %add3A_40 = arith.constant 153600 : i32
      %add3A_41 = arith.addi %add3A_40, %multiple_of3A : i32
      "tpu.region"() ({
        %run_scoped3A = tpu.sem_alloc : memref<!tpu.dma_semaphore, #tpu.memory_space<semaphore_mem>>
        %dma_start3A = arith.constant 9600 : i32
        %dma_start3A_55 = tpu.memref_slice %arg6[%dma_start3A] : memref<10240xf32, #tpu.memory_space<vmem>> -> memref<640xf32, #tpu.memory_space<vmem>>
        %dma_start3A_56 = tpu.memref_slice %arg8[%add3A_41] : memref<163840xf32, #tpu.memory_space<vmem_shared>> -> memref<640xf32, #tpu.memory_space<vmem_shared>>
        %dma_start3A_57 = arith.constant 9600 : i32
        %dma_start3A_58 = tpu.memref_slice %arg6[%dma_start3A_57] : memref<10240xf32, #tpu.memory_space<vmem>> -> memref<640xf32, #tpu.memory_space<vmem>>
        %dma_start3A_59 = tpu.memref_slice %arg8[%add3A_41] : memref<163840xf32, #tpu.memory_space<vmem_shared>> -> memref<640xf32, #tpu.memory_space<vmem_shared>>
        tpu.enqueue_dma source(%dma_start3A_59 : memref<640xf32, #tpu.memory_space<vmem_shared>>) target(%dma_start3A_58 : memref<640xf32, #tpu.memory_space<vmem>>) target_semaphore(%run_scoped3A : memref<!tpu.dma_semaphore, #tpu.memory_space<semaphore_mem>>)
        %dma_wait3A = arith.constant 9600 : i32
        %dma_wait3A_60 = tpu.memref_slice %arg6[%dma_wait3A] : memref<10240xf32, #tpu.memory_space<vmem>> -> memref<640xf32, #tpu.memory_space<vmem>>
        %dma_wait3A_61 = tpu.memref_slice %arg8[%add3A_41] : memref<163840xf32, #tpu.memory_space<vmem_shared>> -> memref<640xf32, #tpu.memory_space<vmem_shared>>
        %dma_wait3A_62 = arith.constant 9600 : i32
        %dma_wait3A_63 = tpu.memref_slice %arg6[%dma_wait3A_62] : memref<10240xf32, #tpu.memory_space<vmem>> -> memref<640xf32, #tpu.memory_space<vmem>>
        %dma_wait3A_64 = tpu.memref_slice %arg8[%add3A_41] : memref<163840xf32, #tpu.memory_space<vmem_shared>> -> memref<640xf32, #tpu.memory_space<vmem_shared>>
        tpu.wait_dma2 semaphore(%run_scoped3A : memref<!tpu.dma_semaphore, #tpu.memory_space<semaphore_mem>>) src(%dma_wait3A_64 : memref<640xf32, #tpu.memory_space<vmem_shared>>) dst(%dma_wait3A_63 : memref<640xf32, #tpu.memory_space<vmem>>)
        tpu.yield
      }) : () -> ()
      %scan3A = arith.constant 0 : i32
      %scan3A_42 = arith.constant 40 : i32
      %scan3A_43 = arith.addi %scan3A, %scan3A_42 : i32
      %scan3A_44 = arith.constant 1 : i32
      scf.for %scan3A_55 = %scan3A to %scan3A_43 step %scan3A_44  : i32 {
        %mul3A_56 = arith.constant 1 : i32
        %mul3A_57 = arith.muli %scan3A_55, %mul3A_56 : i32
        %add3A_58 = arith.constant 0 : i32
        %add3A_59 = arith.addi %add3A_58, %mul3A_57 : i32
        %add3A_60 = arith.constant 0 : i32
        %add3A_61 = vector.broadcast %add3A_60 : i32 to vector<16xi32>
        %add3A_62 = arith.addi %iota3A, %add3A_61 : vector<16xi32>
        %mul3A_63 = arith.constant 16 : i32
        %mul3A_64 = arith.muli %mul3A_63, %add3A_59 : i32
        %add3A_65 = vector.broadcast %mul3A_64 : i32 to vector<16xi32>
        %add3A_66 = arith.addi %add3A_62, %add3A_65 : vector<16xi32>
        %gather3A = tpu.vector_load_idx %arg6[%add3A_66] : memref<10240xf32, #tpu.memory_space<vmem>>[vector<16xi32>], vector<16xf32>,
        %add3A_67 = arith.addf %broadcast_in_dim3A_0, %gather3A : vector<16xf32>
        %add3A_68 = arith.constant 640 : i32
        %add3A_69 = vector.broadcast %add3A_68 : i32 to vector<16xi32>
        %add3A_70 = arith.addi %iota3A, %add3A_69 : vector<16xi32>
        %mul3A_71 = arith.constant 16 : i32
        %mul3A_72 = arith.muli %mul3A_71, %add3A_59 : i32
        %add3A_73 = vector.broadcast %mul3A_72 : i32 to vector<16xi32>
        %add3A_74 = arith.addi %add3A_70, %add3A_73 : vector<16xi32>
        %gather3A_75 = tpu.vector_load_idx %arg6[%add3A_74] : memref<10240xf32, #tpu.memory_space<vmem>>[vector<16xi32>], vector<16xf32>,
        %add3A_76 = arith.addf %add3A_67, %gather3A_75 : vector<16xf32>
        %add3A_77 = arith.constant 1280 : i32
        %add3A_78 = vector.broadcast %add3A_77 : i32 to vector<16xi32>
        %add3A_79 = arith.addi %iota3A, %add3A_78 : vector<16xi32>
        %mul3A_80 = arith.constant 16 : i32
        %mul3A_81 = arith.muli %mul3A_80, %add3A_59 : i32
        %add3A_82 = vector.broadcast %mul3A_81 : i32 to vector<16xi32>
        %add3A_83 = arith.addi %add3A_79, %add3A_82 : vector<16xi32>
        %gather3A_84 = tpu.vector_load_idx %arg6[%add3A_83] : memref<10240xf32, #tpu.memory_space<vmem>>[vector<16xi32>], vector<16xf32>,
        %add3A_85 = arith.addf %add3A_76, %gather3A_84 : vector<16xf32>
        %add3A_86 = arith.constant 1920 : i32
        %add3A_87 = vector.broadcast %add3A_86 : i32 to vector<16xi32>
        %add3A_88 = arith.addi %iota3A, %add3A_87 : vector<16xi32>
        %mul3A_89 = arith.constant 16 : i32
        %mul3A_90 = arith.muli %mul3A_89, %add3A_59 : i32
        %add3A_91 = vector.broadcast %mul3A_90 : i32 to vector<16xi32>
        %add3A_92 = arith.addi %add3A_88, %add3A_91 : vector<16xi32>
        %gather3A_93 = tpu.vector_load_idx %arg6[%add3A_92] : memref<10240xf32, #tpu.memory_space<vmem>>[vector<16xi32>], vector<16xf32>,
        %add3A_94 = arith.addf %add3A_85, %gather3A_93 : vector<16xf32>
        %add3A_95 = arith.constant 2560 : i32
        %add3A_96 = vector.broadcast %add3A_95 : i32 to vector<16xi32>
        %add3A_97 = arith.addi %iota3A, %add3A_96 : vector<16xi32>
        %mul3A_98 = arith.constant 16 : i32
        %mul3A_99 = arith.muli %mul3A_98, %add3A_59 : i32
        %add3A_100 = vector.broadcast %mul3A_99 : i32 to vector<16xi32>
        %add3A_101 = arith.addi %add3A_97, %add3A_100 : vector<16xi32>
        %gather3A_102 = tpu.vector_load_idx %arg6[%add3A_101] : memref<10240xf32, #tpu.memory_space<vmem>>[vector<16xi32>], vector<16xf32>,
        %add3A_103 = arith.addf %add3A_94, %gather3A_102 : vector<16xf32>
        %add3A_104 = arith.constant 3200 : i32
        %add3A_105 = vector.broadcast %add3A_104 : i32 to vector<16xi32>
        %add3A_106 = arith.addi %iota3A, %add3A_105 : vector<16xi32>
        %mul3A_107 = arith.constant 16 : i32
        %mul3A_108 = arith.muli %mul3A_107, %add3A_59 : i32
        %add3A_109 = vector.broadcast %mul3A_108 : i32 to vector<16xi32>
        %add3A_110 = arith.addi %add3A_106, %add3A_109 : vector<16xi32>
        %gather3A_111 = tpu.vector_load_idx %arg6[%add3A_110] : memref<10240xf32, #tpu.memory_space<vmem>>[vector<16xi32>], vector<16xf32>,
        %add3A_112 = arith.addf %add3A_103, %gather3A_111 : vector<16xf32>
        %add3A_113 = arith.constant 3840 : i32
        %add3A_114 = vector.broadcast %add3A_113 : i32 to vector<16xi32>
        %add3A_115 = arith.addi %iota3A, %add3A_114 : vector<16xi32>
        %mul3A_116 = arith.constant 16 : i32
        %mul3A_117 = arith.muli %mul3A_116, %add3A_59 : i32
        %add3A_118 = vector.broadcast %mul3A_117 : i32 to vector<16xi32>
        %add3A_119 = arith.addi %add3A_115, %add3A_118 : vector<16xi32>
        %gather3A_120 = tpu.vector_load_idx %arg6[%add3A_119] : memref<10240xf32, #tpu.memory_space<vmem>>[vector<16xi32>], vector<16xf32>,
        %add3A_121 = arith.addf %add3A_112, %gather3A_120 : vector<16xf32>
        %add3A_122 = arith.constant 4480 : i32
        %add3A_123 = vector.broadcast %add3A_122 : i32 to vector<16xi32>
        %add3A_124 = arith.addi %iota3A, %add3A_123 : vector<16xi32>
        %mul3A_125 = arith.constant 16 : i32
        %mul3A_126 = arith.muli %mul3A_125, %add3A_59 : i32
        %add3A_127 = vector.broadcast %mul3A_126 : i32 to vector<16xi32>
        %add3A_128 = arith.addi %add3A_124, %add3A_127 : vector<16xi32>
        %gather3A_129 = tpu.vector_load_idx %arg6[%add3A_128] : memref<10240xf32, #tpu.memory_space<vmem>>[vector<16xi32>], vector<16xf32>,
        %add3A_130 = arith.addf %add3A_121, %gather3A_129 : vector<16xf32>
        %add3A_131 = arith.constant 5120 : i32
        %add3A_132 = vector.broadcast %add3A_131 : i32 to vector<16xi32>
        %add3A_133 = arith.addi %iota3A, %add3A_132 : vector<16xi32>
        %mul3A_134 = arith.constant 16 : i32
        %mul3A_135 = arith.muli %mul3A_134, %add3A_59 : i32
        %add3A_136 = vector.broadcast %mul3A_135 : i32 to vector<16xi32>
        %add3A_137 = arith.addi %add3A_133, %add3A_136 : vector<16xi32>
        %gather3A_138 = tpu.vector_load_idx %arg6[%add3A_137] : memref<10240xf32, #tpu.memory_space<vmem>>[vector<16xi32>], vector<16xf32>,
        %add3A_139 = arith.addf %add3A_130, %gather3A_138 : vector<16xf32>
        %add3A_140 = arith.constant 5760 : i32
        %add3A_141 = vector.broadcast %add3A_140 : i32 to vector<16xi32>
        %add3A_142 = arith.addi %iota3A, %add3A_141 : vector<16xi32>
        %mul3A_143 = arith.constant 16 : i32
        %mul3A_144 = arith.muli %mul3A_143, %add3A_59 : i32
        %add3A_145 = vector.broadcast %mul3A_144 : i32 to vector<16xi32>
        %add3A_146 = arith.addi %add3A_142, %add3A_145 : vector<16xi32>
        %gather3A_147 = tpu.vector_load_idx %arg6[%add3A_146] : memref<10240xf32, #tpu.memory_space<vmem>>[vector<16xi32>], vector<16xf32>,
        %add3A_148 = arith.addf %add3A_139, %gather3A_147 : vector<16xf32>
        %add3A_149 = arith.constant 6400 : i32
        %add3A_150 = vector.broadcast %add3A_149 : i32 to vector<16xi32>
        %add3A_151 = arith.addi %iota3A, %add3A_150 : vector<16xi32>
        %mul3A_152 = arith.constant 16 : i32
        %mul3A_153 = arith.muli %mul3A_152, %add3A_59 : i32
        %add3A_154 = vector.broadcast %mul3A_153 : i32 to vector<16xi32>
        %add3A_155 = arith.addi %add3A_151, %add3A_154 : vector<16xi32>
        %gather3A_156 = tpu.vector_load_idx %arg6[%add3A_155] : memref<10240xf32, #tpu.memory_space<vmem>>[vector<16xi32>], vector<16xf32>,
        %add3A_157 = arith.addf %add3A_148, %gather3A_156 : vector<16xf32>
        %add3A_158 = arith.constant 7040 : i32
        %add3A_159 = vector.broadcast %add3A_158 : i32 to vector<16xi32>
        %add3A_160 = arith.addi %iota3A, %add3A_159 : vector<16xi32>
        %mul3A_161 = arith.constant 16 : i32
        %mul3A_162 = arith.muli %mul3A_161, %add3A_59 : i32
        %add3A_163 = vector.broadcast %mul3A_162 : i32 to vector<16xi32>
        %add3A_164 = arith.addi %add3A_160, %add3A_163 : vector<16xi32>
        %gather3A_165 = tpu.vector_load_idx %arg6[%add3A_164] : memref<10240xf32, #tpu.memory_space<vmem>>[vector<16xi32>], vector<16xf32>,
        %add3A_166 = arith.addf %add3A_157, %gather3A_165 : vector<16xf32>
        %add3A_167 = arith.constant 7680 : i32
        %add3A_168 = vector.broadcast %add3A_167 : i32 to vector<16xi32>
        %add3A_169 = arith.addi %iota3A, %add3A_168 : vector<16xi32>
        %mul3A_170 = arith.constant 16 : i32
        %mul3A_171 = arith.muli %mul3A_170, %add3A_59 : i32
        %add3A_172 = vector.broadcast %mul3A_171 : i32 to vector<16xi32>
        %add3A_173 = arith.addi %add3A_169, %add3A_172 : vector<16xi32>
        %gather3A_174 = tpu.vector_load_idx %arg6[%add3A_173] : memref<10240xf32, #tpu.memory_space<vmem>>[vector<16xi32>], vector<16xf32>,
        %add3A_175 = arith.addf %add3A_166, %gather3A_174 : vector<16xf32>
        %add3A_176 = arith.constant 8320 : i32
        %add3A_177 = vector.broadcast %add3A_176 : i32 to vector<16xi32>
        %add3A_178 = arith.addi %iota3A, %add3A_177 : vector<16xi32>
        %mul3A_179 = arith.constant 16 : i32
        %mul3A_180 = arith.muli %mul3A_179, %add3A_59 : i32
        %add3A_181 = vector.broadcast %mul3A_180 : i32 to vector<16xi32>
        %add3A_182 = arith.addi %add3A_178, %add3A_181 : vector<16xi32>
        %gather3A_183 = tpu.vector_load_idx %arg6[%add3A_182] : memref<10240xf32, #tpu.memory_space<vmem>>[vector<16xi32>], vector<16xf32>,
        %add3A_184 = arith.addf %add3A_175, %gather3A_183 : vector<16xf32>
        %add3A_185 = arith.constant 8960 : i32
        %add3A_186 = vector.broadcast %add3A_185 : i32 to vector<16xi32>
        %add3A_187 = arith.addi %iota3A, %add3A_186 : vector<16xi32>
        %mul3A_188 = arith.constant 16 : i32
        %mul3A_189 = arith.muli %mul3A_188, %add3A_59 : i32
        %add3A_190 = vector.broadcast %mul3A_189 : i32 to vector<16xi32>
        %add3A_191 = arith.addi %add3A_187, %add3A_190 : vector<16xi32>
        %gather3A_192 = tpu.vector_load_idx %arg6[%add3A_191] : memref<10240xf32, #tpu.memory_space<vmem>>[vector<16xi32>], vector<16xf32>,
        %add3A_193 = arith.addf %add3A_184, %gather3A_192 : vector<16xf32>
        %add3A_194 = arith.constant 9600 : i32
        %add3A_195 = vector.broadcast %add3A_194 : i32 to vector<16xi32>
        %add3A_196 = arith.addi %iota3A, %add3A_195 : vector<16xi32>
        %mul3A_197 = arith.constant 16 : i32
        %mul3A_198 = arith.muli %mul3A_197, %add3A_59 : i32
        %add3A_199 = vector.broadcast %mul3A_198 : i32 to vector<16xi32>
        %add3A_200 = arith.addi %add3A_196, %add3A_199 : vector<16xi32>
        %gather3A_201 = tpu.vector_load_idx %arg6[%add3A_200] : memref<10240xf32, #tpu.memory_space<vmem>>[vector<16xi32>], vector<16xf32>,
        %add3A_202 = arith.addf %add3A_193, %gather3A_201 : vector<16xf32>
        %mul3A_203 = arith.constant 16 : i32
        %mul3A_204 = arith.muli %mul3A_203, %add3A_59 : i32
        %add3A_205 = vector.broadcast %mul3A_204 : i32 to vector<16xi32>
        %add3A_206 = arith.addi %iota3A, %add3A_205 : vector<16xi32>
        tpu.vector_store_idx %arg7[%add3A_206], %add3A_202 : memref<640xf32, #tpu.memory_space<vmem>>[vector<16xi32>], vector<16xf32>,
      }
      %scan3A_45 = arith.constant 40 : i32
      %lt3A = arith.constant 15 : i32
      %lt3A_46 = arith.cmpi slt, %arg1, %lt3A : i32
      %convert_element_type3A_47 = arith.extui %lt3A_46 : i1 to i32
      %cond3A_48 = arith.constant 0 : i32
      %cond3A_49 = arith.cmpi ne, %convert_element_type3A_47, %cond3A_48 : i32
      scf.if %cond3A_49 {
        "tpu.region"() ({
          %run_scoped3A = tpu.sem_alloc : memref<!tpu.dma_semaphore, #tpu.memory_space<semaphore_mem>>
          %dma_start3A = tpu.memref_slice %arg3[%multiple_of3A] : memref<10000xf32, #tpu.memory_space<hbm>> -> memref<640xf32, #tpu.memory_space<hbm>>
          %dma_start3A_55 = tpu.memref_slice %arg3[%multiple_of3A] : memref<10000xf32, #tpu.memory_space<hbm>> -> memref<640xf32, #tpu.memory_space<hbm>>
          tpu.enqueue_dma source(%arg7 : memref<640xf32, #tpu.memory_space<vmem>>) target(%dma_start3A_55 : memref<640xf32, #tpu.memory_space<hbm>>) target_semaphore(%run_scoped3A : memref<!tpu.dma_semaphore, #tpu.memory_space<semaphore_mem>>)
          %dma_wait3A = tpu.memref_slice %arg3[%multiple_of3A] : memref<10000xf32, #tpu.memory_space<hbm>> -> memref<640xf32, #tpu.memory_space<hbm>>
          %dma_wait3A_56 = tpu.memref_slice %arg3[%multiple_of3A] : memref<10000xf32, #tpu.memory_space<hbm>> -> memref<640xf32, #tpu.memory_space<hbm>>
          tpu.wait_dma2 semaphore(%run_scoped3A : memref<!tpu.dma_semaphore, #tpu.memory_space<semaphore_mem>>) src(%arg7 : memref<640xf32, #tpu.memory_space<vmem>>) dst(%dma_wait3A_56 : memref<640xf32, #tpu.memory_space<hbm>>)
          tpu.yield
        }) : () -> ()
      } else {
      }
      %eq3A_50 = arith.constant 15 : i32
      %eq3A_51 = arith.cmpi eq, %arg1, %eq3A_50 : i32
      %convert_element_type3A_52 = arith.extui %eq3A_51 : i1 to i32
      %cond3A_53 = arith.constant 0 : i32
      %cond3A_54 = arith.cmpi ne, %convert_element_type3A_52, %cond3A_53 : i32
      scf.if %cond3A_54 {
        "tpu.region"() ({
          %run_scoped3A = tpu.sem_alloc : memref<!tpu.dma_semaphore, #tpu.memory_space<semaphore_mem>>
          %dma_start3A = arith.constant 0 : i32
          %dma_start3A_55 = tpu.memref_slice %arg7[%dma_start3A] : memref<640xf32, #tpu.memory_space<vmem>> -> memref<400xf32, #tpu.memory_space<vmem>>
          %dma_start3A_56 = arith.constant 9600 : i32
          %dma_start3A_57 = tpu.memref_slice %arg3[%dma_start3A_56] : memref<10000xf32, #tpu.memory_space<hbm>> -> memref<400xf32, #tpu.memory_space<hbm>>
          %dma_start3A_58 = arith.constant 9600 : i32
          %dma_start3A_59 = tpu.memref_slice %arg3[%dma_start3A_58] : memref<10000xf32, #tpu.memory_space<hbm>> -> memref<400xf32, #tpu.memory_space<hbm>>
          %dma_start3A_60 = arith.constant 0 : i32
          %dma_start3A_61 = tpu.memref_slice %arg7[%dma_start3A_60] : memref<640xf32, #tpu.memory_space<vmem>> -> memref<400xf32, #tpu.memory_space<vmem>>
          tpu.enqueue_dma source(%dma_start3A_61 : memref<400xf32, #tpu.memory_space<vmem>>) target(%dma_start3A_59 : memref<400xf32, #tpu.memory_space<hbm>>) target_semaphore(%run_scoped3A : memref<!tpu.dma_semaphore, #tpu.memory_space<semaphore_mem>>)
          %dma_wait3A = arith.constant 0 : i32
          %dma_wait3A_62 = tpu.memref_slice %arg7[%dma_wait3A] : memref<640xf32, #tpu.memory_space<vmem>> -> memref<400xf32, #tpu.memory_space<vmem>>
          %dma_wait3A_63 = arith.constant 9600 : i32
          %dma_wait3A_64 = tpu.memref_slice %arg3[%dma_wait3A_63] : memref<10000xf32, #tpu.memory_space<hbm>> -> memref<400xf32, #tpu.memory_space<hbm>>
          %dma_wait3A_65 = arith.constant 9600 : i32
          %dma_wait3A_66 = tpu.memref_slice %arg3[%dma_wait3A_65] : memref<10000xf32, #tpu.memory_space<hbm>> -> memref<400xf32, #tpu.memory_space<hbm>>
          %dma_wait3A_67 = arith.constant 0 : i32
          %dma_wait3A_68 = tpu.memref_slice %arg7[%dma_wait3A_67] : memref<640xf32, #tpu.memory_space<vmem>> -> memref<400xf32, #tpu.memory_space<vmem>>
          tpu.wait_dma2 semaphore(%run_scoped3A : memref<!tpu.dma_semaphore, #tpu.memory_space<semaphore_mem>>) src(%dma_wait3A_68 : memref<400xf32, #tpu.memory_space<vmem>>) dst(%dma_wait3A_66 : memref<400xf32, #tpu.memory_space<hbm>>)
          tpu.yield
        }) : () -> ()
      } else {
      }
    } else {
    }
    return
  }
}

#map = affine_map<(d0, d1) -> (0, 0)>
#map1 = affine_map<(d0, d1) -> (0)>
module attributes {stable_mosaic.version = 14 : i64} {
  func.func @seg_sum(%arg0: i32, %arg1: i32, %arg2: memref<10000x128xf32, #tpu.memory_space<hbm>>, %arg3: memref<10000x128xf32, #tpu.memory_space<hbm>>, %arg4: memref<160000xi32, #tpu.memory_space<hbm>>, %arg5: memref<160000xi32, #tpu.memory_space<hbm>>, %arg6: memref<10000x128xf32, #tpu.memory_space<hbm>>, %arg7: memref<10000x128xf32, #tpu.memory_space<hbm>>, %arg8: memref<10000x128xf32, #tpu.memory_space<hbm>>, %arg9: memref<80xi32, #tpu.memory_space<vmem>>, %arg10: memref<80xi32, #tpu.memory_space<vmem>>, %arg11: memref<80xi32, #tpu.memory_space<vmem>>, %arg12: memref<80x128xf32, #tpu.memory_space<vmem>>, %arg13: memref<80xi32, #tpu.memory_space<vmem>>, %arg14: memref<80xi32, #tpu.memory_space<vmem>>, %arg15: memref<80xi32, #tpu.memory_space<vmem>>, %arg16: memref<80x128xf32, #tpu.memory_space<vmem>>, %arg17: memref<10000x128xf32, #tpu.memory_space<vmem_shared>>, %arg18: memref<!tpu.dma_semaphore, #tpu.memory_space<semaphore_mem>>, %arg19: memref<!tpu.dma_semaphore, #tpu.memory_space<semaphore_mem>>, %arg20: memref<!tpu.dma_semaphore, #tpu.memory_space<semaphore_mem>>, %arg21: memref<!tpu.dma_semaphore, #tpu.memory_space<semaphore_mem>>) attributes {dimension_semantics = [#tpu.dimension_semantics<core_parallel>, #tpu.dimension_semantics<subcore_parallel>], iteration_bounds = array<i64: 2, 16>, scalar_prefetch = 0 : i64, scratch_operands = 13 : i64, tpu.core_type = #tpu.core_type<sc_vector_subcore>, window_params = [{transform_indices = #map}, {transform_indices = #map}, {transform_indices = #map1}, {transform_indices = #map1}, {transform_indices = #map}, {transform_indices = #map}, {transform_indices = #map}]} {
    %mul3A = arith.constant 10000 : i32
    %mul3A_0 = arith.muli %arg1, %mul3A : i32
    %mul3A_1 = arith.constant 632 : i32
    %mul3A_2 = arith.muli %arg1, %mul3A_1 : i32
    %multiple_of3A = tpu.assume_multiple %mul3A_2, 8 : i32
    %lt3A = arith.constant 15 : i32
    %lt3A_3 = arith.cmpi slt, %arg1, %lt3A : i32
    %convert_element_type3A = arith.extui %lt3A_3 : i1 to i32
    %cond3A = arith.constant 0 : i32
    %cond3A_4 = arith.cmpi ne, %convert_element_type3A, %cond3A : i32
    scf.if %cond3A_4 {
      "tpu.region"() ({
        %run_scoped3A = tpu.sem_alloc : memref<!tpu.dma_semaphore, #tpu.memory_space<semaphore_mem>>
        %dma_start3A_89 = arith.constant 0 : i32
        %dma_start3A_90 = tpu.memref_slice %arg17[%multiple_of3A, %dma_start3A_89] : memref<10000x128xf32, #tpu.memory_space<vmem_shared>> -> memref<632x128xf32, #tpu.memory_space<vmem_shared>>
        %dma_start3A_91 = arith.constant 0 : i32
        %dma_start3A_92 = tpu.memref_slice %arg6[%multiple_of3A, %dma_start3A_91] : memref<10000x128xf32, #tpu.memory_space<hbm>> -> memref<632x128xf32, #tpu.memory_space<hbm>>
        tpu.enqueue_dma source(%dma_start3A_92 : memref<632x128xf32, #tpu.memory_space<hbm>>) target(%dma_start3A_90 : memref<632x128xf32, #tpu.memory_space<vmem_shared>>) target_semaphore(%run_scoped3A : memref<!tpu.dma_semaphore, #tpu.memory_space<semaphore_mem>>)
        %dma_wait3A_93 = arith.constant 0 : i32
        %dma_wait3A_94 = tpu.memref_slice %arg17[%multiple_of3A, %dma_wait3A_93] : memref<10000x128xf32, #tpu.memory_space<vmem_shared>> -> memref<632x128xf32, #tpu.memory_space<vmem_shared>>
        %dma_wait3A_95 = arith.constant 0 : i32
        %dma_wait3A_96 = tpu.memref_slice %arg6[%multiple_of3A, %dma_wait3A_95] : memref<10000x128xf32, #tpu.memory_space<hbm>> -> memref<632x128xf32, #tpu.memory_space<hbm>>
        tpu.wait_dma2 semaphore(%run_scoped3A : memref<!tpu.dma_semaphore, #tpu.memory_space<semaphore_mem>>) src(%dma_wait3A_96 : memref<632x128xf32, #tpu.memory_space<hbm>>) dst(%dma_wait3A_94 : memref<632x128xf32, #tpu.memory_space<vmem_shared>>)
        tpu.yield
      }) : () -> ()
    } else {
    }
    %eq3A = arith.constant 15 : i32
    %eq3A_5 = arith.cmpi eq, %arg1, %eq3A : i32
    %convert_element_type3A_6 = arith.extui %eq3A_5 : i1 to i32
    %cond3A_7 = arith.constant 0 : i32
    %cond3A_8 = arith.cmpi ne, %convert_element_type3A_6, %cond3A_7 : i32
    scf.if %cond3A_8 {
      "tpu.region"() ({
        %run_scoped3A = tpu.sem_alloc : memref<!tpu.dma_semaphore, #tpu.memory_space<semaphore_mem>>
        %dma_start3A_89 = arith.constant 9480 : i32
        %dma_start3A_90 = arith.constant 0 : i32
        %dma_start3A_91 = tpu.memref_slice %arg17[%dma_start3A_89, %dma_start3A_90] : memref<10000x128xf32, #tpu.memory_space<vmem_shared>> -> memref<520x128xf32, #tpu.memory_space<vmem_shared>>
        %dma_start3A_92 = arith.constant 9480 : i32
        %dma_start3A_93 = arith.constant 0 : i32
        %dma_start3A_94 = tpu.memref_slice %arg6[%dma_start3A_92, %dma_start3A_93] : memref<10000x128xf32, #tpu.memory_space<hbm>> -> memref<520x128xf32, #tpu.memory_space<hbm>>
        tpu.enqueue_dma source(%dma_start3A_94 : memref<520x128xf32, #tpu.memory_space<hbm>>) target(%dma_start3A_91 : memref<520x128xf32, #tpu.memory_space<vmem_shared>>) target_semaphore(%run_scoped3A : memref<!tpu.dma_semaphore, #tpu.memory_space<semaphore_mem>>)
        %dma_wait3A_95 = arith.constant 9480 : i32
        %dma_wait3A_96 = arith.constant 0 : i32
        %dma_wait3A_97 = tpu.memref_slice %arg17[%dma_wait3A_95, %dma_wait3A_96] : memref<10000x128xf32, #tpu.memory_space<vmem_shared>> -> memref<520x128xf32, #tpu.memory_space<vmem_shared>>
        %dma_wait3A_98 = arith.constant 9480 : i32
        %dma_wait3A_99 = arith.constant 0 : i32
        %dma_wait3A_100 = tpu.memref_slice %arg6[%dma_wait3A_98, %dma_wait3A_99] : memref<10000x128xf32, #tpu.memory_space<hbm>> -> memref<520x128xf32, #tpu.memory_space<hbm>>
        tpu.wait_dma2 semaphore(%run_scoped3A : memref<!tpu.dma_semaphore, #tpu.memory_space<semaphore_mem>>) src(%dma_wait3A_100 : memref<520x128xf32, #tpu.memory_space<hbm>>) dst(%dma_wait3A_97 : memref<520x128xf32, #tpu.memory_space<vmem_shared>>)
        tpu.yield
      }) : () -> ()
    } else {
    }
    %barrier3A = arith.constant 0 : index
    tpu.barrier barrier_id(%barrier3A)
    %add3A = arith.constant 0 : i32
    %add3A_9 = arith.addi %mul3A_0, %add3A : i32
    %multiple_of3A_10 = tpu.assume_multiple %add3A_9, 8 : i32
    %dma_start3A = tpu.memref_slice %arg4[%multiple_of3A_10] : memref<160000xi32, #tpu.memory_space<hbm>> -> memref<80xi32, #tpu.memory_space<hbm>>
    %dma_start3A_11 = tpu.memref_slice %arg4[%multiple_of3A_10] : memref<160000xi32, #tpu.memory_space<hbm>> -> memref<80xi32, #tpu.memory_space<hbm>>
    tpu.enqueue_dma source(%dma_start3A_11 : memref<80xi32, #tpu.memory_space<hbm>>) target(%arg9 : memref<80xi32, #tpu.memory_space<vmem>>) target_semaphore(%arg20 : memref<!tpu.dma_semaphore, #tpu.memory_space<semaphore_mem>>)
    %dma_start3A_12 = tpu.memref_slice %arg5[%multiple_of3A_10] : memref<160000xi32, #tpu.memory_space<hbm>> -> memref<80xi32, #tpu.memory_space<hbm>>
    %dma_start3A_13 = tpu.memref_slice %arg5[%multiple_of3A_10] : memref<160000xi32, #tpu.memory_space<hbm>> -> memref<80xi32, #tpu.memory_space<hbm>>
    tpu.enqueue_dma source(%dma_start3A_13 : memref<80xi32, #tpu.memory_space<hbm>>) target(%arg10 : memref<80xi32, #tpu.memory_space<vmem>>) target_semaphore(%arg20 : memref<!tpu.dma_semaphore, #tpu.memory_space<semaphore_mem>>)
    %dma_wait3A = arith.constant 0 : i32
    %dma_wait3A_14 = tpu.memref_slice %arg4[%dma_wait3A] : memref<160000xi32, #tpu.memory_space<hbm>> -> memref<80xi32, #tpu.memory_space<hbm>>
    %dma_wait3A_15 = arith.constant 0 : i32
    %dma_wait3A_16 = tpu.memref_slice %arg4[%dma_wait3A_15] : memref<160000xi32, #tpu.memory_space<hbm>> -> memref<80xi32, #tpu.memory_space<hbm>>
    tpu.wait_dma2 semaphore(%arg20 : memref<!tpu.dma_semaphore, #tpu.memory_space<semaphore_mem>>) src(%dma_wait3A_16 : memref<80xi32, #tpu.memory_space<hbm>>) dst(%arg9 : memref<80xi32, #tpu.memory_space<vmem>>)
    %dma_wait3A_17 = arith.constant 0 : i32
    %dma_wait3A_18 = tpu.memref_slice %arg5[%dma_wait3A_17] : memref<160000xi32, #tpu.memory_space<hbm>> -> memref<80xi32, #tpu.memory_space<hbm>>
    %dma_wait3A_19 = arith.constant 0 : i32
    %dma_wait3A_20 = tpu.memref_slice %arg5[%dma_wait3A_19] : memref<160000xi32, #tpu.memory_space<hbm>> -> memref<80xi32, #tpu.memory_space<hbm>>
    tpu.wait_dma2 semaphore(%arg20 : memref<!tpu.dma_semaphore, #tpu.memory_space<semaphore_mem>>) src(%dma_wait3A_20 : memref<80xi32, #tpu.memory_space<hbm>>) dst(%arg10 : memref<80xi32, #tpu.memory_space<vmem>>)
    %eq3A_21 = arith.constant 0 : i32
    %eq3A_22 = arith.cmpi eq, %arg0, %eq3A_21 : i32
    %convert_element_type3A_23 = arith.extui %eq3A_22 : i1 to i32
    %cond3A_24 = arith.constant 0 : i32
    %cond3A_25 = arith.cmpi ne, %convert_element_type3A_23, %cond3A_24 : i32
    scf.if %cond3A_25 {
      %dma_start3A_89 = arith.constant 0 : i32
      %dma_start3A_90 = arith.constant 0 : i32
      %dma_start3A_91 = tpu.memref_slice %arg2[%dma_start3A_89, %dma_start3A_90] : memref<10000x128xf32, #tpu.memory_space<hbm>> -> memref<10000x128xf32, #tpu.memory_space<hbm>>
      tpu.enqueue_indirect_dma source(%dma_start3A_91 : memref<10000x128xf32, #tpu.memory_space<hbm>>) target(%arg12 : memref<80x128xf32, #tpu.memory_space<vmem>>) offsets(%arg9 : memref<80xi32, #tpu.memory_space<vmem>>) semaphore(%arg18 : memref<!tpu.dma_semaphore, #tpu.memory_space<semaphore_mem>>)
    } else {
    }
    %eq3A_26 = arith.constant 1 : i32
    %eq3A_27 = arith.cmpi eq, %arg0, %eq3A_26 : i32
    %convert_element_type3A_28 = arith.extui %eq3A_27 : i1 to i32
    %cond3A_29 = arith.constant 0 : i32
    %cond3A_30 = arith.cmpi ne, %convert_element_type3A_28, %cond3A_29 : i32
    scf.if %cond3A_30 {
      %dma_start3A_89 = arith.constant 0 : i32
      %dma_start3A_90 = arith.constant 0 : i32
      %dma_start3A_91 = tpu.memref_slice %arg3[%dma_start3A_89, %dma_start3A_90] : memref<10000x128xf32, #tpu.memory_space<hbm>> -> memref<10000x128xf32, #tpu.memory_space<hbm>>
      tpu.enqueue_indirect_dma source(%dma_start3A_91 : memref<10000x128xf32, #tpu.memory_space<hbm>>) target(%arg12 : memref<80x128xf32, #tpu.memory_space<vmem>>) offsets(%arg9 : memref<80xi32, #tpu.memory_space<vmem>>) semaphore(%arg18 : memref<!tpu.dma_semaphore, #tpu.memory_space<semaphore_mem>>)
    } else {
    }
    %add3A_31 = arith.constant 80 : i32
    %add3A_32 = arith.addi %mul3A_0, %add3A_31 : i32
    %multiple_of3A_33 = tpu.assume_multiple %add3A_32, 8 : i32
    %dma_start3A_34 = tpu.memref_slice %arg4[%multiple_of3A_33] : memref<160000xi32, #tpu.memory_space<hbm>> -> memref<80xi32, #tpu.memory_space<hbm>>
    %dma_start3A_35 = tpu.memref_slice %arg4[%multiple_of3A_33] : memref<160000xi32, #tpu.memory_space<hbm>> -> memref<80xi32, #tpu.memory_space<hbm>>
    tpu.enqueue_dma source(%dma_start3A_35 : memref<80xi32, #tpu.memory_space<hbm>>) target(%arg13 : memref<80xi32, #tpu.memory_space<vmem>>) target_semaphore(%arg21 : memref<!tpu.dma_semaphore, #tpu.memory_space<semaphore_mem>>)
    %dma_start3A_36 = tpu.memref_slice %arg5[%multiple_of3A_33] : memref<160000xi32, #tpu.memory_space<hbm>> -> memref<80xi32, #tpu.memory_space<hbm>>
    %dma_start3A_37 = tpu.memref_slice %arg5[%multiple_of3A_33] : memref<160000xi32, #tpu.memory_space<hbm>> -> memref<80xi32, #tpu.memory_space<hbm>>
    tpu.enqueue_dma source(%dma_start3A_37 : memref<80xi32, #tpu.memory_space<hbm>>) target(%arg14 : memref<80xi32, #tpu.memory_space<vmem>>) target_semaphore(%arg21 : memref<!tpu.dma_semaphore, #tpu.memory_space<semaphore_mem>>)
    %scan3A = arith.constant 0 : i32
    %scan3A_38 = arith.constant 62 : i32
    %scan3A_39 = arith.addi %scan3A, %scan3A_38 : i32
    %scan3A_40 = arith.constant 1 : i32
    scf.for %scan3A_89 = %scan3A to %scan3A_39 step %scan3A_40  : i32 {
      %mul3A_90 = arith.constant 1 : i32
      %mul3A_91 = arith.muli %scan3A_89, %mul3A_90 : i32
      %add3A_92 = arith.constant 0 : i32
      %add3A_93 = arith.addi %add3A_92, %mul3A_91 : i32
      %mul3A_94 = arith.constant 2 : i32
      %mul3A_95 = arith.muli %add3A_93, %mul3A_94 : i32
      %dma_wait3A_96 = arith.constant 0 : i32
      %dma_wait3A_97 = tpu.memref_slice %arg4[%dma_wait3A_96] : memref<160000xi32, #tpu.memory_space<hbm>> -> memref<80xi32, #tpu.memory_space<hbm>>
      %dma_wait3A_98 = arith.constant 0 : i32
      %dma_wait3A_99 = tpu.memref_slice %arg4[%dma_wait3A_98] : memref<160000xi32, #tpu.memory_space<hbm>> -> memref<80xi32, #tpu.memory_space<hbm>>
      tpu.wait_dma2 semaphore(%arg21 : memref<!tpu.dma_semaphore, #tpu.memory_space<semaphore_mem>>) src(%dma_wait3A_99 : memref<80xi32, #tpu.memory_space<hbm>>) dst(%arg13 : memref<80xi32, #tpu.memory_space<vmem>>)
      %dma_wait3A_100 = arith.constant 0 : i32
      %dma_wait3A_101 = tpu.memref_slice %arg5[%dma_wait3A_100] : memref<160000xi32, #tpu.memory_space<hbm>> -> memref<80xi32, #tpu.memory_space<hbm>>
      %dma_wait3A_102 = arith.constant 0 : i32
      %dma_wait3A_103 = tpu.memref_slice %arg5[%dma_wait3A_102] : memref<160000xi32, #tpu.memory_space<hbm>> -> memref<80xi32, #tpu.memory_space<hbm>>
      tpu.wait_dma2 semaphore(%arg21 : memref<!tpu.dma_semaphore, #tpu.memory_space<semaphore_mem>>) src(%dma_wait3A_103 : memref<80xi32, #tpu.memory_space<hbm>>) dst(%arg14 : memref<80xi32, #tpu.memory_space<vmem>>)
      %eq3A_104 = arith.constant 0 : i32
      %eq3A_105 = arith.cmpi eq, %arg0, %eq3A_104 : i32
      %convert_element_type3A_106 = arith.extui %eq3A_105 : i1 to i32
      %cond3A_107 = arith.constant 0 : i32
      %cond3A_108 = arith.cmpi ne, %convert_element_type3A_106, %cond3A_107 : i32
      scf.if %cond3A_108 {
        %dma_start3A_211 = arith.constant 0 : i32
        %dma_start3A_212 = arith.constant 0 : i32
        %dma_start3A_213 = tpu.memref_slice %arg2[%dma_start3A_211, %dma_start3A_212] : memref<10000x128xf32, #tpu.memory_space<hbm>> -> memref<10000x128xf32, #tpu.memory_space<hbm>>
        tpu.enqueue_indirect_dma source(%dma_start3A_213 : memref<10000x128xf32, #tpu.memory_space<hbm>>) target(%arg16 : memref<80x128xf32, #tpu.memory_space<vmem>>) offsets(%arg13 : memref<80xi32, #tpu.memory_space<vmem>>) semaphore(%arg19 : memref<!tpu.dma_semaphore, #tpu.memory_space<semaphore_mem>>)
      } else {
      }
      %eq3A_109 = arith.constant 1 : i32
      %eq3A_110 = arith.cmpi eq, %arg0, %eq3A_109 : i32
      %convert_element_type3A_111 = arith.extui %eq3A_110 : i1 to i32
      %cond3A_112 = arith.constant 0 : i32
      %cond3A_113 = arith.cmpi ne, %convert_element_type3A_111, %cond3A_112 : i32
      scf.if %cond3A_113 {
        %dma_start3A_211 = arith.constant 0 : i32
        %dma_start3A_212 = arith.constant 0 : i32
        %dma_start3A_213 = tpu.memref_slice %arg3[%dma_start3A_211, %dma_start3A_212] : memref<10000x128xf32, #tpu.memory_space<hbm>> -> memref<10000x128xf32, #tpu.memory_space<hbm>>
        tpu.enqueue_indirect_dma source(%dma_start3A_213 : memref<10000x128xf32, #tpu.memory_space<hbm>>) target(%arg16 : memref<80x128xf32, #tpu.memory_space<vmem>>) offsets(%arg13 : memref<80xi32, #tpu.memory_space<vmem>>) semaphore(%arg19 : memref<!tpu.dma_semaphore, #tpu.memory_space<semaphore_mem>>)
      } else {
      }
      %dma_wait3A_114 = arith.constant 0 : i32
      %dma_wait3A_115 = arith.constant 0 : i32
      %dma_wait3A_116 = tpu.memref_slice %arg2[%dma_wait3A_114, %dma_wait3A_115] : memref<10000x128xf32, #tpu.memory_space<hbm>> -> memref<10000x128xf32, #tpu.memory_space<hbm>>
      tpu.wait_indirect_dma semaphore(%arg18 : memref<!tpu.dma_semaphore, #tpu.memory_space<semaphore_mem>>) src(%dma_wait3A_116 : memref<10000x128xf32, #tpu.memory_space<hbm>>) dst(%arg12 : memref<80x128xf32, #tpu.memory_space<vmem>>)
      %get3A_117 = arith.constant 0 : index
      %get3A_118 = tpu.vector_load %arg10[%get3A_117] {strides = array<i32>} : memref<80xi32, #tpu.memory_space<vmem>>, vector<16xi32>,
      %get3A_119 = vector.shape_cast %get3A_118 : vector<16xi32> to vector<16xi32>
      %swap3A_120 = arith.constant 0 : index
      %swap3A_121 = tpu.vector_load %arg11[%swap3A_120] {strides = array<i32>} : memref<80xi32, #tpu.memory_space<vmem>>, vector<16xi32>,
      %swap3A_122 = vector.shape_cast %swap3A_121 : vector<16xi32> to vector<16xi32>
      %swap3A_123 = vector.shape_cast %get3A_119 : vector<16xi32> to vector<16xi32>
      tpu.vector_store %arg11[%swap3A_120], %swap3A_123 {strides = array<i32>} : memref<80xi32, #tpu.memory_space<vmem>>, vector<16xi32>,
      %get3A_124 = arith.constant 16 : index
      %get3A_125 = tpu.vector_load %arg10[%get3A_124] {strides = array<i32>} : memref<80xi32, #tpu.memory_space<vmem>>, vector<16xi32>,
      %get3A_126 = vector.shape_cast %get3A_125 : vector<16xi32> to vector<16xi32>
      %swap3A_127 = arith.constant 16 : index
      %swap3A_128 = tpu.vector_load %arg11[%swap3A_127] {strides = array<i32>} : memref<80xi32, #tpu.memory_space<vmem>>, vector<16xi32>,
      %swap3A_129 = vector.shape_cast %swap3A_128 : vector<16xi32> to vector<16xi32>
      %swap3A_130 = vector.shape_cast %get3A_126 : vector<16xi32> to vector<16xi32>
      tpu.vector_store %arg11[%swap3A_127], %swap3A_130 {strides = array<i32>} : memref<80xi32, #tpu.memory_space<vmem>>, vector<16xi32>,
      %get3A_131 = arith.constant 32 : index
      %get3A_132 = tpu.vector_load %arg10[%get3A_131] {strides = array<i32>} : memref<80xi32, #tpu.memory_space<vmem>>, vector<16xi32>,
      %get3A_133 = vector.shape_cast %get3A_132 : vector<16xi32> to vector<16xi32>
      %swap3A_134 = arith.constant 32 : index
      %swap3A_135 = tpu.vector_load %arg11[%swap3A_134] {strides = array<i32>} : memref<80xi32, #tpu.memory_space<vmem>>, vector<16xi32>,
      %swap3A_136 = vector.shape_cast %swap3A_135 : vector<16xi32> to vector<16xi32>
      %swap3A_137 = vector.shape_cast %get3A_133 : vector<16xi32> to vector<16xi32>
      tpu.vector_store %arg11[%swap3A_134], %swap3A_137 {strides = array<i32>} : memref<80xi32, #tpu.memory_space<vmem>>, vector<16xi32>,
      %get3A_138 = arith.constant 48 : index
      %get3A_139 = tpu.vector_load %arg10[%get3A_138] {strides = array<i32>} : memref<80xi32, #tpu.memory_space<vmem>>, vector<16xi32>,
      %get3A_140 = vector.shape_cast %get3A_139 : vector<16xi32> to vector<16xi32>
      %swap3A_141 = arith.constant 48 : index
      %swap3A_142 = tpu.vector_load %arg11[%swap3A_141] {strides = array<i32>} : memref<80xi32, #tpu.memory_space<vmem>>, vector<16xi32>,
      %swap3A_143 = vector.shape_cast %swap3A_142 : vector<16xi32> to vector<16xi32>
      %swap3A_144 = vector.shape_cast %get3A_140 : vector<16xi32> to vector<16xi32>
      tpu.vector_store %arg11[%swap3A_141], %swap3A_144 {strides = array<i32>} : memref<80xi32, #tpu.memory_space<vmem>>, vector<16xi32>,
      %get3A_145 = arith.constant 64 : index
      %get3A_146 = tpu.vector_load %arg10[%get3A_145] {strides = array<i32>} : memref<80xi32, #tpu.memory_space<vmem>>, vector<16xi32>,
      %get3A_147 = vector.shape_cast %get3A_146 : vector<16xi32> to vector<16xi32>
      %swap3A_148 = arith.constant 64 : index
      %swap3A_149 = tpu.vector_load %arg11[%swap3A_148] {strides = array<i32>} : memref<80xi32, #tpu.memory_space<vmem>>, vector<16xi32>,
      %swap3A_150 = vector.shape_cast %swap3A_149 : vector<16xi32> to vector<16xi32>
      %swap3A_151 = vector.shape_cast %get3A_147 : vector<16xi32> to vector<16xi32>
      tpu.vector_store %arg11[%swap3A_148], %swap3A_151 {strides = array<i32>} : memref<80xi32, #tpu.memory_space<vmem>>, vector<16xi32>,
      %add3A_152 = arith.constant 2 : i32
      %add3A_153 = arith.addi %mul3A_95, %add3A_152 : i32
      %lt3A_154 = arith.constant 125 : i32
      %lt3A_155 = arith.cmpi slt, %add3A_153, %lt3A_154 : i32
      %convert_element_type3A_156 = arith.extui %lt3A_155 : i1 to i32
      %cond3A_157 = arith.constant 0 : i32
      %cond3A_158 = arith.cmpi ne, %convert_element_type3A_156, %cond3A_157 : i32
      scf.if %cond3A_158 {
        %add3A_211 = arith.constant 2 : i32
        %add3A_212 = arith.addi %mul3A_95, %add3A_211 : i32
        %mul3A_213 = arith.constant 80 : i32
        %mul3A_214 = arith.muli %add3A_212, %mul3A_213 : i32
        %add3A_215 = arith.addi %mul3A_0, %mul3A_214 : i32
        %multiple_of3A_216 = tpu.assume_multiple %add3A_215, 8 : i32
        %dma_start3A_217 = tpu.memref_slice %arg4[%multiple_of3A_216] : memref<160000xi32, #tpu.memory_space<hbm>> -> memref<80xi32, #tpu.memory_space<hbm>>
        %dma_start3A_218 = tpu.memref_slice %arg4[%multiple_of3A_216] : memref<160000xi32, #tpu.memory_space<hbm>> -> memref<80xi32, #tpu.memory_space<hbm>>
        tpu.enqueue_dma source(%dma_start3A_218 : memref<80xi32, #tpu.memory_space<hbm>>) target(%arg9 : memref<80xi32, #tpu.memory_space<vmem>>) target_semaphore(%arg20 : memref<!tpu.dma_semaphore, #tpu.memory_space<semaphore_mem>>)
        %dma_start3A_219 = tpu.memref_slice %arg5[%multiple_of3A_216] : memref<160000xi32, #tpu.memory_space<hbm>> -> memref<80xi32, #tpu.memory_space<hbm>>
        %dma_start3A_220 = tpu.memref_slice %arg5[%multiple_of3A_216] : memref<160000xi32, #tpu.memory_space<hbm>> -> memref<80xi32, #tpu.memory_space<hbm>>
        tpu.enqueue_dma source(%dma_start3A_220 : memref<80xi32, #tpu.memory_space<hbm>>) target(%arg10 : memref<80xi32, #tpu.memory_space<vmem>>) target_semaphore(%arg20 : memref<!tpu.dma_semaphore, #tpu.memory_space<semaphore_mem>>)
      } else {
      }
      "tpu.region"() ({
        %run_scoped3A = tpu.sem_alloc : memref<!tpu.dma_semaphore, #tpu.memory_space<semaphore_mem>>
        %dma_start3A_211 = arith.constant 0 : i32
        %dma_start3A_212 = arith.constant 0 : i32
        %dma_start3A_213 = tpu.memref_slice %arg17[%dma_start3A_211, %dma_start3A_212] : memref<10000x128xf32, #tpu.memory_space<vmem_shared>> -> memref<10000x128xf32, #tpu.memory_space<vmem_shared>>
        tpu.enqueue_indirect_dma source(%arg12 : memref<80x128xf32, #tpu.memory_space<vmem>>) target(%dma_start3A_213 : memref<10000x128xf32, #tpu.memory_space<vmem_shared>>) offsets(%arg11 : memref<80xi32, #tpu.memory_space<vmem>>) semaphore(%run_scoped3A : memref<!tpu.dma_semaphore, #tpu.memory_space<semaphore_mem>>) {add = true}
        %dma_wait3A_214 = arith.constant 0 : i32
        %dma_wait3A_215 = arith.constant 0 : i32
        %dma_wait3A_216 = tpu.memref_slice %arg17[%dma_wait3A_214, %dma_wait3A_215] : memref<10000x128xf32, #tpu.memory_space<vmem_shared>> -> memref<10000x128xf32, #tpu.memory_space<vmem_shared>>
        tpu.wait_indirect_dma semaphore(%run_scoped3A : memref<!tpu.dma_semaphore, #tpu.memory_space<semaphore_mem>>) src(%arg12 : memref<80x128xf32, #tpu.memory_space<vmem>>) dst(%dma_wait3A_216 : memref<10000x128xf32, #tpu.memory_space<vmem_shared>>)
        tpu.yield
      }) : () -> ()
      %add3A_159 = arith.constant 2 : i32
      %add3A_160 = arith.addi %mul3A_95, %add3A_159 : i32
      %lt3A_161 = arith.constant 125 : i32
      %lt3A_162 = arith.cmpi slt, %add3A_160, %lt3A_161 : i32
      %convert_element_type3A_163 = arith.extui %lt3A_162 : i1 to i32
      %cond3A_164 = arith.constant 0 : i32
      %cond3A_165 = arith.cmpi ne, %convert_element_type3A_163, %cond3A_164 : i32
      scf.if %cond3A_165 {
        %dma_wait3A_211 = arith.constant 0 : i32
        %dma_wait3A_212 = tpu.memref_slice %arg4[%dma_wait3A_211] : memref<160000xi32, #tpu.memory_space<hbm>> -> memref<80xi32, #tpu.memory_space<hbm>>
        %dma_wait3A_213 = arith.constant 0 : i32
        %dma_wait3A_214 = tpu.memref_slice %arg4[%dma_wait3A_213] : memref<160000xi32, #tpu.memory_space<hbm>> -> memref<80xi32, #tpu.memory_space<hbm>>
        tpu.wait_dma2 semaphore(%arg20 : memref<!tpu.dma_semaphore, #tpu.memory_space<semaphore_mem>>) src(%dma_wait3A_214 : memref<80xi32, #tpu.memory_space<hbm>>) dst(%arg9 : memref<80xi32, #tpu.memory_space<vmem>>)
        %dma_wait3A_215 = arith.constant 0 : i32
        %dma_wait3A_216 = tpu.memref_slice %arg5[%dma_wait3A_215] : memref<160000xi32, #tpu.memory_space<hbm>> -> memref<80xi32, #tpu.memory_space<hbm>>
        %dma_wait3A_217 = arith.constant 0 : i32
        %dma_wait3A_218 = tpu.memref_slice %arg5[%dma_wait3A_217] : memref<160000xi32, #tpu.memory_space<hbm>> -> memref<80xi32, #tpu.memory_space<hbm>>
        tpu.wait_dma2 semaphore(%arg20 : memref<!tpu.dma_semaphore, #tpu.memory_space<semaphore_mem>>) src(%dma_wait3A_218 : memref<80xi32, #tpu.memory_space<hbm>>) dst(%arg10 : memref<80xi32, #tpu.memory_space<vmem>>)
        %eq3A_219 = arith.constant 0 : i32
        %eq3A_220 = arith.cmpi eq, %arg0, %eq3A_219 : i32
        %convert_element_type3A_221 = arith.extui %eq3A_220 : i1 to i32
        %cond3A_222 = arith.constant 0 : i32
        %cond3A_223 = arith.cmpi ne, %convert_element_type3A_221, %cond3A_222 : i32
        scf.if %cond3A_223 {
          %dma_start3A_229 = arith.constant 0 : i32
          %dma_start3A_230 = arith.constant 0 : i32
          %dma_start3A_231 = tpu.memref_slice %arg2[%dma_start3A_229, %dma_start3A_230] : memref<10000x128xf32, #tpu.memory_space<hbm>> -> memref<10000x128xf32, #tpu.memory_space<hbm>>
          tpu.enqueue_indirect_dma source(%dma_start3A_231 : memref<10000x128xf32, #tpu.memory_space<hbm>>) target(%arg12 : memref<80x128xf32, #tpu.memory_space<vmem>>) offsets(%arg9 : memref<80xi32, #tpu.memory_space<vmem>>) semaphore(%arg18 : memref<!tpu.dma_semaphore, #tpu.memory_space<semaphore_mem>>)
        } else {
        }
        %eq3A_224 = arith.constant 1 : i32
        %eq3A_225 = arith.cmpi eq, %arg0, %eq3A_224 : i32
        %convert_element_type3A_226 = arith.extui %eq3A_225 : i1 to i32
        %cond3A_227 = arith.constant 0 : i32
        %cond3A_228 = arith.cmpi ne, %convert_element_type3A_226, %cond3A_227 : i32
        scf.if %cond3A_228 {
          %dma_start3A_229 = arith.constant 0 : i32
          %dma_start3A_230 = arith.constant 0 : i32
          %dma_start3A_231 = tpu.memref_slice %arg3[%dma_start3A_229, %dma_start3A_230] : memref<10000x128xf32, #tpu.memory_space<hbm>> -> memref<10000x128xf32, #tpu.memory_space<hbm>>
          tpu.enqueue_indirect_dma source(%dma_start3A_231 : memref<10000x128xf32, #tpu.memory_space<hbm>>) target(%arg12 : memref<80x128xf32, #tpu.memory_space<vmem>>) offsets(%arg9 : memref<80xi32, #tpu.memory_space<vmem>>) semaphore(%arg18 : memref<!tpu.dma_semaphore, #tpu.memory_space<semaphore_mem>>)
        } else {
        }
      } else {
      }
      %dma_wait3A_166 = arith.constant 0 : i32
      %dma_wait3A_167 = arith.constant 0 : i32
      %dma_wait3A_168 = tpu.memref_slice %arg2[%dma_wait3A_166, %dma_wait3A_167] : memref<10000x128xf32, #tpu.memory_space<hbm>> -> memref<10000x128xf32, #tpu.memory_space<hbm>>
      tpu.wait_indirect_dma semaphore(%arg19 : memref<!tpu.dma_semaphore, #tpu.memory_space<semaphore_mem>>) src(%dma_wait3A_168 : memref<10000x128xf32, #tpu.memory_space<hbm>>) dst(%arg16 : memref<80x128xf32, #tpu.memory_space<vmem>>)
      %get3A_169 = arith.constant 0 : index
      %get3A_170 = tpu.vector_load %arg14[%get3A_169] {strides = array<i32>} : memref<80xi32, #tpu.memory_space<vmem>>, vector<16xi32>,
      %get3A_171 = vector.shape_cast %get3A_170 : vector<16xi32> to vector<16xi32>
      %swap3A_172 = arith.constant 0 : index
      %swap3A_173 = tpu.vector_load %arg15[%swap3A_172] {strides = array<i32>} : memref<80xi32, #tpu.memory_space<vmem>>, vector<16xi32>,
      %swap3A_174 = vector.shape_cast %swap3A_173 : vector<16xi32> to vector<16xi32>
      %swap3A_175 = vector.shape_cast %get3A_171 : vector<16xi32> to vector<16xi32>
      tpu.vector_store %arg15[%swap3A_172], %swap3A_175 {strides = array<i32>} : memref<80xi32, #tpu.memory_space<vmem>>, vector<16xi32>,
      %get3A_176 = arith.constant 16 : index
      %get3A_177 = tpu.vector_load %arg14[%get3A_176] {strides = array<i32>} : memref<80xi32, #tpu.memory_space<vmem>>, vector<16xi32>,
      %get3A_178 = vector.shape_cast %get3A_177 : vector<16xi32> to vector<16xi32>
      %swap3A_179 = arith.constant 16 : index
      %swap3A_180 = tpu.vector_load %arg15[%swap3A_179] {strides = array<i32>} : memref<80xi32, #tpu.memory_space<vmem>>, vector<16xi32>,
      %swap3A_181 = vector.shape_cast %swap3A_180 : vector<16xi32> to vector<16xi32>
      %swap3A_182 = vector.shape_cast %get3A_178 : vector<16xi32> to vector<16xi32>
      tpu.vector_store %arg15[%swap3A_179], %swap3A_182 {strides = array<i32>} : memref<80xi32, #tpu.memory_space<vmem>>, vector<16xi32>,
      %get3A_183 = arith.constant 32 : index
      %get3A_184 = tpu.vector_load %arg14[%get3A_183] {strides = array<i32>} : memref<80xi32, #tpu.memory_space<vmem>>, vector<16xi32>,
      %get3A_185 = vector.shape_cast %get3A_184 : vector<16xi32> to vector<16xi32>
      %swap3A_186 = arith.constant 32 : index
      %swap3A_187 = tpu.vector_load %arg15[%swap3A_186] {strides = array<i32>} : memref<80xi32, #tpu.memory_space<vmem>>, vector<16xi32>,
      %swap3A_188 = vector.shape_cast %swap3A_187 : vector<16xi32> to vector<16xi32>
      %swap3A_189 = vector.shape_cast %get3A_185 : vector<16xi32> to vector<16xi32>
      tpu.vector_store %arg15[%swap3A_186], %swap3A_189 {strides = array<i32>} : memref<80xi32, #tpu.memory_space<vmem>>, vector<16xi32>,
      %get3A_190 = arith.constant 48 : index
      %get3A_191 = tpu.vector_load %arg14[%get3A_190] {strides = array<i32>} : memref<80xi32, #tpu.memory_space<vmem>>, vector<16xi32>,
      %get3A_192 = vector.shape_cast %get3A_191 : vector<16xi32> to vector<16xi32>
      %swap3A_193 = arith.constant 48 : index
      %swap3A_194 = tpu.vector_load %arg15[%swap3A_193] {strides = array<i32>} : memref<80xi32, #tpu.memory_space<vmem>>, vector<16xi32>,
      %swap3A_195 = vector.shape_cast %swap3A_194 : vector<16xi32> to vector<16xi32>
      %swap3A_196 = vector.shape_cast %get3A_192 : vector<16xi32> to vector<16xi32>
      tpu.vector_store %arg15[%swap3A_193], %swap3A_196 {strides = array<i32>} : memref<80xi32, #tpu.memory_space<vmem>>, vector<16xi32>,
      %get3A_197 = arith.constant 64 : index
      %get3A_198 = tpu.vector_load %arg14[%get3A_197] {strides = array<i32>} : memref<80xi32, #tpu.memory_space<vmem>>, vector<16xi32>,
      %get3A_199 = vector.shape_cast %get3A_198 : vector<16xi32> to vector<16xi32>
      %swap3A_200 = arith.constant 64 : index
      %swap3A_201 = tpu.vector_load %arg15[%swap3A_200] {strides = array<i32>} : memref<80xi32, #tpu.memory_space<vmem>>, vector<16xi32>,
      %swap3A_202 = vector.shape_cast %swap3A_201 : vector<16xi32> to vector<16xi32>
      %swap3A_203 = vector.shape_cast %get3A_199 : vector<16xi32> to vector<16xi32>
      tpu.vector_store %arg15[%swap3A_200], %swap3A_203 {strides = array<i32>} : memref<80xi32, #tpu.memory_space<vmem>>, vector<16xi32>,
      %add3A_204 = arith.constant 3 : i32
      %add3A_205 = arith.addi %mul3A_95, %add3A_204 : i32
      %lt3A_206 = arith.constant 125 : i32
      %lt3A_207 = arith.cmpi slt, %add3A_205, %lt3A_206 : i32
      %convert_element_type3A_208 = arith.extui %lt3A_207 : i1 to i32
      %cond3A_209 = arith.constant 0 : i32
      %cond3A_210 = arith.cmpi ne, %convert_element_type3A_208, %cond3A_209 : i32
      scf.if %cond3A_210 {
        %add3A_211 = arith.constant 3 : i32
        %add3A_212 = arith.addi %mul3A_95, %add3A_211 : i32
        %mul3A_213 = arith.constant 80 : i32
        %mul3A_214 = arith.muli %add3A_212, %mul3A_213 : i32
        %add3A_215 = arith.addi %mul3A_0, %mul3A_214 : i32
        %multiple_of3A_216 = tpu.assume_multiple %add3A_215, 8 : i32
        %dma_start3A_217 = tpu.memref_slice %arg4[%multiple_of3A_216] : memref<160000xi32, #tpu.memory_space<hbm>> -> memref<80xi32, #tpu.memory_space<hbm>>
        %dma_start3A_218 = tpu.memref_slice %arg4[%multiple_of3A_216] : memref<160000xi32, #tpu.memory_space<hbm>> -> memref<80xi32, #tpu.memory_space<hbm>>
        tpu.enqueue_dma source(%dma_start3A_218 : memref<80xi32, #tpu.memory_space<hbm>>) target(%arg13 : memref<80xi32, #tpu.memory_space<vmem>>) target_semaphore(%arg21 : memref<!tpu.dma_semaphore, #tpu.memory_space<semaphore_mem>>)
        %dma_start3A_219 = tpu.memref_slice %arg5[%multiple_of3A_216] : memref<160000xi32, #tpu.memory_space<hbm>> -> memref<80xi32, #tpu.memory_space<hbm>>
        %dma_start3A_220 = tpu.memref_slice %arg5[%multiple_of3A_216] : memref<160000xi32, #tpu.memory_space<hbm>> -> memref<80xi32, #tpu.memory_space<hbm>>
        tpu.enqueue_dma source(%dma_start3A_220 : memref<80xi32, #tpu.memory_space<hbm>>) target(%arg14 : memref<80xi32, #tpu.memory_space<vmem>>) target_semaphore(%arg21 : memref<!tpu.dma_semaphore, #tpu.memory_space<semaphore_mem>>)
      } else {
      }
      "tpu.region"() ({
        %run_scoped3A = tpu.sem_alloc : memref<!tpu.dma_semaphore, #tpu.memory_space<semaphore_mem>>
        %dma_start3A_211 = arith.constant 0 : i32
        %dma_start3A_212 = arith.constant 0 : i32
        %dma_start3A_213 = tpu.memref_slice %arg17[%dma_start3A_211, %dma_start3A_212] : memref<10000x128xf32, #tpu.memory_space<vmem_shared>> -> memref<10000x128xf32, #tpu.memory_space<vmem_shared>>
        tpu.enqueue_indirect_dma source(%arg16 : memref<80x128xf32, #tpu.memory_space<vmem>>) target(%dma_start3A_213 : memref<10000x128xf32, #tpu.memory_space<vmem_shared>>) offsets(%arg15 : memref<80xi32, #tpu.memory_space<vmem>>) semaphore(%run_scoped3A : memref<!tpu.dma_semaphore, #tpu.memory_space<semaphore_mem>>) {add = true}
        %dma_wait3A_214 = arith.constant 0 : i32
        %dma_wait3A_215 = arith.constant 0 : i32
        %dma_wait3A_216 = tpu.memref_slice %arg17[%dma_wait3A_214, %dma_wait3A_215] : memref<10000x128xf32, #tpu.memory_space<vmem_shared>> -> memref<10000x128xf32, #tpu.memory_space<vmem_shared>>
        tpu.wait_indirect_dma semaphore(%run_scoped3A : memref<!tpu.dma_semaphore, #tpu.memory_space<semaphore_mem>>) src(%arg16 : memref<80x128xf32, #tpu.memory_space<vmem>>) dst(%dma_wait3A_216 : memref<10000x128xf32, #tpu.memory_space<vmem_shared>>)
        tpu.yield
      }) : () -> ()
    }
    %scan3A_41 = arith.constant 62 : i32
    %dma_wait3A_42 = arith.constant 0 : i32
    %dma_wait3A_43 = arith.constant 0 : i32
    %dma_wait3A_44 = tpu.memref_slice %arg2[%dma_wait3A_42, %dma_wait3A_43] : memref<10000x128xf32, #tpu.memory_space<hbm>> -> memref<10000x128xf32, #tpu.memory_space<hbm>>
    tpu.wait_indirect_dma semaphore(%arg18 : memref<!tpu.dma_semaphore, #tpu.memory_space<semaphore_mem>>) src(%dma_wait3A_44 : memref<10000x128xf32, #tpu.memory_space<hbm>>) dst(%arg12 : memref<80x128xf32, #tpu.memory_space<vmem>>)
    %get3A = arith.constant 0 : index
    %get3A_45 = tpu.vector_load %arg10[%get3A] {strides = array<i32>} : memref<80xi32, #tpu.memory_space<vmem>>, vector<16xi32>,
    %get3A_46 = vector.shape_cast %get3A_45 : vector<16xi32> to vector<16xi32>
    %swap3A = arith.constant 0 : index
    %swap3A_47 = tpu.vector_load %arg11[%swap3A] {strides = array<i32>} : memref<80xi32, #tpu.memory_space<vmem>>, vector<16xi32>,
    %swap3A_48 = vector.shape_cast %swap3A_47 : vector<16xi32> to vector<16xi32>
    %swap3A_49 = vector.shape_cast %get3A_46 : vector<16xi32> to vector<16xi32>
    tpu.vector_store %arg11[%swap3A], %swap3A_49 {strides = array<i32>} : memref<80xi32, #tpu.memory_space<vmem>>, vector<16xi32>,
    %get3A_50 = arith.constant 16 : index
    %get3A_51 = tpu.vector_load %arg10[%get3A_50] {strides = array<i32>} : memref<80xi32, #tpu.memory_space<vmem>>, vector<16xi32>,
    %get3A_52 = vector.shape_cast %get3A_51 : vector<16xi32> to vector<16xi32>
    %swap3A_53 = arith.constant 16 : index
    %swap3A_54 = tpu.vector_load %arg11[%swap3A_53] {strides = array<i32>} : memref<80xi32, #tpu.memory_space<vmem>>, vector<16xi32>,
    %swap3A_55 = vector.shape_cast %swap3A_54 : vector<16xi32> to vector<16xi32>
    %swap3A_56 = vector.shape_cast %get3A_52 : vector<16xi32> to vector<16xi32>
    tpu.vector_store %arg11[%swap3A_53], %swap3A_56 {strides = array<i32>} : memref<80xi32, #tpu.memory_space<vmem>>, vector<16xi32>,
    %get3A_57 = arith.constant 32 : index
    %get3A_58 = tpu.vector_load %arg10[%get3A_57] {strides = array<i32>} : memref<80xi32, #tpu.memory_space<vmem>>, vector<16xi32>,
    %get3A_59 = vector.shape_cast %get3A_58 : vector<16xi32> to vector<16xi32>
    %swap3A_60 = arith.constant 32 : index
    %swap3A_61 = tpu.vector_load %arg11[%swap3A_60] {strides = array<i32>} : memref<80xi32, #tpu.memory_space<vmem>>, vector<16xi32>,
    %swap3A_62 = vector.shape_cast %swap3A_61 : vector<16xi32> to vector<16xi32>
    %swap3A_63 = vector.shape_cast %get3A_59 : vector<16xi32> to vector<16xi32>
    tpu.vector_store %arg11[%swap3A_60], %swap3A_63 {strides = array<i32>} : memref<80xi32, #tpu.memory_space<vmem>>, vector<16xi32>,
    %get3A_64 = arith.constant 48 : index
    %get3A_65 = tpu.vector_load %arg10[%get3A_64] {strides = array<i32>} : memref<80xi32, #tpu.memory_space<vmem>>, vector<16xi32>,
    %get3A_66 = vector.shape_cast %get3A_65 : vector<16xi32> to vector<16xi32>
    %swap3A_67 = arith.constant 48 : index
    %swap3A_68 = tpu.vector_load %arg11[%swap3A_67] {strides = array<i32>} : memref<80xi32, #tpu.memory_space<vmem>>, vector<16xi32>,
    %swap3A_69 = vector.shape_cast %swap3A_68 : vector<16xi32> to vector<16xi32>
    %swap3A_70 = vector.shape_cast %get3A_66 : vector<16xi32> to vector<16xi32>
    tpu.vector_store %arg11[%swap3A_67], %swap3A_70 {strides = array<i32>} : memref<80xi32, #tpu.memory_space<vmem>>, vector<16xi32>,
    %get3A_71 = arith.constant 64 : index
    %get3A_72 = tpu.vector_load %arg10[%get3A_71] {strides = array<i32>} : memref<80xi32, #tpu.memory_space<vmem>>, vector<16xi32>,
    %get3A_73 = vector.shape_cast %get3A_72 : vector<16xi32> to vector<16xi32>
    %swap3A_74 = arith.constant 64 : index
    %swap3A_75 = tpu.vector_load %arg11[%swap3A_74] {strides = array<i32>} : memref<80xi32, #tpu.memory_space<vmem>>, vector<16xi32>,
    %swap3A_76 = vector.shape_cast %swap3A_75 : vector<16xi32> to vector<16xi32>
    %swap3A_77 = vector.shape_cast %get3A_73 : vector<16xi32> to vector<16xi32>
    tpu.vector_store %arg11[%swap3A_74], %swap3A_77 {strides = array<i32>} : memref<80xi32, #tpu.memory_space<vmem>>, vector<16xi32>,
    "tpu.region"() ({
      %run_scoped3A = tpu.sem_alloc : memref<!tpu.dma_semaphore, #tpu.memory_space<semaphore_mem>>
      %dma_start3A_89 = arith.constant 0 : i32
      %dma_start3A_90 = arith.constant 0 : i32
      %dma_start3A_91 = tpu.memref_slice %arg17[%dma_start3A_89, %dma_start3A_90] : memref<10000x128xf32, #tpu.memory_space<vmem_shared>> -> memref<10000x128xf32, #tpu.memory_space<vmem_shared>>
      tpu.enqueue_indirect_dma source(%arg12 : memref<80x128xf32, #tpu.memory_space<vmem>>) target(%dma_start3A_91 : memref<10000x128xf32, #tpu.memory_space<vmem_shared>>) offsets(%arg11 : memref<80xi32, #tpu.memory_space<vmem>>) semaphore(%run_scoped3A : memref<!tpu.dma_semaphore, #tpu.memory_space<semaphore_mem>>) {add = true}
      %dma_wait3A_92 = arith.constant 0 : i32
      %dma_wait3A_93 = arith.constant 0 : i32
      %dma_wait3A_94 = tpu.memref_slice %arg17[%dma_wait3A_92, %dma_wait3A_93] : memref<10000x128xf32, #tpu.memory_space<vmem_shared>> -> memref<10000x128xf32, #tpu.memory_space<vmem_shared>>
      tpu.wait_indirect_dma semaphore(%run_scoped3A : memref<!tpu.dma_semaphore, #tpu.memory_space<semaphore_mem>>) src(%arg12 : memref<80x128xf32, #tpu.memory_space<vmem>>) dst(%dma_wait3A_94 : memref<10000x128xf32, #tpu.memory_space<vmem_shared>>)
      tpu.yield
    }) : () -> ()
    %barrier3A_78 = arith.constant 0 : index
    tpu.barrier barrier_id(%barrier3A_78)
    %eq3A_79 = arith.constant 0 : i32
    %eq3A_80 = arith.cmpi eq, %arg0, %eq3A_79 : i32
    %convert_element_type3A_81 = arith.extui %eq3A_80 : i1 to i32
    %cond3A_82 = arith.constant 0 : i32
    %cond3A_83 = arith.cmpi ne, %convert_element_type3A_81, %cond3A_82 : i32
    scf.if %cond3A_83 {
      %mul3A_89 = arith.constant 632 : i32
      %mul3A_90 = arith.muli %arg1, %mul3A_89 : i32
      %multiple_of3A_91 = tpu.assume_multiple %mul3A_90, 8 : i32
      %lt3A_92 = arith.constant 15 : i32
      %lt3A_93 = arith.cmpi slt, %arg1, %lt3A_92 : i32
      %convert_element_type3A_94 = arith.extui %lt3A_93 : i1 to i32
      %cond3A_95 = arith.constant 0 : i32
      %cond3A_96 = arith.cmpi ne, %convert_element_type3A_94, %cond3A_95 : i32
      scf.if %cond3A_96 {
        "tpu.region"() ({
          %run_scoped3A = tpu.sem_alloc : memref<!tpu.dma_semaphore, #tpu.memory_space<semaphore_mem>>
          %dma_start3A_102 = arith.constant 0 : i32
          %dma_start3A_103 = tpu.memref_slice %arg7[%multiple_of3A_91, %dma_start3A_102] : memref<10000x128xf32, #tpu.memory_space<hbm>> -> memref<632x128xf32, #tpu.memory_space<hbm>>
          %dma_start3A_104 = arith.constant 0 : i32
          %dma_start3A_105 = tpu.memref_slice %arg17[%multiple_of3A_91, %dma_start3A_104] : memref<10000x128xf32, #tpu.memory_space<vmem_shared>> -> memref<632x128xf32, #tpu.memory_space<vmem_shared>>
          tpu.enqueue_dma source(%dma_start3A_105 : memref<632x128xf32, #tpu.memory_space<vmem_shared>>) target(%dma_start3A_103 : memref<632x128xf32, #tpu.memory_space<hbm>>) target_semaphore(%run_scoped3A : memref<!tpu.dma_semaphore, #tpu.memory_space<semaphore_mem>>)
          %dma_wait3A_106 = arith.constant 0 : i32
          %dma_wait3A_107 = tpu.memref_slice %arg7[%multiple_of3A_91, %dma_wait3A_106] : memref<10000x128xf32, #tpu.memory_space<hbm>> -> memref<632x128xf32, #tpu.memory_space<hbm>>
          %dma_wait3A_108 = arith.constant 0 : i32
          %dma_wait3A_109 = tpu.memref_slice %arg17[%multiple_of3A_91, %dma_wait3A_108] : memref<10000x128xf32, #tpu.memory_space<vmem_shared>> -> memref<632x128xf32, #tpu.memory_space<vmem_shared>>
          tpu.wait_dma2 semaphore(%run_scoped3A : memref<!tpu.dma_semaphore, #tpu.memory_space<semaphore_mem>>) src(%dma_wait3A_109 : memref<632x128xf32, #tpu.memory_space<vmem_shared>>) dst(%dma_wait3A_107 : memref<632x128xf32, #tpu.memory_space<hbm>>)
          tpu.yield
        }) : () -> ()
      } else {
      }
      %eq3A_97 = arith.constant 15 : i32
      %eq3A_98 = arith.cmpi eq, %arg1, %eq3A_97 : i32
      %convert_element_type3A_99 = arith.extui %eq3A_98 : i1 to i32
      %cond3A_100 = arith.constant 0 : i32
      %cond3A_101 = arith.cmpi ne, %convert_element_type3A_99, %cond3A_100 : i32
      scf.if %cond3A_101 {
        "tpu.region"() ({
          %run_scoped3A = tpu.sem_alloc : memref<!tpu.dma_semaphore, #tpu.memory_space<semaphore_mem>>
          %dma_start3A_102 = arith.constant 9480 : i32
          %dma_start3A_103 = arith.constant 0 : i32
          %dma_start3A_104 = tpu.memref_slice %arg7[%dma_start3A_102, %dma_start3A_103] : memref<10000x128xf32, #tpu.memory_space<hbm>> -> memref<520x128xf32, #tpu.memory_space<hbm>>
          %dma_start3A_105 = arith.constant 9480 : i32
          %dma_start3A_106 = arith.constant 0 : i32
          %dma_start3A_107 = tpu.memref_slice %arg17[%dma_start3A_105, %dma_start3A_106] : memref<10000x128xf32, #tpu.memory_space<vmem_shared>> -> memref<520x128xf32, #tpu.memory_space<vmem_shared>>
          tpu.enqueue_dma source(%dma_start3A_107 : memref<520x128xf32, #tpu.memory_space<vmem_shared>>) target(%dma_start3A_104 : memref<520x128xf32, #tpu.memory_space<hbm>>) target_semaphore(%run_scoped3A : memref<!tpu.dma_semaphore, #tpu.memory_space<semaphore_mem>>)
          %dma_wait3A_108 = arith.constant 9480 : i32
          %dma_wait3A_109 = arith.constant 0 : i32
          %dma_wait3A_110 = tpu.memref_slice %arg7[%dma_wait3A_108, %dma_wait3A_109] : memref<10000x128xf32, #tpu.memory_space<hbm>> -> memref<520x128xf32, #tpu.memory_space<hbm>>
          %dma_wait3A_111 = arith.constant 9480 : i32
          %dma_wait3A_112 = arith.constant 0 : i32
          %dma_wait3A_113 = tpu.memref_slice %arg17[%dma_wait3A_111, %dma_wait3A_112] : memref<10000x128xf32, #tpu.memory_space<vmem_shared>> -> memref<520x128xf32, #tpu.memory_space<vmem_shared>>
          tpu.wait_dma2 semaphore(%run_scoped3A : memref<!tpu.dma_semaphore, #tpu.memory_space<semaphore_mem>>) src(%dma_wait3A_113 : memref<520x128xf32, #tpu.memory_space<vmem_shared>>) dst(%dma_wait3A_110 : memref<520x128xf32, #tpu.memory_space<hbm>>)
          tpu.yield
        }) : () -> ()
      } else {
      }
    } else {
    }
    %eq3A_84 = arith.constant 1 : i32
    %eq3A_85 = arith.cmpi eq, %arg0, %eq3A_84 : i32
    %convert_element_type3A_86 = arith.extui %eq3A_85 : i1 to i32
    %cond3A_87 = arith.constant 0 : i32
    %cond3A_88 = arith.cmpi ne, %convert_element_type3A_86, %cond3A_87 : i32
    scf.if %cond3A_88 {
      %mul3A_89 = arith.constant 632 : i32
      %mul3A_90 = arith.muli %arg1, %mul3A_89 : i32
      %multiple_of3A_91 = tpu.assume_multiple %mul3A_90, 8 : i32
      %lt3A_92 = arith.constant 15 : i32
      %lt3A_93 = arith.cmpi slt, %arg1, %lt3A_92 : i32
      %convert_element_type3A_94 = arith.extui %lt3A_93 : i1 to i32
      %cond3A_95 = arith.constant 0 : i32
      %cond3A_96 = arith.cmpi ne, %convert_element_type3A_94, %cond3A_95 : i32
      scf.if %cond3A_96 {
        "tpu.region"() ({
          %run_scoped3A = tpu.sem_alloc : memref<!tpu.dma_semaphore, #tpu.memory_space<semaphore_mem>>
          %dma_start3A_102 = arith.constant 0 : i32
          %dma_start3A_103 = tpu.memref_slice %arg8[%multiple_of3A_91, %dma_start3A_102] : memref<10000x128xf32, #tpu.memory_space<hbm>> -> memref<632x128xf32, #tpu.memory_space<hbm>>
          %dma_start3A_104 = arith.constant 0 : i32
          %dma_start3A_105 = tpu.memref_slice %arg17[%multiple_of3A_91, %dma_start3A_104] : memref<10000x128xf32, #tpu.memory_space<vmem_shared>> -> memref<632x128xf32, #tpu.memory_space<vmem_shared>>
          tpu.enqueue_dma source(%dma_start3A_105 : memref<632x128xf32, #tpu.memory_space<vmem_shared>>) target(%dma_start3A_103 : memref<632x128xf32, #tpu.memory_space<hbm>>) target_semaphore(%run_scoped3A : memref<!tpu.dma_semaphore, #tpu.memory_space<semaphore_mem>>)
          %dma_wait3A_106 = arith.constant 0 : i32
          %dma_wait3A_107 = tpu.memref_slice %arg8[%multiple_of3A_91, %dma_wait3A_106] : memref<10000x128xf32, #tpu.memory_space<hbm>> -> memref<632x128xf32, #tpu.memory_space<hbm>>
          %dma_wait3A_108 = arith.constant 0 : i32
          %dma_wait3A_109 = tpu.memref_slice %arg17[%multiple_of3A_91, %dma_wait3A_108] : memref<10000x128xf32, #tpu.memory_space<vmem_shared>> -> memref<632x128xf32, #tpu.memory_space<vmem_shared>>
          tpu.wait_dma2 semaphore(%run_scoped3A : memref<!tpu.dma_semaphore, #tpu.memory_space<semaphore_mem>>) src(%dma_wait3A_109 : memref<632x128xf32, #tpu.memory_space<vmem_shared>>) dst(%dma_wait3A_107 : memref<632x128xf32, #tpu.memory_space<hbm>>)
          tpu.yield
        }) : () -> ()
      } else {
      }
      %eq3A_97 = arith.constant 15 : i32
      %eq3A_98 = arith.cmpi eq, %arg1, %eq3A_97 : i32
      %convert_element_type3A_99 = arith.extui %eq3A_98 : i1 to i32
      %cond3A_100 = arith.constant 0 : i32
      %cond3A_101 = arith.cmpi ne, %convert_element_type3A_99, %cond3A_100 : i32
      scf.if %cond3A_101 {
        "tpu.region"() ({
          %run_scoped3A = tpu.sem_alloc : memref<!tpu.dma_semaphore, #tpu.memory_space<semaphore_mem>>
          %dma_start3A_102 = arith.constant 9480 : i32
          %dma_start3A_103 = arith.constant 0 : i32
          %dma_start3A_104 = tpu.memref_slice %arg8[%dma_start3A_102, %dma_start3A_103] : memref<10000x128xf32, #tpu.memory_space<hbm>> -> memref<520x128xf32, #tpu.memory_space<hbm>>
          %dma_start3A_105 = arith.constant 9480 : i32
          %dma_start3A_106 = arith.constant 0 : i32
          %dma_start3A_107 = tpu.memref_slice %arg17[%dma_start3A_105, %dma_start3A_106] : memref<10000x128xf32, #tpu.memory_space<vmem_shared>> -> memref<520x128xf32, #tpu.memory_space<vmem_shared>>
          tpu.enqueue_dma source(%dma_start3A_107 : memref<520x128xf32, #tpu.memory_space<vmem_shared>>) target(%dma_start3A_104 : memref<520x128xf32, #tpu.memory_space<hbm>>) target_semaphore(%run_scoped3A : memref<!tpu.dma_semaphore, #tpu.memory_space<semaphore_mem>>)
          %dma_wait3A_108 = arith.constant 9480 : i32
          %dma_wait3A_109 = arith.constant 0 : i32
          %dma_wait3A_110 = tpu.memref_slice %arg8[%dma_wait3A_108, %dma_wait3A_109] : memref<10000x128xf32, #tpu.memory_space<hbm>> -> memref<520x128xf32, #tpu.memory_space<hbm>>
          %dma_wait3A_111 = arith.constant 9480 : i32
          %dma_wait3A_112 = arith.constant 0 : i32
          %dma_wait3A_113 = tpu.memref_slice %arg17[%dma_wait3A_111, %dma_wait3A_112] : memref<10000x128xf32, #tpu.memory_space<vmem_shared>> -> memref<520x128xf32, #tpu.memory_space<vmem_shared>>
          tpu.wait_dma2 semaphore(%run_scoped3A : memref<!tpu.dma_semaphore, #tpu.memory_space<semaphore_mem>>) src(%dma_wait3A_113 : memref<520x128xf32, #tpu.memory_space<vmem_shared>>) dst(%dma_wait3A_110 : memref<520x128xf32, #tpu.memory_space<hbm>>)
          tpu.yield
        }) : () -> ()
      } else {
      }
    } else {
    }
    return
  }
}

#map = affine_map<(d0, d1) -> (0, 0)>
#map1 = affine_map<(d0, d1) -> (0)>
module attributes {stable_mosaic.version = 14 : i64} {
  func.func @seg_sum(%arg0: i32, %arg1: i32, %arg2: memref<10000x128xf32, #tpu.memory_space<hbm>>, %arg3: memref<10000x128xf32, #tpu.memory_space<hbm>>, %arg4: memref<160000xi32, #tpu.memory_space<hbm>>, %arg5: memref<160000xi32, #tpu.memory_space<hbm>>, %arg6: memref<10000x128xf32, #tpu.memory_space<hbm>>, %arg7: memref<10000x128xf32, #tpu.memory_space<hbm>>, %arg8: memref<10000x128xf32, #tpu.memory_space<hbm>>, %arg9: memref<80xi32, #tpu.memory_space<vmem>>, %arg10: memref<80xi32, #tpu.memory_space<vmem>>, %arg11: memref<80xi32, #tpu.memory_space<vmem>>, %arg12: memref<80x128xf32, #tpu.memory_space<vmem>>, %arg13: memref<80xi32, #tpu.memory_space<vmem>>, %arg14: memref<80xi32, #tpu.memory_space<vmem>>, %arg15: memref<80xi32, #tpu.memory_space<vmem>>, %arg16: memref<80x128xf32, #tpu.memory_space<vmem>>, %arg17: memref<10000x128xf32, #tpu.memory_space<vmem_shared>>, %arg18: memref<!tpu.dma_semaphore, #tpu.memory_space<semaphore_mem>>, %arg19: memref<!tpu.dma_semaphore, #tpu.memory_space<semaphore_mem>>, %arg20: memref<!tpu.dma_semaphore, #tpu.memory_space<semaphore_mem>>, %arg21: memref<!tpu.dma_semaphore, #tpu.memory_space<semaphore_mem>>) attributes {dimension_semantics = [#tpu.dimension_semantics<core_parallel>, #tpu.dimension_semantics<subcore_parallel>], iteration_bounds = array<i64: 2, 16>, scalar_prefetch = 0 : i64, scratch_operands = 13 : i64, tpu.core_type = #tpu.core_type<sc_vector_subcore>, window_params = [{transform_indices = #map}, {transform_indices = #map}, {transform_indices = #map1}, {transform_indices = #map1}, {transform_indices = #map}, {transform_indices = #map}, {transform_indices = #map}]} {
    %mul3A = arith.constant 10000 : i32
    %mul3A_0 = arith.muli %arg1, %mul3A : i32
    %mul3A_1 = arith.constant 632 : i32
    %mul3A_2 = arith.muli %arg1, %mul3A_1 : i32
    %multiple_of3A = tpu.assume_multiple %mul3A_2, 8 : i32
    %lt3A = arith.constant 15 : i32
    %lt3A_3 = arith.cmpi slt, %arg1, %lt3A : i32
    %convert_element_type3A = arith.extui %lt3A_3 : i1 to i32
    %cond3A = arith.constant 0 : i32
    %cond3A_4 = arith.cmpi ne, %convert_element_type3A, %cond3A : i32
    scf.if %cond3A_4 {
      "tpu.region"() ({
        %run_scoped3A = tpu.sem_alloc : memref<!tpu.dma_semaphore, #tpu.memory_space<semaphore_mem>>
        %dma_start3A_89 = arith.constant 0 : i32
        %dma_start3A_90 = tpu.memref_slice %arg17[%multiple_of3A, %dma_start3A_89] : memref<10000x128xf32, #tpu.memory_space<vmem_shared>> -> memref<632x128xf32, #tpu.memory_space<vmem_shared>>
        %dma_start3A_91 = arith.constant 0 : i32
        %dma_start3A_92 = tpu.memref_slice %arg6[%multiple_of3A, %dma_start3A_91] : memref<10000x128xf32, #tpu.memory_space<hbm>> -> memref<632x128xf32, #tpu.memory_space<hbm>>
        tpu.enqueue_dma source(%dma_start3A_92 : memref<632x128xf32, #tpu.memory_space<hbm>>) target(%dma_start3A_90 : memref<632x128xf32, #tpu.memory_space<vmem_shared>>) target_semaphore(%run_scoped3A : memref<!tpu.dma_semaphore, #tpu.memory_space<semaphore_mem>>)
        %dma_wait3A_93 = arith.constant 0 : i32
        %dma_wait3A_94 = tpu.memref_slice %arg17[%multiple_of3A, %dma_wait3A_93] : memref<10000x128xf32, #tpu.memory_space<vmem_shared>> -> memref<632x128xf32, #tpu.memory_space<vmem_shared>>
        %dma_wait3A_95 = arith.constant 0 : i32
        %dma_wait3A_96 = tpu.memref_slice %arg6[%multiple_of3A, %dma_wait3A_95] : memref<10000x128xf32, #tpu.memory_space<hbm>> -> memref<632x128xf32, #tpu.memory_space<hbm>>
        tpu.wait_dma2 semaphore(%run_scoped3A : memref<!tpu.dma_semaphore, #tpu.memory_space<semaphore_mem>>) src(%dma_wait3A_96 : memref<632x128xf32, #tpu.memory_space<hbm>>) dst(%dma_wait3A_94 : memref<632x128xf32, #tpu.memory_space<vmem_shared>>)
        tpu.yield
      }) : () -> ()
    } else {
    }
    %eq3A = arith.constant 15 : i32
    %eq3A_5 = arith.cmpi eq, %arg1, %eq3A : i32
    %convert_element_type3A_6 = arith.extui %eq3A_5 : i1 to i32
    %cond3A_7 = arith.constant 0 : i32
    %cond3A_8 = arith.cmpi ne, %convert_element_type3A_6, %cond3A_7 : i32
    scf.if %cond3A_8 {
      "tpu.region"() ({
        %run_scoped3A = tpu.sem_alloc : memref<!tpu.dma_semaphore, #tpu.memory_space<semaphore_mem>>
        %dma_start3A_89 = arith.constant 9480 : i32
        %dma_start3A_90 = arith.constant 0 : i32
        %dma_start3A_91 = tpu.memref_slice %arg17[%dma_start3A_89, %dma_start3A_90] : memref<10000x128xf32, #tpu.memory_space<vmem_shared>> -> memref<520x128xf32, #tpu.memory_space<vmem_shared>>
        %dma_start3A_92 = arith.constant 9480 : i32
        %dma_start3A_93 = arith.constant 0 : i32
        %dma_start3A_94 = tpu.memref_slice %arg6[%dma_start3A_92, %dma_start3A_93] : memref<10000x128xf32, #tpu.memory_space<hbm>> -> memref<520x128xf32, #tpu.memory_space<hbm>>
        tpu.enqueue_dma source(%dma_start3A_94 : memref<520x128xf32, #tpu.memory_space<hbm>>) target(%dma_start3A_91 : memref<520x128xf32, #tpu.memory_space<vmem_shared>>) target_semaphore(%run_scoped3A : memref<!tpu.dma_semaphore, #tpu.memory_space<semaphore_mem>>)
        %dma_wait3A_95 = arith.constant 9480 : i32
        %dma_wait3A_96 = arith.constant 0 : i32
        %dma_wait3A_97 = tpu.memref_slice %arg17[%dma_wait3A_95, %dma_wait3A_96] : memref<10000x128xf32, #tpu.memory_space<vmem_shared>> -> memref<520x128xf32, #tpu.memory_space<vmem_shared>>
        %dma_wait3A_98 = arith.constant 9480 : i32
        %dma_wait3A_99 = arith.constant 0 : i32
        %dma_wait3A_100 = tpu.memref_slice %arg6[%dma_wait3A_98, %dma_wait3A_99] : memref<10000x128xf32, #tpu.memory_space<hbm>> -> memref<520x128xf32, #tpu.memory_space<hbm>>
        tpu.wait_dma2 semaphore(%run_scoped3A : memref<!tpu.dma_semaphore, #tpu.memory_space<semaphore_mem>>) src(%dma_wait3A_100 : memref<520x128xf32, #tpu.memory_space<hbm>>) dst(%dma_wait3A_97 : memref<520x128xf32, #tpu.memory_space<vmem_shared>>)
        tpu.yield
      }) : () -> ()
    } else {
    }
    %barrier3A = arith.constant 0 : index
    tpu.barrier barrier_id(%barrier3A)
    %add3A = arith.constant 0 : i32
    %add3A_9 = arith.addi %mul3A_0, %add3A : i32
    %multiple_of3A_10 = tpu.assume_multiple %add3A_9, 8 : i32
    %dma_start3A = tpu.memref_slice %arg4[%multiple_of3A_10] : memref<160000xi32, #tpu.memory_space<hbm>> -> memref<80xi32, #tpu.memory_space<hbm>>
    %dma_start3A_11 = tpu.memref_slice %arg4[%multiple_of3A_10] : memref<160000xi32, #tpu.memory_space<hbm>> -> memref<80xi32, #tpu.memory_space<hbm>>
    tpu.enqueue_dma source(%dma_start3A_11 : memref<80xi32, #tpu.memory_space<hbm>>) target(%arg9 : memref<80xi32, #tpu.memory_space<vmem>>) target_semaphore(%arg20 : memref<!tpu.dma_semaphore, #tpu.memory_space<semaphore_mem>>)
    %dma_start3A_12 = tpu.memref_slice %arg5[%multiple_of3A_10] : memref<160000xi32, #tpu.memory_space<hbm>> -> memref<80xi32, #tpu.memory_space<hbm>>
    %dma_start3A_13 = tpu.memref_slice %arg5[%multiple_of3A_10] : memref<160000xi32, #tpu.memory_space<hbm>> -> memref<80xi32, #tpu.memory_space<hbm>>
    tpu.enqueue_dma source(%dma_start3A_13 : memref<80xi32, #tpu.memory_space<hbm>>) target(%arg10 : memref<80xi32, #tpu.memory_space<vmem>>) target_semaphore(%arg20 : memref<!tpu.dma_semaphore, #tpu.memory_space<semaphore_mem>>)
    %dma_wait3A = arith.constant 0 : i32
    %dma_wait3A_14 = tpu.memref_slice %arg4[%dma_wait3A] : memref<160000xi32, #tpu.memory_space<hbm>> -> memref<80xi32, #tpu.memory_space<hbm>>
    %dma_wait3A_15 = arith.constant 0 : i32
    %dma_wait3A_16 = tpu.memref_slice %arg4[%dma_wait3A_15] : memref<160000xi32, #tpu.memory_space<hbm>> -> memref<80xi32, #tpu.memory_space<hbm>>
    tpu.wait_dma2 semaphore(%arg20 : memref<!tpu.dma_semaphore, #tpu.memory_space<semaphore_mem>>) src(%dma_wait3A_16 : memref<80xi32, #tpu.memory_space<hbm>>) dst(%arg9 : memref<80xi32, #tpu.memory_space<vmem>>)
    %dma_wait3A_17 = arith.constant 0 : i32
    %dma_wait3A_18 = tpu.memref_slice %arg5[%dma_wait3A_17] : memref<160000xi32, #tpu.memory_space<hbm>> -> memref<80xi32, #tpu.memory_space<hbm>>
    %dma_wait3A_19 = arith.constant 0 : i32
    %dma_wait3A_20 = tpu.memref_slice %arg5[%dma_wait3A_19] : memref<160000xi32, #tpu.memory_space<hbm>> -> memref<80xi32, #tpu.memory_space<hbm>>
    tpu.wait_dma2 semaphore(%arg20 : memref<!tpu.dma_semaphore, #tpu.memory_space<semaphore_mem>>) src(%dma_wait3A_20 : memref<80xi32, #tpu.memory_space<hbm>>) dst(%arg10 : memref<80xi32, #tpu.memory_space<vmem>>)
    %eq3A_21 = arith.constant 0 : i32
    %eq3A_22 = arith.cmpi eq, %arg0, %eq3A_21 : i32
    %convert_element_type3A_23 = arith.extui %eq3A_22 : i1 to i32
    %cond3A_24 = arith.constant 0 : i32
    %cond3A_25 = arith.cmpi ne, %convert_element_type3A_23, %cond3A_24 : i32
    scf.if %cond3A_25 {
      %dma_start3A_89 = arith.constant 0 : i32
      %dma_start3A_90 = arith.constant 0 : i32
      %dma_start3A_91 = tpu.memref_slice %arg2[%dma_start3A_89, %dma_start3A_90] : memref<10000x128xf32, #tpu.memory_space<hbm>> -> memref<10000x128xf32, #tpu.memory_space<hbm>>
      tpu.enqueue_indirect_dma source(%dma_start3A_91 : memref<10000x128xf32, #tpu.memory_space<hbm>>) target(%arg12 : memref<80x128xf32, #tpu.memory_space<vmem>>) offsets(%arg9 : memref<80xi32, #tpu.memory_space<vmem>>) semaphore(%arg18 : memref<!tpu.dma_semaphore, #tpu.memory_space<semaphore_mem>>)
    } else {
    }
    %eq3A_26 = arith.constant 1 : i32
    %eq3A_27 = arith.cmpi eq, %arg0, %eq3A_26 : i32
    %convert_element_type3A_28 = arith.extui %eq3A_27 : i1 to i32
    %cond3A_29 = arith.constant 0 : i32
    %cond3A_30 = arith.cmpi ne, %convert_element_type3A_28, %cond3A_29 : i32
    scf.if %cond3A_30 {
      %dma_start3A_89 = arith.constant 0 : i32
      %dma_start3A_90 = arith.constant 0 : i32
      %dma_start3A_91 = tpu.memref_slice %arg3[%dma_start3A_89, %dma_start3A_90] : memref<10000x128xf32, #tpu.memory_space<hbm>> -> memref<10000x128xf32, #tpu.memory_space<hbm>>
      tpu.enqueue_indirect_dma source(%dma_start3A_91 : memref<10000x128xf32, #tpu.memory_space<hbm>>) target(%arg12 : memref<80x128xf32, #tpu.memory_space<vmem>>) offsets(%arg9 : memref<80xi32, #tpu.memory_space<vmem>>) semaphore(%arg18 : memref<!tpu.dma_semaphore, #tpu.memory_space<semaphore_mem>>)
    } else {
    }
    %add3A_31 = arith.constant 80 : i32
    %add3A_32 = arith.addi %mul3A_0, %add3A_31 : i32
    %multiple_of3A_33 = tpu.assume_multiple %add3A_32, 8 : i32
    %dma_start3A_34 = tpu.memref_slice %arg4[%multiple_of3A_33] : memref<160000xi32, #tpu.memory_space<hbm>> -> memref<80xi32, #tpu.memory_space<hbm>>
    %dma_start3A_35 = tpu.memref_slice %arg4[%multiple_of3A_33] : memref<160000xi32, #tpu.memory_space<hbm>> -> memref<80xi32, #tpu.memory_space<hbm>>
    tpu.enqueue_dma source(%dma_start3A_35 : memref<80xi32, #tpu.memory_space<hbm>>) target(%arg13 : memref<80xi32, #tpu.memory_space<vmem>>) target_semaphore(%arg21 : memref<!tpu.dma_semaphore, #tpu.memory_space<semaphore_mem>>)
    %dma_start3A_36 = tpu.memref_slice %arg5[%multiple_of3A_33] : memref<160000xi32, #tpu.memory_space<hbm>> -> memref<80xi32, #tpu.memory_space<hbm>>
    %dma_start3A_37 = tpu.memref_slice %arg5[%multiple_of3A_33] : memref<160000xi32, #tpu.memory_space<hbm>> -> memref<80xi32, #tpu.memory_space<hbm>>
    tpu.enqueue_dma source(%dma_start3A_37 : memref<80xi32, #tpu.memory_space<hbm>>) target(%arg14 : memref<80xi32, #tpu.memory_space<vmem>>) target_semaphore(%arg21 : memref<!tpu.dma_semaphore, #tpu.memory_space<semaphore_mem>>)
    %scan3A = arith.constant 0 : i32
    %scan3A_38 = arith.constant 62 : i32
    %scan3A_39 = arith.addi %scan3A, %scan3A_38 : i32
    %scan3A_40 = arith.constant 1 : i32
    scf.for %scan3A_89 = %scan3A to %scan3A_39 step %scan3A_40  : i32 {
      %mul3A_90 = arith.constant 1 : i32
      %mul3A_91 = arith.muli %scan3A_89, %mul3A_90 : i32
      %add3A_92 = arith.constant 0 : i32
      %add3A_93 = arith.addi %add3A_92, %mul3A_91 : i32
      %mul3A_94 = arith.constant 2 : i32
      %mul3A_95 = arith.muli %add3A_93, %mul3A_94 : i32
      %dma_wait3A_96 = arith.constant 0 : i32
      %dma_wait3A_97 = tpu.memref_slice %arg4[%dma_wait3A_96] : memref<160000xi32, #tpu.memory_space<hbm>> -> memref<80xi32, #tpu.memory_space<hbm>>
      %dma_wait3A_98 = arith.constant 0 : i32
      %dma_wait3A_99 = tpu.memref_slice %arg4[%dma_wait3A_98] : memref<160000xi32, #tpu.memory_space<hbm>> -> memref<80xi32, #tpu.memory_space<hbm>>
      tpu.wait_dma2 semaphore(%arg21 : memref<!tpu.dma_semaphore, #tpu.memory_space<semaphore_mem>>) src(%dma_wait3A_99 : memref<80xi32, #tpu.memory_space<hbm>>) dst(%arg13 : memref<80xi32, #tpu.memory_space<vmem>>)
      %dma_wait3A_100 = arith.constant 0 : i32
      %dma_wait3A_101 = tpu.memref_slice %arg5[%dma_wait3A_100] : memref<160000xi32, #tpu.memory_space<hbm>> -> memref<80xi32, #tpu.memory_space<hbm>>
      %dma_wait3A_102 = arith.constant 0 : i32
      %dma_wait3A_103 = tpu.memref_slice %arg5[%dma_wait3A_102] : memref<160000xi32, #tpu.memory_space<hbm>> -> memref<80xi32, #tpu.memory_space<hbm>>
      tpu.wait_dma2 semaphore(%arg21 : memref<!tpu.dma_semaphore, #tpu.memory_space<semaphore_mem>>) src(%dma_wait3A_103 : memref<80xi32, #tpu.memory_space<hbm>>) dst(%arg14 : memref<80xi32, #tpu.memory_space<vmem>>)
      %eq3A_104 = arith.constant 0 : i32
      %eq3A_105 = arith.cmpi eq, %arg0, %eq3A_104 : i32
      %convert_element_type3A_106 = arith.extui %eq3A_105 : i1 to i32
      %cond3A_107 = arith.constant 0 : i32
      %cond3A_108 = arith.cmpi ne, %convert_element_type3A_106, %cond3A_107 : i32
      scf.if %cond3A_108 {
        %dma_start3A_211 = arith.constant 0 : i32
        %dma_start3A_212 = arith.constant 0 : i32
        %dma_start3A_213 = tpu.memref_slice %arg2[%dma_start3A_211, %dma_start3A_212] : memref<10000x128xf32, #tpu.memory_space<hbm>> -> memref<10000x128xf32, #tpu.memory_space<hbm>>
        tpu.enqueue_indirect_dma source(%dma_start3A_213 : memref<10000x128xf32, #tpu.memory_space<hbm>>) target(%arg16 : memref<80x128xf32, #tpu.memory_space<vmem>>) offsets(%arg13 : memref<80xi32, #tpu.memory_space<vmem>>) semaphore(%arg19 : memref<!tpu.dma_semaphore, #tpu.memory_space<semaphore_mem>>)
      } else {
      }
      %eq3A_109 = arith.constant 1 : i32
      %eq3A_110 = arith.cmpi eq, %arg0, %eq3A_109 : i32
      %convert_element_type3A_111 = arith.extui %eq3A_110 : i1 to i32
      %cond3A_112 = arith.constant 0 : i32
      %cond3A_113 = arith.cmpi ne, %convert_element_type3A_111, %cond3A_112 : i32
      scf.if %cond3A_113 {
        %dma_start3A_211 = arith.constant 0 : i32
        %dma_start3A_212 = arith.constant 0 : i32
        %dma_start3A_213 = tpu.memref_slice %arg3[%dma_start3A_211, %dma_start3A_212] : memref<10000x128xf32, #tpu.memory_space<hbm>> -> memref<10000x128xf32, #tpu.memory_space<hbm>>
        tpu.enqueue_indirect_dma source(%dma_start3A_213 : memref<10000x128xf32, #tpu.memory_space<hbm>>) target(%arg16 : memref<80x128xf32, #tpu.memory_space<vmem>>) offsets(%arg13 : memref<80xi32, #tpu.memory_space<vmem>>) semaphore(%arg19 : memref<!tpu.dma_semaphore, #tpu.memory_space<semaphore_mem>>)
      } else {
      }
      %dma_wait3A_114 = arith.constant 0 : i32
      %dma_wait3A_115 = arith.constant 0 : i32
      %dma_wait3A_116 = tpu.memref_slice %arg2[%dma_wait3A_114, %dma_wait3A_115] : memref<10000x128xf32, #tpu.memory_space<hbm>> -> memref<10000x128xf32, #tpu.memory_space<hbm>>
      tpu.wait_indirect_dma semaphore(%arg18 : memref<!tpu.dma_semaphore, #tpu.memory_space<semaphore_mem>>) src(%dma_wait3A_116 : memref<10000x128xf32, #tpu.memory_space<hbm>>) dst(%arg12 : memref<80x128xf32, #tpu.memory_space<vmem>>)
      %get3A_117 = arith.constant 0 : index
      %get3A_118 = tpu.vector_load %arg10[%get3A_117] {strides = array<i32>} : memref<80xi32, #tpu.memory_space<vmem>>, vector<16xi32>,
      %get3A_119 = vector.shape_cast %get3A_118 : vector<16xi32> to vector<16xi32>
      %swap3A_120 = arith.constant 0 : index
      %swap3A_121 = tpu.vector_load %arg11[%swap3A_120] {strides = array<i32>} : memref<80xi32, #tpu.memory_space<vmem>>, vector<16xi32>,
      %swap3A_122 = vector.shape_cast %swap3A_121 : vector<16xi32> to vector<16xi32>
      %swap3A_123 = vector.shape_cast %get3A_119 : vector<16xi32> to vector<16xi32>
      tpu.vector_store %arg11[%swap3A_120], %swap3A_123 {strides = array<i32>} : memref<80xi32, #tpu.memory_space<vmem>>, vector<16xi32>,
      %get3A_124 = arith.constant 16 : index
      %get3A_125 = tpu.vector_load %arg10[%get3A_124] {strides = array<i32>} : memref<80xi32, #tpu.memory_space<vmem>>, vector<16xi32>,
      %get3A_126 = vector.shape_cast %get3A_125 : vector<16xi32> to vector<16xi32>
      %swap3A_127 = arith.constant 16 : index
      %swap3A_128 = tpu.vector_load %arg11[%swap3A_127] {strides = array<i32>} : memref<80xi32, #tpu.memory_space<vmem>>, vector<16xi32>,
      %swap3A_129 = vector.shape_cast %swap3A_128 : vector<16xi32> to vector<16xi32>
      %swap3A_130 = vector.shape_cast %get3A_126 : vector<16xi32> to vector<16xi32>
      tpu.vector_store %arg11[%swap3A_127], %swap3A_130 {strides = array<i32>} : memref<80xi32, #tpu.memory_space<vmem>>, vector<16xi32>,
      %get3A_131 = arith.constant 32 : index
      %get3A_132 = tpu.vector_load %arg10[%get3A_131] {strides = array<i32>} : memref<80xi32, #tpu.memory_space<vmem>>, vector<16xi32>,
      %get3A_133 = vector.shape_cast %get3A_132 : vector<16xi32> to vector<16xi32>
      %swap3A_134 = arith.constant 32 : index
      %swap3A_135 = tpu.vector_load %arg11[%swap3A_134] {strides = array<i32>} : memref<80xi32, #tpu.memory_space<vmem>>, vector<16xi32>,
      %swap3A_136 = vector.shape_cast %swap3A_135 : vector<16xi32> to vector<16xi32>
      %swap3A_137 = vector.shape_cast %get3A_133 : vector<16xi32> to vector<16xi32>
      tpu.vector_store %arg11[%swap3A_134], %swap3A_137 {strides = array<i32>} : memref<80xi32, #tpu.memory_space<vmem>>, vector<16xi32>,
      %get3A_138 = arith.constant 48 : index
      %get3A_139 = tpu.vector_load %arg10[%get3A_138] {strides = array<i32>} : memref<80xi32, #tpu.memory_space<vmem>>, vector<16xi32>,
      %get3A_140 = vector.shape_cast %get3A_139 : vector<16xi32> to vector<16xi32>
      %swap3A_141 = arith.constant 48 : index
      %swap3A_142 = tpu.vector_load %arg11[%swap3A_141] {strides = array<i32>} : memref<80xi32, #tpu.memory_space<vmem>>, vector<16xi32>,
      %swap3A_143 = vector.shape_cast %swap3A_142 : vector<16xi32> to vector<16xi32>
      %swap3A_144 = vector.shape_cast %get3A_140 : vector<16xi32> to vector<16xi32>
      tpu.vector_store %arg11[%swap3A_141], %swap3A_144 {strides = array<i32>} : memref<80xi32, #tpu.memory_space<vmem>>, vector<16xi32>,
      %get3A_145 = arith.constant 64 : index
      %get3A_146 = tpu.vector_load %arg10[%get3A_145] {strides = array<i32>} : memref<80xi32, #tpu.memory_space<vmem>>, vector<16xi32>,
      %get3A_147 = vector.shape_cast %get3A_146 : vector<16xi32> to vector<16xi32>
      %swap3A_148 = arith.constant 64 : index
      %swap3A_149 = tpu.vector_load %arg11[%swap3A_148] {strides = array<i32>} : memref<80xi32, #tpu.memory_space<vmem>>, vector<16xi32>,
      %swap3A_150 = vector.shape_cast %swap3A_149 : vector<16xi32> to vector<16xi32>
      %swap3A_151 = vector.shape_cast %get3A_147 : vector<16xi32> to vector<16xi32>
      tpu.vector_store %arg11[%swap3A_148], %swap3A_151 {strides = array<i32>} : memref<80xi32, #tpu.memory_space<vmem>>, vector<16xi32>,
      %add3A_152 = arith.constant 2 : i32
      %add3A_153 = arith.addi %mul3A_95, %add3A_152 : i32
      %lt3A_154 = arith.constant 125 : i32
      %lt3A_155 = arith.cmpi slt, %add3A_153, %lt3A_154 : i32
      %convert_element_type3A_156 = arith.extui %lt3A_155 : i1 to i32
      %cond3A_157 = arith.constant 0 : i32
      %cond3A_158 = arith.cmpi ne, %convert_element_type3A_156, %cond3A_157 : i32
      scf.if %cond3A_158 {
        %add3A_211 = arith.constant 2 : i32
        %add3A_212 = arith.addi %mul3A_95, %add3A_211 : i32
        %mul3A_213 = arith.constant 80 : i32
        %mul3A_214 = arith.muli %add3A_212, %mul3A_213 : i32
        %add3A_215 = arith.addi %mul3A_0, %mul3A_214 : i32
        %multiple_of3A_216 = tpu.assume_multiple %add3A_215, 8 : i32
        %dma_start3A_217 = tpu.memref_slice %arg4[%multiple_of3A_216] : memref<160000xi32, #tpu.memory_space<hbm>> -> memref<80xi32, #tpu.memory_space<hbm>>
        %dma_start3A_218 = tpu.memref_slice %arg4[%multiple_of3A_216] : memref<160000xi32, #tpu.memory_space<hbm>> -> memref<80xi32, #tpu.memory_space<hbm>>
        tpu.enqueue_dma source(%dma_start3A_218 : memref<80xi32, #tpu.memory_space<hbm>>) target(%arg9 : memref<80xi32, #tpu.memory_space<vmem>>) target_semaphore(%arg20 : memref<!tpu.dma_semaphore, #tpu.memory_space<semaphore_mem>>)
        %dma_start3A_219 = tpu.memref_slice %arg5[%multiple_of3A_216] : memref<160000xi32, #tpu.memory_space<hbm>> -> memref<80xi32, #tpu.memory_space<hbm>>
        %dma_start3A_220 = tpu.memref_slice %arg5[%multiple_of3A_216] : memref<160000xi32, #tpu.memory_space<hbm>> -> memref<80xi32, #tpu.memory_space<hbm>>
        tpu.enqueue_dma source(%dma_start3A_220 : memref<80xi32, #tpu.memory_space<hbm>>) target(%arg10 : memref<80xi32, #tpu.memory_space<vmem>>) target_semaphore(%arg20 : memref<!tpu.dma_semaphore, #tpu.memory_space<semaphore_mem>>)
      } else {
      }
      "tpu.region"() ({
        %run_scoped3A = tpu.sem_alloc : memref<!tpu.dma_semaphore, #tpu.memory_space<semaphore_mem>>
        %dma_start3A_211 = arith.constant 0 : i32
        %dma_start3A_212 = arith.constant 0 : i32
        %dma_start3A_213 = tpu.memref_slice %arg17[%dma_start3A_211, %dma_start3A_212] : memref<10000x128xf32, #tpu.memory_space<vmem_shared>> -> memref<10000x128xf32, #tpu.memory_space<vmem_shared>>
        tpu.enqueue_indirect_dma source(%arg12 : memref<80x128xf32, #tpu.memory_space<vmem>>) target(%dma_start3A_213 : memref<10000x128xf32, #tpu.memory_space<vmem_shared>>) offsets(%arg11 : memref<80xi32, #tpu.memory_space<vmem>>) semaphore(%run_scoped3A : memref<!tpu.dma_semaphore, #tpu.memory_space<semaphore_mem>>) {add = true}
        %dma_wait3A_214 = arith.constant 0 : i32
        %dma_wait3A_215 = arith.constant 0 : i32
        %dma_wait3A_216 = tpu.memref_slice %arg17[%dma_wait3A_214, %dma_wait3A_215] : memref<10000x128xf32, #tpu.memory_space<vmem_shared>> -> memref<10000x128xf32, #tpu.memory_space<vmem_shared>>
        tpu.wait_indirect_dma semaphore(%run_scoped3A : memref<!tpu.dma_semaphore, #tpu.memory_space<semaphore_mem>>) src(%arg12 : memref<80x128xf32, #tpu.memory_space<vmem>>) dst(%dma_wait3A_216 : memref<10000x128xf32, #tpu.memory_space<vmem_shared>>)
        tpu.yield
      }) : () -> ()
      %add3A_159 = arith.constant 2 : i32
      %add3A_160 = arith.addi %mul3A_95, %add3A_159 : i32
      %lt3A_161 = arith.constant 125 : i32
      %lt3A_162 = arith.cmpi slt, %add3A_160, %lt3A_161 : i32
      %convert_element_type3A_163 = arith.extui %lt3A_162 : i1 to i32
      %cond3A_164 = arith.constant 0 : i32
      %cond3A_165 = arith.cmpi ne, %convert_element_type3A_163, %cond3A_164 : i32
      scf.if %cond3A_165 {
        %dma_wait3A_211 = arith.constant 0 : i32
        %dma_wait3A_212 = tpu.memref_slice %arg4[%dma_wait3A_211] : memref<160000xi32, #tpu.memory_space<hbm>> -> memref<80xi32, #tpu.memory_space<hbm>>
        %dma_wait3A_213 = arith.constant 0 : i32
        %dma_wait3A_214 = tpu.memref_slice %arg4[%dma_wait3A_213] : memref<160000xi32, #tpu.memory_space<hbm>> -> memref<80xi32, #tpu.memory_space<hbm>>
        tpu.wait_dma2 semaphore(%arg20 : memref<!tpu.dma_semaphore, #tpu.memory_space<semaphore_mem>>) src(%dma_wait3A_214 : memref<80xi32, #tpu.memory_space<hbm>>) dst(%arg9 : memref<80xi32, #tpu.memory_space<vmem>>)
        %dma_wait3A_215 = arith.constant 0 : i32
        %dma_wait3A_216 = tpu.memref_slice %arg5[%dma_wait3A_215] : memref<160000xi32, #tpu.memory_space<hbm>> -> memref<80xi32, #tpu.memory_space<hbm>>
        %dma_wait3A_217 = arith.constant 0 : i32
        %dma_wait3A_218 = tpu.memref_slice %arg5[%dma_wait3A_217] : memref<160000xi32, #tpu.memory_space<hbm>> -> memref<80xi32, #tpu.memory_space<hbm>>
        tpu.wait_dma2 semaphore(%arg20 : memref<!tpu.dma_semaphore, #tpu.memory_space<semaphore_mem>>) src(%dma_wait3A_218 : memref<80xi32, #tpu.memory_space<hbm>>) dst(%arg10 : memref<80xi32, #tpu.memory_space<vmem>>)
        %eq3A_219 = arith.constant 0 : i32
        %eq3A_220 = arith.cmpi eq, %arg0, %eq3A_219 : i32
        %convert_element_type3A_221 = arith.extui %eq3A_220 : i1 to i32
        %cond3A_222 = arith.constant 0 : i32
        %cond3A_223 = arith.cmpi ne, %convert_element_type3A_221, %cond3A_222 : i32
        scf.if %cond3A_223 {
          %dma_start3A_229 = arith.constant 0 : i32
          %dma_start3A_230 = arith.constant 0 : i32
          %dma_start3A_231 = tpu.memref_slice %arg2[%dma_start3A_229, %dma_start3A_230] : memref<10000x128xf32, #tpu.memory_space<hbm>> -> memref<10000x128xf32, #tpu.memory_space<hbm>>
          tpu.enqueue_indirect_dma source(%dma_start3A_231 : memref<10000x128xf32, #tpu.memory_space<hbm>>) target(%arg12 : memref<80x128xf32, #tpu.memory_space<vmem>>) offsets(%arg9 : memref<80xi32, #tpu.memory_space<vmem>>) semaphore(%arg18 : memref<!tpu.dma_semaphore, #tpu.memory_space<semaphore_mem>>)
        } else {
        }
        %eq3A_224 = arith.constant 1 : i32
        %eq3A_225 = arith.cmpi eq, %arg0, %eq3A_224 : i32
        %convert_element_type3A_226 = arith.extui %eq3A_225 : i1 to i32
        %cond3A_227 = arith.constant 0 : i32
        %cond3A_228 = arith.cmpi ne, %convert_element_type3A_226, %cond3A_227 : i32
        scf.if %cond3A_228 {
          %dma_start3A_229 = arith.constant 0 : i32
          %dma_start3A_230 = arith.constant 0 : i32
          %dma_start3A_231 = tpu.memref_slice %arg3[%dma_start3A_229, %dma_start3A_230] : memref<10000x128xf32, #tpu.memory_space<hbm>> -> memref<10000x128xf32, #tpu.memory_space<hbm>>
          tpu.enqueue_indirect_dma source(%dma_start3A_231 : memref<10000x128xf32, #tpu.memory_space<hbm>>) target(%arg12 : memref<80x128xf32, #tpu.memory_space<vmem>>) offsets(%arg9 : memref<80xi32, #tpu.memory_space<vmem>>) semaphore(%arg18 : memref<!tpu.dma_semaphore, #tpu.memory_space<semaphore_mem>>)
        } else {
        }
      } else {
      }
      %dma_wait3A_166 = arith.constant 0 : i32
      %dma_wait3A_167 = arith.constant 0 : i32
      %dma_wait3A_168 = tpu.memref_slice %arg2[%dma_wait3A_166, %dma_wait3A_167] : memref<10000x128xf32, #tpu.memory_space<hbm>> -> memref<10000x128xf32, #tpu.memory_space<hbm>>
      tpu.wait_indirect_dma semaphore(%arg19 : memref<!tpu.dma_semaphore, #tpu.memory_space<semaphore_mem>>) src(%dma_wait3A_168 : memref<10000x128xf32, #tpu.memory_space<hbm>>) dst(%arg16 : memref<80x128xf32, #tpu.memory_space<vmem>>)
      %get3A_169 = arith.constant 0 : index
      %get3A_170 = tpu.vector_load %arg14[%get3A_169] {strides = array<i32>} : memref<80xi32, #tpu.memory_space<vmem>>, vector<16xi32>,
      %get3A_171 = vector.shape_cast %get3A_170 : vector<16xi32> to vector<16xi32>
      %swap3A_172 = arith.constant 0 : index
      %swap3A_173 = tpu.vector_load %arg15[%swap3A_172] {strides = array<i32>} : memref<80xi32, #tpu.memory_space<vmem>>, vector<16xi32>,
      %swap3A_174 = vector.shape_cast %swap3A_173 : vector<16xi32> to vector<16xi32>
      %swap3A_175 = vector.shape_cast %get3A_171 : vector<16xi32> to vector<16xi32>
      tpu.vector_store %arg15[%swap3A_172], %swap3A_175 {strides = array<i32>} : memref<80xi32, #tpu.memory_space<vmem>>, vector<16xi32>,
      %get3A_176 = arith.constant 16 : index
      %get3A_177 = tpu.vector_load %arg14[%get3A_176] {strides = array<i32>} : memref<80xi32, #tpu.memory_space<vmem>>, vector<16xi32>,
      %get3A_178 = vector.shape_cast %get3A_177 : vector<16xi32> to vector<16xi32>
      %swap3A_179 = arith.constant 16 : index
      %swap3A_180 = tpu.vector_load %arg15[%swap3A_179] {strides = array<i32>} : memref<80xi32, #tpu.memory_space<vmem>>, vector<16xi32>,
      %swap3A_181 = vector.shape_cast %swap3A_180 : vector<16xi32> to vector<16xi32>
      %swap3A_182 = vector.shape_cast %get3A_178 : vector<16xi32> to vector<16xi32>
      tpu.vector_store %arg15[%swap3A_179], %swap3A_182 {strides = array<i32>} : memref<80xi32, #tpu.memory_space<vmem>>, vector<16xi32>,
      %get3A_183 = arith.constant 32 : index
      %get3A_184 = tpu.vector_load %arg14[%get3A_183] {strides = array<i32>} : memref<80xi32, #tpu.memory_space<vmem>>, vector<16xi32>,
      %get3A_185 = vector.shape_cast %get3A_184 : vector<16xi32> to vector<16xi32>
      %swap3A_186 = arith.constant 32 : index
      %swap3A_187 = tpu.vector_load %arg15[%swap3A_186] {strides = array<i32>} : memref<80xi32, #tpu.memory_space<vmem>>, vector<16xi32>,
      %swap3A_188 = vector.shape_cast %swap3A_187 : vector<16xi32> to vector<16xi32>
      %swap3A_189 = vector.shape_cast %get3A_185 : vector<16xi32> to vector<16xi32>
      tpu.vector_store %arg15[%swap3A_186], %swap3A_189 {strides = array<i32>} : memref<80xi32, #tpu.memory_space<vmem>>, vector<16xi32>,
      %get3A_190 = arith.constant 48 : index
      %get3A_191 = tpu.vector_load %arg14[%get3A_190] {strides = array<i32>} : memref<80xi32, #tpu.memory_space<vmem>>, vector<16xi32>,
      %get3A_192 = vector.shape_cast %get3A_191 : vector<16xi32> to vector<16xi32>
      %swap3A_193 = arith.constant 48 : index
      %swap3A_194 = tpu.vector_load %arg15[%swap3A_193] {strides = array<i32>} : memref<80xi32, #tpu.memory_space<vmem>>, vector<16xi32>,
      %swap3A_195 = vector.shape_cast %swap3A_194 : vector<16xi32> to vector<16xi32>
      %swap3A_196 = vector.shape_cast %get3A_192 : vector<16xi32> to vector<16xi32>
      tpu.vector_store %arg15[%swap3A_193], %swap3A_196 {strides = array<i32>} : memref<80xi32, #tpu.memory_space<vmem>>, vector<16xi32>,
      %get3A_197 = arith.constant 64 : index
      %get3A_198 = tpu.vector_load %arg14[%get3A_197] {strides = array<i32>} : memref<80xi32, #tpu.memory_space<vmem>>, vector<16xi32>,
      %get3A_199 = vector.shape_cast %get3A_198 : vector<16xi32> to vector<16xi32>
      %swap3A_200 = arith.constant 64 : index
      %swap3A_201 = tpu.vector_load %arg15[%swap3A_200] {strides = array<i32>} : memref<80xi32, #tpu.memory_space<vmem>>, vector<16xi32>,
      %swap3A_202 = vector.shape_cast %swap3A_201 : vector<16xi32> to vector<16xi32>
      %swap3A_203 = vector.shape_cast %get3A_199 : vector<16xi32> to vector<16xi32>
      tpu.vector_store %arg15[%swap3A_200], %swap3A_203 {strides = array<i32>} : memref<80xi32, #tpu.memory_space<vmem>>, vector<16xi32>,
      %add3A_204 = arith.constant 3 : i32
      %add3A_205 = arith.addi %mul3A_95, %add3A_204 : i32
      %lt3A_206 = arith.constant 125 : i32
      %lt3A_207 = arith.cmpi slt, %add3A_205, %lt3A_206 : i32
      %convert_element_type3A_208 = arith.extui %lt3A_207 : i1 to i32
      %cond3A_209 = arith.constant 0 : i32
      %cond3A_210 = arith.cmpi ne, %convert_element_type3A_208, %cond3A_209 : i32
      scf.if %cond3A_210 {
        %add3A_211 = arith.constant 3 : i32
        %add3A_212 = arith.addi %mul3A_95, %add3A_211 : i32
        %mul3A_213 = arith.constant 80 : i32
        %mul3A_214 = arith.muli %add3A_212, %mul3A_213 : i32
        %add3A_215 = arith.addi %mul3A_0, %mul3A_214 : i32
        %multiple_of3A_216 = tpu.assume_multiple %add3A_215, 8 : i32
        %dma_start3A_217 = tpu.memref_slice %arg4[%multiple_of3A_216] : memref<160000xi32, #tpu.memory_space<hbm>> -> memref<80xi32, #tpu.memory_space<hbm>>
        %dma_start3A_218 = tpu.memref_slice %arg4[%multiple_of3A_216] : memref<160000xi32, #tpu.memory_space<hbm>> -> memref<80xi32, #tpu.memory_space<hbm>>
        tpu.enqueue_dma source(%dma_start3A_218 : memref<80xi32, #tpu.memory_space<hbm>>) target(%arg13 : memref<80xi32, #tpu.memory_space<vmem>>) target_semaphore(%arg21 : memref<!tpu.dma_semaphore, #tpu.memory_space<semaphore_mem>>)
        %dma_start3A_219 = tpu.memref_slice %arg5[%multiple_of3A_216] : memref<160000xi32, #tpu.memory_space<hbm>> -> memref<80xi32, #tpu.memory_space<hbm>>
        %dma_start3A_220 = tpu.memref_slice %arg5[%multiple_of3A_216] : memref<160000xi32, #tpu.memory_space<hbm>> -> memref<80xi32, #tpu.memory_space<hbm>>
        tpu.enqueue_dma source(%dma_start3A_220 : memref<80xi32, #tpu.memory_space<hbm>>) target(%arg14 : memref<80xi32, #tpu.memory_space<vmem>>) target_semaphore(%arg21 : memref<!tpu.dma_semaphore, #tpu.memory_space<semaphore_mem>>)
      } else {
      }
      "tpu.region"() ({
        %run_scoped3A = tpu.sem_alloc : memref<!tpu.dma_semaphore, #tpu.memory_space<semaphore_mem>>
        %dma_start3A_211 = arith.constant 0 : i32
        %dma_start3A_212 = arith.constant 0 : i32
        %dma_start3A_213 = tpu.memref_slice %arg17[%dma_start3A_211, %dma_start3A_212] : memref<10000x128xf32, #tpu.memory_space<vmem_shared>> -> memref<10000x128xf32, #tpu.memory_space<vmem_shared>>
        tpu.enqueue_indirect_dma source(%arg16 : memref<80x128xf32, #tpu.memory_space<vmem>>) target(%dma_start3A_213 : memref<10000x128xf32, #tpu.memory_space<vmem_shared>>) offsets(%arg15 : memref<80xi32, #tpu.memory_space<vmem>>) semaphore(%run_scoped3A : memref<!tpu.dma_semaphore, #tpu.memory_space<semaphore_mem>>) {add = true}
        %dma_wait3A_214 = arith.constant 0 : i32
        %dma_wait3A_215 = arith.constant 0 : i32
        %dma_wait3A_216 = tpu.memref_slice %arg17[%dma_wait3A_214, %dma_wait3A_215] : memref<10000x128xf32, #tpu.memory_space<vmem_shared>> -> memref<10000x128xf32, #tpu.memory_space<vmem_shared>>
        tpu.wait_indirect_dma semaphore(%run_scoped3A : memref<!tpu.dma_semaphore, #tpu.memory_space<semaphore_mem>>) src(%arg16 : memref<80x128xf32, #tpu.memory_space<vmem>>) dst(%dma_wait3A_216 : memref<10000x128xf32, #tpu.memory_space<vmem_shared>>)
        tpu.yield
      }) : () -> ()
    }
    %scan3A_41 = arith.constant 62 : i32
    %dma_wait3A_42 = arith.constant 0 : i32
    %dma_wait3A_43 = arith.constant 0 : i32
    %dma_wait3A_44 = tpu.memref_slice %arg2[%dma_wait3A_42, %dma_wait3A_43] : memref<10000x128xf32, #tpu.memory_space<hbm>> -> memref<10000x128xf32, #tpu.memory_space<hbm>>
    tpu.wait_indirect_dma semaphore(%arg18 : memref<!tpu.dma_semaphore, #tpu.memory_space<semaphore_mem>>) src(%dma_wait3A_44 : memref<10000x128xf32, #tpu.memory_space<hbm>>) dst(%arg12 : memref<80x128xf32, #tpu.memory_space<vmem>>)
    %get3A = arith.constant 0 : index
    %get3A_45 = tpu.vector_load %arg10[%get3A] {strides = array<i32>} : memref<80xi32, #tpu.memory_space<vmem>>, vector<16xi32>,
    %get3A_46 = vector.shape_cast %get3A_45 : vector<16xi32> to vector<16xi32>
    %swap3A = arith.constant 0 : index
    %swap3A_47 = tpu.vector_load %arg11[%swap3A] {strides = array<i32>} : memref<80xi32, #tpu.memory_space<vmem>>, vector<16xi32>,
    %swap3A_48 = vector.shape_cast %swap3A_47 : vector<16xi32> to vector<16xi32>
    %swap3A_49 = vector.shape_cast %get3A_46 : vector<16xi32> to vector<16xi32>
    tpu.vector_store %arg11[%swap3A], %swap3A_49 {strides = array<i32>} : memref<80xi32, #tpu.memory_space<vmem>>, vector<16xi32>,
    %get3A_50 = arith.constant 16 : index
    %get3A_51 = tpu.vector_load %arg10[%get3A_50] {strides = array<i32>} : memref<80xi32, #tpu.memory_space<vmem>>, vector<16xi32>,
    %get3A_52 = vector.shape_cast %get3A_51 : vector<16xi32> to vector<16xi32>
    %swap3A_53 = arith.constant 16 : index
    %swap3A_54 = tpu.vector_load %arg11[%swap3A_53] {strides = array<i32>} : memref<80xi32, #tpu.memory_space<vmem>>, vector<16xi32>,
    %swap3A_55 = vector.shape_cast %swap3A_54 : vector<16xi32> to vector<16xi32>
    %swap3A_56 = vector.shape_cast %get3A_52 : vector<16xi32> to vector<16xi32>
    tpu.vector_store %arg11[%swap3A_53], %swap3A_56 {strides = array<i32>} : memref<80xi32, #tpu.memory_space<vmem>>, vector<16xi32>,
    %get3A_57 = arith.constant 32 : index
    %get3A_58 = tpu.vector_load %arg10[%get3A_57] {strides = array<i32>} : memref<80xi32, #tpu.memory_space<vmem>>, vector<16xi32>,
    %get3A_59 = vector.shape_cast %get3A_58 : vector<16xi32> to vector<16xi32>
    %swap3A_60 = arith.constant 32 : index
    %swap3A_61 = tpu.vector_load %arg11[%swap3A_60] {strides = array<i32>} : memref<80xi32, #tpu.memory_space<vmem>>, vector<16xi32>,
    %swap3A_62 = vector.shape_cast %swap3A_61 : vector<16xi32> to vector<16xi32>
    %swap3A_63 = vector.shape_cast %get3A_59 : vector<16xi32> to vector<16xi32>
    tpu.vector_store %arg11[%swap3A_60], %swap3A_63 {strides = array<i32>} : memref<80xi32, #tpu.memory_space<vmem>>, vector<16xi32>,
    %get3A_64 = arith.constant 48 : index
    %get3A_65 = tpu.vector_load %arg10[%get3A_64] {strides = array<i32>} : memref<80xi32, #tpu.memory_space<vmem>>, vector<16xi32>,
    %get3A_66 = vector.shape_cast %get3A_65 : vector<16xi32> to vector<16xi32>
    %swap3A_67 = arith.constant 48 : index
    %swap3A_68 = tpu.vector_load %arg11[%swap3A_67] {strides = array<i32>} : memref<80xi32, #tpu.memory_space<vmem>>, vector<16xi32>,
    %swap3A_69 = vector.shape_cast %swap3A_68 : vector<16xi32> to vector<16xi32>
    %swap3A_70 = vector.shape_cast %get3A_66 : vector<16xi32> to vector<16xi32>
    tpu.vector_store %arg11[%swap3A_67], %swap3A_70 {strides = array<i32>} : memref<80xi32, #tpu.memory_space<vmem>>, vector<16xi32>,
    %get3A_71 = arith.constant 64 : index
    %get3A_72 = tpu.vector_load %arg10[%get3A_71] {strides = array<i32>} : memref<80xi32, #tpu.memory_space<vmem>>, vector<16xi32>,
    %get3A_73 = vector.shape_cast %get3A_72 : vector<16xi32> to vector<16xi32>
    %swap3A_74 = arith.constant 64 : index
    %swap3A_75 = tpu.vector_load %arg11[%swap3A_74] {strides = array<i32>} : memref<80xi32, #tpu.memory_space<vmem>>, vector<16xi32>,
    %swap3A_76 = vector.shape_cast %swap3A_75 : vector<16xi32> to vector<16xi32>
    %swap3A_77 = vector.shape_cast %get3A_73 : vector<16xi32> to vector<16xi32>
    tpu.vector_store %arg11[%swap3A_74], %swap3A_77 {strides = array<i32>} : memref<80xi32, #tpu.memory_space<vmem>>, vector<16xi32>,
    "tpu.region"() ({
      %run_scoped3A = tpu.sem_alloc : memref<!tpu.dma_semaphore, #tpu.memory_space<semaphore_mem>>
      %dma_start3A_89 = arith.constant 0 : i32
      %dma_start3A_90 = arith.constant 0 : i32
      %dma_start3A_91 = tpu.memref_slice %arg17[%dma_start3A_89, %dma_start3A_90] : memref<10000x128xf32, #tpu.memory_space<vmem_shared>> -> memref<10000x128xf32, #tpu.memory_space<vmem_shared>>
      tpu.enqueue_indirect_dma source(%arg12 : memref<80x128xf32, #tpu.memory_space<vmem>>) target(%dma_start3A_91 : memref<10000x128xf32, #tpu.memory_space<vmem_shared>>) offsets(%arg11 : memref<80xi32, #tpu.memory_space<vmem>>) semaphore(%run_scoped3A : memref<!tpu.dma_semaphore, #tpu.memory_space<semaphore_mem>>) {add = true}
      %dma_wait3A_92 = arith.constant 0 : i32
      %dma_wait3A_93 = arith.constant 0 : i32
      %dma_wait3A_94 = tpu.memref_slice %arg17[%dma_wait3A_92, %dma_wait3A_93] : memref<10000x128xf32, #tpu.memory_space<vmem_shared>> -> memref<10000x128xf32, #tpu.memory_space<vmem_shared>>
      tpu.wait_indirect_dma semaphore(%run_scoped3A : memref<!tpu.dma_semaphore, #tpu.memory_space<semaphore_mem>>) src(%arg12 : memref<80x128xf32, #tpu.memory_space<vmem>>) dst(%dma_wait3A_94 : memref<10000x128xf32, #tpu.memory_space<vmem_shared>>)
      tpu.yield
    }) : () -> ()
    %barrier3A_78 = arith.constant 0 : index
    tpu.barrier barrier_id(%barrier3A_78)
    %eq3A_79 = arith.constant 0 : i32
    %eq3A_80 = arith.cmpi eq, %arg0, %eq3A_79 : i32
    %convert_element_type3A_81 = arith.extui %eq3A_80 : i1 to i32
    %cond3A_82 = arith.constant 0 : i32
    %cond3A_83 = arith.cmpi ne, %convert_element_type3A_81, %cond3A_82 : i32
    scf.if %cond3A_83 {
      %mul3A_89 = arith.constant 632 : i32
      %mul3A_90 = arith.muli %arg1, %mul3A_89 : i32
      %multiple_of3A_91 = tpu.assume_multiple %mul3A_90, 8 : i32
      %lt3A_92 = arith.constant 15 : i32
      %lt3A_93 = arith.cmpi slt, %arg1, %lt3A_92 : i32
      %convert_element_type3A_94 = arith.extui %lt3A_93 : i1 to i32
      %cond3A_95 = arith.constant 0 : i32
      %cond3A_96 = arith.cmpi ne, %convert_element_type3A_94, %cond3A_95 : i32
      scf.if %cond3A_96 {
        "tpu.region"() ({
          %run_scoped3A = tpu.sem_alloc : memref<!tpu.dma_semaphore, #tpu.memory_space<semaphore_mem>>
          %dma_start3A_102 = arith.constant 0 : i32
          %dma_start3A_103 = tpu.memref_slice %arg7[%multiple_of3A_91, %dma_start3A_102] : memref<10000x128xf32, #tpu.memory_space<hbm>> -> memref<632x128xf32, #tpu.memory_space<hbm>>
          %dma_start3A_104 = arith.constant 0 : i32
          %dma_start3A_105 = tpu.memref_slice %arg17[%multiple_of3A_91, %dma_start3A_104] : memref<10000x128xf32, #tpu.memory_space<vmem_shared>> -> memref<632x128xf32, #tpu.memory_space<vmem_shared>>
          tpu.enqueue_dma source(%dma_start3A_105 : memref<632x128xf32, #tpu.memory_space<vmem_shared>>) target(%dma_start3A_103 : memref<632x128xf32, #tpu.memory_space<hbm>>) target_semaphore(%run_scoped3A : memref<!tpu.dma_semaphore, #tpu.memory_space<semaphore_mem>>)
          %dma_wait3A_106 = arith.constant 0 : i32
          %dma_wait3A_107 = tpu.memref_slice %arg7[%multiple_of3A_91, %dma_wait3A_106] : memref<10000x128xf32, #tpu.memory_space<hbm>> -> memref<632x128xf32, #tpu.memory_space<hbm>>
          %dma_wait3A_108 = arith.constant 0 : i32
          %dma_wait3A_109 = tpu.memref_slice %arg17[%multiple_of3A_91, %dma_wait3A_108] : memref<10000x128xf32, #tpu.memory_space<vmem_shared>> -> memref<632x128xf32, #tpu.memory_space<vmem_shared>>
          tpu.wait_dma2 semaphore(%run_scoped3A : memref<!tpu.dma_semaphore, #tpu.memory_space<semaphore_mem>>) src(%dma_wait3A_109 : memref<632x128xf32, #tpu.memory_space<vmem_shared>>) dst(%dma_wait3A_107 : memref<632x128xf32, #tpu.memory_space<hbm>>)
          tpu.yield
        }) : () -> ()
      } else {
      }
      %eq3A_97 = arith.constant 15 : i32
      %eq3A_98 = arith.cmpi eq, %arg1, %eq3A_97 : i32
      %convert_element_type3A_99 = arith.extui %eq3A_98 : i1 to i32
      %cond3A_100 = arith.constant 0 : i32
      %cond3A_101 = arith.cmpi ne, %convert_element_type3A_99, %cond3A_100 : i32
      scf.if %cond3A_101 {
        "tpu.region"() ({
          %run_scoped3A = tpu.sem_alloc : memref<!tpu.dma_semaphore, #tpu.memory_space<semaphore_mem>>
          %dma_start3A_102 = arith.constant 9480 : i32
          %dma_start3A_103 = arith.constant 0 : i32
          %dma_start3A_104 = tpu.memref_slice %arg7[%dma_start3A_102, %dma_start3A_103] : memref<10000x128xf32, #tpu.memory_space<hbm>> -> memref<520x128xf32, #tpu.memory_space<hbm>>
          %dma_start3A_105 = arith.constant 9480 : i32
          %dma_start3A_106 = arith.constant 0 : i32
          %dma_start3A_107 = tpu.memref_slice %arg17[%dma_start3A_105, %dma_start3A_106] : memref<10000x128xf32, #tpu.memory_space<vmem_shared>> -> memref<520x128xf32, #tpu.memory_space<vmem_shared>>
          tpu.enqueue_dma source(%dma_start3A_107 : memref<520x128xf32, #tpu.memory_space<vmem_shared>>) target(%dma_start3A_104 : memref<520x128xf32, #tpu.memory_space<hbm>>) target_semaphore(%run_scoped3A : memref<!tpu.dma_semaphore, #tpu.memory_space<semaphore_mem>>)
          %dma_wait3A_108 = arith.constant 9480 : i32
          %dma_wait3A_109 = arith.constant 0 : i32
          %dma_wait3A_110 = tpu.memref_slice %arg7[%dma_wait3A_108, %dma_wait3A_109] : memref<10000x128xf32, #tpu.memory_space<hbm>> -> memref<520x128xf32, #tpu.memory_space<hbm>>
          %dma_wait3A_111 = arith.constant 9480 : i32
          %dma_wait3A_112 = arith.constant 0 : i32
          %dma_wait3A_113 = tpu.memref_slice %arg17[%dma_wait3A_111, %dma_wait3A_112] : memref<10000x128xf32, #tpu.memory_space<vmem_shared>> -> memref<520x128xf32, #tpu.memory_space<vmem_shared>>
          tpu.wait_dma2 semaphore(%run_scoped3A : memref<!tpu.dma_semaphore, #tpu.memory_space<semaphore_mem>>) src(%dma_wait3A_113 : memref<520x128xf32, #tpu.memory_space<vmem_shared>>) dst(%dma_wait3A_110 : memref<520x128xf32, #tpu.memory_space<hbm>>)
          tpu.yield
        }) : () -> ()
      } else {
      }
    } else {
    }
    %eq3A_84 = arith.constant 1 : i32
    %eq3A_85 = arith.cmpi eq, %arg0, %eq3A_84 : i32
    %convert_element_type3A_86 = arith.extui %eq3A_85 : i1 to i32
    %cond3A_87 = arith.constant 0 : i32
    %cond3A_88 = arith.cmpi ne, %convert_element_type3A_86, %cond3A_87 : i32
    scf.if %cond3A_88 {
      %mul3A_89 = arith.constant 632 : i32
      %mul3A_90 = arith.muli %arg1, %mul3A_89 : i32
      %multiple_of3A_91 = tpu.assume_multiple %mul3A_90, 8 : i32
      %lt3A_92 = arith.constant 15 : i32
      %lt3A_93 = arith.cmpi slt, %arg1, %lt3A_92 : i32
      %convert_element_type3A_94 = arith.extui %lt3A_93 : i1 to i32
      %cond3A_95 = arith.constant 0 : i32
      %cond3A_96 = arith.cmpi ne, %convert_element_type3A_94, %cond3A_95 : i32
      scf.if %cond3A_96 {
        "tpu.region"() ({
          %run_scoped3A = tpu.sem_alloc : memref<!tpu.dma_semaphore, #tpu.memory_space<semaphore_mem>>
          %dma_start3A_102 = arith.constant 0 : i32
          %dma_start3A_103 = tpu.memref_slice %arg8[%multiple_of3A_91, %dma_start3A_102] : memref<10000x128xf32, #tpu.memory_space<hbm>> -> memref<632x128xf32, #tpu.memory_space<hbm>>
          %dma_start3A_104 = arith.constant 0 : i32
          %dma_start3A_105 = tpu.memref_slice %arg17[%multiple_of3A_91, %dma_start3A_104] : memref<10000x128xf32, #tpu.memory_space<vmem_shared>> -> memref<632x128xf32, #tpu.memory_space<vmem_shared>>
          tpu.enqueue_dma source(%dma_start3A_105 : memref<632x128xf32, #tpu.memory_space<vmem_shared>>) target(%dma_start3A_103 : memref<632x128xf32, #tpu.memory_space<hbm>>) target_semaphore(%run_scoped3A : memref<!tpu.dma_semaphore, #tpu.memory_space<semaphore_mem>>)
          %dma_wait3A_106 = arith.constant 0 : i32
          %dma_wait3A_107 = tpu.memref_slice %arg8[%multiple_of3A_91, %dma_wait3A_106] : memref<10000x128xf32, #tpu.memory_space<hbm>> -> memref<632x128xf32, #tpu.memory_space<hbm>>
          %dma_wait3A_108 = arith.constant 0 : i32
          %dma_wait3A_109 = tpu.memref_slice %arg17[%multiple_of3A_91, %dma_wait3A_108] : memref<10000x128xf32, #tpu.memory_space<vmem_shared>> -> memref<632x128xf32, #tpu.memory_space<vmem_shared>>
          tpu.wait_dma2 semaphore(%run_scoped3A : memref<!tpu.dma_semaphore, #tpu.memory_space<semaphore_mem>>) src(%dma_wait3A_109 : memref<632x128xf32, #tpu.memory_space<vmem_shared>>) dst(%dma_wait3A_107 : memref<632x128xf32, #tpu.memory_space<hbm>>)
          tpu.yield
        }) : () -> ()
      } else {
      }
      %eq3A_97 = arith.constant 15 : i32
      %eq3A_98 = arith.cmpi eq, %arg1, %eq3A_97 : i32
      %convert_element_type3A_99 = arith.extui %eq3A_98 : i1 to i32
      %cond3A_100 = arith.constant 0 : i32
      %cond3A_101 = arith.cmpi ne, %convert_element_type3A_99, %cond3A_100 : i32
      scf.if %cond3A_101 {
        "tpu.region"() ({
          %run_scoped3A = tpu.sem_alloc : memref<!tpu.dma_semaphore, #tpu.memory_space<semaphore_mem>>
          %dma_start3A_102 = arith.constant 9480 : i32
          %dma_start3A_103 = arith.constant 0 : i32
          %dma_start3A_104 = tpu.memref_slice %arg8[%dma_start3A_102, %dma_start3A_103] : memref<10000x128xf32, #tpu.memory_space<hbm>> -> memref<520x128xf32, #tpu.memory_space<hbm>>
          %dma_start3A_105 = arith.constant 9480 : i32
          %dma_start3A_106 = arith.constant 0 : i32
          %dma_start3A_107 = tpu.memref_slice %arg17[%dma_start3A_105, %dma_start3A_106] : memref<10000x128xf32, #tpu.memory_space<vmem_shared>> -> memref<520x128xf32, #tpu.memory_space<vmem_shared>>
          tpu.enqueue_dma source(%dma_start3A_107 : memref<520x128xf32, #tpu.memory_space<vmem_shared>>) target(%dma_start3A_104 : memref<520x128xf32, #tpu.memory_space<hbm>>) target_semaphore(%run_scoped3A : memref<!tpu.dma_semaphore, #tpu.memory_space<semaphore_mem>>)
          %dma_wait3A_108 = arith.constant 9480 : i32
          %dma_wait3A_109 = arith.constant 0 : i32
          %dma_wait3A_110 = tpu.memref_slice %arg8[%dma_wait3A_108, %dma_wait3A_109] : memref<10000x128xf32, #tpu.memory_space<hbm>> -> memref<520x128xf32, #tpu.memory_space<hbm>>
          %dma_wait3A_111 = arith.constant 9480 : i32
          %dma_wait3A_112 = arith.constant 0 : i32
          %dma_wait3A_113 = tpu.memref_slice %arg17[%dma_wait3A_111, %dma_wait3A_112] : memref<10000x128xf32, #tpu.memory_space<vmem_shared>> -> memref<520x128xf32, #tpu.memory_space<vmem_shared>>
          tpu.wait_dma2 semaphore(%run_scoped3A : memref<!tpu.dma_semaphore, #tpu.memory_space<semaphore_mem>>) src(%dma_wait3A_113 : memref<520x128xf32, #tpu.memory_space<vmem_shared>>) dst(%dma_wait3A_110 : memref<520x128xf32, #tpu.memory_space<hbm>>)
          tpu.yield
        }) : () -> ()
      } else {
      }
    } else {
    }
    return
  }
}

module attributes {stable_mosaic.version = 14 : i64} {
  func.func @body(%arg0: i32, %arg1: memref<400x256xf32, #tpu.memory_space<vmem>>, %arg2: memref<768x256xf32, #tpu.memory_space<vmem>>, %arg3: memref<1x768xf32, #tpu.memory_space<vmem>>, %arg4: memref<400x768xf32, #tpu.memory_space<vmem>>) attributes {dimension_semantics = [#tpu.dimension_semantics<arbitrary>], iteration_bounds = array<i64: 25>, scalar_prefetch = 0 : i64, scratch_operands = 0 : i64, tpu.core_type = #tpu.core_type<tc>, window_params = [{transform_indices = @transform_0, window_bounds = array<i64: 400, 256>}, {pipeline_mode = #tpu.pipeline_mode<synchronous>, transform_indices = @transform_1, window_bounds = array<i64: 768, 256>}, {pipeline_mode = #tpu.pipeline_mode<synchronous>, transform_indices = @transform_2, window_bounds = array<i64: 1, 768>}, {transform_indices = @transform_3, window_bounds = array<i64: 400, 768>}]} {
    %get3A = arith.constant 0 : index
    %get3A_0 = arith.constant 0 : index
    %get3A_1 = vector.load %arg1[%get3A, %get3A_0] : memref<400x256xf32, #tpu.memory_space<vmem>>, vector<400x256xf32>
    %get3A_2 = arith.constant 0 : index
    %get3A_3 = arith.constant 0 : index
    %get3A_4 = vector.load %arg2[%get3A_2, %get3A_3] : memref<768x256xf32, #tpu.memory_space<vmem>>, vector<768x256xf32>
    %dot_general3A = arith.constant dense<0.000000e+00> : vector<400x768xf32>
    %dot_general3A_5 = tpu.matmul %get3A_1, %get3A_4, %dot_general3A {dimension_numbers = #tpu.dot_dimension_numbers<[1], [1], [0], [0], [0, 0, 1, 0], [], []>, transpose_lhs_hint = false} : vector<400x256xf32>, vector<768x256xf32>, vector<400x768xf32> -> vector<400x768xf32>
    %get3A_6 = arith.constant 0 : index
    %get3A_7 = arith.constant 0 : index
    %get3A_8 = vector.load %arg3[%get3A_6, %get3A_7] : memref<1x768xf32, #tpu.memory_space<vmem>>, vector<1x768xf32>
    %add3A = vector.broadcast %get3A_8 : vector<1x768xf32> to vector<400x768xf32>
    %add3A_9 = arith.addf %dot_general3A_5, %add3A : vector<400x768xf32>
    %swap3A = arith.constant 0 : index
    %swap3A_10 = arith.constant 0 : index
    %swap3A_11 = vector.load %arg4[%swap3A, %swap3A_10] : memref<400x768xf32, #tpu.memory_space<vmem>>, vector<400x768xf32>
    tpu.vector_store %arg4[%swap3A, %swap3A_10], %add3A_9 {strides = array<i32>} : memref<400x768xf32, #tpu.memory_space<vmem>>, vector<400x768xf32>,
    return
  }
  func.func @transform_0(%arg0: i32) -> (i32, i32) {
    %c0_i32 = arith.constant 0 : i32
    %c0_i32_0 = arith.constant 0 : i32
    return %arg0, %c0_i32 : i32, i32
  }
  func.func @transform_1(%arg0: i32) -> (i32, i32) {
    %c0_i32 = arith.constant 0 : i32
    %c0_i32_0 = arith.constant 0 : i32
    %c0_i32_1 = arith.constant 0 : i32
    return %c0_i32, %c0_i32_0 : i32, i32
  }
  func.func @transform_2(%arg0: i32) -> (i32, i32) {
    %c0_i32 = arith.constant 0 : i32
    %c0_i32_0 = arith.constant 0 : i32
    %c0_i32_1 = arith.constant 0 : i32
    return %c0_i32, %c0_i32_0 : i32, i32
  }
  func.func @transform_3(%arg0: i32) -> (i32, i32) {
    %c0_i32 = arith.constant 0 : i32
    %c0_i32_0 = arith.constant 0 : i32
    return %arg0, %c0_i32 : i32, i32
  }
}

module attributes {stable_mosaic.version = 14 : i64} {
  func.func @body(%arg0: i32, %arg1: memref<400x128xf32, #tpu.memory_space<vmem>>, %arg2: memref<400x128xf32, #tpu.memory_space<vmem>>, %arg3: memref<1x1x400xf32, #tpu.memory_space<vmem>>, %arg4: memref<400x256xf32, #tpu.memory_space<vmem>>, %arg5: memref<400x256xf32, #tpu.memory_space<vmem>>, %arg6: memref<400x768xf32, #tpu.memory_space<vmem>>, %arg7: memref<256x256xf32, #tpu.memory_space<vmem>>, %arg8: memref<1x256xf32, #tpu.memory_space<vmem>>, %arg9: memref<768x256xf32, #tpu.memory_space<vmem>>, %arg10: memref<1x768xf32, #tpu.memory_space<vmem>>, %arg11: memref<400x256xf32, #tpu.memory_space<vmem>>, %arg12: memref<400x128xf32, #tpu.memory_space<vmem>>, %arg13: memref<400x128xf32, #tpu.memory_space<vmem>>) attributes {dimension_semantics = [#tpu.dimension_semantics<arbitrary>], iteration_bounds = array<i64: 25>, scalar_prefetch = 0 : i64, scratch_operands = 0 : i64, tpu.core_type = #tpu.core_type<tc>, window_params = [{transform_indices = @transform_0, window_bounds = array<i64: 400, 128>}, {transform_indices = @transform_1, window_bounds = array<i64: 400, 128>}, {transform_indices = @transform_2, window_bounds = array<i64: 1, 1, 400>}, {transform_indices = @transform_3, window_bounds = array<i64: 400, 256>}, {transform_indices = @transform_4, window_bounds = array<i64: 400, 256>}, {transform_indices = @transform_5, window_bounds = array<i64: 400, 768>}, {pipeline_mode = #tpu.pipeline_mode<synchronous>, transform_indices = @transform_6, window_bounds = array<i64: 256, 256>}, {pipeline_mode = #tpu.pipeline_mode<synchronous>, transform_indices = @transform_7, window_bounds = array<i64: 1, 256>}, {pipeline_mode = #tpu.pipeline_mode<synchronous>, transform_indices = @transform_8, window_bounds = array<i64: 768, 256>}, {pipeline_mode = #tpu.pipeline_mode<synchronous>, transform_indices = @transform_9, window_bounds = array<i64: 1, 768>}, {transform_indices = @transform_10, window_bounds = array<i64: 400, 256>}, {transform_indices = @transform_11, window_bounds = array<i64: 400, 128>}, {transform_indices = @transform_12, window_bounds = array<i64: 400, 128>}]} {
    %get3A = arith.constant 0 : index
    %get3A_0 = arith.constant 0 : index
    %get3A_1 = vector.load %arg1[%get3A, %get3A_0] : memref<400x128xf32, #tpu.memory_space<vmem>>, vector<400x128xf32>
    %get3A_2 = arith.constant 0 : index
    %get3A_3 = arith.constant 0 : index
    %get3A_4 = vector.load %arg2[%get3A_2, %get3A_3] : memref<400x128xf32, #tpu.memory_space<vmem>>, vector<400x128xf32>
    %concatenate3A = tpu.concatenate %get3A_1, %get3A_4 in 1 : vector<400x128xf32>, vector<400x128xf32> -> vector<400x256xf32>
    %get3A_5 = arith.constant 0 : index
    %get3A_6 = arith.constant 0 : index
    %get3A_7 = arith.constant 0 : index
    %get3A_8 = vector.load %arg3[%get3A_5, %get3A_6, %get3A_7] : memref<1x1x400xf32, #tpu.memory_space<vmem>>, vector<1x1x400xf32>
    %squeeze3A = vector.shape_cast %get3A_8 : vector<1x1x400xf32> to vector<1x400xf32>
    %transpose3A = tpu.transpose %squeeze3A, [1, 0] : vector<1x400xf32> -> vector<400x1xf32>
    %max3A = arith.constant 1.000000e+00 : f32
    %max3A_9 = vector.broadcast %max3A : f32 to vector<400x1xf32>
    %max3A_10 = arith.maximumf %transpose3A, %max3A_9 : vector<400x1xf32>
    %div3A = vector.broadcast %max3A_10 : vector<400x1xf32> to vector<400x256xf32>
    %div3A_11 = arith.divf %concatenate3A, %div3A : vector<400x256xf32>
    %get3A_12 = arith.constant 0 : index
    %get3A_13 = arith.constant 0 : index
    %get3A_14 = vector.load %arg7[%get3A_12, %get3A_13] : memref<256x256xf32, #tpu.memory_space<vmem>>, vector<256x256xf32>
    %dot_general3A = arith.constant dense<0.000000e+00> : vector<400x256xf32>
    %dot_general3A_15 = tpu.matmul %div3A_11, %get3A_14, %dot_general3A {dimension_numbers = #tpu.dot_dimension_numbers<[1], [1], [0], [0], [0, 0, 1, 0], [], []>, transpose_lhs_hint = false} : vector<400x256xf32>, vector<256x256xf32>, vector<400x256xf32> -> vector<400x256xf32>
    %get3A_16 = arith.constant 0 : index
    %get3A_17 = arith.constant 0 : index
    %get3A_18 = vector.load %arg8[%get3A_16, %get3A_17] : memref<1x256xf32, #tpu.memory_space<vmem>>, vector<1x256xf32>
    %add3A = vector.broadcast %get3A_18 : vector<1x256xf32> to vector<400x256xf32>
    %add3A_19 = arith.addf %dot_general3A_15, %add3A : vector<400x256xf32>
    %get3A_20 = arith.constant 0 : index
    %get3A_21 = arith.constant 0 : index
    %get3A_22 = vector.load %arg4[%get3A_20, %get3A_21] : memref<400x256xf32, #tpu.memory_space<vmem>>, vector<400x256xf32>
    %add3A_23 = arith.addf %get3A_22, %add3A_19 : vector<400x256xf32>
    %get3A_24 = arith.constant 0 : index
    %get3A_25 = arith.constant 0 : index
    %get3A_26 = vector.load %arg9[%get3A_24, %get3A_25] : memref<768x256xf32, #tpu.memory_space<vmem>>, vector<768x256xf32>
    %dot_general3A_27 = arith.constant dense<0.000000e+00> : vector<400x768xf32>
    %dot_general3A_28 = tpu.matmul %add3A_23, %get3A_26, %dot_general3A_27 {dimension_numbers = #tpu.dot_dimension_numbers<[1], [1], [0], [0], [0, 0, 1, 0], [], []>, transpose_lhs_hint = false} : vector<400x256xf32>, vector<768x256xf32>, vector<400x768xf32> -> vector<400x768xf32>
    %get3A_29 = arith.constant 0 : index
    %get3A_30 = arith.constant 0 : index
    %get3A_31 = vector.load %arg10[%get3A_29, %get3A_30] : memref<1x768xf32, #tpu.memory_space<vmem>>, vector<1x768xf32>
    %add3A_32 = vector.broadcast %get3A_31 : vector<1x768xf32> to vector<400x768xf32>
    %add3A_33 = arith.addf %dot_general3A_28, %add3A_32 : vector<400x768xf32>
    %get3A_34 = arith.constant 0 : index
    %get3A_35 = arith.constant 0 : index
    %get3A_36 = vector.load %arg6[%get3A_34, %get3A_35] : memref<400x768xf32, #tpu.memory_space<vmem>>, vector<400x768xf32>
    %slice3A = vector.extract_strided_slice %add3A_33 {offsets = [0, 0], sizes = [400, 256], strides = [1, 1]} : vector<400x768xf32> to vector<400x256xf32>
    %slice3A_37 = vector.extract_strided_slice %get3A_36 {offsets = [0, 0], sizes = [400, 256], strides = [1, 1]} : vector<400x768xf32> to vector<400x256xf32>
    %add3A_38 = arith.addf %slice3A, %slice3A_37 : vector<400x256xf32>
    %logistic3A = arith.negf %add3A_38 : vector<400x256xf32>
    %logistic3A_39 = math.exp %logistic3A : vector<400x256xf32>
    %logistic3A_40 = arith.constant 1.000000e+00 : f32
    %logistic3A_41 = vector.broadcast %logistic3A_40 : f32 to vector<400x256xf32>
    %logistic3A_42 = arith.addf %logistic3A_41, %logistic3A_39 : vector<400x256xf32>
    %logistic3A_43 = arith.divf %logistic3A_41, %logistic3A_42 : vector<400x256xf32>
    %slice3A_44 = vector.extract_strided_slice %add3A_33 {offsets = [0, 256], sizes = [400, 256], strides = [1, 1]} : vector<400x768xf32> to vector<400x256xf32>
    %slice3A_45 = vector.extract_strided_slice %get3A_36 {offsets = [0, 256], sizes = [400, 256], strides = [1, 1]} : vector<400x768xf32> to vector<400x256xf32>
    %add3A_46 = arith.addf %slice3A_44, %slice3A_45 : vector<400x256xf32>
    %logistic3A_47 = arith.negf %add3A_46 : vector<400x256xf32>
    %logistic3A_48 = math.exp %logistic3A_47 : vector<400x256xf32>
    %logistic3A_49 = arith.constant 1.000000e+00 : f32
    %logistic3A_50 = vector.broadcast %logistic3A_49 : f32 to vector<400x256xf32>
    %logistic3A_51 = arith.addf %logistic3A_50, %logistic3A_48 : vector<400x256xf32>
    %logistic3A_52 = arith.divf %logistic3A_50, %logistic3A_51 : vector<400x256xf32>
    %slice3A_53 = vector.extract_strided_slice %add3A_33 {offsets = [0, 512], sizes = [400, 256], strides = [1, 1]} : vector<400x768xf32> to vector<400x256xf32>
    %slice3A_54 = vector.extract_strided_slice %get3A_36 {offsets = [0, 512], sizes = [400, 256], strides = [1, 1]} : vector<400x768xf32> to vector<400x256xf32>
    %mul3A = arith.mulf %logistic3A_43, %slice3A_54 : vector<400x256xf32>
    %add3A_55 = arith.addf %slice3A_53, %mul3A : vector<400x256xf32>
    %tanh3A = math.tanh %add3A_55 : vector<400x256xf32>
    %sub3A = arith.constant 1.000000e+00 : f32
    %sub3A_56 = vector.broadcast %sub3A : f32 to vector<400x256xf32>
    %sub3A_57 = arith.subf %sub3A_56, %logistic3A_52 : vector<400x256xf32>
    %mul3A_58 = arith.mulf %sub3A_57, %tanh3A : vector<400x256xf32>
    %get3A_59 = arith.constant 0 : index
    %get3A_60 = arith.constant 0 : index
    %get3A_61 = vector.load %arg5[%get3A_59, %get3A_60] : memref<400x256xf32, #tpu.memory_space<vmem>>, vector<400x256xf32>
    %mul3A_62 = arith.mulf %logistic3A_52, %get3A_61 : vector<400x256xf32>
    %add3A_63 = arith.addf %mul3A_58, %mul3A_62 : vector<400x256xf32>
    %swap3A = arith.constant 0 : index
    %swap3A_64 = arith.constant 0 : index
    %swap3A_65 = vector.load %arg11[%swap3A, %swap3A_64] : memref<400x256xf32, #tpu.memory_space<vmem>>, vector<400x256xf32>
    tpu.vector_store %arg11[%swap3A, %swap3A_64], %add3A_63 {strides = array<i32>} : memref<400x256xf32, #tpu.memory_space<vmem>>, vector<400x256xf32>,
    %slice3A_66 = vector.extract_strided_slice %add3A_63 {offsets = [0, 0], sizes = [400, 128], strides = [1, 1]} : vector<400x256xf32> to vector<400x128xf32>
    %swap3A_67 = arith.constant 0 : index
    %swap3A_68 = arith.constant 0 : index
    %swap3A_69 = vector.load %arg12[%swap3A_67, %swap3A_68] : memref<400x128xf32, #tpu.memory_space<vmem>>, vector<400x128xf32>
    tpu.vector_store %arg12[%swap3A_67, %swap3A_68], %slice3A_66 {strides = array<i32>} : memref<400x128xf32, #tpu.memory_space<vmem>>, vector<400x128xf32>,
    %slice3A_70 = vector.extract_strided_slice %add3A_63 {offsets = [0, 128], sizes = [400, 128], strides = [1, 1]} : vector<400x256xf32> to vector<400x128xf32>
    %swap3A_71 = arith.constant 0 : index
    %swap3A_72 = arith.constant 0 : index
    %swap3A_73 = vector.load %arg13[%swap3A_71, %swap3A_72] : memref<400x128xf32, #tpu.memory_space<vmem>>, vector<400x128xf32>
    tpu.vector_store %arg13[%swap3A_71, %swap3A_72], %slice3A_70 {strides = array<i32>} : memref<400x128xf32, #tpu.memory_space<vmem>>, vector<400x128xf32>,
    return
  }
  func.func @transform_0(%arg0: i32) -> (i32, i32) {
    %c0_i32 = arith.constant 0 : i32
    %c0_i32_0 = arith.constant 0 : i32
    return %arg0, %c0_i32 : i32, i32
  }
  func.func @transform_1(%arg0: i32) -> (i32, i32) {
    %c0_i32 = arith.constant 0 : i32
    %c0_i32_0 = arith.constant 0 : i32
    return %arg0, %c0_i32 : i32, i32
  }
  func.func @transform_2(%arg0: i32) -> (i32, i32, i32) {
    %c0_i32 = arith.constant 0 : i32
    %c0_i32_0 = arith.constant 0 : i32
    %c0_i32_1 = arith.constant 0 : i32
    return %arg0, %c0_i32, %c0_i32_0 : i32, i32, i32
  }
  func.func @transform_3(%arg0: i32) -> (i32, i32) {
    %c0_i32 = arith.constant 0 : i32
    %c0_i32_0 = arith.constant 0 : i32
    return %arg0, %c0_i32 : i32, i32
  }
  func.func @transform_4(%arg0: i32) -> (i32, i32) {
    %c0_i32 = arith.constant 0 : i32
    %c0_i32_0 = arith.constant 0 : i32
    return %arg0, %c0_i32 : i32, i32
  }
  func.func @transform_5(%arg0: i32) -> (i32, i32) {
    %c0_i32 = arith.constant 0 : i32
    %c0_i32_0 = arith.constant 0 : i32
    return %arg0, %c0_i32 : i32, i32
  }
  func.func @transform_6(%arg0: i32) -> (i32, i32) {
    %c0_i32 = arith.constant 0 : i32
    %c0_i32_0 = arith.constant 0 : i32
    %c0_i32_1 = arith.constant 0 : i32
    return %c0_i32, %c0_i32_0 : i32, i32
  }
  func.func @transform_7(%arg0: i32) -> (i32, i32) {
    %c0_i32 = arith.constant 0 : i32
    %c0_i32_0 = arith.constant 0 : i32
    %c0_i32_1 = arith.constant 0 : i32
    return %c0_i32, %c0_i32_0 : i32, i32
  }
  func.func @transform_8(%arg0: i32) -> (i32, i32) {
    %c0_i32 = arith.constant 0 : i32
    %c0_i32_0 = arith.constant 0 : i32
    %c0_i32_1 = arith.constant 0 : i32
    return %c0_i32, %c0_i32_0 : i32, i32
  }
  func.func @transform_9(%arg0: i32) -> (i32, i32) {
    %c0_i32 = arith.constant 0 : i32
    %c0_i32_0 = arith.constant 0 : i32
    %c0_i32_1 = arith.constant 0 : i32
    return %c0_i32, %c0_i32_0 : i32, i32
  }
  func.func @transform_10(%arg0: i32) -> (i32, i32) {
    %c0_i32 = arith.constant 0 : i32
    %c0_i32_0 = arith.constant 0 : i32
    return %arg0, %c0_i32 : i32, i32
  }
  func.func @transform_11(%arg0: i32) -> (i32, i32) {
    %c0_i32 = arith.constant 0 : i32
    %c0_i32_0 = arith.constant 0 : i32
    return %arg0, %c0_i32 : i32, i32
  }
  func.func @transform_12(%arg0: i32) -> (i32, i32) {
    %c0_i32 = arith.constant 0 : i32
    %c0_i32_0 = arith.constant 0 : i32
    return %arg0, %c0_i32 : i32, i32
  }
}

module attributes {stable_mosaic.version = 14 : i64} {
  func.func @body(%arg0: i32, %arg1: memref<400x128xf32, #tpu.memory_space<vmem>>, %arg2: memref<400x128xf32, #tpu.memory_space<vmem>>, %arg3: memref<1x1x400xf32, #tpu.memory_space<vmem>>, %arg4: memref<400x256xf32, #tpu.memory_space<vmem>>, %arg5: memref<400x256xf32, #tpu.memory_space<vmem>>, %arg6: memref<400x768xf32, #tpu.memory_space<vmem>>, %arg7: memref<256x256xf32, #tpu.memory_space<vmem>>, %arg8: memref<1x256xf32, #tpu.memory_space<vmem>>, %arg9: memref<768x256xf32, #tpu.memory_space<vmem>>, %arg10: memref<1x768xf32, #tpu.memory_space<vmem>>, %arg11: memref<400x256xf32, #tpu.memory_space<vmem>>, %arg12: memref<400x128xf32, #tpu.memory_space<vmem>>, %arg13: memref<400x128xf32, #tpu.memory_space<vmem>>) attributes {dimension_semantics = [#tpu.dimension_semantics<arbitrary>], iteration_bounds = array<i64: 25>, scalar_prefetch = 0 : i64, scratch_operands = 0 : i64, tpu.core_type = #tpu.core_type<tc>, window_params = [{transform_indices = @transform_0, window_bounds = array<i64: 400, 128>}, {transform_indices = @transform_1, window_bounds = array<i64: 400, 128>}, {transform_indices = @transform_2, window_bounds = array<i64: 1, 1, 400>}, {transform_indices = @transform_3, window_bounds = array<i64: 400, 256>}, {transform_indices = @transform_4, window_bounds = array<i64: 400, 256>}, {transform_indices = @transform_5, window_bounds = array<i64: 400, 768>}, {pipeline_mode = #tpu.pipeline_mode<synchronous>, transform_indices = @transform_6, window_bounds = array<i64: 256, 256>}, {pipeline_mode = #tpu.pipeline_mode<synchronous>, transform_indices = @transform_7, window_bounds = array<i64: 1, 256>}, {pipeline_mode = #tpu.pipeline_mode<synchronous>, transform_indices = @transform_8, window_bounds = array<i64: 768, 256>}, {pipeline_mode = #tpu.pipeline_mode<synchronous>, transform_indices = @transform_9, window_bounds = array<i64: 1, 768>}, {transform_indices = @transform_10, window_bounds = array<i64: 400, 256>}, {transform_indices = @transform_11, window_bounds = array<i64: 400, 128>}, {transform_indices = @transform_12, window_bounds = array<i64: 400, 128>}]} {
    %get3A = arith.constant 0 : index
    %get3A_0 = arith.constant 0 : index
    %get3A_1 = vector.load %arg1[%get3A, %get3A_0] : memref<400x128xf32, #tpu.memory_space<vmem>>, vector<400x128xf32>
    %get3A_2 = arith.constant 0 : index
    %get3A_3 = arith.constant 0 : index
    %get3A_4 = vector.load %arg2[%get3A_2, %get3A_3] : memref<400x128xf32, #tpu.memory_space<vmem>>, vector<400x128xf32>
    %concatenate3A = tpu.concatenate %get3A_1, %get3A_4 in 1 : vector<400x128xf32>, vector<400x128xf32> -> vector<400x256xf32>
    %get3A_5 = arith.constant 0 : index
    %get3A_6 = arith.constant 0 : index
    %get3A_7 = arith.constant 0 : index
    %get3A_8 = vector.load %arg3[%get3A_5, %get3A_6, %get3A_7] : memref<1x1x400xf32, #tpu.memory_space<vmem>>, vector<1x1x400xf32>
    %squeeze3A = vector.shape_cast %get3A_8 : vector<1x1x400xf32> to vector<1x400xf32>
    %transpose3A = tpu.transpose %squeeze3A, [1, 0] : vector<1x400xf32> -> vector<400x1xf32>
    %max3A = arith.constant 1.000000e+00 : f32
    %max3A_9 = vector.broadcast %max3A : f32 to vector<400x1xf32>
    %max3A_10 = arith.maximumf %transpose3A, %max3A_9 : vector<400x1xf32>
    %div3A = vector.broadcast %max3A_10 : vector<400x1xf32> to vector<400x256xf32>
    %div3A_11 = arith.divf %concatenate3A, %div3A : vector<400x256xf32>
    %get3A_12 = arith.constant 0 : index
    %get3A_13 = arith.constant 0 : index
    %get3A_14 = vector.load %arg7[%get3A_12, %get3A_13] : memref<256x256xf32, #tpu.memory_space<vmem>>, vector<256x256xf32>
    %dot_general3A = arith.constant dense<0.000000e+00> : vector<400x256xf32>
    %dot_general3A_15 = tpu.matmul %div3A_11, %get3A_14, %dot_general3A {dimension_numbers = #tpu.dot_dimension_numbers<[1], [1], [0], [0], [0, 0, 1, 0], [], []>, transpose_lhs_hint = false} : vector<400x256xf32>, vector<256x256xf32>, vector<400x256xf32> -> vector<400x256xf32>
    %get3A_16 = arith.constant 0 : index
    %get3A_17 = arith.constant 0 : index
    %get3A_18 = vector.load %arg8[%get3A_16, %get3A_17] : memref<1x256xf32, #tpu.memory_space<vmem>>, vector<1x256xf32>
    %add3A = vector.broadcast %get3A_18 : vector<1x256xf32> to vector<400x256xf32>
    %add3A_19 = arith.addf %dot_general3A_15, %add3A : vector<400x256xf32>
    %get3A_20 = arith.constant 0 : index
    %get3A_21 = arith.constant 0 : index
    %get3A_22 = vector.load %arg4[%get3A_20, %get3A_21] : memref<400x256xf32, #tpu.memory_space<vmem>>, vector<400x256xf32>
    %add3A_23 = arith.addf %get3A_22, %add3A_19 : vector<400x256xf32>
    %get3A_24 = arith.constant 0 : index
    %get3A_25 = arith.constant 0 : index
    %get3A_26 = vector.load %arg9[%get3A_24, %get3A_25] : memref<768x256xf32, #tpu.memory_space<vmem>>, vector<768x256xf32>
    %dot_general3A_27 = arith.constant dense<0.000000e+00> : vector<400x768xf32>
    %dot_general3A_28 = tpu.matmul %add3A_23, %get3A_26, %dot_general3A_27 {dimension_numbers = #tpu.dot_dimension_numbers<[1], [1], [0], [0], [0, 0, 1, 0], [], []>, transpose_lhs_hint = false} : vector<400x256xf32>, vector<768x256xf32>, vector<400x768xf32> -> vector<400x768xf32>
    %get3A_29 = arith.constant 0 : index
    %get3A_30 = arith.constant 0 : index
    %get3A_31 = vector.load %arg10[%get3A_29, %get3A_30] : memref<1x768xf32, #tpu.memory_space<vmem>>, vector<1x768xf32>
    %add3A_32 = vector.broadcast %get3A_31 : vector<1x768xf32> to vector<400x768xf32>
    %add3A_33 = arith.addf %dot_general3A_28, %add3A_32 : vector<400x768xf32>
    %get3A_34 = arith.constant 0 : index
    %get3A_35 = arith.constant 0 : index
    %get3A_36 = vector.load %arg6[%get3A_34, %get3A_35] : memref<400x768xf32, #tpu.memory_space<vmem>>, vector<400x768xf32>
    %slice3A = vector.extract_strided_slice %add3A_33 {offsets = [0, 0], sizes = [400, 256], strides = [1, 1]} : vector<400x768xf32> to vector<400x256xf32>
    %slice3A_37 = vector.extract_strided_slice %get3A_36 {offsets = [0, 0], sizes = [400, 256], strides = [1, 1]} : vector<400x768xf32> to vector<400x256xf32>
    %add3A_38 = arith.addf %slice3A, %slice3A_37 : vector<400x256xf32>
    %logistic3A = arith.negf %add3A_38 : vector<400x256xf32>
    %logistic3A_39 = math.exp %logistic3A : vector<400x256xf32>
    %logistic3A_40 = arith.constant 1.000000e+00 : f32
    %logistic3A_41 = vector.broadcast %logistic3A_40 : f32 to vector<400x256xf32>
    %logistic3A_42 = arith.addf %logistic3A_41, %logistic3A_39 : vector<400x256xf32>
    %logistic3A_43 = arith.divf %logistic3A_41, %logistic3A_42 : vector<400x256xf32>
    %slice3A_44 = vector.extract_strided_slice %add3A_33 {offsets = [0, 256], sizes = [400, 256], strides = [1, 1]} : vector<400x768xf32> to vector<400x256xf32>
    %slice3A_45 = vector.extract_strided_slice %get3A_36 {offsets = [0, 256], sizes = [400, 256], strides = [1, 1]} : vector<400x768xf32> to vector<400x256xf32>
    %add3A_46 = arith.addf %slice3A_44, %slice3A_45 : vector<400x256xf32>
    %logistic3A_47 = arith.negf %add3A_46 : vector<400x256xf32>
    %logistic3A_48 = math.exp %logistic3A_47 : vector<400x256xf32>
    %logistic3A_49 = arith.constant 1.000000e+00 : f32
    %logistic3A_50 = vector.broadcast %logistic3A_49 : f32 to vector<400x256xf32>
    %logistic3A_51 = arith.addf %logistic3A_50, %logistic3A_48 : vector<400x256xf32>
    %logistic3A_52 = arith.divf %logistic3A_50, %logistic3A_51 : vector<400x256xf32>
    %slice3A_53 = vector.extract_strided_slice %add3A_33 {offsets = [0, 512], sizes = [400, 256], strides = [1, 1]} : vector<400x768xf32> to vector<400x256xf32>
    %slice3A_54 = vector.extract_strided_slice %get3A_36 {offsets = [0, 512], sizes = [400, 256], strides = [1, 1]} : vector<400x768xf32> to vector<400x256xf32>
    %mul3A = arith.mulf %logistic3A_43, %slice3A_54 : vector<400x256xf32>
    %add3A_55 = arith.addf %slice3A_53, %mul3A : vector<400x256xf32>
    %tanh3A = math.tanh %add3A_55 : vector<400x256xf32>
    %sub3A = arith.constant 1.000000e+00 : f32
    %sub3A_56 = vector.broadcast %sub3A : f32 to vector<400x256xf32>
    %sub3A_57 = arith.subf %sub3A_56, %logistic3A_52 : vector<400x256xf32>
    %mul3A_58 = arith.mulf %sub3A_57, %tanh3A : vector<400x256xf32>
    %get3A_59 = arith.constant 0 : index
    %get3A_60 = arith.constant 0 : index
    %get3A_61 = vector.load %arg5[%get3A_59, %get3A_60] : memref<400x256xf32, #tpu.memory_space<vmem>>, vector<400x256xf32>
    %mul3A_62 = arith.mulf %logistic3A_52, %get3A_61 : vector<400x256xf32>
    %add3A_63 = arith.addf %mul3A_58, %mul3A_62 : vector<400x256xf32>
    %swap3A = arith.constant 0 : index
    %swap3A_64 = arith.constant 0 : index
    %swap3A_65 = vector.load %arg11[%swap3A, %swap3A_64] : memref<400x256xf32, #tpu.memory_space<vmem>>, vector<400x256xf32>
    tpu.vector_store %arg11[%swap3A, %swap3A_64], %add3A_63 {strides = array<i32>} : memref<400x256xf32, #tpu.memory_space<vmem>>, vector<400x256xf32>,
    %slice3A_66 = vector.extract_strided_slice %add3A_63 {offsets = [0, 0], sizes = [400, 128], strides = [1, 1]} : vector<400x256xf32> to vector<400x128xf32>
    %swap3A_67 = arith.constant 0 : index
    %swap3A_68 = arith.constant 0 : index
    %swap3A_69 = vector.load %arg12[%swap3A_67, %swap3A_68] : memref<400x128xf32, #tpu.memory_space<vmem>>, vector<400x128xf32>
    tpu.vector_store %arg12[%swap3A_67, %swap3A_68], %slice3A_66 {strides = array<i32>} : memref<400x128xf32, #tpu.memory_space<vmem>>, vector<400x128xf32>,
    %slice3A_70 = vector.extract_strided_slice %add3A_63 {offsets = [0, 128], sizes = [400, 128], strides = [1, 1]} : vector<400x256xf32> to vector<400x128xf32>
    %swap3A_71 = arith.constant 0 : index
    %swap3A_72 = arith.constant 0 : index
    %swap3A_73 = vector.load %arg13[%swap3A_71, %swap3A_72] : memref<400x128xf32, #tpu.memory_space<vmem>>, vector<400x128xf32>
    tpu.vector_store %arg13[%swap3A_71, %swap3A_72], %slice3A_70 {strides = array<i32>} : memref<400x128xf32, #tpu.memory_space<vmem>>, vector<400x128xf32>,
    return
  }
  func.func @transform_0(%arg0: i32) -> (i32, i32) {
    %c0_i32 = arith.constant 0 : i32
    %c0_i32_0 = arith.constant 0 : i32
    return %arg0, %c0_i32 : i32, i32
  }
  func.func @transform_1(%arg0: i32) -> (i32, i32) {
    %c0_i32 = arith.constant 0 : i32
    %c0_i32_0 = arith.constant 0 : i32
    return %arg0, %c0_i32 : i32, i32
  }
  func.func @transform_2(%arg0: i32) -> (i32, i32, i32) {
    %c0_i32 = arith.constant 0 : i32
    %c0_i32_0 = arith.constant 0 : i32
    %c0_i32_1 = arith.constant 0 : i32
    return %arg0, %c0_i32, %c0_i32_0 : i32, i32, i32
  }
  func.func @transform_3(%arg0: i32) -> (i32, i32) {
    %c0_i32 = arith.constant 0 : i32
    %c0_i32_0 = arith.constant 0 : i32
    return %arg0, %c0_i32 : i32, i32
  }
  func.func @transform_4(%arg0: i32) -> (i32, i32) {
    %c0_i32 = arith.constant 0 : i32
    %c0_i32_0 = arith.constant 0 : i32
    return %arg0, %c0_i32 : i32, i32
  }
  func.func @transform_5(%arg0: i32) -> (i32, i32) {
    %c0_i32 = arith.constant 0 : i32
    %c0_i32_0 = arith.constant 0 : i32
    return %arg0, %c0_i32 : i32, i32
  }
  func.func @transform_6(%arg0: i32) -> (i32, i32) {
    %c0_i32 = arith.constant 0 : i32
    %c0_i32_0 = arith.constant 0 : i32
    %c0_i32_1 = arith.constant 0 : i32
    return %c0_i32, %c0_i32_0 : i32, i32
  }
  func.func @transform_7(%arg0: i32) -> (i32, i32) {
    %c0_i32 = arith.constant 0 : i32
    %c0_i32_0 = arith.constant 0 : i32
    %c0_i32_1 = arith.constant 0 : i32
    return %c0_i32, %c0_i32_0 : i32, i32
  }
  func.func @transform_8(%arg0: i32) -> (i32, i32) {
    %c0_i32 = arith.constant 0 : i32
    %c0_i32_0 = arith.constant 0 : i32
    %c0_i32_1 = arith.constant 0 : i32
    return %c0_i32, %c0_i32_0 : i32, i32
  }
  func.func @transform_9(%arg0: i32) -> (i32, i32) {
    %c0_i32 = arith.constant 0 : i32
    %c0_i32_0 = arith.constant 0 : i32
    %c0_i32_1 = arith.constant 0 : i32
    return %c0_i32, %c0_i32_0 : i32, i32
  }
  func.func @transform_10(%arg0: i32) -> (i32, i32) {
    %c0_i32 = arith.constant 0 : i32
    %c0_i32_0 = arith.constant 0 : i32
    return %arg0, %c0_i32 : i32, i32
  }
  func.func @transform_11(%arg0: i32) -> (i32, i32) {
    %c0_i32 = arith.constant 0 : i32
    %c0_i32_0 = arith.constant 0 : i32
    return %arg0, %c0_i32 : i32, i32
  }
  func.func @transform_12(%arg0: i32) -> (i32, i32) {
    %c0_i32 = arith.constant 0 : i32
    %c0_i32_0 = arith.constant 0 : i32
    return %arg0, %c0_i32 : i32, i32
  }
}

</mosaic_0001>

<sc_bundles>
// kernel: kernel.12.cloned.1.call-start
scs
__scs_entry_jumppad:
0x0: {  	(pc) =	sbr.rel $0x88, $3  }
0x1: {  	(tag) =	ssettag $0x0;
	lr =	simm.s32 $0x1  }
0x2: {  	[smem:$0x3F98] =	sst lr;
	_ =	strace $0xD0000000  }
0x3: {  	_ = 	snop  }
0x4: {  	_ = 	snop  }
0x5: {  	_ = 	snop  }
0x6: {  	_ = 	snop  }
0x7: {  	_ = 	snop  }
__scs_overlays_trampoline_lowered:
0x8: {  	[smem:$0x3FA7] =	sst s0  }
0x9: {  	[smem:$0x3FA8] =	sst s1  }
0xa: {  	[smem:$0x3FA9] =	sst s2  }
0xb: {  	[smem:$0x3FAA] =	sst s3  }
0xc: {  	[smem:$0x3FAB] =	sst s4  }
0xd: {  	[smem:$0x3FAC] =	sst s5  }
0xe: {  	[smem:$0x3FAD] =	sst s6  }
0xf: {  	[smem:$0x3FAE] =	sst s7  }
0x10: {  	[smem:$0x3FAF] =	sst s8  }
0x11: {  	[smem:$0x3FB0] =	sst s9;
	s0 =	simm.s32 @!p0 $0x0  }
0x12: {  	s1 =	sld [smem:$0x3F96];
	s0 =	simm.s32 @p0 $0x1  }
0x13: {  	[smem:$0x3FB1] =	sst s0;
	s0 =	simm.s32 @!p1 $0x0  }
0x14: {  	s2 =	sld [smem:$0x3F95];
	s0 =	simm.s32 @p1 $0x1  }
0x15: {  	[smem:$0x3FB2] =	sst s0;
	s0 =	simm.s32 @!p2 $0x0  }
0x16: {  	s3 =	sld [smem:$0x3FDB];
	s0 =	simm.s32 @p2 $0x1  }
0x17: {  	s4 =	simm.s32 $0x1BF5;
	[smem:$0x3FB4] =	sst s0  }
0x18: {  	s0 =	sld [smem:$0x3F97];
	_ =	swait.ge [sflag:s4], $0x0  }
0x19: {  	s7 =	sld [smem:$0x3F98]  }
0x1a: {  	s8 =	sadd.s32 $0xFFFFE003, lr  }
0x1b: {  	s9 =	sadd.s32 $0xFFFFFEF7, lr;
	s5 =	simm.s32 $0xFFFFFFFF;
	p2 =	slt.u32 s8, $0xFFFFF086  }
0x1c: {  	p1 =	slt.u32 s9, $0xF7A;
	s5 =	simm.s32 @!p2 $0x0  }
0x1d: {  	s5 =	simm.s32 @p1 $0x1;
	p0 =	seq.s32 s7, s2  }
0x1e: {  	s7 =	smul.u32 @!p0 $0xF7A, s2;
	p2 =	seq.s32 @!p0 s5, $0x0  }
0x1f: {  	s9 =	smul.u32 $0xF7A, s1;
	s8 =	simm.s32 @!p0 $0x1BF5;
	p2 =	por !p2, p0  }
0x20: {  	[sflag:s8] =	ssyncset.s32 @!p0 $0xFFFFF086;
	s6 =	sadd.s32 @!p0 s3, s7;
	s7 =	simm.s32 @!p0 $0x108  }
0x21: {  	s3 =	sadd.s32 s3, s9;
	s6 =	sadd.s32 @!p0 $0x88, s6;
	s7 =	simm.s32 @p2 $0x1082  }
0x22: {  	[simem:s7], [sflag:s8] =	dma.local @!p0 [hbm:s6], $0xF7A  }
0x23: {  	s9 =	sor.u32 $0xD0000000, s2;
	s6 =	simm.s32 $0x108;
	_ =	swait.ge @!p0 [sflag:s8], $0x0  }
0x24: {  	s3 =	sadd.s32 $0x88, s3;
	s6 =	simm.s32 @!p1 $0x1082;
	[sflag:s4] =	ssyncset.s32 $0xFFFFF086  }
0x25: {  	[simem:s6], [sflag:s4] =	dma.local [hbm:s3], $0xF7A  }
0x26: {  	[smem:$0x3F98] =	sst s1;
	(tag) =	ssettag s2;
	_ =	strace s9  }
0x27: {  	s1 =	sld [smem:$0x3FA8]  }
0x28: {  	s2 =	sld [smem:$0x3FA9]  }
0x29: {  	s4 =	sld [smem:$0x3FAB]  }
0x2a: {  	p0 =	seq.s32 s5, $0x0;
	s5 =	sld [smem:$0x3FAC]  }
0x2b: {  	s6 =	sld [smem:$0x3FAD]  }
0x2c: {  	s7 =	sld [smem:$0x3FAE]  }
0x2d: {  	s3 =	simm.s32 $0x108;
	s8 =	sld [smem:$0x3FAF]  }
0x2e: {  	s3 =	simm.s32 @!p0 $0x1082;
	s9 =	sld [smem:$0x3FB0]  }
0x2f: {  	lr =	sadd.s32 s0, s3;
	s0 =	sld [smem:$0x3FA7]  }
0x30: {  	s3 =	sld [smem:$0x3FAA]  }
0x31: {  	[smem:$0x3FB3] =	sst s10  }
0x32: {  	s10 =	sld [smem:$0x3FB1];
	_ =	sdelay $0x3  }
0x33: {  	p0 =	seq.s32 s10, $0x1;
	s10 =	sld [smem:$0x3FB3];
	_ =	sdelay $0x3  }
0x34: {  	[smem:$0x3FB3] =	sst s10  }
0x35: {  	s10 =	sld [smem:$0x3FB2];
	_ =	sdelay $0x3  }
0x36: {  	p1 =	seq.s32 s10, $0x1;
	s10 =	sld [smem:$0x3FB3];
	_ =	sdelay $0x3  }
0x37: {  	[smem:$0x3FB3] =	sst s10  }
0x38: {  	s10 =	sld [smem:$0x3FB4]  }
0x39: {  	_ = 	snop;
	(pc) =	sbr.ind lr, $3  }
0x3a: {  	_ = 	snop  }
0x3b: {  	_ = 	snop  }
0x3c: {  	p2 =	seq.s32 s10, $0x1;
	s10 =	sld [smem:$0x3FB3]  }
0x3d: {  	_ =	shalt  }
0x3e: {  	_ =	shalt  }
0x3f: {  	_ =	shalt  }
0x40: {  	_ =	shalt  }
0x41: {  	_ =	shalt  }
0x42: {  	_ =	shalt  }
0x43: {  	_ =	shalt  }
0x44: {  	_ =	shalt  }
0x45: {  	_ =	shalt  }
0x46: {  	_ =	shalt  }
0x47: {  	_ =	shalt  }
0x48: {  	_ =	shalt  }
0x49: {  	_ =	shalt  }
0x4a: {  	_ =	shalt  }
0x4b: {  	_ =	shalt  }
0x4c: {  	_ =	shalt  }
0x4d: {  	_ =	shalt  }
0x4e: {  	_ =	shalt  }
0x4f: {  	_ =	shalt  }
0x50: {  	_ =	shalt  }
0x51: {  	_ =	shalt  }
0x52: {  	_ =	shalt  }
0x53: {  	_ =	shalt  }
0x54: {  	_ =	shalt  }
0x55: {  	_ =	shalt  }
0x56: {  	_ =	shalt  }
0x57: {  	_ =	shalt  }
0x58: {  	_ =	shalt  }
0x59: {  	_ =	shalt  }
0x5a: {  	_ =	shalt  }
0x5b: {  	_ =	shalt  }
0x5c: {  	_ =	shalt  }
0x5d: {  	_ =	shalt  }
0x5e: {  	_ =	shalt  }
0x5f: {  	_ =	shalt  }
0x60: {  	_ =	shalt  }
0x61: {  	_ =	shalt  }
0x62: {  	_ =	shalt  }
0x63: {  	_ =	shalt  }
0x64: {  	_ =	shalt  }
0x65: {  	_ =	shalt  }
0x66: {  	_ =	shalt  }
0x67: {  	_ =	shalt  }
0x68: {  	_ =	shalt  }
0x69: {  	_ =	shalt  }
0x6a: {  	_ =	shalt  }
0x6b: {  	_ =	shalt  }
0x6c: {  	_ =	shalt  }
0x6d: {  	_ =	shalt  }
0x6e: {  	_ =	shalt  }
0x6f: {  	_ =	shalt  }
0x70: {  	_ =	shalt  }
0x71: {  	_ =	shalt  }
0x72: {  	_ =	shalt  }
0x73: {  	_ =	shalt  }
0x74: {  	_ =	shalt  }
0x75: {  	_ =	shalt  }
0x76: {  	_ =	shalt  }
0x77: {  	_ =	shalt  }
0x78: {  	_ =	shalt  }
0x79: {  	_ =	shalt  }
0x7a: {  	_ =	shalt  }
0x7b: {  	_ =	shalt  }
0x7c: {  	_ =	shalt  }
0x7d: {  	_ =	shalt  }
0x7e: {  	_ =	shalt  }
0x7f: {  	_ =	shalt  }
0x80: {  	_ =	shalt  }
0x81: {  	_ =	shalt  }
0x82: {  	_ =	shalt  }
0x83: {  	_ =	shalt  }
0x84: {  	_ =	shalt  }
0x85: {  	_ =	shalt  }
0x86: {  	_ =	shalt  }
0x87: {  	_ =	shalt  }
.Lfunc_end0:
.L_simem_size_0:
called_computation_lowered:
.L_overlay_start_0:
0x88: {  	s2 =	sld [smem:$0x3FD9]  }
0x89: {  	s3 =	sld [smem:$0x3FFE];
	_ =	sdelay $0x1  }
0x8a: {  	s1 =	srdreg.scid  }
0x8b: {  	s0 =	sand.u32 $0x1, s1  }
0x8c: {  	s16 =	sshll.u32 s0, $0xA;
	s2 =	sadd.s32 s3, s2  }
0x8d: {  	s2 =	sadd.s32 s2, s16  }
0x8e: {  	[smem:$0x3FBF] =	sst s2  }
0x8f: {  	_ = 	snop  }
0x90: {  	(tm) =	ssettm $0x1  }
0x91: {  	s17 =	sld [smem:$0x3FFB];
	_ =	sdelay $0x3  }
0x92: {  	_ =	strace s17  }
0x93: {  	s2 =	sld [smem:$0x3FFC];
	_ =	sdelay $0x3  }
0x94: {  	_ =	strace s2  }
0x95: {  	s2 =	sld [smem:$0x3FFD];
	_ =	sdelay $0x3  }
0x96: {  	_ =	strace s2  }
0x97: {  	_ =	strace $0x8FFFFFFF  }
0x98: {  	s18 =	sld [smem:$0x3FDB];
	_ =	sdelay $0x1  }
0x99: {  	s19 =	simm.s32 $_scs_section_size  }
0x9a: {  	s4 =	simm.s32 $_size__tile_overlayer_lowered;
	s5 =	simm.s32 $_tile_overlayer_lowered  }
0x9b: {  	s22 =	simm.s32 $0x1BFF;
	s21 =	sshll.u32 s5, $0x1;
	s2 =	sadd.s32 s19, s18  }
0x9c: {  	s6 =	simm.s32 $0x0;
	s20 =	sshll.u32 s4, $0x1;
	s4 =	sadd.s32 s21, s2  }
0x9d: {  	[timem:s6], [sflag:s22] =	dma.local [hbm:s4], s20  }
0x9e: {  	_ =	swait.ge [sflag:s22], s20  }
0x9f: {  	s3 =	ssub.s32 $0x0, s20;
	[sflag:s22] =	ssyncset.done $0x0  }
0xa0: {  	[sflag:s22] =	ssyncadd.s32 s3;
	_ =	sdelay $0x1  }
0xa1: {  	s23 =	simm.s32 $0x1B8B  }
0xa2: {  	_ =	swait.ge [sflag:s23], $0x1  }
0xa3: {  	[sflag:s23] =	ssyncset.done $0x0  }
0xa4: {  	s25 =	simm.s32 $0x1B8E;
	s24 =	sld [smem:$0x3FFE];
	[sflag:s23] =	ssyncadd.s32 $0xFFFFFFFF  }
0xa5: {  	s26 =	simm.s32 $execute0_lowered;
	[smem:$0x3FD2] =	sst s25  }
0xa6: {  	s4 =	sshll.u32 s26, $0x1;
	_ =	strace $0x80000046;
	[dreg:$0x1] =	wrdreg $0xFFFFFFFF  }
0xa7: {  	s28 =	simm.s32 $_size_execute0_lowered;
	s2 =	sadd.s32 s2, s4;
	[dreg:$0x0] =	wrdreg $0x0  }
0xa8: {  	s4 =	sshll.u32 s28, $0x1;
	[dreg:$0x2] =	wrdreg s2  }
0xa9: {  	[dreg:$0x3] =	wrdreg s4  }
0xaa: {  	[dreg:$0x4] =	wrdreg $0xC0  }
0xab: {  	_ =	task [dreg:s6], $0x5FFFF  }
0xac: {  	[dreg:$0x1] =	wrdreg $0xFFFFFFFF  }
0xad: {  	[dreg:$0x0] =	wrdreg $0x60  }
0xae: {  	[dreg:$0x2] =	wrdreg s24  }
0xaf: {  	[dreg:$0x3] =	wrdreg $0x7A000  }
0xb0: {  	[dreg:$0x4] =	wrdreg $0x9  }
0xb1: {  	_ =	task.clear_ibuf [dreg:s6], $0x5FFFF;
	_ =	strace $0x90000046  }
0xb2: {  	s29 =	simm.s32 $0x9;
	_ =	strace $0x80000048  }
0xb3: {  	_ =	swait.ge [sflag:s29], $0x1  }
0xb4: {  	[sflag:s29] =	ssyncadd.s32 $0xFFFFFFFF  }
0xb5: {  	_ =	strace $0x90000048  }
0xb6: {  	_ =	sfence  }
0xb7: {  	s30 =	sld [smem:$0x0];
	_ =	sdelay $0x2  }
0xb8: {  	s31 =	sshll.u32 s1, $0xD;
	s1 =	sshrl.u32 s1, $0x2  }
0xb9: {  	s3 =	sand.u32 $0x4000, s31;
	s1 =	sadd.s32 s1, s30  }
0xba: {  	s0 =	sor.u32 s3, s0;
	s1 =	sshll.u32 s1, $0x11  }
0xbb: {  	s0 =	sor.u32 s1, s0  }
0xbc: {  	s0 =	sadd.s32 $0x8F2B, s0  }
0xbd: {  	[sflag:s0] =	ssyncadd.remote.s32 $0x1  }
0xbe: {  	_ =	sfence.sel $0xFFFF  }
0xbf: {  	[dreg:$0x0] =	wrdreg $0xFFFFFFFF;
	(pc) =	sbr.abs _section_cstart, $3  }
0xc0: {  	[dreg:$0x1] =	wrdreg $0xFFFFFFFF  }
0xc1: {  	_ =	task.clear_ibuf [dreg:s6], $0x2FFFF;
	_ =	strace $0x9FFFFFFF  }
0xc2: {  	(tm) =	ssettm $0x7FFFFFFF  }
0xc3: {  	_ =	shalt  }
tec
execute0_lowered:
.L_overlay_start_1:
0x0: {  	(tag) =	ssettag $0x1  }
0x1: {  	s0 =	rddreg [dreg:$0x0]  }
0x2: {  	s1 =	rddreg [dreg:$0x1];
	s26 =	stileid.u32  }
0x3: {  	s2 =	simm.s32 $0x0;
	s4 =	srdreg.scid;
	s3 =	smul.u32 $0x280, s26  }
0x4: {  	s30 =	simm.s32 $0x7500;
	s31 =	simm.s32 $0x7780;
	s5 =	smul.u32 $0x4E2, s26  }
0x5: {  	[smem:$0x7FF] =	sst s2;
	s24 =	sand.u32 $0x1, s4;
	s7 =	smul.u32 $0xA000, s26  }
0x6: {  	s22 =	sadd.s32 $0xFAB0, s0;
	p1 =	seq.s32 s26, $0xF;
	s26 =	simm.s32 $0x4F80  }
0x7: {  	_ =	strace $0x80000047;
	s6 =	ssub.s32 $0x2, s24;
	p0 =	sne.s32 s24, $0x0  }
0x8: {  	s24 =	simm.s32 $0x1;
	s25 =	sshrl.u32 s3, $0x3;
	s5 =	sadd.s32 s5, s0  }
0x9: {  	s28 =	sshrl.u32 s6, $0x1;
	s29 =	sshrl.u32 s7, $0x2;
	s3 =	sadd.s32 s3, s1  }
0xa: {  	s21 =	sadd.s32 s25, s0;
	s23 =	ssub.s32 s6, s28;
	s4 =	sadd.s32 $0x5600, s5  }
0xb: {  	s5 =	sadd.s32 s29, s1;
	s6 =	sadd.s32 $0x2800, s3;
	s7 =	sadd.s32 $0x5000, s3  }
0xc: {  	v0 =	vlaneseq.u32;
	v1 =	vimm.f32 $0.0e+00;
	v2 =	vimm.f32 $1.000000000e+00;
	s8 =	sadd.s32 $0x7800, s3;
	s9 =	sadd.s32 $0xA000, s3;
	s10 =	sadd.s32 $0xC800, s3  }
.Ltmp0:
0xd: {  	v3 =	vor.u32 $0x280, v0;
	v4 =	vor.u32 $0x500, v0;
	v5 =	vor.u32 $0x780, v0;
	s11 =	sadd.s32 $0xF000, s3;
	s12 =	sadd.s32 $0x11800, s3;
	(pc) =	sbr.rel .LBB2_1-.Ltmp0, $4  }
0xe: {  	v6 =	vor.u32 $0xA00, v0;
	v7 =	vor.u32 $0xC80, v0;
	v8 =	vor.u32 $0xF00, v0;
	s13 =	sadd.s32 $0x14000, s3;
	s14 =	sadd.s32 $0x16800, s3;
	s15 =	sadd.s32 $0x19000, s3  }
0xf: {  	v9 =	vor.u32 $0x1180, v0;
	v10 =	vor.u32 $0x1400, v0;
	v11 =	vor.u32 $0x1680, v0;
	s16 =	sadd.s32 $0x1B800, s3;
	s17 =	sadd.s32 $0x1E000, s3;
	s18 =	sadd.s32 $0x20800, s3  }
0x10: {  	v12 =	vor.u32 $0x1900, v0;
	v13 =	vor.u32 $0x1B80, v0;
	v14 =	vor.u32 $0x1E00, v0;
	s19 =	sadd.s32 $0x23000, s3;
	s20 =	sadd.s32 $0x25800, s3;
	s25 =	simm.s32 $0x2780  }
0x11: {  	v15 =	vor.u32 $0x2080, v0;
	v16 =	vor.u32 $0x2300, v0;
	v17 =	vor.u32 $0x2580, v0;
	s0 =	simm.s32 $0x0;
	s21 =	sadd.s32 $0xF600, s21;
	s23 =	smax.u32 s23, $0x1  }
.LBB2_9:
0x12: {  	[bflag:$0x0] =	sbarrier.arrive $0xFFFF  }
.LBB2_10:
0x13: {  	s0 =	sadd.s32 $0x1, s0  }
0x14: {  	p2 =	sne.s32 s0, s23  }
.Ltmp1:
0x15: {  	_ = 	snop;
	(pc) =	sbr.rel @!p2 .LBB2_11-.Ltmp1, $1  }
0x16: {  	_ =	sdelay $0x3  }
.LBB2_1:
.Ltmp2:
0x17: {  	(pc) =	sbr.rel @p0 .LBB2_9-.Ltmp2, $1  }
0x18: {  	_ =	sdelay $0x3  }
0x19: {  	s1 =	simm.s32 $0x0  }
0x1a: {  	[tilespmem:s1], [sflag:$0x1] =	stream.linear.gather [hbm4b:s4+s1], $0x2710, $0x38;
	[tilespmem:$0xA200] =	vst v63  }
0x1b: {  	_ =	swait.ge [sflag:s24], $0x2710  }
0x1c: {  	[sflag:s24] =	ssyncset.done $0x0  }
0x1d: {  	s28 =	simm.s32 $0x10;
	v18 =	vor.u32 s1, v0;
	[sflag:s24] =	ssyncadd.s32 $0xFFFFD8F0  }
.LBB2_3:
0x1e: {  	p2 =	sne.s32 s28, $0x27F0  }
.Ltmp3:
0x1f: {  	_ = 	snop;
	(pc) =	sbr.rel @p2 .LBB2_3-.Ltmp3, $3  }
0x20: {  	_ =	sdelay $0x1  }
0x21: {  	[tilespmem:v18+s25+$0x0] =	vst.idx.msk $0xffff, v1;
	s29 =	smov.u32 s28;
	s28 =	sadd.s32 $0x10, s28  }
0x22: {  	v18 =	vor.u32 s29, v0  }
0x23: {  	v19 =	vor.u32 s1, v0;
	_ =	sdelay $0x3  }
0x24: {  	[tilespmem:v18+s25+$0x0] =	vst.idx.msk $0xffff, v1  }
0x25: {  	v18 =	vld.idx.msk [tilespmem:v19+s2+$0x0], $0xffff;
	_ =	sdelay $0x2  }
0x26: {  	s29 =	simm.s32 $0x10  }
0x27: {  	s1 =	simm.s32 $0x20;
	v19 =	vor.u32 s29, v0  }
.LBB2_5:
0x28: {  	p2 =	sne.s32 s1, $0x2700;
	_ =	sdelay $0x2  }
0x29: {  	[tilespmem:v18+s25+$0x0] =	vst.idx.add.f32.msk $0xffff, v2  }
.Ltmp4:
0x2a: {  	v18 =	vld.idx.msk [tilespmem:v19+s2+$0x0], $0xffff;
	(pc) =	sbr.rel @p2 .LBB2_5-.Ltmp4, $2  }
0x2b: {  	_ =	sdelay $0x2  }
0x2c: {  	v19 =	vor.u32 s1, v0;
	s1 =	sadd.s32 $0x10, s1  }
0x2d: {  	_ =	sdelay $0x3  }
0x2e: {  	[tilespmem:v18+s25+$0x0] =	vst.idx.add.f32.msk $0xffff, v2  }
0x2f: {  	v18 =	vld.idx.msk [tilespmem:v19+s2+$0x0], $0xffff;
	_ =	sdelay $0x7  }
0x30: {  	[tilespmem:v18+s25+$0x0] =	vst.idx.add.f32.msk $0xffff, v2  }
0x31: {  	[spmem:s5] =	stream.linear.scatter [tilespmem:s25], [sflag:$0x1], $0x2800, $0x38;
	[tilespmem:$0xA200] =	vst v63  }
0x32: {  	_ =	swait.ge [sflag:s24], $0x2800  }
0x33: {  	[sflag:s24] =	ssyncset.done $0x0  }
0x34: {  	[sflag:s24] =	ssyncadd.s32 $0xFFFFD800  }
0x35: {  	[bflag:$0x0] =	sbarrier.arrive $0xFFFF  }
0x36: {  	[tilespmem:s26], [sflag:$0x1] =	stream.linear.gather [spmem:s3], $0x280, $0x38;
	[tilespmem:$0xA200] =	vst v63  }
0x37: {  	_ =	swait.ge [sflag:s24], $0x280  }
0x38: {  	[sflag:s24] =	ssyncset.done $0x0  }
0x39: {  	s1 =	simm.s32 $0x5200;
	[sflag:s24] =	ssyncadd.s32 $0xFFFFFD80  }
0x3a: {  	[tilespmem:s1], [sflag:$0x1] =	stream.linear.gather [spmem:s6], $0x280, $0x38;
	[tilespmem:$0xA200] =	vst v63  }
0x3b: {  	_ =	swait.ge [sflag:s24], $0x280  }
0x3c: {  	[sflag:s24] =	ssyncset.done $0x0  }
0x3d: {  	s29 =	simm.s32 $0x5480;
	[sflag:s24] =	ssyncadd.s32 $0xFFFFFD80  }
0x3e: {  	[tilespmem:s29], [sflag:$0x1] =	stream.linear.gather [spmem:s7], $0x280, $0x38;
	[tilespmem:$0xA200] =	vst v63  }
0x3f: {  	_ =	swait.ge [sflag:s24], $0x280  }
0x40: {  	[sflag:s24] =	ssyncset.done $0x0  }
0x41: {  	s29 =	simm.s32 $0x5700;
	[sflag:s24] =	ssyncadd.s32 $0xFFFFFD80  }
0x42: {  	[tilespmem:s29], [sflag:$0x1] =	stream.linear.gather [spmem:s8], $0x280, $0x38;
	[tilespmem:$0xA200] =	vst v63  }
0x43: {  	_ =	swait.ge [sflag:s24], $0x280  }
0x44: {  	[sflag:s24] =	ssyncset.done $0x0  }
0x45: {  	s29 =	simm.s32 $0x5980;
	[sflag:s24] =	ssyncadd.s32 $0xFFFFFD80  }
0x46: {  	[tilespmem:s29], [sflag:$0x1] =	stream.linear.gather [spmem:s9], $0x280, $0x38;
	[tilespmem:$0xA200] =	vst v63  }
0x47: {  	_ =	swait.ge [sflag:s24], $0x280  }
0x48: {  	[sflag:s24] =	ssyncset.done $0x0  }
0x49: {  	s29 =	simm.s32 $0x5C00;
	[sflag:s24] =	ssyncadd.s32 $0xFFFFFD80  }
0x4a: {  	[tilespmem:s29], [sflag:$0x1] =	stream.linear.gather [spmem:s10], $0x280, $0x38;
	[tilespmem:$0xA200] =	vst v63  }
0x4b: {  	_ =	swait.ge [sflag:s24], $0x280  }
0x4c: {  	[sflag:s24] =	ssyncset.done $0x0  }
0x4d: {  	s29 =	simm.s32 $0x5E80;
	[sflag:s24] =	ssyncadd.s32 $0xFFFFFD80  }
0x4e: {  	[tilespmem:s29], [sflag:$0x1] =	stream.linear.gather [spmem:s11], $0x280, $0x38;
	[tilespmem:$0xA200] =	vst v63  }
0x4f: {  	_ =	swait.ge [sflag:s24], $0x280  }
0x50: {  	[sflag:s24] =	ssyncset.done $0x0  }
0x51: {  	s29 =	simm.s32 $0x6100;
	[sflag:s24] =	ssyncadd.s32 $0xFFFFFD80  }
0x52: {  	[tilespmem:s29], [sflag:$0x1] =	stream.linear.gather [spmem:s12], $0x280, $0x38;
	[tilespmem:$0xA200] =	vst v63  }
0x53: {  	_ =	swait.ge [sflag:s24], $0x280  }
0x54: {  	[sflag:s24] =	ssyncset.done $0x0  }
0x55: {  	s29 =	simm.s32 $0x6380;
	[sflag:s24] =	ssyncadd.s32 $0xFFFFFD80  }
0x56: {  	[tilespmem:s29], [sflag:$0x1] =	stream.linear.gather [spmem:s13], $0x280, $0x38;
	[tilespmem:$0xA200] =	vst v63  }
0x57: {  	_ =	swait.ge [sflag:s24], $0x280  }
0x58: {  	[sflag:s24] =	ssyncset.done $0x0  }
0x59: {  	s29 =	simm.s32 $0x6600;
	[sflag:s24] =	ssyncadd.s32 $0xFFFFFD80  }
0x5a: {  	[tilespmem:s29], [sflag:$0x1] =	stream.linear.gather [spmem:s14], $0x280, $0x38;
	[tilespmem:$0xA200] =	vst v63  }
0x5b: {  	_ =	swait.ge [sflag:s24], $0x280  }
0x5c: {  	[sflag:s24] =	ssyncset.done $0x0  }
0x5d: {  	s29 =	simm.s32 $0x6880;
	[sflag:s24] =	ssyncadd.s32 $0xFFFFFD80  }
0x5e: {  	[tilespmem:s29], [sflag:$0x1] =	stream.linear.gather [spmem:s15], $0x280, $0x38;
	[tilespmem:$0xA200] =	vst v63  }
0x5f: {  	_ =	swait.ge [sflag:s24], $0x280  }
0x60: {  	[sflag:s24] =	ssyncset.done $0x0  }
0x61: {  	s29 =	simm.s32 $0x6B00;
	[sflag:s24] =	ssyncadd.s32 $0xFFFFFD80  }
0x62: {  	[tilespmem:s29], [sflag:$0x1] =	stream.linear.gather [spmem:s16], $0x280, $0x38;
	[tilespmem:$0xA200] =	vst v63  }
0x63: {  	_ =	swait.ge [sflag:s24], $0x280  }
0x64: {  	[sflag:s24] =	ssyncset.done $0x0  }
0x65: {  	s29 =	simm.s32 $0x6D80;
	[sflag:s24] =	ssyncadd.s32 $0xFFFFFD80  }
0x66: {  	[tilespmem:s29], [sflag:$0x1] =	stream.linear.gather [spmem:s17], $0x280, $0x38;
	[tilespmem:$0xA200] =	vst v63  }
0x67: {  	_ =	swait.ge [sflag:s24], $0x280  }
0x68: {  	[sflag:s24] =	ssyncset.done $0x0  }
0x69: {  	s29 =	simm.s32 $0x7000;
	[sflag:s24] =	ssyncadd.s32 $0xFFFFFD80  }
0x6a: {  	[tilespmem:s29], [sflag:$0x1] =	stream.linear.gather [spmem:s18], $0x280, $0x38;
	[tilespmem:$0xA200] =	vst v63  }
0x6b: {  	_ =	swait.ge [sflag:s24], $0x280  }
0x6c: {  	[sflag:s24] =	ssyncset.done $0x0  }
0x6d: {  	s29 =	simm.s32 $0x7280;
	[sflag:s24] =	ssyncadd.s32 $0xFFFFFD80  }
0x6e: {  	[tilespmem:s29], [sflag:$0x1] =	stream.linear.gather [spmem:s19], $0x280, $0x38;
	[tilespmem:$0xA200] =	vst v63  }
0x6f: {  	_ =	swait.ge [sflag:s24], $0x280  }
0x70: {  	s29 =	simm.s32 $0x0;
	[sflag:s24] =	ssyncset.done $0x0  }
0x71: {  	v18 =	vor.u32 s29, v0;
	[sflag:s24] =	ssyncadd.s32 $0xFFFFFD80  }
0x72: {  	[tilespmem:s30], [sflag:$0x1] =	stream.linear.gather [spmem:s20], $0x280, $0x38;
	[tilespmem:$0xA200] =	vst v63  }
0x73: {  	v19 =	vadd.s32 s29, v3;
	_ =	swait.ge [sflag:s24], $0x280  }
0x74: {  	[sflag:s24] =	ssyncset.done $0x0  }
0x75: {  	v20 =	vadd.s32 s29, v4;
	[sflag:s24] =	ssyncadd.s32 $0xFFFFFD80  }
0x76: {  	v21 =	vld.idx.msk [tilespmem:v18+s26+$0x0], $0xffff  }
0x77: {  	v22 =	vadd.s32 s29, v5  }
0x78: {  	v19 =	vld.idx.msk [tilespmem:v19+s26+$0x0], $0xffff  }
0x79: {  	v23 =	vadd.s32 s29, v6  }
0x7a: {  	v20 =	vld.idx.msk [tilespmem:v20+s26+$0x0], $0xffff  }
0x7b: {  	v24 =	vadd.s32 s29, v7;
	v21 =	vadd.f32 $0.0e+00, v21  }
0x7c: {  	v22 =	vld.idx.msk [tilespmem:v22+s26+$0x0], $0xffff  }
0x7d: {  	v25 =	vadd.s32 s29, v8;
	v19 =	vadd.f32 v19, v21  }
0x7e: {  	v21 =	vld.idx.msk [tilespmem:v23+s26+$0x0], $0xffff  }
0x7f: {  	v23 =	vadd.s32 s29, v9;
	v19 =	vadd.f32 v20, v19  }
0x80: {  	v20 =	vld.idx.msk [tilespmem:v24+s26+$0x0], $0xffff  }
0x81: {  	v59 =	vor.u32 s29, v10;
	v19 =	vadd.f32 v22, v19  }
0x82: {  	v22 =	vld.idx.msk [tilespmem:v25+s26+$0x0], $0xffff  }
0x83: {  	v60 =	vadd.s32 s29, v11;
	v19 =	vadd.f32 v21, v19  }
0x84: {  	v21 =	vld.idx.msk [tilespmem:v23+s26+$0x0], $0xffff  }
0x85: {  	v23 =	vadd.s32 s29, v12;
	v19 =	vadd.f32 v20, v19  }
0x86: {  	v20 =	vld.idx.msk [tilespmem:v59+s26+$0x0], $0xffff  }
0x87: {  	v61 =	vadd.s32 s29, v13;
	v19 =	vadd.f32 v22, v19  }
0x88: {  	v22 =	vld.idx.msk [tilespmem:v60+s26+$0x0], $0xffff  }
0x89: {  	v19 =	vadd.f32 v21, v19  }
0x8a: {  	v21 =	vld.idx.msk [tilespmem:v23+s26+$0x0], $0xffff  }
0x8b: {  	v62 =	vadd.s32 s29, v14;
	v19 =	vadd.f32 v20, v19  }
0x8c: {  	v20 =	vld.idx.msk [tilespmem:v61+s26+$0x0], $0xffff  }
0x8d: {  	v23 =	vadd.s32 s29, v15;
	v19 =	vadd.f32 v22, v19;
	_ =	sdelay $0x1  }
0x8e: {  	v63 =	vadd.s32 s29, v16;
	v19 =	vadd.f32 v21, v19  }
0x8f: {  	v22 =	vld.idx.msk [tilespmem:v62+s26+$0x0], $0xffff  }
0x90: {  	v19 =	vadd.f32 v20, v19;
	v20 =	vadd.s32 s29, v17  }
0x91: {  	v21 =	vld.idx.msk [tilespmem:v23+s26+$0x0], $0xffff;
	_ =	sdelay $0x1  }
0x92: {  	v23 =	vld.idx.msk [tilespmem:v63+s26+$0x0], $0xffff  }
0x93: {  	v19 =	vadd.f32 v22, v19  }
0x94: {  	v20 =	vld.idx.msk [tilespmem:v20+s26+$0x0], $0xffff  }
0x95: {  	v21 =	vadd.f32 v21, v19  }
0x96: {  	s1 =	simm.s32 $0x10  }
0x97: {  	s28 =	simm.s32 $0x20;
	v19 =	vor.u32 s1, v0;
	v21 =	vadd.f32 v23, v21  }
.LBB2_7:
0x98: {  	p2 =	sne.s32 s28, $0x270  }
0x99: {  	v22 =	vadd.s32 s1, v3;
	v20 =	vadd.f32 v20, v21;
	_ =	sdelay $0x1  }
0x9a: {  	v21 =	vadd.s32 s1, v4;
	[tilespmem:v18+s31+$0x0] =	vst.idx.msk $0xffff, v20;
	v18 =	vmov v19  }
0x9b: {  	v19 =	vld.idx.msk [tilespmem:v19+s26+$0x0], $0xffff  }
0x9c: {  	v20 =	vadd.s32 s1, v5  }
0x9d: {  	v22 =	vld.idx.msk [tilespmem:v22+s26+$0x0], $0xffff  }
0x9e: {  	v23 =	vadd.s32 s1, v6  }
0x9f: {  	v21 =	vld.idx.msk [tilespmem:v21+s26+$0x0], $0xffff  }
0xa0: {  	v24 =	vadd.s32 s1, v7  }
0xa1: {  	v19 =	vadd.f32 $0.0e+00, v19;
	v20 =	vld.idx.msk [tilespmem:v20+s26+$0x0], $0xffff  }
0xa2: {  	v25 =	vadd.s32 s1, v8  }
0xa3: {  	v19 =	vadd.f32 v22, v19;
	v22 =	vld.idx.msk [tilespmem:v23+s26+$0x0], $0xffff  }
0xa4: {  	v23 =	vadd.s32 s1, v9  }
0xa5: {  	v19 =	vadd.f32 v21, v19;
	v21 =	vld.idx.msk [tilespmem:v24+s26+$0x0], $0xffff  }
0xa6: {  	v24 =	vor.u32 s1, v10  }
0xa7: {  	v19 =	vadd.f32 v20, v19;
	v20 =	vld.idx.msk [tilespmem:v25+s26+$0x0], $0xffff  }
0xa8: {  	v25 =	vadd.s32 s1, v11  }
0xa9: {  	v19 =	vadd.f32 v22, v19;
	v22 =	vld.idx.msk [tilespmem:v23+s26+$0x0], $0xffff  }
0xaa: {  	v23 =	vadd.s32 s1, v12  }
0xab: {  	v19 =	vadd.f32 v21, v19;
	v21 =	vld.idx.msk [tilespmem:v24+s26+$0x0], $0xffff  }
0xac: {  	v24 =	vadd.s32 s1, v13  }
0xad: {  	v19 =	vadd.f32 v20, v19;
	v20 =	vld.idx.msk [tilespmem:v25+s26+$0x0], $0xffff  }
0xae: {  	v25 =	vadd.s32 s1, v14  }
0xaf: {  	v19 =	vadd.f32 v22, v19;
	v22 =	vld.idx.msk [tilespmem:v23+s26+$0x0], $0xffff  }
0xb0: {  	v23 =	vadd.s32 s1, v15  }
0xb1: {  	v19 =	vadd.f32 v21, v19;
	v21 =	vld.idx.msk [tilespmem:v24+s26+$0x0], $0xffff  }
0xb2: {  	v24 =	vadd.s32 s1, v16  }
0xb3: {  	v19 =	vadd.f32 v20, v19;
	v20 =	vld.idx.msk [tilespmem:v25+s26+$0x0], $0xffff  }
0xb4: {  	v25 =	vadd.s32 s1, v17;
	s1 =	smov.u32 s28  }
0xb5: {  	v19 =	vadd.f32 v22, v19;
	v22 =	vld.idx.msk [tilespmem:v23+s26+$0x0], $0xffff;
	_ =	sdelay $0x1  }
0xb6: {  	v19 =	vadd.f32 v21, v19;
	v21 =	vld.idx.msk [tilespmem:v24+s26+$0x0], $0xffff;
	_ =	sdelay $0x1  }
.Ltmp5:
0xb7: {  	v19 =	vadd.f32 v20, v19;
	v20 =	vld.idx.msk [tilespmem:v25+s26+$0x0], $0xffff;
	(pc) =	sbr.rel @p2 .LBB2_7-.Ltmp5, $3  }
0xb8: {  	_ = 	snop  }
0xb9: {  	v22 =	vadd.f32 v22, v19;
	_ =	sdelay $0x1  }
0xba: {  	s28 =	sadd.s32 $0x10, s28;
	v19 =	vor.u32 s1, v0;
	v21 =	vadd.f32 v21, v22  }
0xbb: {  	_ =	sdelay $0x1  }
0xbc: {  	v22 =	vadd.s32 s1, v3;
	v20 =	vadd.f32 v20, v21;
	_ =	sdelay $0x1  }
0xbd: {  	v41 =	vadd.s32 s1, v4;
	[tilespmem:v18+s31+$0x0] =	vst.idx.msk $0xffff, v20  }
0xbe: {  	v18 =	vld.idx.msk [tilespmem:v19+s26+$0x0], $0xffff  }
0xbf: {  	v42 =	vadd.s32 s1, v5  }
0xc0: {  	v22 =	vld.idx.msk [tilespmem:v22+s26+$0x0], $0xffff  }
0xc1: {  	v23 =	vadd.s32 s1, v6  }
0xc2: {  	v21 =	vld.idx.msk [tilespmem:v41+s26+$0x0], $0xffff  }
0xc3: {  	v24 =	vadd.s32 s1, v7;
	v18 =	vadd.f32 $0.0e+00, v18  }
0xc4: {  	v20 =	vld.idx.msk [tilespmem:v42+s26+$0x0], $0xffff  }
0xc5: {  	v25 =	vadd.s32 s1, v8;
	v18 =	vadd.f32 v22, v18  }
0xc6: {  	v43 =	vld.idx.msk [tilespmem:v23+s26+$0x0], $0xffff  }
0xc7: {  	v44 =	vadd.s32 s1, v9;
	v18 =	vadd.f32 v21, v18  }
0xc8: {  	v45 =	vld.idx.msk [tilespmem:v24+s26+$0x0], $0xffff  }
0xc9: {  	v46 =	vor.u32 s1, v10;
	v18 =	vadd.f32 v20, v18  }
0xca: {  	v47 =	vld.idx.msk [tilespmem:v25+s26+$0x0], $0xffff  }
0xcb: {  	v48 =	vadd.s32 s1, v11;
	v18 =	vadd.f32 v43, v18  }
0xcc: {  	v49 =	vld.idx.msk [tilespmem:v44+s26+$0x0], $0xffff  }
0xcd: {  	v50 =	vadd.s32 s1, v12;
	v18 =	vadd.f32 v45, v18  }
0xce: {  	v51 =	vld.idx.msk [tilespmem:v46+s26+$0x0], $0xffff  }
0xcf: {  	v52 =	vadd.s32 s1, v13;
	v18 =	vadd.f32 v47, v18  }
0xd0: {  	v53 =	vld.idx.msk [tilespmem:v48+s26+$0x0], $0xffff  }
0xd1: {  	v54 =	vadd.s32 s1, v14;
	v18 =	vadd.f32 v49, v18  }
0xd2: {  	v55 =	vld.idx.msk [tilespmem:v50+s26+$0x0], $0xffff  }
0xd3: {  	v56 =	vadd.s32 s1, v15;
	v18 =	vadd.f32 v51, v18  }
0xd4: {  	v57 =	vld.idx.msk [tilespmem:v52+s26+$0x0], $0xffff  }
0xd5: {  	v58 =	vadd.s32 s1, v16;
	v18 =	vadd.f32 v53, v18  }
0xd6: {  	v59 =	vld.idx.msk [tilespmem:v54+s26+$0x0], $0xffff  }
0xd7: {  	v60 =	vadd.s32 s1, v17;
	v18 =	vadd.f32 v55, v18  }
0xd8: {  	v61 =	vld.idx.msk [tilespmem:v56+s26+$0x0], $0xffff  }
0xd9: {  	v18 =	vadd.f32 v57, v18  }
0xda: {  	v62 =	vld.idx.msk [tilespmem:v58+s26+$0x0], $0xffff  }
0xdb: {  	v18 =	vadd.f32 v59, v18  }
0xdc: {  	v63 =	vld.idx.msk [tilespmem:v60+s26+$0x0], $0xffff  }
0xdd: {  	v18 =	vadd.f32 v61, v18;
	_ =	sdelay $0x1  }
0xde: {  	v18 =	vadd.f32 v62, v18;
	_ =	sdelay $0x1  }
0xdf: {  	v18 =	vadd.f32 v63, v18;
	_ =	sdelay $0x1  }
0xe0: {  	s1 =	simm.s32 @p1 $0x0;
	s28 =	simm.s32 @p1 $0x7780;
	[tilespmem:v19+s31+$0x0] =	vst.idx.msk $0xffff, v18  }
0xe1: {  	[hbm4b:s22+s1] =	stream.linear.scatter @p1 [tilespmem:s28], [sflag:$0x1], $0x190, $0x38;
	[tilespmem:$0xA200] =	vst v63  }
0xe2: {  	s1 =	simm.s32 @p1 $0x1  }
0xe3: {  	_ =	swait.ge @p1 [sflag:s1], $0x190  }
0xe4: {  	[sflag:s1] =	ssyncset.done @p1 $0x0  }
0xe5: {  	s28 =	simm.s32 @!p1 $0x7780;
	[sflag:s1] =	ssyncadd.s32 @p1 $0xFFFFFE70;
	s1 =	simm.s32 @!p1 $0x0  }
0xe6: {  	[hbm4b:s21+s1] =	stream.linear.scatter @!p1 [tilespmem:s28], [sflag:$0x1], $0x280, $0x38;
	[tilespmem:$0xA200] =	vst v63  }
.Ltmp6:
0xe7: {  	_ = 	snop;
	(pc) =	sbr.rel .LBB2_10-.Ltmp6, $4  }
0xe8: {  	s1 =	simm.s32 @!p1 $0x1  }
0xe9: {  	_ =	swait.ge @!p1 [sflag:s1], $0x280  }
0xea: {  	[sflag:s1] =	ssyncset.done @!p1 $0x0  }
0xeb: {  	[sflag:s1] =	ssyncadd.s32 @!p1 $0xFFFFFD80  }
.LBB2_11:
0xec: {  	_ =	sfence.sel $0x180000  }
0xed: {  	[bflag:$0x0] =	sbarrier.arrive $0xFFFF  }
0xee: {  	_ =	strace $0x90000047  }
0xef: {  	s0 =	stileid.u32;
	[bflag:$0x2] =	sbarrier.arrive $0xFFFF  }
0xf0: {  	p0 =	sne.s32 s0, $0x0;
	s0 =	rddreg [dreg:$0x2]  }
0xf1: {  	s0 =	sadd.s32 @!p0 $0x100000, s0  }
0xf2: {  	[sflag:s0] =	ssyncadd.tile.s32 @!p0 $0x1;
	_ =	shalt  }
.Lfunc_end2:
_tile_overlayer_lowered:
.L_overlay_start_2:
0xf3: {  	(tag) =	ssettag $0x2  }
0xf4: {  	s0 =	rddreg [dreg:$0x0];
	s2 =	stileid.u32  }
0xf5: {  	s1 =	rddreg [dreg:$0x1];
	p0 =	sne.s32 s2, $0x0  }
0xf6: {  	s3 =	rddreg [dreg:$0x2];
	[bflag:$0x3] =	sbarrier.arrive $0xFFFF;
	s2 =	simm.s32 @!p0 $0x1C01  }
0xf7: {  	[timem:s3], [sflag:s2] =	dma.local @!p0 [hbm:s0], s1  }
0xf8: {  	s0 =	simm.s32 @!p0 $0x1  }
0xf9: {  	_ =	swait.ge @!p0 [sflag:s0], s1  }
0xfa: {  	s1 =	ssub.s32 @!p0 $0x0, s1;
	[sflag:s0] =	ssyncset.done @!p0 $0x0  }
0xfb: {  	[sflag:s0] =	ssyncadd.s32 @!p0 s1  }
0xfc: {  	[bflag:$0x3] =	sbarrier.arrive $0xFFFF  }
0xfd: {  	_ =	shalt  }

// kernel: kernel.15.cloned.1.call-start
scs
__scs_entry_jumppad:
0x0: {  	(pc) =	sbr.rel $0x88, $3  }
0x1: {  	(tag) =	ssettag $0x0;
	lr =	simm.s32 $0x1  }
0x2: {  	[smem:$0x3F98] =	sst lr;
	_ =	strace $0xD0000000  }
0x3: {  	_ = 	snop  }
0x4: {  	_ = 	snop  }
0x5: {  	_ = 	snop  }
0x6: {  	_ = 	snop  }
0x7: {  	_ = 	snop  }
__scs_overlays_trampoline_lowered:
0x8: {  	[smem:$0x3FA7] =	sst s0  }
0x9: {  	[smem:$0x3FA8] =	sst s1  }
0xa: {  	[smem:$0x3FA9] =	sst s2  }
0xb: {  	[smem:$0x3FAA] =	sst s3  }
0xc: {  	[smem:$0x3FAB] =	sst s4  }
0xd: {  	[smem:$0x3FAC] =	sst s5  }
0xe: {  	[smem:$0x3FAD] =	sst s6  }
0xf: {  	[smem:$0x3FAE] =	sst s7  }
0x10: {  	[smem:$0x3FAF] =	sst s8  }
0x11: {  	[smem:$0x3FB0] =	sst s9;
	s0 =	simm.s32 @!p0 $0x0  }
0x12: {  	s1 =	sld [smem:$0x3F96];
	s0 =	simm.s32 @p0 $0x1  }
0x13: {  	[smem:$0x3FB1] =	sst s0;
	s0 =	simm.s32 @!p1 $0x0  }
0x14: {  	s2 =	sld [smem:$0x3F95];
	s0 =	simm.s32 @p1 $0x1  }
0x15: {  	[smem:$0x3FB2] =	sst s0;
	s0 =	simm.s32 @!p2 $0x0  }
0x16: {  	s3 =	sld [smem:$0x3FDB];
	s0 =	simm.s32 @p2 $0x1  }
0x17: {  	s4 =	simm.s32 $0x1BF5;
	[smem:$0x3FB4] =	sst s0  }
0x18: {  	s0 =	sld [smem:$0x3F97];
	_ =	swait.ge [sflag:s4], $0x0  }
0x19: {  	s7 =	sld [smem:$0x3F98]  }
0x1a: {  	s8 =	sadd.s32 $0xFFFFE003, lr  }
0x1b: {  	s9 =	sadd.s32 $0xFFFFFEF7, lr;
	s5 =	simm.s32 $0xFFFFFFFF;
	p2 =	slt.u32 s8, $0xFFFFF086  }
0x1c: {  	p1 =	slt.u32 s9, $0xF7A;
	s5 =	simm.s32 @!p2 $0x0  }
0x1d: {  	s5 =	simm.s32 @p1 $0x1;
	p0 =	seq.s32 s7, s2  }
0x1e: {  	s7 =	smul.u32 @!p0 $0xF7A, s2;
	p2 =	seq.s32 @!p0 s5, $0x0  }
0x1f: {  	s9 =	smul.u32 $0xF7A, s1;
	s8 =	simm.s32 @!p0 $0x1BF5;
	p2 =	por !p2, p0  }
0x20: {  	[sflag:s8] =	ssyncset.s32 @!p0 $0xFFFFF086;
	s6 =	sadd.s32 @!p0 s3, s7;
	s7 =	simm.s32 @!p0 $0x108  }
0x21: {  	s3 =	sadd.s32 s3, s9;
	s6 =	sadd.s32 @!p0 $0x88, s6;
	s7 =	simm.s32 @p2 $0x1082  }
0x22: {  	[simem:s7], [sflag:s8] =	dma.local @!p0 [hbm:s6], $0xF7A  }
0x23: {  	s9 =	sor.u32 $0xD0000000, s2;
	s6 =	simm.s32 $0x108;
	_ =	swait.ge @!p0 [sflag:s8], $0x0  }
0x24: {  	s3 =	sadd.s32 $0x88, s3;
	s6 =	simm.s32 @!p1 $0x1082;
	[sflag:s4] =	ssyncset.s32 $0xFFFFF086  }
0x25: {  	[simem:s6], [sflag:s4] =	dma.local [hbm:s3], $0xF7A  }
0x26: {  	[smem:$0x3F98] =	sst s1;
	(tag) =	ssettag s2;
	_ =	strace s9  }
0x27: {  	s1 =	sld [smem:$0x3FA8]  }
0x28: {  	s2 =	sld [smem:$0x3FA9]  }
0x29: {  	s4 =	sld [smem:$0x3FAB]  }
0x2a: {  	p0 =	seq.s32 s5, $0x0;
	s5 =	sld [smem:$0x3FAC]  }
0x2b: {  	s6 =	sld [smem:$0x3FAD]  }
0x2c: {  	s7 =	sld [smem:$0x3FAE]  }
0x2d: {  	s3 =	simm.s32 $0x108;
	s8 =	sld [smem:$0x3FAF]  }
0x2e: {  	s3 =	simm.s32 @!p0 $0x1082;
	s9 =	sld [smem:$0x3FB0]  }
0x2f: {  	lr =	sadd.s32 s0, s3;
	s0 =	sld [smem:$0x3FA7]  }
0x30: {  	s3 =	sld [smem:$0x3FAA]  }
0x31: {  	[smem:$0x3FB3] =	sst s10  }
0x32: {  	s10 =	sld [smem:$0x3FB1];
	_ =	sdelay $0x3  }
0x33: {  	p0 =	seq.s32 s10, $0x1;
	s10 =	sld [smem:$0x3FB3];
	_ =	sdelay $0x3  }
0x34: {  	[smem:$0x3FB3] =	sst s10  }
0x35: {  	s10 =	sld [smem:$0x3FB2];
	_ =	sdelay $0x3  }
0x36: {  	p1 =	seq.s32 s10, $0x1;
	s10 =	sld [smem:$0x3FB3];
	_ =	sdelay $0x3  }
0x37: {  	[smem:$0x3FB3] =	sst s10  }
0x38: {  	s10 =	sld [smem:$0x3FB4]  }
0x39: {  	_ = 	snop;
	(pc) =	sbr.ind lr, $3  }
0x3a: {  	_ = 	snop  }
0x3b: {  	_ = 	snop  }
0x3c: {  	p2 =	seq.s32 s10, $0x1;
	s10 =	sld [smem:$0x3FB3]  }
0x3d: {  	_ =	shalt  }
0x3e: {  	_ =	shalt  }
0x3f: {  	_ =	shalt  }
0x40: {  	_ =	shalt  }
0x41: {  	_ =	shalt  }
0x42: {  	_ =	shalt  }
0x43: {  	_ =	shalt  }
0x44: {  	_ =	shalt  }
0x45: {  	_ =	shalt  }
0x46: {  	_ =	shalt  }
0x47: {  	_ =	shalt  }
0x48: {  	_ =	shalt  }
0x49: {  	_ =	shalt  }
0x4a: {  	_ =	shalt  }
0x4b: {  	_ =	shalt  }
0x4c: {  	_ =	shalt  }
0x4d: {  	_ =	shalt  }
0x4e: {  	_ =	shalt  }
0x4f: {  	_ =	shalt  }
0x50: {  	_ =	shalt  }
0x51: {  	_ =	shalt  }
0x52: {  	_ =	shalt  }
0x53: {  	_ =	shalt  }
0x54: {  	_ =	shalt  }
0x55: {  	_ =	shalt  }
0x56: {  	_ =	shalt  }
0x57: {  	_ =	shalt  }
0x58: {  	_ =	shalt  }
0x59: {  	_ =	shalt  }
0x5a: {  	_ =	shalt  }
0x5b: {  	_ =	shalt  }
0x5c: {  	_ =	shalt  }
0x5d: {  	_ =	shalt  }
0x5e: {  	_ =	shalt  }
0x5f: {  	_ =	shalt  }
0x60: {  	_ =	shalt  }
0x61: {  	_ =	shalt  }
0x62: {  	_ =	shalt  }
0x63: {  	_ =	shalt  }
0x64: {  	_ =	shalt  }
0x65: {  	_ =	shalt  }
0x66: {  	_ =	shalt  }
0x67: {  	_ =	shalt  }
0x68: {  	_ =	shalt  }
0x69: {  	_ =	shalt  }
0x6a: {  	_ =	shalt  }
0x6b: {  	_ =	shalt  }
0x6c: {  	_ =	shalt  }
0x6d: {  	_ =	shalt  }
0x6e: {  	_ =	shalt  }
0x6f: {  	_ =	shalt  }
0x70: {  	_ =	shalt  }
0x71: {  	_ =	shalt  }
0x72: {  	_ =	shalt  }
0x73: {  	_ =	shalt  }
0x74: {  	_ =	shalt  }
0x75: {  	_ =	shalt  }
0x76: {  	_ =	shalt  }
0x77: {  	_ =	shalt  }
0x78: {  	_ =	shalt  }
0x79: {  	_ =	shalt  }
0x7a: {  	_ =	shalt  }
0x7b: {  	_ =	shalt  }
0x7c: {  	_ =	shalt  }
0x7d: {  	_ =	shalt  }
0x7e: {  	_ =	shalt  }
0x7f: {  	_ =	shalt  }
0x80: {  	_ =	shalt  }
0x81: {  	_ =	shalt  }
0x82: {  	_ =	shalt  }
0x83: {  	_ =	shalt  }
0x84: {  	_ =	shalt  }
0x85: {  	_ =	shalt  }
0x86: {  	_ =	shalt  }
0x87: {  	_ =	shalt  }
.Lfunc_end0:
.L_simem_size_0:
called_computation.1_lowered:
.L_overlay_start_0:
0x88: {  	s2 =	sld [smem:$0x3FD9]  }
0x89: {  	s3 =	sld [smem:$0x3FFE];
	_ =	sdelay $0x1  }
0x8a: {  	s1 =	srdreg.scid  }
0x8b: {  	s0 =	sand.u32 $0x1, s1  }
0x8c: {  	s17 =	sshll.u32 s0, $0xA;
	s2 =	sadd.s32 s3, s2  }
0x8d: {  	s2 =	sadd.s32 s2, s17  }
0x8e: {  	[smem:$0x3FBF] =	sst s2  }
0x8f: {  	_ = 	snop  }
0x90: {  	s18 =	sld [smem:$0x3FD0];
	(tm) =	ssettm $0x1  }
0x91: {  	s19 =	sld [smem:$0x3FFB];
	_ =	sdelay $0x3  }
0x92: {  	_ =	strace s19  }
0x93: {  	s2 =	sld [smem:$0x3FFC];
	_ =	sdelay $0x3  }
0x94: {  	_ =	strace s2  }
0x95: {  	s2 =	sld [smem:$0x3FFD];
	_ =	sdelay $0x3  }
0x96: {  	_ =	strace s2  }
0x97: {  	_ =	strace $0x8FFFFFFF  }
0x98: {  	s20 =	sld [smem:$0x3FDB];
	_ =	sdelay $0x1  }
0x99: {  	s4 =	simm.s32 $_scs_section_size  }
0x9a: {  	s5 =	simm.s32 $_size__tile_overlayer_lowered;
	s6 =	simm.s32 $_tile_overlayer_lowered  }
0x9b: {  	s7 =	simm.s32 $0x1BFF;
	s21 =	sshll.u32 s6, $0x1;
	s4 =	sadd.s32 s4, s20  }
0x9c: {  	s22 =	simm.s32 $0x0;
	s5 =	sshll.u32 s5, $0x1;
	s6 =	sadd.s32 s21, s4  }
0x9d: {  	[timem:s22], [sflag:s7] =	dma.local [hbm:s6], s5  }
0x9e: {  	_ =	swait.ge [sflag:s7], s5  }
0x9f: {  	s5 =	ssub.s32 $0x0, s5;
	[sflag:s7] =	ssyncset.done $0x0  }
0xa0: {  	[sflag:s7] =	ssyncadd.s32 s5;
	_ =	sdelay $0x1  }
0xa1: {  	s23 =	simm.s32 $0x1B8B  }
0xa2: {  	_ =	swait.ge [sflag:s23], $0x1  }
0xa3: {  	[sflag:s23] =	ssyncset.done $0x0  }
0xa4: {  	[sflag:s23] =	ssyncadd.s32 $0xFFFFFFFF  }
0xa5: {  	s5 =	sld [smem:$0x0]  }
0xa6: {  	s6 =	sand.u32 $0xFFFFFFFE, s1  }
0xa7: {  	p0 =	sne.s32 s1, s6  }
0xa8: {  	s6 =	sshll.u32 @p0 s6, $0xE  }
0xa9: {  	s6 =	sadd.s32 @p0 $0x11B8D, s6;
	s7 =	sshll.u32 @p0 s5, $0x11  }
0xaa: {  	s6 =	sor.u32 @p0 s7, s6  }
0xab: {  	[sflag:s6] =	ssyncadd.remote.s32 @p0 $0x1;
	_ =	sdelay $0x1  }
0xac: {  	s6 =	simm.s32 @p0 $0x1B8D  }
0xad: {  	_ =	swait.eq @p0 [sflag:s6], $0x1  }
0xae: {  	[sflag:s6] =	ssyncadd.s32 @p0 $0xFFFFFFFF  }
0xaf: {  	s7 =	sshll.u32 @!p0 s1, $0xE  }
0xb0: {  	s7 =	sor.u32 @!p0 $0x4000, s7;
	s6 =	simm.s32 @!p0 $0x1B8D  }
0xb1: {  	s5 =	sshll.u32 @!p0 s5, $0x11;
	s7 =	sadd.s32 @!p0 $0x11B8D, s7;
	_ =	swait.eq @!p0 [sflag:s6], $0x1  }
0xb2: {  	s5 =	sor.u32 @!p0 s5, s7;
	[sflag:s6] =	ssyncadd.s32 @!p0 $0xFFFFFFFF  }
0xb3: {  	s25 =	simm.s32 $0x1B8E;
	s24 =	sld [smem:$0x3FFE];
	[sflag:s5] =	ssyncadd.remote.s32 @!p0 $0x1  }
0xb4: {  	s26 =	simm.s32 $execute0_lowered;
	[smem:$0x3FD2] =	sst s25  }
0xb5: {  	s6 =	sshll.u32 s26, $0x1;
	_ =	strace $0x80000049;
	[dreg:$0x1] =	wrdreg $0xFFFFFFFF  }
0xb6: {  	s28 =	simm.s32 $_size_execute0_lowered;
	s4 =	sadd.s32 s4, s6;
	[dreg:$0x0] =	wrdreg $0x0  }
0xb7: {  	s6 =	sshll.u32 s28, $0x1;
	[dreg:$0x2] =	wrdreg s4  }
0xb8: {  	[dreg:$0x3] =	wrdreg s6  }
0xb9: {  	[dreg:$0x4] =	wrdreg $0xC0  }
0xba: {  	_ =	task [dreg:s22], $0x5FFFF  }
0xbb: {  	[dreg:$0x1] =	wrdreg $0xFFFFFFFF  }
0xbc: {  	[dreg:$0x0] =	wrdreg $0x60  }
0xbd: {  	[dreg:$0x2] =	wrdreg s24  }
0xbe: {  	[dreg:$0x3] =	wrdreg s18  }
0xbf: {  	[dreg:$0x4] =	wrdreg $0x53000  }
0xc0: {  	[dreg:$0x5] =	wrdreg $0xA  }
0xc1: {  	_ =	task.clear_ibuf [dreg:s22], $0x6FFFF;
	_ =	strace $0x90000049  }
0xc2: {  	s29 =	simm.s32 $0xA;
	_ =	strace $0x8000004B  }
0xc3: {  	_ =	swait.ge [sflag:s29], $0x1  }
0xc4: {  	[sflag:s29] =	ssyncadd.s32 $0xFFFFFFFF  }
0xc5: {  	_ =	strace $0x9000004B  }
0xc6: {  	_ =	sfence  }
0xc7: {  	s30 =	sld [smem:$0x0];
	_ =	sdelay $0x2  }
0xc8: {  	s31 =	sshll.u32 s1, $0xD;
	s1 =	sshrl.u32 s1, $0x2  }
0xc9: {  	s4 =	sand.u32 $0x4000, s31;
	s1 =	sadd.s32 s1, s30  }
0xca: {  	s0 =	sor.u32 s4, s0;
	s1 =	sshll.u32 s1, $0x11  }
0xcb: {  	s0 =	sor.u32 s1, s0  }
0xcc: {  	s0 =	sadd.s32 $0x8F2B, s0  }
0xcd: {  	[sflag:s0] =	ssyncadd.remote.s32 $0x1  }
0xce: {  	_ =	sfence.sel $0xFFFF  }
0xcf: {  	[dreg:$0x0] =	wrdreg $0xFFFFFFFF;
	(pc) =	sbr.abs _section_cstart, $3  }
0xd0: {  	[dreg:$0x1] =	wrdreg $0xFFFFFFFF  }
0xd1: {  	_ =	task.clear_ibuf [dreg:s22], $0x2FFFF;
	_ =	strace $0x9FFFFFFF  }
0xd2: {  	(tm) =	ssettm $0x7FFFFFFF  }
0xd3: {  	_ =	shalt  }
tec
execute0_lowered:
.L_overlay_start_1:
0x0: {  	(tag) =	ssettag $0x1  }
0x1: {  	s0 =	rddreg [dreg:$0x0]  }
0x2: {  	s1 =	rddreg [dreg:$0x1]  }
0x3: {  	s2 =	rddreg [dreg:$0x2];
	s4 =	simm.s32 $0x0;
	s3 =	stileid.u32  }
0x4: {  	s5 =	srdreg.scid;
	s29 =	simm.s32 $0x4;
	s30 =	simm.s32 $0x2B00  }
0x5: {  	s31 =	simm.s32 $0x1;
	s28 =	simm.s32 $0x5;
	[smem:$0x7FF] =	sst s4  }
0x6: {  	s6 =	sadd.s32 $0xFC00, s0;
	s7 =	smul.u32 $0x2780, s3;
	s8 =	sand.u32 $0x1, s5  }
0x7: {  	s9 =	sadd.s32 $0xA600, s0;
	s10 =	smul.u32 $0x4F000, s3;
	s11 =	sadd.s32 $0x5600, s0  }
0x8: {  	s13 =	smul.u32 $0x2710, s3;
	s19 =	sadd.s32 $0x5BE80, s0;
	s24 =	sadd.s32 $0xAA280, s0  }
0x9: {  	s26 =	smul.u32 $0x4E2, s3;
	p0 =	seq.s32 s3, $0xF;
	_ =	strace $0x8000004A  }
0xa: {  	s5 =	ssub.s32 $0x2, s8;
	[dreg:$0x5] =	wrdreg s19;
	p1 =	seq.s32 s8, $0x0  }
0xb: {  	[dreg:$0xb] =	wrdreg s24;
	p4 =	sne.s32 s8, $0x0;
	s24 =	simm.s32 $0x50  }
0xc: {  	s8 =	simm.s32 $0x2A80;
	s12 =	sshrl.u32 s5, $0x1;
	s14 =	sadd.s32 s7, s0  }
0xd: {  	s17 =	sshrl.u32 s10, $0x2;
	s18 =	sshrl.u32 s13, $0x3;
	s0 =	sadd.s32 $0x83080, s0  }
0xe: {  	s1 =	smov.u32 @p1 s6;
	s19 =	sadd.s32 s26, s9;
	p2 =	seq.s32 @p4 s3, $0xF  }
0xf: {  	p5 =	seq.s32 @!p4 s3, $0xF;
	s6 =	simm.s32 $0x2;
	s12 =	ssub.s32 s5, s12  }
0x10: {  	s5 =	sadd.s32 s17, s2;
	s7 =	sadd.s32 $0x36E00, s14;
	s20 =	sadd.s32 s9, s18  }
0x11: {  	s21 =	sadd.s32 s11, s18;
	s10 =	sadd.s32 $0xA, s18;
	s23 =	sadd.s32 $0x85200, s14  }
0x12: {  	s25 =	sadd.s32 $0x5E000, s14;
	[dreg:$0xd] =	wrdreg s0;
	s18 =	sadd.s32 s26, s11  }
0x13: {  	s0 =	sshll.u32 @!p0 s3, $0x6;
	p1 =	por !p2, !p4;
	[dreg:$0x4] =	wrdreg s7  }
0x14: {  	p2 =	por p2, !p4;
	p3 =	por !p5, p4;
	[dreg:$0x6] =	wrdreg s20  }
0x15: {  	p4 =	por p5, p4;
	s26 =	simm.s32 $0x2980;
	[dreg:$0x7] =	wrdreg s21  }
0x16: {  	s7 =	sadd.s32 $0x128400, s2;
	s22 =	sadd.s32 s9, s10;
	[dreg:$0xa] =	wrdreg s23  }
0x17: {  	s10 =	sadd.s32 s11, s10;
	[dreg:$0xc] =	wrdreg s25;
	s17 =	smax.u32 s12, $0x1  }
0x18: {  	s21 =	sor.u32 @!p0 $0x1C05, s0;
	s23 =	simm.s32 $0x3;
	s25 =	simm.s32 $0x180  }
0x19: {  	s0 =	simm.s32 $0x100;
	s9 =	simm.s32 $0x0;
	[dreg:$0x8] =	wrdreg s22  }
0x1a: {  	[dreg:$0x9] =	wrdreg s10;
	s20 =	sshrl.u32 @p0 s7, $0x3;
	s22 =	simm.s32 $0x80  }
.LBB2_1:
0x1b: {  	s10 =	simm.s32 @p0 $0x1FC5;
	s11 =	rddreg [dreg:$0x5]  }
0x1c: {  	[spmem:s20], [sflag:s10] =	dma.local @p0 [hbm:s11], $0x2080  }
0x1d: {  	s10 =	simm.s32 @p0 $0x5  }
0x1e: {  	_ =	swait.ge @p0 [sflag:s10], $0x2080  }
0x1f: {  	[sflag:s10] =	ssyncset.done @p0 $0x0  }
0x20: {  	s11 =	rddreg [dreg:$0x4];
	[sflag:s10] =	ssyncadd.s32 @p0 $0xFFFFDF80;
	s10 =	sshrl.u32 @!p0 s5, $0x3  }
0x21: {  	[spmem:s10], [sflag:s21] =	dma.local @!p0 [hbm:s11], $0x2780  }
0x22: {  	s10 =	simm.s32 @!p0 $0x5  }
0x23: {  	_ =	swait.ge @!p0 [sflag:s10], $0x2780  }
0x24: {  	[sflag:s10] =	ssyncset.done @!p0 $0x0  }
0x25: {  	[sflag:s10] =	ssyncadd.s32 @!p0 $0xFFFFD880  }
0x26: {  	[bflag:$0x0] =	sbarrier.arrive $0xFFFF  }
0x27: {  	s15 =	rddreg [dreg:$0x6]  }
0x28: {  	[tilespmem:s4], [sflag:$0x3] =	stream.linear.gather [hbm4b:s15+s4], $0x50, $0x38;
	[tilespmem:$0x18B80] =	vst v63  }
0x29: {  	s16 =	rddreg [dreg:$0x7]  }
0x2a: {  	[tilespmem:s22], [sflag:$0x3] =	stream.linear.gather [hbm4b:s16+s4], $0x50, $0x38;
	[tilespmem:$0x18B80] =	vst v63  }
0x2b: {  	_ =	swait.ge [sflag:s23], $0x50  }
0x2c: {  	[sflag:s23] =	ssyncset.done $0x0  }
0x2d: {  	[sflag:s23] =	ssyncadd.s32 $0xFFFFFFB0  }
0x2e: {  	_ =	swait.ge [sflag:s23], $0x50  }
0x2f: {  	[sflag:s23] =	ssyncset.done $0x0  }
0x30: {  	[sflag:s23] =	ssyncadd.s32 $0xFFFFFFB0  }
0x31: {  	[tilespmem:s25], [sflag:$0x1] =	stream.indirect.gather [hbm4b:s1+s24], $0x80, s4, s24, $0xb8;
	[tilespmem:$0x18B80] =	vst v63  }
0x32: {  	s11 =	rddreg [dreg:$0x8]  }
0x33: {  	[tilespmem:s26], [sflag:$0x4] =	stream.linear.gather [hbm4b:s11+s4], $0x50, $0x38;
	[tilespmem:$0x18B80] =	vst v63  }
0x34: {  	s13 =	simm.s32 $0x2A00;
	s12 =	rddreg [dreg:$0x9]  }
0x35: {  	[tilespmem:s13], [sflag:$0x4] =	stream.linear.gather [hbm4b:s12+s4], $0x50, $0x38;
	[tilespmem:$0x18B80] =	vst v63  }
0x36: {  	_ =	swait.ge [sflag:s29], $0x50  }
0x37: {  	[sflag:s29] =	ssyncset.done $0x0  }
0x38: {  	[sflag:s29] =	ssyncadd.s32 $0xFFFFFFB0  }
0x39: {  	_ =	swait.ge [sflag:s29], $0x50  }
0x3a: {  	[sflag:s29] =	ssyncset.done $0x0  }
0x3b: {  	[sflag:s29] =	ssyncadd.s32 $0xFFFFFFB0  }
0x3c: {  	[tilespmem:s30], [sflag:$0x2] =	stream.indirect.gather [hbm4b:s1+s24], $0x80, s26, s24, $0xb8;
	[tilespmem:$0x18B80] =	vst v63  }
0x3d: {  	_ =	swait.ge [sflag:s31], $0x2800  }
0x3e: {  	[sflag:s31] =	ssyncset.done $0x0  }
0x3f: {  	[sflag:s31] =	ssyncadd.s32 $0xFFFFD800  }
0x40: {  	v0 =	vld [tilespmem:$0xC0]  }
0x41: {  	v1 =	vld [tilespmem:$0xB0]  }
0x42: {  	v2 =	vld [tilespmem:$0x80]  }
0x43: {  	v3 =	vld [tilespmem:$0xA0]  }
0x44: {  	v4 =	vld [tilespmem:$0x90]  }
0x45: {  	[tilespmem:$0x140] =	vst v0  }
0x46: {  	[tilespmem:$0x130] =	vst v1  }
0x47: {  	[tilespmem:$0x100] =	vst v2  }
0x48: {  	s14 =	sadd.s32 $0x0, s19;
	[tilespmem:$0x120] =	vst v3  }
0x49: {  	s10 =	sadd.s32 $0x14, s14;
	s15 =	sadd.s32 $0x0, s18;
	[tilespmem:$0x110] =	vst v4  }
0x4a: {  	[tilespmem:s4], [sflag:$0x3] =	stream.linear.gather [hbm4b:s10+s4], $0x50, $0x38;
	[tilespmem:$0x18B80] =	vst v63  }
0x4b: {  	s16 =	sadd.s32 $0x14, s15  }
0x4c: {  	[tilespmem:s22], [sflag:$0x3] =	stream.linear.gather [hbm4b:s16+s4], $0x50, $0x38;
	[tilespmem:$0x18B80] =	vst v63  }
0x4d: {  	_ = 	snop  }
0x4e: {  	[spmem:s2] =	stream.indirect.scatter.add.f32 [tilespmem:s25], [sflag:$0x5], $0x80, s0, s24, $0xb8;
	[tilespmem:$0x18B80] =	vst v63  }
0x4f: {  	_ =	swait.ge [sflag:s28], $0x2800  }
0x50: {  	[sflag:s28] =	ssyncset.done $0x0  }
0x51: {  	[sflag:s28] =	ssyncadd.s32 $0xFFFFD800  }
0x52: {  	_ =	swait.ge [sflag:s23], $0x50  }
0x53: {  	[sflag:s23] =	ssyncset.done $0x0  }
0x54: {  	[sflag:s23] =	ssyncadd.s32 $0xFFFFFFB0  }
0x55: {  	_ =	swait.ge [sflag:s23], $0x50  }
0x56: {  	[sflag:s23] =	ssyncset.done $0x0  }
0x57: {  	[sflag:s23] =	ssyncadd.s32 $0xFFFFFFB0  }
0x58: {  	[tilespmem:s25], [sflag:$0x1] =	stream.indirect.gather [hbm4b:s1+s24], $0x80, s4, s24, $0xb8;
	[tilespmem:$0x18B80] =	vst v63  }
0x59: {  	_ =	swait.ge [sflag:s6], $0x2800  }
0x5a: {  	[sflag:s6] =	ssyncset.done $0x0  }
0x5b: {  	[sflag:s6] =	ssyncadd.s32 $0xFFFFD800  }
0x5c: {  	v0 =	vld [tilespmem:$0x2A00]  }
0x5d: {  	v1 =	vld [tilespmem:$0x2A40]  }
0x5e: {  	v2 =	vld [tilespmem:$0x2A10]  }
0x5f: {  	v3 =	vld [tilespmem:$0x2A30];
	_ =	sdelay $0x1  }
0x60: {  	[tilespmem:$0x2A80] =	vst v0;
	v0 =	vld [tilespmem:$0x2A20]  }
0x61: {  	p6 =	por $0x0, $0x0;
	[tilespmem:$0x2AC0] =	vst v1  }
0x62: {  	s14 =	simm.s32 @!p6 $0x2980;
	s11 =	sadd.s32 @!p6 $0x0, s18;
	s12 =	sadd.s32 @!p6 $0x0, s19;
	[tilespmem:$0x2A90] =	vst v2  }
0x63: {  	s13 =	sadd.s32 @!p6 $0x1E, s12;
	s12 =	simm.s32 @!p6 $0x0;
	s10 =	simm.s32 $0x14;
	[tilespmem:$0x2AB0] =	vst v3  }
.LBB2_2:
0x64: {  	s15 =	sadd.s32 @!p6 $0x1E, s11  }
0x65: {  	[tilespmem:$0x2AA0] =	vst v0;
	s16 =	simm.s32 @!p6 $0x2A00;
	s11 =	smov.u32 s10;
	s10 =	sadd.s32 $0x14, s10  }
0x66: {  	[tilespmem:s14], [sflag:$0x4] =	stream.linear.gather @!p6 [hbm4b:s13+s12], $0x50, $0x38;
	[tilespmem:$0x18B80] =	vst v63  }
0x67: {  	p5 =	sne.s32 s10, $0x4D8  }
0x68: {  	[tilespmem:s16], [sflag:$0x4] =	stream.linear.gather @!p6 [hbm4b:s15+s12], $0x50, $0x38;
	[tilespmem:$0x18B80] =	vst v63  }
0x69: {  	_ = 	snop  }
0x6a: {  	[spmem:s2] =	stream.indirect.scatter.add.f32 [tilespmem:s30], [sflag:$0x5], $0x80, s8, s24, $0xb8;
	[tilespmem:$0x18B80] =	vst v63  }
0x6b: {  	_ =	swait.ge [sflag:s28], $0x2800  }
0x6c: {  	[sflag:s28] =	ssyncset.done $0x0  }
0x6d: {  	[sflag:s28] =	ssyncadd.s32 $0xFFFFD800  }
0x6e: {  	_ =	swait.ge [sflag:s29], $0x50  }
0x6f: {  	[sflag:s29] =	ssyncset.done $0x0  }
0x70: {  	[sflag:s29] =	ssyncadd.s32 $0xFFFFFFB0  }
0x71: {  	_ =	swait.ge [sflag:s29], $0x50  }
0x72: {  	[sflag:s29] =	ssyncset.done $0x0  }
0x73: {  	[sflag:s29] =	ssyncadd.s32 $0xFFFFFFB0  }
0x74: {  	[tilespmem:s30], [sflag:$0x2] =	stream.indirect.gather [hbm4b:s1+s24], $0x80, s26, s24, $0xb8;
	[tilespmem:$0x18B80] =	vst v63  }
0x75: {  	_ =	swait.ge [sflag:s31], $0x2800  }
0x76: {  	[sflag:s31] =	ssyncset.done $0x0  }
0x77: {  	[sflag:s31] =	ssyncadd.s32 $0xFFFFD800  }
0x78: {  	v0 =	vld [tilespmem:$0xC0]  }
0x79: {  	v1 =	vld [tilespmem:$0xB0]  }
0x7a: {  	v2 =	vld [tilespmem:$0x80]  }
0x7b: {  	v3 =	vld [tilespmem:$0xA0]  }
0x7c: {  	v4 =	vld [tilespmem:$0x90]  }
0x7d: {  	[tilespmem:$0x140] =	vst v0  }
0x7e: {  	[tilespmem:$0x130] =	vst v1  }
0x7f: {  	[tilespmem:$0x100] =	vst v2  }
0x80: {  	s12 =	sadd.s32 s11, s19;
	[tilespmem:$0x120] =	vst v3  }
0x81: {  	s13 =	sadd.s32 s11, s18;
	s12 =	sadd.s32 $0x14, s12;
	[tilespmem:$0x110] =	vst v4  }
0x82: {  	[tilespmem:s4], [sflag:$0x3] =	stream.linear.gather [hbm4b:s12+s4], $0x50, $0x38;
	[tilespmem:$0x18B80] =	vst v63  }
0x83: {  	s12 =	sadd.s32 $0x14, s13  }
0x84: {  	[tilespmem:s22], [sflag:$0x3] =	stream.linear.gather [hbm4b:s12+s4], $0x50, $0x38;
	[tilespmem:$0x18B80] =	vst v63  }
0x85: {  	_ = 	snop  }
0x86: {  	[spmem:s2] =	stream.indirect.scatter.add.f32 [tilespmem:s25], [sflag:$0x5], $0x80, s0, s24, $0xb8;
	[tilespmem:$0x18B80] =	vst v63  }
0x87: {  	_ =	swait.ge [sflag:s28], $0x2800  }
0x88: {  	[sflag:s28] =	ssyncset.done $0x0  }
0x89: {  	[sflag:s28] =	ssyncadd.s32 $0xFFFFD800  }
0x8a: {  	_ =	swait.ge [sflag:s23], $0x50  }
0x8b: {  	[sflag:s23] =	ssyncset.done $0x0  }
0x8c: {  	[sflag:s23] =	ssyncadd.s32 $0xFFFFFFB0  }
0x8d: {  	_ =	swait.ge [sflag:s23], $0x50  }
0x8e: {  	[sflag:s23] =	ssyncset.done $0x0  }
0x8f: {  	[sflag:s23] =	ssyncadd.s32 $0xFFFFFFB0  }
0x90: {  	[tilespmem:s25], [sflag:$0x1] =	stream.indirect.gather [hbm4b:s1+s24], $0x80, s4, s24, $0xb8;
	[tilespmem:$0x18B80] =	vst v63  }
0x91: {  	_ =	swait.ge [sflag:s6], $0x2800  }
0x92: {  	[sflag:s6] =	ssyncset.done $0x0  }
0x93: {  	[sflag:s6] =	ssyncadd.s32 $0xFFFFD800  }
0x94: {  	v1 =	vld [tilespmem:$0x2A00]  }
0x95: {  	v2 =	vld [tilespmem:$0x2A40]  }
0x96: {  	v3 =	vld [tilespmem:$0x2A10]  }
0x97: {  	v4 =	vld [tilespmem:$0x2A30]  }
.Ltmp0:
0x98: {  	v0 =	vld [tilespmem:$0x2A20];
	(pc) =	sbr.rel @p5 .LBB2_2-.Ltmp0, $4  }
0x99: {  	[tilespmem:$0x2A80] =	vst v1  }
0x9a: {  	p6 =	seq.s32 s11, $0x4C4;
	[tilespmem:$0x2AC0] =	vst v2  }
0x9b: {  	s12 =	sadd.s32 @!p6 s11, s19;
	s11 =	sadd.s32 @!p6 s11, s18;
	[tilespmem:$0x2A90] =	vst v3  }
0x9c: {  	s14 =	simm.s32 @!p6 $0x2980;
	s13 =	sadd.s32 @!p6 $0x1E, s12;
	s12 =	simm.s32 @!p6 $0x0;
	[tilespmem:$0x2AB0] =	vst v4  }
0x9d: {  	[tilespmem:$0x2AA0] =	vst v0  }
0x9e: {  	[tilespmem:s14], [sflag:$0x4] =	stream.linear.gather @!p6 [hbm4b:s13+s12], $0x50, $0x38;
	[tilespmem:$0x18B80] =	vst v63  }
0x9f: {  	s10 =	sadd.s32 @!p6 $0x1E, s11;
	s11 =	simm.s32 @!p6 $0x2A00  }
0xa0: {  	[tilespmem:s11], [sflag:$0x4] =	stream.linear.gather @!p6 [hbm4b:s10+s12], $0x50, $0x38;
	[tilespmem:$0x18B80] =	vst v63  }
0xa1: {  	_ = 	snop  }
0xa2: {  	[spmem:s2] =	stream.indirect.scatter.add.f32 [tilespmem:s30], [sflag:$0x5], $0x80, s8, s24, $0xb8;
	[tilespmem:$0x18B80] =	vst v63  }
0xa3: {  	_ =	swait.ge [sflag:s28], $0x2800  }
0xa4: {  	[sflag:s28] =	ssyncset.done $0x0  }
0xa5: {  	[sflag:s28] =	ssyncadd.s32 $0xFFFFD800  }
0xa6: {  	_ =	swait.ge [sflag:s31], $0x2800  }
0xa7: {  	[sflag:s31] =	ssyncset.done $0x0  }
0xa8: {  	[sflag:s31] =	ssyncadd.s32 $0xFFFFD800  }
0xa9: {  	v63 =	vld [tilespmem:$0x80]  }
0xaa: {  	v1 =	vld [tilespmem:$0x90]  }
0xab: {  	v2 =	vld [tilespmem:$0xA0]  }
0xac: {  	v3 =	vld [tilespmem:$0xB0]  }
0xad: {  	v4 =	vld [tilespmem:$0xC0]  }
0xae: {  	[tilespmem:$0x100] =	vst v63  }
0xaf: {  	[tilespmem:$0x110] =	vst v1  }
0xb0: {  	[tilespmem:$0x120] =	vst v2  }
0xb1: {  	[tilespmem:$0x130] =	vst v3  }
0xb2: {  	[tilespmem:$0x140] =	vst v4  }
0xb3: {  	[spmem:s2] =	stream.indirect.scatter.add.f32 [tilespmem:s25], [sflag:$0x5], $0x80, s0, s24, $0xb8;
	[tilespmem:$0x18B80] =	vst v63  }
0xb4: {  	_ =	swait.ge [sflag:s28], $0x2800  }
0xb5: {  	[sflag:s28] =	ssyncset.done $0x0  }
0xb6: {  	[sflag:s28] =	ssyncadd.s32 $0xFFFFD800  }
0xb7: {  	[bflag:$0x0] =	sbarrier.arrive $0xFFFF  }
0xb8: {  	s10 =	sshrl.u32 @!p1 s7, $0x3;
	s11 =	simm.s32 @!p1 $0x1FC5;
	s12 =	rddreg [dreg:$0xb]  }
0xb9: {  	[hbm:s12], [sflag:s11] =	dma.local @!p1 [spmem:s10], $0x2080  }
0xba: {  	s10 =	simm.s32 @!p1 $0x5  }
0xbb: {  	_ =	swait.ge @!p1 [sflag:s10], $0x2080  }
0xbc: {  	s11 =	sshll.u32 @!p2 s3, $0x6;
	[sflag:s10] =	ssyncset.done @!p1 $0x0;
	s12 =	rddreg [dreg:$0xa]  }
0xbd: {  	[sflag:s10] =	ssyncadd.s32 @!p1 $0xFFFFDF80;
	s10 =	sor.u32 @!p2 $0x1C05, s11;
	s11 =	sshrl.u32 @!p2 s5, $0x3  }
0xbe: {  	[hbm:s12], [sflag:s10] =	dma.local @!p2 [spmem:s11], $0x2780  }
0xbf: {  	s10 =	simm.s32 @!p2 $0x5  }
0xc0: {  	_ =	swait.ge @!p2 [sflag:s10], $0x2780  }
0xc1: {  	s11 =	simm.s32 @!p3 $0x1FC5;
	[sflag:s10] =	ssyncset.done @!p2 $0x0  }
0xc2: {  	s12 =	rddreg [dreg:$0xd];
	[sflag:s10] =	ssyncadd.s32 @!p2 $0xFFFFD880;
	s10 =	sshrl.u32 @!p3 s7, $0x3  }
0xc3: {  	[hbm:s12], [sflag:s11] =	dma.local @!p3 [spmem:s10], $0x2080  }
0xc4: {  	s9 =	sadd.s32 $0x1, s9;
	s10 =	simm.s32 @!p3 $0x5  }
0xc5: {  	p5 =	sne.s32 s9, s17;
	_ =	swait.ge @!p3 [sflag:s10], $0x2080  }
0xc6: {  	s11 =	sshll.u32 @!p4 s3, $0x6;
	[sflag:s10] =	ssyncset.done @!p3 $0x0;
	s12 =	rddreg [dreg:$0xc]  }
0xc7: {  	[sflag:s10] =	ssyncadd.s32 @!p3 $0xFFFFDF80;
	s10 =	sor.u32 @!p4 $0x1C05, s11;
	s11 =	sshrl.u32 @!p4 s5, $0x3  }
0xc8: {  	[hbm:s12], [sflag:s10] =	dma.local @!p4 [spmem:s11], $0x2780  }
.Ltmp1:
0xc9: {  	_ = 	snop;
	(pc) =	sbr.rel @p5 .LBB2_1-.Ltmp1, $4  }
0xca: {  	s10 =	simm.s32 @!p4 $0x5  }
0xcb: {  	_ =	swait.ge @!p4 [sflag:s10], $0x2780  }
0xcc: {  	[sflag:s10] =	ssyncset.done @!p4 $0x0  }
0xcd: {  	[sflag:s10] =	ssyncadd.s32 @!p4 $0xFFFFD880  }
0xce: {  	_ =	sfence.sel $0x180000  }
0xcf: {  	[bflag:$0x0] =	sbarrier.arrive $0xFFFF  }
0xd0: {  	_ =	strace $0x9000004A  }
0xd1: {  	[bflag:$0x2] =	sbarrier.arrive $0xFFFF  }
0xd2: {  	p0 =	sne.s32 s3, $0x0;
	s0 =	rddreg [dreg:$0x3]  }
0xd3: {  	s0 =	sadd.s32 @!p0 $0x100000, s0  }
0xd4: {  	[sflag:s0] =	ssyncadd.tile.s32 @!p0 $0x1;
	_ =	shalt  }
.Lfunc_end2:
_tile_overlayer_lowered:
.L_overlay_start_2:
0xd5: {  	(tag) =	ssettag $0x2  }
0xd6: {  	s0 =	rddreg [dreg:$0x0];
	s2 =	stileid.u32  }
0xd7: {  	s1 =	rddreg [dreg:$0x1];
	p0 =	sne.s32 s2, $0x0  }
0xd8: {  	s3 =	rddreg [dreg:$0x2];
	[bflag:$0x3] =	sbarrier.arrive $0xFFFF;
	s2 =	simm.s32 @!p0 $0x1C05  }
0xd9: {  	[timem:s3], [sflag:s2] =	dma.local @!p0 [hbm:s0], s1  }
0xda: {  	s0 =	simm.s32 @!p0 $0x5  }
0xdb: {  	_ =	swait.ge @!p0 [sflag:s0], s1  }
0xdc: {  	s1 =	ssub.s32 @!p0 $0x0, s1;
	[sflag:s0] =	ssyncset.done @!p0 $0x0  }
0xdd: {  	[sflag:s0] =	ssyncadd.s32 @!p0 s1  }
0xde: {  	[bflag:$0x3] =	sbarrier.arrive $0xFFFF  }
0xdf: {  	_ =	shalt  }

// kernel: kernel.18.cloned.1.call-start
scs
__scs_entry_jumppad:
0x0: {  	(pc) =	sbr.rel $0x88, $3  }
0x1: {  	(tag) =	ssettag $0x0;
	lr =	simm.s32 $0x1  }
0x2: {  	[smem:$0x3F98] =	sst lr;
	_ =	strace $0xD0000000  }
0x3: {  	_ = 	snop  }
0x4: {  	_ = 	snop  }
0x5: {  	_ = 	snop  }
0x6: {  	_ = 	snop  }
0x7: {  	_ = 	snop  }
__scs_overlays_trampoline_lowered:
0x8: {  	[smem:$0x3FA7] =	sst s0  }
0x9: {  	[smem:$0x3FA8] =	sst s1  }
0xa: {  	[smem:$0x3FA9] =	sst s2  }
0xb: {  	[smem:$0x3FAA] =	sst s3  }
0xc: {  	[smem:$0x3FAB] =	sst s4  }
0xd: {  	[smem:$0x3FAC] =	sst s5  }
0xe: {  	[smem:$0x3FAD] =	sst s6  }
0xf: {  	[smem:$0x3FAE] =	sst s7  }
0x10: {  	[smem:$0x3FAF] =	sst s8  }
0x11: {  	[smem:$0x3FB0] =	sst s9;
	s0 =	simm.s32 @!p0 $0x0  }
0x12: {  	s1 =	sld [smem:$0x3F96];
	s0 =	simm.s32 @p0 $0x1  }
0x13: {  	[smem:$0x3FB1] =	sst s0;
	s0 =	simm.s32 @!p1 $0x0  }
0x14: {  	s2 =	sld [smem:$0x3F95];
	s0 =	simm.s32 @p1 $0x1  }
0x15: {  	[smem:$0x3FB2] =	sst s0;
	s0 =	simm.s32 @!p2 $0x0  }
0x16: {  	s3 =	sld [smem:$0x3FDB];
	s0 =	simm.s32 @p2 $0x1  }
0x17: {  	s4 =	simm.s32 $0x1BF5;
	[smem:$0x3FB4] =	sst s0  }
0x18: {  	s0 =	sld [smem:$0x3F97];
	_ =	swait.ge [sflag:s4], $0x0  }
0x19: {  	s7 =	sld [smem:$0x3F98]  }
0x1a: {  	s8 =	sadd.s32 $0xFFFFE003, lr  }
0x1b: {  	s9 =	sadd.s32 $0xFFFFFEF7, lr;
	s5 =	simm.s32 $0xFFFFFFFF;
	p2 =	slt.u32 s8, $0xFFFFF086  }
0x1c: {  	p1 =	slt.u32 s9, $0xF7A;
	s5 =	simm.s32 @!p2 $0x0  }
0x1d: {  	s5 =	simm.s32 @p1 $0x1;
	p0 =	seq.s32 s7, s2  }
0x1e: {  	s7 =	smul.u32 @!p0 $0xF7A, s2;
	p2 =	seq.s32 @!p0 s5, $0x0  }
0x1f: {  	s9 =	smul.u32 $0xF7A, s1;
	s8 =	simm.s32 @!p0 $0x1BF5;
	p2 =	por !p2, p0  }
0x20: {  	[sflag:s8] =	ssyncset.s32 @!p0 $0xFFFFF086;
	s6 =	sadd.s32 @!p0 s3, s7;
	s7 =	simm.s32 @!p0 $0x108  }
0x21: {  	s3 =	sadd.s32 s3, s9;
	s6 =	sadd.s32 @!p0 $0x88, s6;
	s7 =	simm.s32 @p2 $0x1082  }
0x22: {  	[simem:s7], [sflag:s8] =	dma.local @!p0 [hbm:s6], $0xF7A  }
0x23: {  	s9 =	sor.u32 $0xD0000000, s2;
	s6 =	simm.s32 $0x108;
	_ =	swait.ge @!p0 [sflag:s8], $0x0  }
0x24: {  	s3 =	sadd.s32 $0x88, s3;
	s6 =	simm.s32 @!p1 $0x1082;
	[sflag:s4] =	ssyncset.s32 $0xFFFFF086  }
0x25: {  	[simem:s6], [sflag:s4] =	dma.local [hbm:s3], $0xF7A  }
0x26: {  	[smem:$0x3F98] =	sst s1;
	(tag) =	ssettag s2;
	_ =	strace s9  }
0x27: {  	s1 =	sld [smem:$0x3FA8]  }
0x28: {  	s2 =	sld [smem:$0x3FA9]  }
0x29: {  	s4 =	sld [smem:$0x3FAB]  }
0x2a: {  	p0 =	seq.s32 s5, $0x0;
	s5 =	sld [smem:$0x3FAC]  }
0x2b: {  	s6 =	sld [smem:$0x3FAD]  }
0x2c: {  	s7 =	sld [smem:$0x3FAE]  }
0x2d: {  	s3 =	simm.s32 $0x108;
	s8 =	sld [smem:$0x3FAF]  }
0x2e: {  	s3 =	simm.s32 @!p0 $0x1082;
	s9 =	sld [smem:$0x3FB0]  }
0x2f: {  	lr =	sadd.s32 s0, s3;
	s0 =	sld [smem:$0x3FA7]  }
0x30: {  	s3 =	sld [smem:$0x3FAA]  }
0x31: {  	[smem:$0x3FB3] =	sst s10  }
0x32: {  	s10 =	sld [smem:$0x3FB1];
	_ =	sdelay $0x3  }
0x33: {  	p0 =	seq.s32 s10, $0x1;
	s10 =	sld [smem:$0x3FB3];
	_ =	sdelay $0x3  }
0x34: {  	[smem:$0x3FB3] =	sst s10  }
0x35: {  	s10 =	sld [smem:$0x3FB2];
	_ =	sdelay $0x3  }
0x36: {  	p1 =	seq.s32 s10, $0x1;
	s10 =	sld [smem:$0x3FB3];
	_ =	sdelay $0x3  }
0x37: {  	[smem:$0x3FB3] =	sst s10  }
0x38: {  	s10 =	sld [smem:$0x3FB4]  }
0x39: {  	_ = 	snop;
	(pc) =	sbr.ind lr, $3  }
0x3a: {  	_ = 	snop  }
0x3b: {  	_ = 	snop  }
0x3c: {  	p2 =	seq.s32 s10, $0x1;
	s10 =	sld [smem:$0x3FB3]  }
0x3d: {  	_ =	shalt  }
0x3e: {  	_ =	shalt  }
0x3f: {  	_ =	shalt  }
0x40: {  	_ =	shalt  }
0x41: {  	_ =	shalt  }
0x42: {  	_ =	shalt  }
0x43: {  	_ =	shalt  }
0x44: {  	_ =	shalt  }
0x45: {  	_ =	shalt  }
0x46: {  	_ =	shalt  }
0x47: {  	_ =	shalt  }
0x48: {  	_ =	shalt  }
0x49: {  	_ =	shalt  }
0x4a: {  	_ =	shalt  }
0x4b: {  	_ =	shalt  }
0x4c: {  	_ =	shalt  }
0x4d: {  	_ =	shalt  }
0x4e: {  	_ =	shalt  }
0x4f: {  	_ =	shalt  }
0x50: {  	_ =	shalt  }
0x51: {  	_ =	shalt  }
0x52: {  	_ =	shalt  }
0x53: {  	_ =	shalt  }
0x54: {  	_ =	shalt  }
0x55: {  	_ =	shalt  }
0x56: {  	_ =	shalt  }
0x57: {  	_ =	shalt  }
0x58: {  	_ =	shalt  }
0x59: {  	_ =	shalt  }
0x5a: {  	_ =	shalt  }
0x5b: {  	_ =	shalt  }
0x5c: {  	_ =	shalt  }
0x5d: {  	_ =	shalt  }
0x5e: {  	_ =	shalt  }
0x5f: {  	_ =	shalt  }
0x60: {  	_ =	shalt  }
0x61: {  	_ =	shalt  }
0x62: {  	_ =	shalt  }
0x63: {  	_ =	shalt  }
0x64: {  	_ =	shalt  }
0x65: {  	_ =	shalt  }
0x66: {  	_ =	shalt  }
0x67: {  	_ =	shalt  }
0x68: {  	_ =	shalt  }
0x69: {  	_ =	shalt  }
0x6a: {  	_ =	shalt  }
0x6b: {  	_ =	shalt  }
0x6c: {  	_ =	shalt  }
0x6d: {  	_ =	shalt  }
0x6e: {  	_ =	shalt  }
0x6f: {  	_ =	shalt  }
0x70: {  	_ =	shalt  }
0x71: {  	_ =	shalt  }
0x72: {  	_ =	shalt  }
0x73: {  	_ =	shalt  }
0x74: {  	_ =	shalt  }
0x75: {  	_ =	shalt  }
0x76: {  	_ =	shalt  }
0x77: {  	_ =	shalt  }
0x78: {  	_ =	shalt  }
0x79: {  	_ =	shalt  }
0x7a: {  	_ =	shalt  }
0x7b: {  	_ =	shalt  }
0x7c: {  	_ =	shalt  }
0x7d: {  	_ =	shalt  }
0x7e: {  	_ =	shalt  }
0x7f: {  	_ =	shalt  }
0x80: {  	_ =	shalt  }
0x81: {  	_ =	shalt  }
0x82: {  	_ =	shalt  }
0x83: {  	_ =	shalt  }
0x84: {  	_ =	shalt  }
0x85: {  	_ =	shalt  }
0x86: {  	_ =	shalt  }
0x87: {  	_ =	shalt  }
.Lfunc_end0:
.L_simem_size_0:
called_computation.2_lowered:
.L_overlay_start_0:
0x88: {  	s2 =	sld [smem:$0x3FD9]  }
0x89: {  	s3 =	sld [smem:$0x3FFE];
	_ =	sdelay $0x1  }
0x8a: {  	s1 =	srdreg.scid  }
0x8b: {  	s0 =	sand.u32 $0x1, s1  }
0x8c: {  	s16 =	sshll.u32 s0, $0xA;
	s2 =	sadd.s32 s3, s2  }
0x8d: {  	s2 =	sadd.s32 s2, s16  }
0x8e: {  	[smem:$0x3FBF] =	sst s2  }
0x8f: {  	_ = 	snop  }
0x90: {  	(tm) =	ssettm $0x1  }
0x91: {  	s17 =	sld [smem:$0x3FFB];
	_ =	sdelay $0x3  }
0x92: {  	_ =	strace s17  }
0x93: {  	s2 =	sld [smem:$0x3FFC];
	_ =	sdelay $0x3  }
0x94: {  	_ =	strace s2  }
0x95: {  	s2 =	sld [smem:$0x3FFD];
	_ =	sdelay $0x3  }
0x96: {  	_ =	strace s2  }
0x97: {  	_ =	strace $0x8FFFFFFF  }
0x98: {  	s18 =	sld [smem:$0x3FDB];
	_ =	sdelay $0x1  }
0x99: {  	s19 =	simm.s32 $_scs_section_size  }
0x9a: {  	s4 =	simm.s32 $_size__tile_overlayer_lowered;
	s5 =	simm.s32 $_tile_overlayer_lowered  }
0x9b: {  	s22 =	simm.s32 $0x1BFF;
	s21 =	sshll.u32 s5, $0x1;
	s2 =	sadd.s32 s19, s18  }
0x9c: {  	s6 =	simm.s32 $0x0;
	s20 =	sshll.u32 s4, $0x1;
	s4 =	sadd.s32 s21, s2  }
0x9d: {  	[timem:s6], [sflag:s22] =	dma.local [hbm:s4], s20  }
0x9e: {  	_ =	swait.ge [sflag:s22], s20  }
0x9f: {  	s3 =	ssub.s32 $0x0, s20;
	[sflag:s22] =	ssyncset.done $0x0  }
0xa0: {  	[sflag:s22] =	ssyncadd.s32 s3;
	_ =	sdelay $0x1  }
0xa1: {  	s23 =	simm.s32 $0x1B8B  }
0xa2: {  	_ =	swait.ge [sflag:s23], $0x1  }
0xa3: {  	[sflag:s23] =	ssyncset.done $0x0  }
0xa4: {  	s25 =	simm.s32 $0x1B8E;
	s24 =	sld [smem:$0x3FFE];
	[sflag:s23] =	ssyncadd.s32 $0xFFFFFFFF  }
0xa5: {  	s26 =	simm.s32 $execute0_lowered;
	[smem:$0x3FD2] =	sst s25  }
0xa6: {  	s4 =	sshll.u32 s26, $0x1;
	_ =	strace $0x8000004C;
	[dreg:$0x1] =	wrdreg $0xFFFFFFFF  }
0xa7: {  	s28 =	simm.s32 $_size_execute0_lowered;
	s2 =	sadd.s32 s2, s4;
	[dreg:$0x0] =	wrdreg $0x0  }
0xa8: {  	s4 =	sshll.u32 s28, $0x1;
	[dreg:$0x2] =	wrdreg s2  }
0xa9: {  	[dreg:$0x3] =	wrdreg s4  }
0xaa: {  	[dreg:$0x4] =	wrdreg $0xC0  }
0xab: {  	_ =	task [dreg:s6], $0x5FFFF  }
0xac: {  	[dreg:$0x1] =	wrdreg $0xFFFFFFFF  }
0xad: {  	[dreg:$0x0] =	wrdreg $0x60  }
0xae: {  	[dreg:$0x2] =	wrdreg s24  }
0xaf: {  	[dreg:$0x3] =	wrdreg $0x53000  }
0xb0: {  	[dreg:$0x4] =	wrdreg $0x9  }
0xb1: {  	_ =	task.clear_ibuf [dreg:s6], $0x5FFFF;
	_ =	strace $0x9000004C  }
0xb2: {  	s29 =	simm.s32 $0x9;
	_ =	strace $0x8000004E  }
0xb3: {  	_ =	swait.ge [sflag:s29], $0x1  }
0xb4: {  	[sflag:s29] =	ssyncadd.s32 $0xFFFFFFFF  }
0xb5: {  	_ =	strace $0x9000004E  }
0xb6: {  	_ =	sfence  }
0xb7: {  	s30 =	sld [smem:$0x0];
	_ =	sdelay $0x2  }
0xb8: {  	s31 =	sshll.u32 s1, $0xD;
	s1 =	sshrl.u32 s1, $0x2  }
0xb9: {  	s3 =	sand.u32 $0x4000, s31;
	s1 =	sadd.s32 s1, s30  }
0xba: {  	s0 =	sor.u32 s3, s0;
	s1 =	sshll.u32 s1, $0x11  }
0xbb: {  	s0 =	sor.u32 s1, s0  }
0xbc: {  	s0 =	sadd.s32 $0x8F2B, s0  }
0xbd: {  	[sflag:s0] =	ssyncadd.remote.s32 $0x1  }
0xbe: {  	_ =	sfence.sel $0xFFFF  }
0xbf: {  	[dreg:$0x0] =	wrdreg $0xFFFFFFFF;
	(pc) =	sbr.abs _section_cstart, $3  }
0xc0: {  	[dreg:$0x1] =	wrdreg $0xFFFFFFFF  }
0xc1: {  	_ =	task.clear_ibuf [dreg:s6], $0x2FFFF;
	_ =	strace $0x9FFFFFFF  }
0xc2: {  	(tm) =	ssettm $0x7FFFFFFF  }
0xc3: {  	_ =	shalt  }
tec
execute0_lowered:
.L_overlay_start_1:
0x0: {  	(tag) =	ssettag $0x1  }
0x1: {  	s0 =	rddreg [dreg:$0x0]  }
0x2: {  	s2 =	rddreg [dreg:$0x1]  }
0x3: {  	s3 =	simm.s32 $0x0;
	s1 =	stileid.u32;
	s5 =	srdreg.scid  }
0x4: {  	s29 =	simm.s32 $0x4;
	s30 =	simm.s32 $0x2B00;
	s31 =	simm.s32 $0x1  }
0x5: {  	s28 =	simm.s32 $0x5;
	[smem:$0x7FF] =	sst s3;
	s4 =	smul.u32 $0x2780, s1  }
0x6: {  	s7 =	sadd.s32 $0xA600, s0;
	s5 =	sand.u32 $0x1, s5;
	s6 =	smul.u32 $0x4F000, s1  }
0x7: {  	s8 =	sadd.s32 $0x5600, s0;
	s11 =	smul.u32 $0x2710, s1;
	s12 =	sadd.s32 $0x5BE80, s0  }
0x8: {  	s24 =	sadd.s32 $0xD1480, s0;
	_ =	strace $0x8000004D;
	[dreg:$0x4] =	wrdreg s12  }
0x9: {  	s25 =	sadd.s32 $0xAA280, s0;
	s26 =	smul.u32 $0x4E2, s1;
	[dreg:$0xa] =	wrdreg s24  }
0xa: {  	s18 =	ssub.s32 $0x2, s5;
	p0 =	seq.s32 s5, $0x0;
	[dreg:$0xc] =	wrdreg s25  }
0xb: {  	p4 =	sne.s32 s5, $0x0;
	s24 =	simm.s32 $0x50;
	s25 =	simm.s32 $0x180  }
0xc: {  	s5 =	simm.s32 $0x2;
	s9 =	sadd.s32 s4, s0;
	s10 =	sshrl.u32 s18, $0x1  }
0xd: {  	s6 =	sshrl.u32 s6, $0x2;
	s11 =	sshrl.u32 s11, $0x3;
	p2 =	seq.s32 @p4 s1, $0xF  }
0xe: {  	p5 =	seq.s32 @!p4 s1, $0xF;
	s10 =	ssub.s32 s18, s10;
	s4 =	sadd.s32 s6, s2  }
0xf: {  	s19 =	sadd.s32 $0x36E00, s9;
	s6 =	sadd.s32 $0x128400, s2;
	s20 =	sadd.s32 s7, s11  }
0x10: {  	s21 =	sadd.s32 s8, s11;
	s11 =	sadd.s32 $0xA, s11;
	s23 =	sadd.s32 $0xAC400, s9  }
0x11: {  	s9 =	sadd.s32 $0x85200, s9;
	s18 =	sadd.s32 s26, s8;
	[dreg:$0x3] =	wrdreg s19  }
0x12: {  	p1 =	por !p2, !p4;
	p2 =	por p2, !p4;
	[dreg:$0x5] =	wrdreg s20  }
0x13: {  	p3 =	por !p5, p4;
	p4 =	por p5, p4;
	[dreg:$0x6] =	wrdreg s21  }
0x14: {  	s22 =	sadd.s32 s7, s11;
	s11 =	sadd.s32 s8, s11;
	[dreg:$0x9] =	wrdreg s23  }
0x15: {  	[dreg:$0xb] =	wrdreg s9;
	s9 =	simm.s32 $0xF600;
	s16 =	smax.u32 s10, $0x1  }
0x16: {  	s19 =	sadd.s32 s26, s7;
	s23 =	simm.s32 $0x3;
	s26 =	simm.s32 $0x2980  }
0x17: {  	s7 =	simm.s32 $0x2A80;
	s8 =	simm.s32 $0x0;
	[dreg:$0x7] =	wrdreg s22  }
0x18: {  	[dreg:$0x8] =	wrdreg s11;
	s9 =	simm.s32 @!p0 $0x5E000;
	p0 =	seq.s32 s1, $0xF  }
0x19: {  	s22 =	simm.s32 $0x80;
	s17 =	sadd.s32 s9, s0;
	s0 =	sshll.u32 @!p0 s1, $0x6  }
0x1a: {  	s20 =	sshrl.u32 @p0 s6, $0x3;
	s21 =	sor.u32 @!p0 $0x1C05, s0;
	s0 =	simm.s32 $0x100  }
.LBB2_1:
0x1b: {  	s9 =	simm.s32 @p0 $0x1FC5;
	s10 =	rddreg [dreg:$0x4]  }
0x1c: {  	[spmem:s20], [sflag:s9] =	dma.local @p0 [hbm:s10], $0x2080  }
0x1d: {  	s9 =	simm.s32 @p0 $0x5  }
0x1e: {  	_ =	swait.ge @p0 [sflag:s9], $0x2080  }
0x1f: {  	[sflag:s9] =	ssyncset.done @p0 $0x0  }
0x20: {  	s10 =	rddreg [dreg:$0x3];
	[sflag:s9] =	ssyncadd.s32 @p0 $0xFFFFDF80;
	s9 =	sshrl.u32 @!p0 s4, $0x3  }
0x21: {  	[spmem:s9], [sflag:s21] =	dma.local @!p0 [hbm:s10], $0x2780  }
0x22: {  	s9 =	simm.s32 @!p0 $0x5  }
0x23: {  	_ =	swait.ge @!p0 [sflag:s9], $0x2780  }
0x24: {  	[sflag:s9] =	ssyncset.done @!p0 $0x0  }
0x25: {  	[sflag:s9] =	ssyncadd.s32 @!p0 $0xFFFFD880  }
0x26: {  	[bflag:$0x0] =	sbarrier.arrive $0xFFFF  }
0x27: {  	s14 =	rddreg [dreg:$0x5]  }
0x28: {  	[tilespmem:s3], [sflag:$0x3] =	stream.linear.gather [hbm4b:s14+s3], $0x50, $0x38;
	[tilespmem:$0x18B80] =	vst v63  }
0x29: {  	s15 =	rddreg [dreg:$0x6]  }
0x2a: {  	[tilespmem:s22], [sflag:$0x3] =	stream.linear.gather [hbm4b:s15+s3], $0x50, $0x38;
	[tilespmem:$0x18B80] =	vst v63  }
0x2b: {  	_ =	swait.ge [sflag:s23], $0x50  }
0x2c: {  	[sflag:s23] =	ssyncset.done $0x0  }
0x2d: {  	[sflag:s23] =	ssyncadd.s32 $0xFFFFFFB0  }
0x2e: {  	_ =	swait.ge [sflag:s23], $0x50  }
0x2f: {  	[sflag:s23] =	ssyncset.done $0x0  }
0x30: {  	[sflag:s23] =	ssyncadd.s32 $0xFFFFFFB0  }
0x31: {  	[tilespmem:s25], [sflag:$0x1] =	stream.indirect.gather [hbm4b:s17+s24], $0x80, s3, s24, $0xb8;
	[tilespmem:$0x18B80] =	vst v63  }
0x32: {  	s10 =	rddreg [dreg:$0x7]  }
0x33: {  	[tilespmem:s26], [sflag:$0x4] =	stream.linear.gather [hbm4b:s10+s3], $0x50, $0x38;
	[tilespmem:$0x18B80] =	vst v63  }
0x34: {  	s12 =	simm.s32 $0x2A00;
	s11 =	rddreg [dreg:$0x8]  }
0x35: {  	[tilespmem:s12], [sflag:$0x4] =	stream.linear.gather [hbm4b:s11+s3], $0x50, $0x38;
	[tilespmem:$0x18B80] =	vst v63  }
0x36: {  	_ =	swait.ge [sflag:s29], $0x50  }
0x37: {  	[sflag:s29] =	ssyncset.done $0x0  }
0x38: {  	[sflag:s29] =	ssyncadd.s32 $0xFFFFFFB0  }
0x39: {  	_ =	swait.ge [sflag:s29], $0x50  }
0x3a: {  	[sflag:s29] =	ssyncset.done $0x0  }
0x3b: {  	[sflag:s29] =	ssyncadd.s32 $0xFFFFFFB0  }
0x3c: {  	[tilespmem:s30], [sflag:$0x2] =	stream.indirect.gather [hbm4b:s17+s24], $0x80, s26, s24, $0xb8;
	[tilespmem:$0x18B80] =	vst v63  }
0x3d: {  	_ =	swait.ge [sflag:s31], $0x2800  }
0x3e: {  	[sflag:s31] =	ssyncset.done $0x0  }
0x3f: {  	[sflag:s31] =	ssyncadd.s32 $0xFFFFD800  }
0x40: {  	v0 =	vld [tilespmem:$0xC0]  }
0x41: {  	v1 =	vld [tilespmem:$0xB0]  }
0x42: {  	v2 =	vld [tilespmem:$0x80]  }
0x43: {  	v3 =	vld [tilespmem:$0xA0]  }
0x44: {  	v4 =	vld [tilespmem:$0x90]  }
0x45: {  	[tilespmem:$0x140] =	vst v0  }
0x46: {  	[tilespmem:$0x130] =	vst v1  }
0x47: {  	[tilespmem:$0x100] =	vst v2  }
0x48: {  	s13 =	sadd.s32 $0x0, s19;
	[tilespmem:$0x120] =	vst v3  }
0x49: {  	s9 =	sadd.s32 $0x14, s13;
	s14 =	sadd.s32 $0x0, s18;
	[tilespmem:$0x110] =	vst v4  }
0x4a: {  	[tilespmem:s3], [sflag:$0x3] =	stream.linear.gather [hbm4b:s9+s3], $0x50, $0x38;
	[tilespmem:$0x18B80] =	vst v63  }
0x4b: {  	s15 =	sadd.s32 $0x14, s14  }
0x4c: {  	[tilespmem:s22], [sflag:$0x3] =	stream.linear.gather [hbm4b:s15+s3], $0x50, $0x38;
	[tilespmem:$0x18B80] =	vst v63  }
0x4d: {  	_ = 	snop  }
0x4e: {  	[spmem:s2] =	stream.indirect.scatter.add.f32 [tilespmem:s25], [sflag:$0x5], $0x80, s0, s24, $0xb8;
	[tilespmem:$0x18B80] =	vst v63  }
0x4f: {  	_ =	swait.ge [sflag:s28], $0x2800  }
0x50: {  	[sflag:s28] =	ssyncset.done $0x0  }
0x51: {  	[sflag:s28] =	ssyncadd.s32 $0xFFFFD800  }
0x52: {  	_ =	swait.ge [sflag:s23], $0x50  }
0x53: {  	[sflag:s23] =	ssyncset.done $0x0  }
0x54: {  	[sflag:s23] =	ssyncadd.s32 $0xFFFFFFB0  }
0x55: {  	_ =	swait.ge [sflag:s23], $0x50  }
0x56: {  	[sflag:s23] =	ssyncset.done $0x0  }
0x57: {  	[sflag:s23] =	ssyncadd.s32 $0xFFFFFFB0  }
0x58: {  	[tilespmem:s25], [sflag:$0x1] =	stream.indirect.gather [hbm4b:s17+s24], $0x80, s3, s24, $0xb8;
	[tilespmem:$0x18B80] =	vst v63  }
0x59: {  	_ =	swait.ge [sflag:s5], $0x2800  }
0x5a: {  	[sflag:s5] =	ssyncset.done $0x0  }
0x5b: {  	[sflag:s5] =	ssyncadd.s32 $0xFFFFD800  }
0x5c: {  	v0 =	vld [tilespmem:$0x2A00]  }
0x5d: {  	v1 =	vld [tilespmem:$0x2A40]  }
0x5e: {  	v2 =	vld [tilespmem:$0x2A10]  }
0x5f: {  	v3 =	vld [tilespmem:$0x2A30];
	_ =	sdelay $0x1  }
0x60: {  	[tilespmem:$0x2A80] =	vst v0;
	v0 =	vld [tilespmem:$0x2A20]  }
0x61: {  	p6 =	por $0x0, $0x0;
	[tilespmem:$0x2AC0] =	vst v1  }
0x62: {  	s13 =	simm.s32 @!p6 $0x2980;
	s10 =	sadd.s32 @!p6 $0x0, s18;
	s11 =	sadd.s32 @!p6 $0x0, s19;
	[tilespmem:$0x2A90] =	vst v2  }
0x63: {  	s12 =	sadd.s32 @!p6 $0x1E, s11;
	s11 =	simm.s32 @!p6 $0x0;
	s9 =	simm.s32 $0x14;
	[tilespmem:$0x2AB0] =	vst v3  }
.LBB2_2:
0x64: {  	s14 =	sadd.s32 @!p6 $0x1E, s10  }
0x65: {  	[tilespmem:$0x2AA0] =	vst v0;
	s15 =	simm.s32 @!p6 $0x2A00;
	s10 =	smov.u32 s9;
	s9 =	sadd.s32 $0x14, s9  }
0x66: {  	[tilespmem:s13], [sflag:$0x4] =	stream.linear.gather @!p6 [hbm4b:s12+s11], $0x50, $0x38;
	[tilespmem:$0x18B80] =	vst v63  }
0x67: {  	p5 =	sne.s32 s9, $0x4D8  }
0x68: {  	[tilespmem:s15], [sflag:$0x4] =	stream.linear.gather @!p6 [hbm4b:s14+s11], $0x50, $0x38;
	[tilespmem:$0x18B80] =	vst v63  }
0x69: {  	_ = 	snop  }
0x6a: {  	[spmem:s2] =	stream.indirect.scatter.add.f32 [tilespmem:s30], [sflag:$0x5], $0x80, s7, s24, $0xb8;
	[tilespmem:$0x18B80] =	vst v63  }
0x6b: {  	_ =	swait.ge [sflag:s28], $0x2800  }
0x6c: {  	[sflag:s28] =	ssyncset.done $0x0  }
0x6d: {  	[sflag:s28] =	ssyncadd.s32 $0xFFFFD800  }
0x6e: {  	_ =	swait.ge [sflag:s29], $0x50  }
0x6f: {  	[sflag:s29] =	ssyncset.done $0x0  }
0x70: {  	[sflag:s29] =	ssyncadd.s32 $0xFFFFFFB0  }
0x71: {  	_ =	swait.ge [sflag:s29], $0x50  }
0x72: {  	[sflag:s29] =	ssyncset.done $0x0  }
0x73: {  	[sflag:s29] =	ssyncadd.s32 $0xFFFFFFB0  }
0x74: {  	[tilespmem:s30], [sflag:$0x2] =	stream.indirect.gather [hbm4b:s17+s24], $0x80, s26, s24, $0xb8;
	[tilespmem:$0x18B80] =	vst v63  }
0x75: {  	_ =	swait.ge [sflag:s31], $0x2800  }
0x76: {  	[sflag:s31] =	ssyncset.done $0x0  }
0x77: {  	[sflag:s31] =	ssyncadd.s32 $0xFFFFD800  }
0x78: {  	v0 =	vld [tilespmem:$0xC0]  }
0x79: {  	v1 =	vld [tilespmem:$0xB0]  }
0x7a: {  	v2 =	vld [tilespmem:$0x80]  }
0x7b: {  	v3 =	vld [tilespmem:$0xA0]  }
0x7c: {  	v4 =	vld [tilespmem:$0x90]  }
0x7d: {  	[tilespmem:$0x140] =	vst v0  }
0x7e: {  	[tilespmem:$0x130] =	vst v1  }
0x7f: {  	[tilespmem:$0x100] =	vst v2  }
0x80: {  	s11 =	sadd.s32 s10, s19;
	[tilespmem:$0x120] =	vst v3  }
0x81: {  	s12 =	sadd.s32 s10, s18;
	s11 =	sadd.s32 $0x14, s11;
	[tilespmem:$0x110] =	vst v4  }
0x82: {  	[tilespmem:s3], [sflag:$0x3] =	stream.linear.gather [hbm4b:s11+s3], $0x50, $0x38;
	[tilespmem:$0x18B80] =	vst v63  }
0x83: {  	s11 =	sadd.s32 $0x14, s12  }
0x84: {  	[tilespmem:s22], [sflag:$0x3] =	stream.linear.gather [hbm4b:s11+s3], $0x50, $0x38;
	[tilespmem:$0x18B80] =	vst v63  }
0x85: {  	_ = 	snop  }
0x86: {  	[spmem:s2] =	stream.indirect.scatter.add.f32 [tilespmem:s25], [sflag:$0x5], $0x80, s0, s24, $0xb8;
	[tilespmem:$0x18B80] =	vst v63  }
0x87: {  	_ =	swait.ge [sflag:s28], $0x2800  }
0x88: {  	[sflag:s28] =	ssyncset.done $0x0  }
0x89: {  	[sflag:s28] =	ssyncadd.s32 $0xFFFFD800  }
0x8a: {  	_ =	swait.ge [sflag:s23], $0x50  }
0x8b: {  	[sflag:s23] =	ssyncset.done $0x0  }
0x8c: {  	[sflag:s23] =	ssyncadd.s32 $0xFFFFFFB0  }
0x8d: {  	_ =	swait.ge [sflag:s23], $0x50  }
0x8e: {  	[sflag:s23] =	ssyncset.done $0x0  }
0x8f: {  	[sflag:s23] =	ssyncadd.s32 $0xFFFFFFB0  }
0x90: {  	[tilespmem:s25], [sflag:$0x1] =	stream.indirect.gather [hbm4b:s17+s24], $0x80, s3, s24, $0xb8;
	[tilespmem:$0x18B80] =	vst v63  }
0x91: {  	_ =	swait.ge [sflag:s5], $0x2800  }
0x92: {  	[sflag:s5] =	ssyncset.done $0x0  }
0x93: {  	[sflag:s5] =	ssyncadd.s32 $0xFFFFD800  }
0x94: {  	v1 =	vld [tilespmem:$0x2A00]  }
0x95: {  	v2 =	vld [tilespmem:$0x2A40]  }
0x96: {  	v3 =	vld [tilespmem:$0x2A10]  }
0x97: {  	v4 =	vld [tilespmem:$0x2A30]  }
.Ltmp0:
0x98: {  	v0 =	vld [tilespmem:$0x2A20];
	(pc) =	sbr.rel @p5 .LBB2_2-.Ltmp0, $4  }
0x99: {  	[tilespmem:$0x2A80] =	vst v1  }
0x9a: {  	p6 =	seq.s32 s10, $0x4C4;
	[tilespmem:$0x2AC0] =	vst v2  }
0x9b: {  	s11 =	sadd.s32 @!p6 s10, s19;
	s10 =	sadd.s32 @!p6 s10, s18;
	[tilespmem:$0x2A90] =	vst v3  }
0x9c: {  	s13 =	simm.s32 @!p6 $0x2980;
	s12 =	sadd.s32 @!p6 $0x1E, s11;
	s11 =	simm.s32 @!p6 $0x0;
	[tilespmem:$0x2AB0] =	vst v4  }
0x9d: {  	[tilespmem:$0x2AA0] =	vst v0  }
0x9e: {  	[tilespmem:s13], [sflag:$0x4] =	stream.linear.gather @!p6 [hbm4b:s12+s11], $0x50, $0x38;
	[tilespmem:$0x18B80] =	vst v63  }
0x9f: {  	s9 =	sadd.s32 @!p6 $0x1E, s10;
	s10 =	simm.s32 @!p6 $0x2A00  }
0xa0: {  	[tilespmem:s10], [sflag:$0x4] =	stream.linear.gather @!p6 [hbm4b:s9+s11], $0x50, $0x38;
	[tilespmem:$0x18B80] =	vst v63  }
0xa1: {  	_ = 	snop  }
0xa2: {  	[spmem:s2] =	stream.indirect.scatter.add.f32 [tilespmem:s30], [sflag:$0x5], $0x80, s7, s24, $0xb8;
	[tilespmem:$0x18B80] =	vst v63  }
0xa3: {  	_ =	swait.ge [sflag:s28], $0x2800  }
0xa4: {  	[sflag:s28] =	ssyncset.done $0x0  }
0xa5: {  	[sflag:s28] =	ssyncadd.s32 $0xFFFFD800  }
0xa6: {  	_ =	swait.ge [sflag:s31], $0x2800  }
0xa7: {  	[sflag:s31] =	ssyncset.done $0x0  }
0xa8: {  	[sflag:s31] =	ssyncadd.s32 $0xFFFFD800  }
0xa9: {  	v63 =	vld [tilespmem:$0x80]  }
0xaa: {  	v1 =	vld [tilespmem:$0x90]  }
0xab: {  	v2 =	vld [tilespmem:$0xA0]  }
0xac: {  	v3 =	vld [tilespmem:$0xB0]  }
0xad: {  	v4 =	vld [tilespmem:$0xC0]  }
0xae: {  	[tilespmem:$0x100] =	vst v63  }
0xaf: {  	[tilespmem:$0x110] =	vst v1  }
0xb0: {  	[tilespmem:$0x120] =	vst v2  }
0xb1: {  	[tilespmem:$0x130] =	vst v3  }
0xb2: {  	[tilespmem:$0x140] =	vst v4  }
0xb3: {  	[spmem:s2] =	stream.indirect.scatter.add.f32 [tilespmem:s25], [sflag:$0x5], $0x80, s0, s24, $0xb8;
	[tilespmem:$0x18B80] =	vst v63  }
0xb4: {  	_ =	swait.ge [sflag:s28], $0x2800  }
0xb5: {  	[sflag:s28] =	ssyncset.done $0x0  }
0xb6: {  	[sflag:s28] =	ssyncadd.s32 $0xFFFFD800  }
0xb7: {  	[bflag:$0x0] =	sbarrier.arrive $0xFFFF  }
0xb8: {  	s9 =	sshrl.u32 @!p1 s6, $0x3;
	s10 =	simm.s32 @!p1 $0x1FC5;
	s11 =	rddreg [dreg:$0xa]  }
0xb9: {  	[hbm:s11], [sflag:s10] =	dma.local @!p1 [spmem:s9], $0x2080  }
0xba: {  	s9 =	simm.s32 @!p1 $0x5  }
0xbb: {  	_ =	swait.ge @!p1 [sflag:s9], $0x2080  }
0xbc: {  	s10 =	sshll.u32 @!p2 s1, $0x6;
	[sflag:s9] =	ssyncset.done @!p1 $0x0;
	s11 =	rddreg [dreg:$0x9]  }
0xbd: {  	[sflag:s9] =	ssyncadd.s32 @!p1 $0xFFFFDF80;
	s9 =	sor.u32 @!p2 $0x1C05, s10;
	s10 =	sshrl.u32 @!p2 s4, $0x3  }
0xbe: {  	[hbm:s11], [sflag:s9] =	dma.local @!p2 [spmem:s10], $0x2780  }
0xbf: {  	s9 =	simm.s32 @!p2 $0x5  }
0xc0: {  	_ =	swait.ge @!p2 [sflag:s9], $0x2780  }
0xc1: {  	s10 =	simm.s32 @!p3 $0x1FC5;
	[sflag:s9] =	ssyncset.done @!p2 $0x0  }
0xc2: {  	s11 =	rddreg [dreg:$0xc];
	[sflag:s9] =	ssyncadd.s32 @!p2 $0xFFFFD880;
	s9 =	sshrl.u32 @!p3 s6, $0x3  }
0xc3: {  	[hbm:s11], [sflag:s10] =	dma.local @!p3 [spmem:s9], $0x2080  }
0xc4: {  	s8 =	sadd.s32 $0x1, s8;
	s9 =	simm.s32 @!p3 $0x5  }
0xc5: {  	p5 =	sne.s32 s8, s16;
	_ =	swait.ge @!p3 [sflag:s9], $0x2080  }
0xc6: {  	s10 =	sshll.u32 @!p4 s1, $0x6;
	[sflag:s9] =	ssyncset.done @!p3 $0x0;
	s11 =	rddreg [dreg:$0xb]  }
0xc7: {  	[sflag:s9] =	ssyncadd.s32 @!p3 $0xFFFFDF80;
	s9 =	sor.u32 @!p4 $0x1C05, s10;
	s10 =	sshrl.u32 @!p4 s4, $0x3  }
0xc8: {  	[hbm:s11], [sflag:s9] =	dma.local @!p4 [spmem:s10], $0x2780  }
.Ltmp1:
0xc9: {  	_ = 	snop;
	(pc) =	sbr.rel @p5 .LBB2_1-.Ltmp1, $4  }
0xca: {  	s9 =	simm.s32 @!p4 $0x5  }
0xcb: {  	_ =	swait.ge @!p4 [sflag:s9], $0x2780  }
0xcc: {  	[sflag:s9] =	ssyncset.done @!p4 $0x0  }
0xcd: {  	[sflag:s9] =	ssyncadd.s32 @!p4 $0xFFFFD880  }
0xce: {  	_ =	sfence.sel $0x180000  }
0xcf: {  	[bflag:$0x0] =	sbarrier.arrive $0xFFFF  }
0xd0: {  	_ =	strace $0x9000004D  }
0xd1: {  	[bflag:$0x2] =	sbarrier.arrive $0xFFFF  }
0xd2: {  	p0 =	sne.s32 s1, $0x0;
	s0 =	rddreg [dreg:$0x2]  }
0xd3: {  	s0 =	sadd.s32 @!p0 $0x100000, s0  }
0xd4: {  	[sflag:s0] =	ssyncadd.tile.s32 @!p0 $0x1;
	_ =	shalt  }
.Lfunc_end2:
_tile_overlayer_lowered:
.L_overlay_start_2:
0xd5: {  	(tag) =	ssettag $0x2  }
0xd6: {  	s0 =	rddreg [dreg:$0x0];
	s2 =	stileid.u32  }
0xd7: {  	s1 =	rddreg [dreg:$0x1];
	p0 =	sne.s32 s2, $0x0  }
0xd8: {  	s3 =	rddreg [dreg:$0x2];
	[bflag:$0x3] =	sbarrier.arrive $0xFFFF;
	s2 =	simm.s32 @!p0 $0x1C05  }
0xd9: {  	[timem:s3], [sflag:s2] =	dma.local @!p0 [hbm:s0], s1  }
0xda: {  	s0 =	simm.s32 @!p0 $0x5  }
0xdb: {  	_ =	swait.ge @!p0 [sflag:s0], s1  }
0xdc: {  	s1 =	ssub.s32 @!p0 $0x0, s1;
	[sflag:s0] =	ssyncset.done @!p0 $0x0  }
0xdd: {  	[sflag:s0] =	ssyncadd.s32 @!p0 s1  }
0xde: {  	[bflag:$0x3] =	sbarrier.arrive $0xFFFF  }
0xdf: {  	_ =	shalt  }

// kernel: kernel.21.cloned.1.call-start
scs
__scs_entry_jumppad:
0x0: {  	(pc) =	sbr.rel $0x88, $3  }
0x1: {  	(tag) =	ssettag $0x0;
	lr =	simm.s32 $0x1  }
0x2: {  	[smem:$0x3F98] =	sst lr;
	_ =	strace $0xD0000000  }
0x3: {  	_ = 	snop  }
0x4: {  	_ = 	snop  }
0x5: {  	_ = 	snop  }
0x6: {  	_ = 	snop  }
0x7: {  	_ = 	snop  }
__scs_overlays_trampoline_lowered:
0x8: {  	[smem:$0x3FA7] =	sst s0  }
0x9: {  	[smem:$0x3FA8] =	sst s1  }
0xa: {  	[smem:$0x3FA9] =	sst s2  }
0xb: {  	[smem:$0x3FAA] =	sst s3  }
0xc: {  	[smem:$0x3FAB] =	sst s4  }
0xd: {  	[smem:$0x3FAC] =	sst s5  }
0xe: {  	[smem:$0x3FAD] =	sst s6  }
0xf: {  	[smem:$0x3FAE] =	sst s7  }
0x10: {  	[smem:$0x3FAF] =	sst s8  }
0x11: {  	[smem:$0x3FB0] =	sst s9;
	s0 =	simm.s32 @!p0 $0x0  }
0x12: {  	s1 =	sld [smem:$0x3F96];
	s0 =	simm.s32 @p0 $0x1  }
0x13: {  	[smem:$0x3FB1] =	sst s0;
	s0 =	simm.s32 @!p1 $0x0  }
0x14: {  	s2 =	sld [smem:$0x3F95];
	s0 =	simm.s32 @p1 $0x1  }
0x15: {  	[smem:$0x3FB2] =	sst s0;
	s0 =	simm.s32 @!p2 $0x0  }
0x16: {  	s3 =	sld [smem:$0x3FDB];
	s0 =	simm.s32 @p2 $0x1  }
0x17: {  	s4 =	simm.s32 $0x1BF5;
	[smem:$0x3FB4] =	sst s0  }
0x18: {  	s0 =	sld [smem:$0x3F97];
	_ =	swait.ge [sflag:s4], $0x0  }
0x19: {  	s7 =	sld [smem:$0x3F98]  }
0x1a: {  	s8 =	sadd.s32 $0xFFFFE003, lr  }
0x1b: {  	s9 =	sadd.s32 $0xFFFFFEF7, lr;
	s5 =	simm.s32 $0xFFFFFFFF;
	p2 =	slt.u32 s8, $0xFFFFF086  }
0x1c: {  	p1 =	slt.u32 s9, $0xF7A;
	s5 =	simm.s32 @!p2 $0x0  }
0x1d: {  	s5 =	simm.s32 @p1 $0x1;
	p0 =	seq.s32 s7, s2  }
0x1e: {  	s7 =	smul.u32 @!p0 $0xF7A, s2;
	p2 =	seq.s32 @!p0 s5, $0x0  }
0x1f: {  	s9 =	smul.u32 $0xF7A, s1;
	s8 =	simm.s32 @!p0 $0x1BF5;
	p2 =	por !p2, p0  }
0x20: {  	[sflag:s8] =	ssyncset.s32 @!p0 $0xFFFFF086;
	s6 =	sadd.s32 @!p0 s3, s7;
	s7 =	simm.s32 @!p0 $0x108  }
0x21: {  	s3 =	sadd.s32 s3, s9;
	s6 =	sadd.s32 @!p0 $0x88, s6;
	s7 =	simm.s32 @p2 $0x1082  }
0x22: {  	[simem:s7], [sflag:s8] =	dma.local @!p0 [hbm:s6], $0xF7A  }
0x23: {  	s9 =	sor.u32 $0xD0000000, s2;
	s6 =	simm.s32 $0x108;
	_ =	swait.ge @!p0 [sflag:s8], $0x0  }
0x24: {  	s3 =	sadd.s32 $0x88, s3;
	s6 =	simm.s32 @!p1 $0x1082;
	[sflag:s4] =	ssyncset.s32 $0xFFFFF086  }
0x25: {  	[simem:s6], [sflag:s4] =	dma.local [hbm:s3], $0xF7A  }
0x26: {  	[smem:$0x3F98] =	sst s1;
	(tag) =	ssettag s2;
	_ =	strace s9  }
0x27: {  	s1 =	sld [smem:$0x3FA8]  }
0x28: {  	s2 =	sld [smem:$0x3FA9]  }
0x29: {  	s4 =	sld [smem:$0x3FAB]  }
0x2a: {  	p0 =	seq.s32 s5, $0x0;
	s5 =	sld [smem:$0x3FAC]  }
0x2b: {  	s6 =	sld [smem:$0x3FAD]  }
0x2c: {  	s7 =	sld [smem:$0x3FAE]  }
0x2d: {  	s3 =	simm.s32 $0x108;
	s8 =	sld [smem:$0x3FAF]  }
0x2e: {  	s3 =	simm.s32 @!p0 $0x1082;
	s9 =	sld [smem:$0x3FB0]  }
0x2f: {  	lr =	sadd.s32 s0, s3;
	s0 =	sld [smem:$0x3FA7]  }
0x30: {  	s3 =	sld [smem:$0x3FAA]  }
0x31: {  	[smem:$0x3FB3] =	sst s10  }
0x32: {  	s10 =	sld [smem:$0x3FB1];
	_ =	sdelay $0x3  }
0x33: {  	p0 =	seq.s32 s10, $0x1;
	s10 =	sld [smem:$0x3FB3];
	_ =	sdelay $0x3  }
0x34: {  	[smem:$0x3FB3] =	sst s10  }
0x35: {  	s10 =	sld [smem:$0x3FB2];
	_ =	sdelay $0x3  }
0x36: {  	p1 =	seq.s32 s10, $0x1;
	s10 =	sld [smem:$0x3FB3];
	_ =	sdelay $0x3  }
0x37: {  	[smem:$0x3FB3] =	sst s10  }
0x38: {  	s10 =	sld [smem:$0x3FB4]  }
0x39: {  	_ = 	snop;
	(pc) =	sbr.ind lr, $3  }
0x3a: {  	_ = 	snop  }
0x3b: {  	_ = 	snop  }
0x3c: {  	p2 =	seq.s32 s10, $0x1;
	s10 =	sld [smem:$0x3FB3]  }
0x3d: {  	_ =	shalt  }
0x3e: {  	_ =	shalt  }
0x3f: {  	_ =	shalt  }
0x40: {  	_ =	shalt  }
0x41: {  	_ =	shalt  }
0x42: {  	_ =	shalt  }
0x43: {  	_ =	shalt  }
0x44: {  	_ =	shalt  }
0x45: {  	_ =	shalt  }
0x46: {  	_ =	shalt  }
0x47: {  	_ =	shalt  }
0x48: {  	_ =	shalt  }
0x49: {  	_ =	shalt  }
0x4a: {  	_ =	shalt  }
0x4b: {  	_ =	shalt  }
0x4c: {  	_ =	shalt  }
0x4d: {  	_ =	shalt  }
0x4e: {  	_ =	shalt  }
0x4f: {  	_ =	shalt  }
0x50: {  	_ =	shalt  }
0x51: {  	_ =	shalt  }
0x52: {  	_ =	shalt  }
0x53: {  	_ =	shalt  }
0x54: {  	_ =	shalt  }
0x55: {  	_ =	shalt  }
0x56: {  	_ =	shalt  }
0x57: {  	_ =	shalt  }
0x58: {  	_ =	shalt  }
0x59: {  	_ =	shalt  }
0x5a: {  	_ =	shalt  }
0x5b: {  	_ =	shalt  }
0x5c: {  	_ =	shalt  }
0x5d: {  	_ =	shalt  }
0x5e: {  	_ =	shalt  }
0x5f: {  	_ =	shalt  }
0x60: {  	_ =	shalt  }
0x61: {  	_ =	shalt  }
0x62: {  	_ =	shalt  }
0x63: {  	_ =	shalt  }
0x64: {  	_ =	shalt  }
0x65: {  	_ =	shalt  }
0x66: {  	_ =	shalt  }
0x67: {  	_ =	shalt  }
0x68: {  	_ =	shalt  }
0x69: {  	_ =	shalt  }
0x6a: {  	_ =	shalt  }
0x6b: {  	_ =	shalt  }
0x6c: {  	_ =	shalt  }
0x6d: {  	_ =	shalt  }
0x6e: {  	_ =	shalt  }
0x6f: {  	_ =	shalt  }
0x70: {  	_ =	shalt  }
0x71: {  	_ =	shalt  }
0x72: {  	_ =	shalt  }
0x73: {  	_ =	shalt  }
0x74: {  	_ =	shalt  }
0x75: {  	_ =	shalt  }
0x76: {  	_ =	shalt  }
0x77: {  	_ =	shalt  }
0x78: {  	_ =	shalt  }
0x79: {  	_ =	shalt  }
0x7a: {  	_ =	shalt  }
0x7b: {  	_ =	shalt  }
0x7c: {  	_ =	shalt  }
0x7d: {  	_ =	shalt  }
0x7e: {  	_ =	shalt  }
0x7f: {  	_ =	shalt  }
0x80: {  	_ =	shalt  }
0x81: {  	_ =	shalt  }
0x82: {  	_ =	shalt  }
0x83: {  	_ =	shalt  }
0x84: {  	_ =	shalt  }
0x85: {  	_ =	shalt  }
0x86: {  	_ =	shalt  }
0x87: {  	_ =	shalt  }
.Lfunc_end0:
.L_simem_size_0:
called_computation.3_lowered:
.L_overlay_start_0:
0x88: {  	s2 =	sld [smem:$0x3FD9]  }
0x89: {  	s3 =	sld [smem:$0x3FFE];
	_ =	sdelay $0x1  }
0x8a: {  	s1 =	srdreg.scid  }
0x8b: {  	s0 =	sand.u32 $0x1, s1  }
0x8c: {  	s17 =	sshll.u32 s0, $0xA;
	s2 =	sadd.s32 s3, s2  }
0x8d: {  	s2 =	sadd.s32 s2, s17  }
0x8e: {  	[smem:$0x3FBF] =	sst s2  }
0x8f: {  	_ = 	snop  }
0x90: {  	s2 =	sld [smem:$0x3FD0];
	(tm) =	ssettm $0x1  }
0x91: {  	s18 =	sld [smem:$0x3FFB];
	_ =	sdelay $0x3  }
0x92: {  	_ =	strace s18  }
0x93: {  	s3 =	sld [smem:$0x3FFC];
	_ =	sdelay $0x3  }
0x94: {  	_ =	strace s3  }
0x95: {  	s3 =	sld [smem:$0x3FFD];
	_ =	sdelay $0x3  }
0x96: {  	_ =	strace s3  }
0x97: {  	_ =	strace $0x8FFFFFFF  }
0x98: {  	s19 =	sld [smem:$0x3FDB];
	_ =	sdelay $0x1  }
0x99: {  	s4 =	simm.s32 $_scs_section_size  }
0x9a: {  	s5 =	simm.s32 $_size__tile_overlayer_lowered;
	s6 =	simm.s32 $_tile_overlayer_lowered  }
0x9b: {  	s22 =	simm.s32 $0x1BFF;
	s21 =	sshll.u32 s6, $0x1;
	s3 =	sadd.s32 s4, s19  }
0x9c: {  	s7 =	simm.s32 $0x0;
	s20 =	sshll.u32 s5, $0x1;
	s5 =	sadd.s32 s21, s3  }
0x9d: {  	[timem:s7], [sflag:s22] =	dma.local [hbm:s5], s20  }
0x9e: {  	_ =	swait.ge [sflag:s22], s20  }
0x9f: {  	s4 =	ssub.s32 $0x0, s20;
	[sflag:s22] =	ssyncset.done $0x0  }
0xa0: {  	[sflag:s22] =	ssyncadd.s32 s4;
	_ =	sdelay $0x1  }
0xa1: {  	s23 =	simm.s32 $0x1B8B  }
0xa2: {  	_ =	swait.ge [sflag:s23], $0x1  }
0xa3: {  	[sflag:s23] =	ssyncset.done $0x0  }
0xa4: {  	s25 =	simm.s32 $0x1B8E;
	s24 =	sld [smem:$0x3FFE];
	[sflag:s23] =	ssyncadd.s32 $0xFFFFFFFF  }
0xa5: {  	s26 =	simm.s32 $execute0_lowered;
	[smem:$0x3FD2] =	sst s25  }
0xa6: {  	s5 =	sshll.u32 s26, $0x1;
	_ =	strace $0x8000004F;
	[dreg:$0x1] =	wrdreg $0xFFFFFFFF  }
0xa7: {  	s28 =	simm.s32 $_size_execute0_lowered;
	s3 =	sadd.s32 s3, s5;
	[dreg:$0x0] =	wrdreg $0x0  }
0xa8: {  	s5 =	sshll.u32 s28, $0x1;
	[dreg:$0x2] =	wrdreg s3  }
0xa9: {  	[dreg:$0x3] =	wrdreg s5  }
0xaa: {  	[dreg:$0x4] =	wrdreg $0xC0  }
0xab: {  	_ =	task [dreg:s7], $0x5FFFF  }
0xac: {  	[dreg:$0x1] =	wrdreg $0xFFFFFFFF  }
0xad: {  	[dreg:$0x0] =	wrdreg $0x60  }
0xae: {  	[dreg:$0x2] =	wrdreg s2  }
0xaf: {  	[dreg:$0x3] =	wrdreg s24  }
0xb0: {  	[dreg:$0x4] =	wrdreg $0x53000  }
0xb1: {  	[dreg:$0x5] =	wrdreg $0x9  }
0xb2: {  	_ =	task.clear_ibuf [dreg:s7], $0x6FFFF;
	_ =	strace $0x9000004F  }
0xb3: {  	s29 =	simm.s32 $0x9;
	_ =	strace $0x80000051  }
0xb4: {  	_ =	swait.ge [sflag:s29], $0x1  }
0xb5: {  	[sflag:s29] =	ssyncadd.s32 $0xFFFFFFFF  }
0xb6: {  	_ =	strace $0x90000051  }
0xb7: {  	_ =	sfence  }
0xb8: {  	s30 =	sld [smem:$0x0];
	_ =	sdelay $0x2  }
0xb9: {  	s31 =	sshll.u32 s1, $0xD;
	s1 =	sshrl.u32 s1, $0x2  }
0xba: {  	s3 =	sand.u32 $0x4000, s31;
	s1 =	sadd.s32 s1, s30  }
0xbb: {  	s0 =	sor.u32 s3, s0;
	s1 =	sshll.u32 s1, $0x11  }
0xbc: {  	s0 =	sor.u32 s1, s0  }
0xbd: {  	s0 =	sadd.s32 $0x8F2B, s0  }
0xbe: {  	[sflag:s0] =	ssyncadd.remote.s32 $0x1  }
0xbf: {  	_ =	sfence.sel $0xFFFF  }
0xc0: {  	[dreg:$0x0] =	wrdreg $0xFFFFFFFF;
	(pc) =	sbr.abs _section_cstart, $3  }
0xc1: {  	[dreg:$0x1] =	wrdreg $0xFFFFFFFF  }
0xc2: {  	_ =	task.clear_ibuf [dreg:s7], $0x2FFFF;
	_ =	strace $0x9FFFFFFF  }
0xc3: {  	(tm) =	ssettm $0x7FFFFFFF  }
tec
execute0_lowered:
.L_overlay_start_1:
0x0: {  	(tag) =	ssettag $0x1  }
0x1: {  	s0 =	rddreg [dreg:$0x0]  }
0x2: {  	s6 =	rddreg [dreg:$0x1]  }
0x3: {  	s1 =	rddreg [dreg:$0x2];
	s3 =	simm.s32 $0x0;
	s2 =	stileid.u32  }
0x4: {  	s5 =	srdreg.scid;
	s29 =	simm.s32 $0x4;
	s30 =	simm.s32 $0x2B00  }
0x5: {  	s31 =	simm.s32 $0x1;
	s28 =	simm.s32 $0x5;
	[smem:$0x7FF] =	sst s3  }
0x6: {  	s4 =	sadd.s32 $0xF600, s6;
	s7 =	smul.u32 $0x2780, s2;
	s8 =	sand.u32 $0x1, s5  }
0x7: {  	s9 =	sadd.s32 $0xA600, s6;
	s10 =	smul.u32 $0x4F000, s2;
	s11 =	sadd.s32 $0x5600, s6  }
0x8: {  	s13 =	smul.u32 $0x2710, s2;
	s19 =	sadd.s32 $0x5BE80, s6;
	s24 =	sadd.s32 $0xF8480, s6  }
0x9: {  	s26 =	smul.u32 $0x4E2, s2;
	p0 =	seq.s32 s2, $0xF;
	_ =	strace $0x80000050  }
0xa: {  	s5 =	ssub.s32 $0x2, s8;
	[dreg:$0x5] =	wrdreg s19;
	p1 =	seq.s32 s8, $0x0  }
0xb: {  	[dreg:$0xb] =	wrdreg s24;
	p4 =	sne.s32 s8, $0x0;
	s24 =	simm.s32 $0x50  }
0xc: {  	s8 =	simm.s32 $0x2A80;
	s12 =	sshrl.u32 s5, $0x1;
	s14 =	sadd.s32 s7, s6  }
0xd: {  	s17 =	sshrl.u32 s10, $0x2;
	s18 =	sshrl.u32 s13, $0x3;
	s6 =	sadd.s32 $0xD1280, s6  }
0xe: {  	s4 =	smov.u32 @p1 s0;
	s0 =	sshll.u32 @!p0 s2, $0x6;
	s19 =	sadd.s32 s26, s9  }
0xf: {  	p2 =	seq.s32 @p4 s2, $0xF;
	p5 =	seq.s32 @!p4 s2, $0xF;
	s12 =	ssub.s32 s5, s12  }
0x10: {  	s5 =	sadd.s32 s17, s1;
	s7 =	sadd.s32 $0x36E00, s14;
	s20 =	sadd.s32 s9, s18  }
0x11: {  	s21 =	sadd.s32 s11, s18;
	s10 =	sadd.s32 $0xA, s18;
	s23 =	sadd.s32 $0xD3400, s14  }
0x12: {  	s25 =	sadd.s32 $0xAC200, s14;
	[dreg:$0xd] =	wrdreg s6;
	s18 =	sadd.s32 s26, s11  }
0x13: {  	p1 =	por !p2, !p4;
	p2 =	por p2, !p4;
	[dreg:$0x4] =	wrdreg s7  }
0x14: {  	p3 =	por !p5, p4;
	p4 =	por p5, p4;
	[dreg:$0x6] =	wrdreg s20  }
0x15: {  	s26 =	simm.s32 $0x2980;
	s6 =	simm.s32 $0x2;
	[dreg:$0x7] =	wrdreg s21  }
0x16: {  	s7 =	sadd.s32 $0x128400, s1;
	s22 =	sadd.s32 s9, s10;
	[dreg:$0xa] =	wrdreg s23  }
0x17: {  	s10 =	sadd.s32 s11, s10;
	[dreg:$0xc] =	wrdreg s25;
	s17 =	smax.u32 s12, $0x1  }
0x18: {  	s21 =	sor.u32 @!p0 $0x1C05, s0;
	s23 =	simm.s32 $0x3;
	s25 =	simm.s32 $0x180  }
0x19: {  	s0 =	simm.s32 $0x100;
	s9 =	simm.s32 $0x0;
	[dreg:$0x8] =	wrdreg s22  }
0x1a: {  	[dreg:$0x9] =	wrdreg s10;
	s20 =	sshrl.u32 @p0 s7, $0x3;
	s22 =	simm.s32 $0x80  }
.LBB2_1:
0x1b: {  	s10 =	simm.s32 @p0 $0x1FC5;
	s11 =	rddreg [dreg:$0x5]  }
0x1c: {  	[spmem:s20], [sflag:s10] =	dma.local @p0 [hbm:s11], $0x2080  }
0x1d: {  	s10 =	simm.s32 @p0 $0x5  }
0x1e: {  	_ =	swait.ge @p0 [sflag:s10], $0x2080  }
0x1f: {  	[sflag:s10] =	ssyncset.done @p0 $0x0  }
0x20: {  	s11 =	rddreg [dreg:$0x4];
	[sflag:s10] =	ssyncadd.s32 @p0 $0xFFFFDF80;
	s10 =	sshrl.u32 @!p0 s5, $0x3  }
0x21: {  	[spmem:s10], [sflag:s21] =	dma.local @!p0 [hbm:s11], $0x2780  }
0x22: {  	s10 =	simm.s32 @!p0 $0x5  }
0x23: {  	_ =	swait.ge @!p0 [sflag:s10], $0x2780  }
0x24: {  	[sflag:s10] =	ssyncset.done @!p0 $0x0  }
0x25: {  	[sflag:s10] =	ssyncadd.s32 @!p0 $0xFFFFD880  }
0x26: {  	[bflag:$0x0] =	sbarrier.arrive $0xFFFF  }
0x27: {  	s15 =	rddreg [dreg:$0x6]  }
0x28: {  	[tilespmem:s3], [sflag:$0x3] =	stream.linear.gather [hbm4b:s15+s3], $0x50, $0x38;
	[tilespmem:$0x18B80] =	vst v63  }
0x29: {  	s16 =	rddreg [dreg:$0x7]  }
0x2a: {  	[tilespmem:s22], [sflag:$0x3] =	stream.linear.gather [hbm4b:s16+s3], $0x50, $0x38;
	[tilespmem:$0x18B80] =	vst v63  }
0x2b: {  	_ =	swait.ge [sflag:s23], $0x50  }
0x2c: {  	[sflag:s23] =	ssyncset.done $0x0  }
0x2d: {  	[sflag:s23] =	ssyncadd.s32 $0xFFFFFFB0  }
0x2e: {  	_ =	swait.ge [sflag:s23], $0x50  }
0x2f: {  	[sflag:s23] =	ssyncset.done $0x0  }
0x30: {  	[sflag:s23] =	ssyncadd.s32 $0xFFFFFFB0  }
0x31: {  	[tilespmem:s25], [sflag:$0x1] =	stream.indirect.gather [hbm4b:s4+s24], $0x80, s3, s24, $0xb8;
	[tilespmem:$0x18B80] =	vst v63  }
0x32: {  	s11 =	rddreg [dreg:$0x8]  }
0x33: {  	[tilespmem:s26], [sflag:$0x4] =	stream.linear.gather [hbm4b:s11+s3], $0x50, $0x38;
	[tilespmem:$0x18B80] =	vst v63  }
0x34: {  	s13 =	simm.s32 $0x2A00;
	s12 =	rddreg [dreg:$0x9]  }
0x35: {  	[tilespmem:s13], [sflag:$0x4] =	stream.linear.gather [hbm4b:s12+s3], $0x50, $0x38;
	[tilespmem:$0x18B80] =	vst v63  }
0x36: {  	_ =	swait.ge [sflag:s29], $0x50  }
0x37: {  	[sflag:s29] =	ssyncset.done $0x0  }
0x38: {  	[sflag:s29] =	ssyncadd.s32 $0xFFFFFFB0  }
0x39: {  	_ =	swait.ge [sflag:s29], $0x50  }
0x3a: {  	[sflag:s29] =	ssyncset.done $0x0  }
0x3b: {  	[sflag:s29] =	ssyncadd.s32 $0xFFFFFFB0  }
0x3c: {  	[tilespmem:s30], [sflag:$0x2] =	stream.indirect.gather [hbm4b:s4+s24], $0x80, s26, s24, $0xb8;
	[tilespmem:$0x18B80] =	vst v63  }
0x3d: {  	_ =	swait.ge [sflag:s31], $0x2800  }
0x3e: {  	[sflag:s31] =	ssyncset.done $0x0  }
0x3f: {  	[sflag:s31] =	ssyncadd.s32 $0xFFFFD800  }
0x40: {  	v0 =	vld [tilespmem:$0xC0]  }
0x41: {  	v1 =	vld [tilespmem:$0xB0]  }
0x42: {  	v2 =	vld [tilespmem:$0x80]  }
0x43: {  	v3 =	vld [tilespmem:$0xA0]  }
0x44: {  	v4 =	vld [tilespmem:$0x90]  }
0x45: {  	[tilespmem:$0x140] =	vst v0  }
0x46: {  	[tilespmem:$0x130] =	vst v1  }
0x47: {  	[tilespmem:$0x100] =	vst v2  }
0x48: {  	s14 =	sadd.s32 $0x0, s19;
	[tilespmem:$0x120] =	vst v3  }
0x49: {  	s10 =	sadd.s32 $0x14, s14;
	s15 =	sadd.s32 $0x0, s18;
	[tilespmem:$0x110] =	vst v4  }
0x4a: {  	[tilespmem:s3], [sflag:$0x3] =	stream.linear.gather [hbm4b:s10+s3], $0x50, $0x38;
	[tilespmem:$0x18B80] =	vst v63  }
0x4b: {  	s16 =	sadd.s32 $0x14, s15  }
0x4c: {  	[tilespmem:s22], [sflag:$0x3] =	stream.linear.gather [hbm4b:s16+s3], $0x50, $0x38;
	[tilespmem:$0x18B80] =	vst v63  }
0x4d: {  	_ = 	snop  }
0x4e: {  	[spmem:s1] =	stream.indirect.scatter.add.f32 [tilespmem:s25], [sflag:$0x5], $0x80, s0, s24, $0xb8;
	[tilespmem:$0x18B80] =	vst v63  }
0x4f: {  	_ =	swait.ge [sflag:s28], $0x2800  }
0x50: {  	[sflag:s28] =	ssyncset.done $0x0  }
0x51: {  	[sflag:s28] =	ssyncadd.s32 $0xFFFFD800  }
0x52: {  	_ =	swait.ge [sflag:s23], $0x50  }
0x53: {  	[sflag:s23] =	ssyncset.done $0x0  }
0x54: {  	[sflag:s23] =	ssyncadd.s32 $0xFFFFFFB0  }
0x55: {  	_ =	swait.ge [sflag:s23], $0x50  }
0x56: {  	[sflag:s23] =	ssyncset.done $0x0  }
0x57: {  	[sflag:s23] =	ssyncadd.s32 $0xFFFFFFB0  }
0x58: {  	[tilespmem:s25], [sflag:$0x1] =	stream.indirect.gather [hbm4b:s4+s24], $0x80, s3, s24, $0xb8;
	[tilespmem:$0x18B80] =	vst v63  }
0x59: {  	_ =	swait.ge [sflag:s6], $0x2800  }
0x5a: {  	[sflag:s6] =	ssyncset.done $0x0  }
0x5b: {  	[sflag:s6] =	ssyncadd.s32 $0xFFFFD800  }
0x5c: {  	v0 =	vld [tilespmem:$0x2A00]  }
0x5d: {  	v1 =	vld [tilespmem:$0x2A40]  }
0x5e: {  	v2 =	vld [tilespmem:$0x2A10]  }
0x5f: {  	v3 =	vld [tilespmem:$0x2A30];
	_ =	sdelay $0x1  }
0x60: {  	[tilespmem:$0x2A80] =	vst v0;
	v0 =	vld [tilespmem:$0x2A20]  }
0x61: {  	p6 =	por $0x0, $0x0;
	[tilespmem:$0x2AC0] =	vst v1  }
0x62: {  	s14 =	simm.s32 @!p6 $0x2980;
	s11 =	sadd.s32 @!p6 $0x0, s18;
	s12 =	sadd.s32 @!p6 $0x0, s19;
	[tilespmem:$0x2A90] =	vst v2  }
0x63: {  	s13 =	sadd.s32 @!p6 $0x1E, s12;
	s12 =	simm.s32 @!p6 $0x0;
	s10 =	simm.s32 $0x14;
	[tilespmem:$0x2AB0] =	vst v3  }
.LBB2_2:
0x64: {  	s15 =	sadd.s32 @!p6 $0x1E, s11  }
0x65: {  	[tilespmem:$0x2AA0] =	vst v0;
	s16 =	simm.s32 @!p6 $0x2A00;
	s11 =	smov.u32 s10;
	s10 =	sadd.s32 $0x14, s10  }
0x66: {  	[tilespmem:s14], [sflag:$0x4] =	stream.linear.gather @!p6 [hbm4b:s13+s12], $0x50, $0x38;
	[tilespmem:$0x18B80] =	vst v63  }
0x67: {  	p5 =	sne.s32 s10, $0x4D8  }
0x68: {  	[tilespmem:s16], [sflag:$0x4] =	stream.linear.gather @!p6 [hbm4b:s15+s12], $0x50, $0x38;
	[tilespmem:$0x18B80] =	vst v63  }
0x69: {  	_ = 	snop  }
0x6a: {  	[spmem:s1] =	stream.indirect.scatter.add.f32 [tilespmem:s30], [sflag:$0x5], $0x80, s8, s24, $0xb8;
	[tilespmem:$0x18B80] =	vst v63  }
0x6b: {  	_ =	swait.ge [sflag:s28], $0x2800  }
0x6c: {  	[sflag:s28] =	ssyncset.done $0x0  }
0x6d: {  	[sflag:s28] =	ssyncadd.s32 $0xFFFFD800  }
0x6e: {  	_ =	swait.ge [sflag:s29], $0x50  }
0x6f: {  	[sflag:s29] =	ssyncset.done $0x0  }
0x70: {  	[sflag:s29] =	ssyncadd.s32 $0xFFFFFFB0  }
0x71: {  	_ =	swait.ge [sflag:s29], $0x50  }
0x72: {  	[sflag:s29] =	ssyncset.done $0x0  }
0x73: {  	[sflag:s29] =	ssyncadd.s32 $0xFFFFFFB0  }
0x74: {  	[tilespmem:s30], [sflag:$0x2] =	stream.indirect.gather [hbm4b:s4+s24], $0x80, s26, s24, $0xb8;
	[tilespmem:$0x18B80] =	vst v63  }
0x75: {  	_ =	swait.ge [sflag:s31], $0x2800  }
0x76: {  	[sflag:s31] =	ssyncset.done $0x0  }
0x77: {  	[sflag:s31] =	ssyncadd.s32 $0xFFFFD800  }
0x78: {  	v0 =	vld [tilespmem:$0xC0]  }
0x79: {  	v1 =	vld [tilespmem:$0xB0]  }
0x7a: {  	v2 =	vld [tilespmem:$0x80]  }
0x7b: {  	v3 =	vld [tilespmem:$0xA0]  }
0x7c: {  	v4 =	vld [tilespmem:$0x90]  }
0x7d: {  	[tilespmem:$0x140] =	vst v0  }
0x7e: {  	[tilespmem:$0x130] =	vst v1  }
0x7f: {  	[tilespmem:$0x100] =	vst v2  }
0x80: {  	s12 =	sadd.s32 s11, s19;
	[tilespmem:$0x120] =	vst v3  }
0x81: {  	s13 =	sadd.s32 s11, s18;
	s12 =	sadd.s32 $0x14, s12;
	[tilespmem:$0x110] =	vst v4  }
0x82: {  	[tilespmem:s3], [sflag:$0x3] =	stream.linear.gather [hbm4b:s12+s3], $0x50, $0x38;
	[tilespmem:$0x18B80] =	vst v63  }
0x83: {  	s12 =	sadd.s32 $0x14, s13  }
0x84: {  	[tilespmem:s22], [sflag:$0x3] =	stream.linear.gather [hbm4b:s12+s3], $0x50, $0x38;
	[tilespmem:$0x18B80] =	vst v63  }
0x85: {  	_ = 	snop  }
0x86: {  	[spmem:s1] =	stream.indirect.scatter.add.f32 [tilespmem:s25], [sflag:$0x5], $0x80, s0, s24, $0xb8;
	[tilespmem:$0x18B80] =	vst v63  }
0x87: {  	_ =	swait.ge [sflag:s28], $0x2800  }
0x88: {  	[sflag:s28] =	ssyncset.done $0x0  }
0x89: {  	[sflag:s28] =	ssyncadd.s32 $0xFFFFD800  }
0x8a: {  	_ =	swait.ge [sflag:s23], $0x50  }
0x8b: {  	[sflag:s23] =	ssyncset.done $0x0  }
0x8c: {  	[sflag:s23] =	ssyncadd.s32 $0xFFFFFFB0  }
0x8d: {  	_ =	swait.ge [sflag:s23], $0x50  }
0x8e: {  	[sflag:s23] =	ssyncset.done $0x0  }
0x8f: {  	[sflag:s23] =	ssyncadd.s32 $0xFFFFFFB0  }
0x90: {  	[tilespmem:s25], [sflag:$0x1] =	stream.indirect.gather [hbm4b:s4+s24], $0x80, s3, s24, $0xb8;
	[tilespmem:$0x18B80] =	vst v63  }
0x91: {  	_ =	swait.ge [sflag:s6], $0x2800  }
0x92: {  	[sflag:s6] =	ssyncset.done $0x0  }
0x93: {  	[sflag:s6] =	ssyncadd.s32 $0xFFFFD800  }
0x94: {  	v1 =	vld [tilespmem:$0x2A00]  }
0x95: {  	v2 =	vld [tilespmem:$0x2A40]  }
0x96: {  	v3 =	vld [tilespmem:$0x2A10]  }
0x97: {  	v4 =	vld [tilespmem:$0x2A30]  }
.Ltmp0:
0x98: {  	v0 =	vld [tilespmem:$0x2A20];
	(pc) =	sbr.rel @p5 .LBB2_2-.Ltmp0, $4  }
0x99: {  	[tilespmem:$0x2A80] =	vst v1  }
0x9a: {  	p6 =	seq.s32 s11, $0x4C4;
	[tilespmem:$0x2AC0] =	vst v2  }
0x9b: {  	s12 =	sadd.s32 @!p6 s11, s19;
	s11 =	sadd.s32 @!p6 s11, s18;
	[tilespmem:$0x2A90] =	vst v3  }
0x9c: {  	s14 =	simm.s32 @!p6 $0x2980;
	s13 =	sadd.s32 @!p6 $0x1E, s12;
	s12 =	simm.s32 @!p6 $0x0;
	[tilespmem:$0x2AB0] =	vst v4  }
0x9d: {  	[tilespmem:$0x2AA0] =	vst v0  }
0x9e: {  	[tilespmem:s14], [sflag:$0x4] =	stream.linear.gather @!p6 [hbm4b:s13+s12], $0x50, $0x38;
	[tilespmem:$0x18B80] =	vst v63  }
0x9f: {  	s10 =	sadd.s32 @!p6 $0x1E, s11;
	s11 =	simm.s32 @!p6 $0x2A00  }
0xa0: {  	[tilespmem:s11], [sflag:$0x4] =	stream.linear.gather @!p6 [hbm4b:s10+s12], $0x50, $0x38;
	[tilespmem:$0x18B80] =	vst v63  }
0xa1: {  	_ = 	snop  }
0xa2: {  	[spmem:s1] =	stream.indirect.scatter.add.f32 [tilespmem:s30], [sflag:$0x5], $0x80, s8, s24, $0xb8;
	[tilespmem:$0x18B80] =	vst v63  }
0xa3: {  	_ =	swait.ge [sflag:s28], $0x2800  }
0xa4: {  	[sflag:s28] =	ssyncset.done $0x0  }
0xa5: {  	[sflag:s28] =	ssyncadd.s32 $0xFFFFD800  }
0xa6: {  	_ =	swait.ge [sflag:s31], $0x2800  }
0xa7: {  	[sflag:s31] =	ssyncset.done $0x0  }
0xa8: {  	[sflag:s31] =	ssyncadd.s32 $0xFFFFD800  }
0xa9: {  	v63 =	vld [tilespmem:$0x80]  }
0xaa: {  	v1 =	vld [tilespmem:$0x90]  }
0xab: {  	v2 =	vld [tilespmem:$0xA0]  }
0xac: {  	v3 =	vld [tilespmem:$0xB0]  }
0xad: {  	v4 =	vld [tilespmem:$0xC0]  }
0xae: {  	[tilespmem:$0x100] =	vst v63  }
0xaf: {  	[tilespmem:$0x110] =	vst v1  }
0xb0: {  	[tilespmem:$0x120] =	vst v2  }
0xb1: {  	[tilespmem:$0x130] =	vst v3  }
0xb2: {  	[tilespmem:$0x140] =	vst v4  }
0xb3: {  	[spmem:s1] =	stream.indirect.scatter.add.f32 [tilespmem:s25], [sflag:$0x5], $0x80, s0, s24, $0xb8;
	[tilespmem:$0x18B80] =	vst v63  }
0xb4: {  	_ =	swait.ge [sflag:s28], $0x2800  }
0xb5: {  	[sflag:s28] =	ssyncset.done $0x0  }
0xb6: {  	[sflag:s28] =	ssyncadd.s32 $0xFFFFD800  }
0xb7: {  	[bflag:$0x0] =	sbarrier.arrive $0xFFFF  }
0xb8: {  	s10 =	sshrl.u32 @!p1 s7, $0x3;
	s11 =	simm.s32 @!p1 $0x1FC5;
	s12 =	rddreg [dreg:$0xb]  }
0xb9: {  	[hbm:s12], [sflag:s11] =	dma.local @!p1 [spmem:s10], $0x2080  }
0xba: {  	s10 =	simm.s32 @!p1 $0x5  }
0xbb: {  	_ =	swait.ge @!p1 [sflag:s10], $0x2080  }
0xbc: {  	s11 =	sshll.u32 @!p2 s2, $0x6;
	[sflag:s10] =	ssyncset.done @!p1 $0x0;
	s12 =	rddreg [dreg:$0xa]  }
0xbd: {  	[sflag:s10] =	ssyncadd.s32 @!p1 $0xFFFFDF80;
	s10 =	sor.u32 @!p2 $0x1C05, s11;
	s11 =	sshrl.u32 @!p2 s5, $0x3  }
0xbe: {  	[hbm:s12], [sflag:s10] =	dma.local @!p2 [spmem:s11], $0x2780  }
0xbf: {  	s10 =	simm.s32 @!p2 $0x5  }
0xc0: {  	_ =	swait.ge @!p2 [sflag:s10], $0x2780  }
0xc1: {  	s11 =	simm.s32 @!p3 $0x1FC5;
	[sflag:s10] =	ssyncset.done @!p2 $0x0  }
0xc2: {  	s12 =	rddreg [dreg:$0xd];
	[sflag:s10] =	ssyncadd.s32 @!p2 $0xFFFFD880;
	s10 =	sshrl.u32 @!p3 s7, $0x3  }
0xc3: {  	[hbm:s12], [sflag:s11] =	dma.local @!p3 [spmem:s10], $0x2080  }
0xc4: {  	s9 =	sadd.s32 $0x1, s9;
	s10 =	simm.s32 @!p3 $0x5  }
0xc5: {  	p5 =	sne.s32 s9, s17;
	_ =	swait.ge @!p3 [sflag:s10], $0x2080  }
0xc6: {  	s11 =	sshll.u32 @!p4 s2, $0x6;
	[sflag:s10] =	ssyncset.done @!p3 $0x0;
	s12 =	rddreg [dreg:$0xc]  }
0xc7: {  	[sflag:s10] =	ssyncadd.s32 @!p3 $0xFFFFDF80;
	s10 =	sor.u32 @!p4 $0x1C05, s11;
	s11 =	sshrl.u32 @!p4 s5, $0x3  }
0xc8: {  	[hbm:s12], [sflag:s10] =	dma.local @!p4 [spmem:s11], $0x2780  }
.Ltmp1:
0xc9: {  	_ = 	snop;
	(pc) =	sbr.rel @p5 .LBB2_1-.Ltmp1, $4  }
0xca: {  	s10 =	simm.s32 @!p4 $0x5  }
0xcb: {  	_ =	swait.ge @!p4 [sflag:s10], $0x2780  }
0xcc: {  	[sflag:s10] =	ssyncset.done @!p4 $0x0  }
0xcd: {  	[sflag:s10] =	ssyncadd.s32 @!p4 $0xFFFFD880  }
0xce: {  	_ =	sfence.sel $0x180000  }
0xcf: {  	[bflag:$0x0] =	sbarrier.arrive $0xFFFF  }
0xd0: {  	_ =	strace $0x90000050  }
0xd1: {  	[bflag:$0x2] =	sbarrier.arrive $0xFFFF  }
0xd2: {  	p0 =	sne.s32 s2, $0x0;
	s0 =	rddreg [dreg:$0x3]  }
0xd3: {  	s0 =	sadd.s32 @!p0 $0x100000, s0  }
0xd4: {  	[sflag:s0] =	ssyncadd.tile.s32 @!p0 $0x1;
	_ =	shalt  }
.Lfunc_end2:
_tile_overlayer_lowered:
.L_overlay_start_2:
0xd5: {  	(tag) =	ssettag $0x2  }
0xd6: {  	s0 =	rddreg [dreg:$0x0];
	s2 =	stileid.u32  }
0xd7: {  	s1 =	rddreg [dreg:$0x1];
	p0 =	sne.s32 s2, $0x0  }
0xd8: {  	s3 =	rddreg [dreg:$0x2];
	[bflag:$0x3] =	sbarrier.arrive $0xFFFF;
	s2 =	simm.s32 @!p0 $0x1C05  }
0xd9: {  	[timem:s3], [sflag:s2] =	dma.local @!p0 [hbm:s0], s1  }
0xda: {  	s0 =	simm.s32 @!p0 $0x5  }
0xdb: {  	_ =	swait.ge @!p0 [sflag:s0], s1  }
0xdc: {  	s1 =	ssub.s32 @!p0 $0x0, s1;
	[sflag:s0] =	ssyncset.done @!p0 $0x0  }
0xdd: {  	[sflag:s0] =	ssyncadd.s32 @!p0 s1  }
0xde: {  	[bflag:$0x3] =	sbarrier.arrive $0xFFFF  }
0xdf: {  	_ =	shalt  }

</sc_bundles>
